<compile_context>
chip_gen: v7x
topology: tpu7x:2x2x1
jax: 0.10.2.dev20260603
libtpu: 0.0.44.dev20260713+nightly
codegen_flags: <defaults>
</compile_context>

<pallas_src>
import functools

import numpy as np

import jax
import jax.numpy as jnp
from jax import lax
from jax.experimental import pallas as pl
from jax.experimental.pallas import tpu as pltpu
from jax.experimental.pallas import tpu_sc as plsc

DECAY = 0.99
MAX_SCALE = 1.0
Q_LOW = 5.0
Q_HIGH = 95.0

NC = 2
NS = 16
NW = NC * NS
LANES = 16
HIST1 = 4096 * 16
HIST2 = 4 * 256 * 16
CHUNK = 16384


def _f32_index(q_pct: float, n: int):
    q = np.float32(q_pct) / np.float32(100.0)
    pos = q * (np.float32(n) - np.float32(1.0))
    lo = int(np.floor(pos))
    hi = int(np.ceil(pos))
    hw = float(np.float32(pos - np.floor(pos)))
    return lo, hi, hw


def _hist_pass1_body(nchunks, rows_per_d, x_hbm, out_hbm, buf0, buf1, hist,
                     sem0, sem1):
    wid = lax.axis_index("c") * NS + lax.axis_index("s")
    lane32 = lax.iota(jnp.int32, 16) + 32768
    ones = jnp.ones((16,), jnp.int32)

    def src(c):
        g = wid * nchunks + c
        return x_hbm.at[g // rows_per_d, pl.ds((g % rows_per_d) * 8, 8), :]

    @pl.loop(0, HIST1 // 16)
    def _zero(i):
        hist[pl.ds(i * 16, 16)] = jnp.zeros((16,), jnp.int32)

    def process(buf):
        @pl.loop(0, CHUNK // 256, unroll=1)
        def _p(i):
            r = i >> 3
            b0 = (i & 7) * 256
            xs = [buf[r, pl.ds(b0 + 16 * j, 16)] for j in range(16)]
            idxs = []
            for j in range(16):
                bits = lax.bitcast_convert_type(xs[j], jnp.int32)
                skey = bits ^ ((bits >> 31) & 0x7FFFFFFF)
                idxs.append(((skey >> 20) << 4) + lane32)
            for idx in idxs:
                plsc.addupdate_scatter(hist, [idx], ones)

    pltpu.async_copy(src(0), buf0, sem0)

    @pl.loop(0, nchunks, step=2)
    def _outer(g):
        pltpu.async_copy(src((g + 1) & (nchunks - 1)), buf1, sem1)
        pltpu.make_async_copy(src(0), buf0, sem0).wait()
        process(buf0)
        pltpu.async_copy(src((g + 2) & (nchunks - 1)), buf0, sem0)
        pltpu.make_async_copy(src(0), buf1, sem1).wait()
        process(buf1)

    pltpu.make_async_copy(src(0), buf0, sem0).wait()
    pltpu.sync_copy(hist, out_hbm.at[wid])


def _hist_pass2_body(nchunks, rows_per_d, x_hbm, sel_hbm, out_hbm, buf0, buf1,
                     hist, pfxv, sem0, sem1):
    wid = lax.axis_index("c") * NS + lax.axis_index("s")
    lane = lax.iota(jnp.int32, 16)
    ones = jnp.ones((16,), jnp.int32)

    def src(c):
        g = wid * nchunks + c
        return x_hbm.at[g // rows_per_d, pl.ds((g % rows_per_d) * 8, 8), :]

    pltpu.sync_copy(sel_hbm, pfxv)
    pfx = [pfxv[pl.ds(t * 16, 16)] for t in range(4)]

    @pl.loop(0, HIST2 // 16)
    def _zero(i):
        hist[pl.ds(i * 16, 16)] = jnp.zeros((16,), jnp.int32)

    def process(buf):
        @pl.loop(0, CHUNK // 128, unroll=1)
        def _p(i):
            r = i >> 4
            b0 = (i & 15) * 128
            xs = [buf[r, pl.ds(b0 + 16 * j, 16)] for j in range(8)]
            work = []
            for j in range(8):
                bits = lax.bitcast_convert_type(xs[j], jnp.int32)
                skey = bits ^ ((bits >> 31) & 0x7FFFFFFF)
                hi12 = skey >> 20
                idx = (((skey >> 12) & 255) << 4) + lane
                work.append((idx, [hi12 == pfx[t] for t in range(4)]))
            for idx, masks in work:
                for t in range(4):
                    plsc.addupdate_scatter(hist, [idx + t * 4096], ones,
                                           mask=masks[t])

    pltpu.async_copy(src(0), buf0, sem0)

    @pl.loop(0, nchunks, step=2)
    def _outer(g):
        pltpu.async_copy(src((g + 1) & (nchunks - 1)), buf1, sem1)
        pltpu.make_async_copy(src(0), buf0, sem0).wait()
        process(buf0)
        pltpu.async_copy(src((g + 2) & (nchunks - 1)), buf0, sem0)
        pltpu.make_async_copy(src(0), buf1, sem1).wait()
        process(buf1)

    pltpu.make_async_copy(src(0), buf0, sem0).wait()
    pltpu.sync_copy(hist, out_hbm.at[wid])


def _shifted(a, s, axis):
    rolled = pltpu.roll(a, s, axis)
    idx = lax.broadcasted_iota(jnp.int32, a.shape, axis)
    return jnp.where(idx >= s, rolled, 0)


def _flat_cumsum(h):
    rows, cols = h.shape
    a = h
    s = 1
    while s < cols:
        a = a + _shifted(a, s, 1)
        s *= 2
    rowtot = jnp.broadcast_to(a[:, cols - 1:cols], h.shape)
    b = rowtot
    s = 1
    while s < rows:
        b = b + _shifted(b, s, 0)
        s *= 2
    return a + b - rowtot


def _selb_body(ks, h_ref, out_ref, acc):
    i = pl.program_id(0)

    @pl.when(i == 0)
    def _():
        acc[...] = jnp.zeros_like(acc)

    acc[...] += h_ref[0]

    @pl.when(i == NW - 1)
    def _():
        h = acc[...]
        cum = _flat_cumsum(h)
        lanei = lax.broadcasted_iota(jnp.int32, h.shape, 1)
        rowi = lax.broadcasted_iota(jnp.int32, h.shape, 0)
        endm = (lanei & 15) == 15
        binidx = rowi * 8 + (lanei >> 4)
        for t, k in enumerate(ks):
            bstar = jnp.sum(jnp.where(endm & (cum <= k), 1, 0))
            cb = jnp.sum(jnp.where(binidx < bstar, h, 0))
            out_ref[0, t] = bstar - 2048
            out_ref[0, 4 + t] = k - cb
        out_ref[0, 8] = jnp.sum(h)
        for j in range(9, 16):
            out_ref[0, j] = 0


def _seld_body(hw5, hw95, h_ref, sel_ref, lh_ref, out_ref, acc):
    i = pl.program_id(0)

    @pl.when(i == 0)
    def _():
        acc[...] = jnp.zeros_like(acc)

    acc[...] += h_ref[0]

    @pl.when(i == NW - 1)
    def _():
        vals = []
        for t in range(4):
            h_t = acc[0:1, t * 4096:(t + 1) * 4096]
            cum = _flat_cumsum(h_t)
            lanei = lax.broadcasted_iota(jnp.int32, h_t.shape, 1)
            endm = (lanei & 15) == 15
            r_t = sel_ref[0, 4 + t]
            b2 = jnp.sum(jnp.where(endm & (cum <= r_t), 1, 0))
            skey = (sel_ref[0, t] << 20) | (b2 << 12) | 0x800
            bits = jnp.where(skey >= 0, skey, skey ^ 0x7FFFFFFF)
            vals.append(lax.bitcast_convert_type(bits, jnp.float32))
        p5 = (1.0 - hw5) * vals[0] + hw5 * vals[1]
        p95 = (1.0 - hw95) * vals[2] + hw95 * vals[3]
        new_low = DECAY * lh_ref[0, 0] + (1.0 - DECAY) * p5
        new_high = DECAY * lh_ref[0, 1] + (1.0 - DECAY) * p95
        out_ref[0, 0] = new_low
        out_ref[0, 1] = jnp.maximum(jnp.float32(1.0 / MAX_SCALE),
                                    new_high - new_low)


def kernel(x, low, high):
    n = x.size
    nblocks = n // CHUNK
    nchunks = nblocks // NW
    assert nchunks * CHUNK * NW == n and x.shape[2] == 2048 and x.shape[1] % 8 == 0
    assert nchunks & (nchunks - 1) == 0 and nchunks >= 2
    assert (x.shape[1] // 8) % nchunks == 0

    lo5, hi5, hw5 = _f32_index(Q_LOW, n)
    lo95, hi95, hw95 = _f32_index(Q_HIGH, n)
    ks = (lo5, hi5, lo95, hi95)

    d0, d1, d2 = x.shape
    rows_per_d = d1 // 8
    mesh = plsc.VectorSubcoreMesh(core_axis_name="c", subcore_axis_name="s")
    sc_params = pltpu.CompilerParams(needs_layout_passes=False,
                                     use_tc_tiling_on_sc=True)

    hists1 = pl.kernel(
        functools.partial(_hist_pass1_body, nchunks, rows_per_d),
        out_type=jax.ShapeDtypeStruct((NW, HIST1), jnp.int32),
        mesh=mesh,
        compiler_params=sc_params,
        scratch_types=[
            pltpu.VMEM((8, 2048), jnp.float32),
            pltpu.VMEM((8, 2048), jnp.float32),
            pltpu.VMEM((HIST1,), jnp.int32),
            pltpu.SemaphoreType.DMA,
            pltpu.SemaphoreType.DMA,
        ],
    )(x)

    selb = pl.pallas_call(
        functools.partial(_selb_body, ks),
        grid=(NW,),
        in_specs=[pl.BlockSpec((1, 512, 128), lambda i: (i, 0, 0))],
        out_specs=pl.BlockSpec(memory_space=pltpu.SMEM),
        out_shape=jax.ShapeDtypeStruct((1, 16), jnp.int32),
        scratch_shapes=[pltpu.VMEM((512, 128), jnp.int32)],
    )(hists1.reshape(NW, 512, 128))

    hists2 = pl.kernel(
        functools.partial(_hist_pass2_body, nchunks, rows_per_d),
        out_type=jax.ShapeDtypeStruct((NW, HIST2), jnp.int32),
        mesh=mesh,
        compiler_params=sc_params,
        scratch_types=[
            pltpu.VMEM((8, 2048), jnp.float32),
            pltpu.VMEM((8, 2048), jnp.float32),
            pltpu.VMEM((HIST2,), jnp.int32),
            pltpu.VMEM((64,), jnp.int32),
            pltpu.SemaphoreType.DMA,
            pltpu.SemaphoreType.DMA,
        ],
    )(x, jnp.repeat(selb[0, :4], 16))

    lh = jnp.stack([low, high]).astype(jnp.float32).reshape(1, 2)
    res = pl.pallas_call(
        functools.partial(_seld_body, hw5, hw95),
        grid=(NW,),
        in_specs=[
            pl.BlockSpec((1, 1, HIST2), lambda i: (i, 0, 0)),
            pl.BlockSpec(memory_space=pltpu.SMEM),
            pl.BlockSpec(memory_space=pltpu.SMEM),
        ],
        out_specs=pl.BlockSpec(memory_space=pltpu.SMEM),
        out_shape=jax.ShapeDtypeStruct((1, 2), jnp.float32),
        scratch_shapes=[pltpu.VMEM((1, HIST2), jnp.int32)],
    )(hists2.reshape(NW, 1, HIST2), selb, lh)

    return (res[0, 0], res[0, 1])

# --- scband reference (transcript-rebuilt; emitter-appended) ---
"""Pipeline reference for scband-normalizer-48103633715820 (READ-ONLY COPY).

The authoritative reference and input builder live on the scoring server;
editing this copy changes nothing except your own understanding.
"""

import jax, jax.numpy as jnp
import numpy as np

DECAY = 0.99
MAX_SCALE = 1.0
Q_LOW = 5.0
Q_HIGH = 95.0


def setup_inputs(seed: int = 0) -> dict:
    key = jax.random.key(seed)
    x = jax.random.normal(key, (2, 8192, 2048), dtype=jnp.float32)
    # aux variables 'low' and 'high' are initialized to zeros in setup()
    low = jnp.zeros((), jnp.float32)
    high = jnp.zeros((), jnp.float32)
    return {"x": x, "low": low, "high": high}


def reference(x, low, high):
    # update_stat
    p_low = jnp.percentile(x, Q_LOW)
    p_high = jnp.percentile(x, Q_HIGH)
    new_low = DECAY * low + (1.0 - DECAY) * p_low
    new_high = DECAY * high + (1.0 - DECAY) * p_high
    # get_stat
    offset = new_low
    inv_scale = jnp.maximum(1.0 / MAX_SCALE, new_high - new_low)
    return (offset, inv_scale)

if __name__ == "__main__":
    import jax
    _d = setup_inputs()
    print(jax.jit(kernel)(*tuple(_d.values())))

</pallas_src>

<mosaic_0001>
#map = affine_map<(d0, d1) -> (0, 0, 0)>
#map1 = affine_map<(d0, d1) -> (0)>
#map2 = affine_map<(d0, d1) -> (0, 0)>
module attributes {stable_mosaic.version = 14 : i64} {
  func.func @_hist_pass2_body(%arg0: i32, %arg1: i32, %arg2: memref<2x8192x2048xf32, #tpu.memory_space<hbm>>, %arg3: memref<64xi32, #tpu.memory_space<hbm>>, %arg4: memref<32x16384xi32, #tpu.memory_space<hbm>>, %arg5: memref<8x2048xf32, #tpu.memory_space<vmem>>, %arg6: memref<8x2048xf32, #tpu.memory_space<vmem>>, %arg7: memref<16384xi32, #tpu.memory_space<vmem>>, %arg8: memref<64xi32, #tpu.memory_space<vmem>>, %arg9: memref<!tpu.dma_semaphore, #tpu.memory_space<semaphore_mem>>, %arg10: memref<!tpu.dma_semaphore, #tpu.memory_space<semaphore_mem>>) attributes {dimension_semantics = [#tpu.dimension_semantics<core_parallel>, #tpu.dimension_semantics<subcore_parallel>], iteration_bounds = array<i64: 2, 16>, scalar_prefetch = 0 : i64, scratch_operands = 6 : i64, tpu.core_type = #tpu.core_type<sc_vector_subcore>, window_params = [{transform_indices = #map}, {transform_indices = #map1}, {transform_indices = #map2}]} {
    %mul3A = arith.constant 16 : i32
    %mul3A_0 = arith.muli %arg0, %mul3A : i32
    %add3A = arith.addi %mul3A_0, %arg1 : i32
    %iota3A = tpu.iota {dimensions = array<i32: 0>} : vector<16xi32>
    %broadcast_in_dim3A = arith.constant 1 : i32
    %broadcast_in_dim3A_1 = vector.broadcast %broadcast_in_dim3A : i32 to vector<16xi32>
    "tpu.region"() ({
      %run_scoped3A = tpu.sem_alloc : memref<!tpu.dma_semaphore, #tpu.memory_space<semaphore_mem>>
      tpu.enqueue_dma source(%arg3 : memref<64xi32, #tpu.memory_space<hbm>>) target(%arg8 : memref<64xi32, #tpu.memory_space<vmem>>) target_semaphore(%run_scoped3A : memref<!tpu.dma_semaphore, #tpu.memory_space<semaphore_mem>>)
      tpu.wait_dma2 semaphore(%run_scoped3A : memref<!tpu.dma_semaphore, #tpu.memory_space<semaphore_mem>>) src(%arg3 : memref<64xi32, #tpu.memory_space<hbm>>) dst(%arg8 : memref<64xi32, #tpu.memory_space<vmem>>)
      tpu.yield
    }) : () -> ()
    %get3A = arith.constant 0 : index
    %get3A_2 = tpu.vector_load %arg8[%get3A] {strides = array<i32>} : memref<64xi32, #tpu.memory_space<vmem>>, vector<16xi32>,
    %get3A_3 = arith.constant 16 : index
    %get3A_4 = tpu.vector_load %arg8[%get3A_3] {strides = array<i32>} : memref<64xi32, #tpu.memory_space<vmem>>, vector<16xi32>,
    %get3A_5 = arith.constant 32 : index
    %get3A_6 = tpu.vector_load %arg8[%get3A_5] {strides = array<i32>} : memref<64xi32, #tpu.memory_space<vmem>>, vector<16xi32>,
    %get3A_7 = arith.constant 48 : index
    %get3A_8 = tpu.vector_load %arg8[%get3A_7] {strides = array<i32>} : memref<64xi32, #tpu.memory_space<vmem>>, vector<16xi32>,
    %scan3A = arith.constant 0 : i32
    %scan3A_9 = arith.constant 1024 : i32
    %scan3A_10 = arith.addi %scan3A, %scan3A_9 : i32
    %scan3A_11 = arith.constant 1 : i32
    scf.for %scan3A_110 = %scan3A to %scan3A_10 step %scan3A_11  : i32 {
      %mul3A_111 = arith.constant 1 : i32
      %mul3A_112 = arith.muli %scan3A_110, %mul3A_111 : i32
      %add3A_113 = arith.constant 0 : i32
      %add3A_114 = arith.addi %add3A_113, %mul3A_112 : i32
      %broadcast_in_dim3A_115 = arith.constant 0 : i32
      %broadcast_in_dim3A_116 = vector.broadcast %broadcast_in_dim3A_115 : i32 to vector<16xi32>
      %mul3A_117 = arith.constant 16 : i32
      %mul3A_118 = arith.muli %add3A_114, %mul3A_117 : i32
      %swap3A = arith.index_cast %mul3A_118 : i32 to index
      %swap3A_119 = tpu.vector_load %arg7[%swap3A] {strides = array<i32>} : memref<16384xi32, #tpu.memory_space<vmem>>, vector<16xi32>,
      tpu.vector_store %arg7[%swap3A], %broadcast_in_dim3A_116 {strides = array<i32>} : memref<16384xi32, #tpu.memory_space<vmem>>, vector<16xi32>,
    }
    %scan3A_12 = arith.constant 1024 : i32
    %mul3A_13 = arith.constant 64 : i32
    %mul3A_14 = arith.muli %add3A, %mul3A_13 : i32
    %add3A_15 = arith.constant 0 : i32
    %add3A_16 = arith.addi %mul3A_14, %add3A_15 : i32
    %jit3A = arith.constant 1024 : i32
    %div3A = arith.divsi %add3A_16, %jit3A : i32
    %sign3A = arith.constant 0 : i32
    %sign3A_17 = arith.cmpi sgt, %add3A_16, %sign3A : i32
    %sign3A_18 = arith.extui %sign3A_17 : i1 to i32
    %sign3A_19 = arith.constant 0 : i32
    %sign3A_20 = arith.cmpi slt, %add3A_16, %sign3A_19 : i32
    %sign3A_21 = arith.extui %sign3A_20 : i1 to i32
    %sign3A_22 = arith.subi %sign3A_18, %sign3A_21 : i32
    %sign3A_23 = arith.constant 0 : i32
    %sign3A_24 = arith.cmpi sgt, %jit3A, %sign3A_23 : i32
    %sign3A_25 = arith.extui %sign3A_24 : i1 to i32
    %sign3A_26 = arith.constant 0 : i32
    %sign3A_27 = arith.cmpi slt, %jit3A, %sign3A_26 : i32
    %sign3A_28 = arith.extui %sign3A_27 : i1 to i32
    %sign3A_29 = arith.subi %sign3A_25, %sign3A_28 : i32
    %ne3A = arith.cmpi ne, %sign3A_22, %sign3A_29 : i32
    %rem3A = arith.remsi %add3A_16, %jit3A : i32
    %ne3A_30 = arith.constant 0 : i32
    %ne3A_31 = arith.cmpi ne, %rem3A, %ne3A_30 : i32
    %and3A = arith.andi %ne3A, %ne3A_31 : i1
    %sub3A = arith.constant 1 : i32
    %sub3A_32 = arith.subi %div3A, %sub3A : i32
    %select_n3A = arith.select %and3A, %sub3A_32, %div3A : i32
    %jit3A_33 = arith.constant 1024 : i32
    %eq3A = arith.constant 0 : i32
    %eq3A_34 = arith.cmpi eq, %jit3A_33, %eq3A : i32
    %jit3A_35 = arith.constant 1 : i32
    %select_n3A_36 = arith.select %eq3A_34, %jit3A_35, %jit3A_33 : i32
    %rem3A_37 = arith.remsi %add3A_16, %select_n3A_36 : i32
    %ne3A_38 = arith.constant 0 : i32
    %ne3A_39 = arith.cmpi ne, %rem3A_37, %ne3A_38 : i32
    %lt3A = arith.constant 0 : i32
    %lt3A_40 = arith.cmpi slt, %rem3A_37, %lt3A : i32
    %lt3A_41 = arith.constant 0 : i32
    %lt3A_42 = arith.cmpi slt, %select_n3A_36, %lt3A_41 : i32
    %ne3A_43 = arith.xori %lt3A_40, %lt3A_42 : i1
    %and3A_44 = arith.andi %ne3A_43, %ne3A_39 : i1
    %add3A_45 = arith.addi %rem3A_37, %select_n3A_36 : i32
    %select_n3A_46 = arith.select %and3A_44, %add3A_45, %rem3A_37 : i32
    %mul3A_47 = arith.constant 8 : i32
    %mul3A_48 = arith.muli %select_n3A_46, %mul3A_47 : i32
    %dma_start3A = arith.constant 0 : i32
    %dma_start3A_49 = tpu.memref_slice %arg2[%select_n3A, %mul3A_48, %dma_start3A] : memref<2x8192x2048xf32, #tpu.memory_space<hbm>> -> memref<1x8x2048xf32, #tpu.memory_space<hbm>>
    %dma_start3A_50 = tpu.memref_squeeze %dma_start3A_49 : memref<1x8x2048xf32, #tpu.memory_space<hbm>> -> memref<8x2048xf32, #tpu.memory_space<hbm>>
    %dma_start3A_51 = arith.constant 0 : i32
    %dma_start3A_52 = tpu.memref_slice %arg2[%select_n3A, %mul3A_48, %dma_start3A_51] : memref<2x8192x2048xf32, #tpu.memory_space<hbm>> -> memref<1x8x2048xf32, #tpu.memory_space<hbm>>
    %dma_start3A_53 = tpu.memref_squeeze %dma_start3A_52 : memref<1x8x2048xf32, #tpu.memory_space<hbm>> -> memref<8x2048xf32, #tpu.memory_space<hbm>>
    tpu.enqueue_dma source(%dma_start3A_53 : memref<8x2048xf32, #tpu.memory_space<hbm>>) target(%arg5 : memref<8x2048xf32, #tpu.memory_space<vmem>>) target_semaphore(%arg9 : memref<!tpu.dma_semaphore, #tpu.memory_space<semaphore_mem>>)
    %scan3A_54 = arith.constant 0 : i32
    %scan3A_55 = arith.constant 32 : i32
    %scan3A_56 = arith.addi %scan3A_54, %scan3A_55 : i32
    %scan3A_57 = arith.constant 1 : i32
    scf.for %scan3A_110 = %scan3A_54 to %scan3A_56 step %scan3A_57  : i32 {
      %mul3A_111 = arith.constant 2 : i32
      %mul3A_112 = arith.muli %scan3A_110, %mul3A_111 : i32
      %add3A_113 = arith.constant 0 : i32
      %add3A_114 = arith.addi %add3A_113, %mul3A_112 : i32
      %add3A_115 = arith.constant 1 : i32
      %add3A_116 = arith.addi %add3A_114, %add3A_115 : i32
      %and3A_117 = arith.constant 63 : i32
      %and3A_118 = arith.andi %add3A_116, %and3A_117 : i32
      %mul3A_119 = arith.constant 64 : i32
      %mul3A_120 = arith.muli %add3A, %mul3A_119 : i32
      %add3A_121 = arith.addi %mul3A_120, %and3A_118 : i32
      %jit3A_122 = arith.constant 1024 : i32
      %div3A_123 = arith.divsi %add3A_121, %jit3A_122 : i32
      %sign3A_124 = arith.constant 0 : i32
      %sign3A_125 = arith.cmpi sgt, %add3A_121, %sign3A_124 : i32
      %sign3A_126 = arith.extui %sign3A_125 : i1 to i32
      %sign3A_127 = arith.constant 0 : i32
      %sign3A_128 = arith.cmpi slt, %add3A_121, %sign3A_127 : i32
      %sign3A_129 = arith.extui %sign3A_128 : i1 to i32
      %sign3A_130 = arith.subi %sign3A_126, %sign3A_129 : i32
      %sign3A_131 = arith.constant 0 : i32
      %sign3A_132 = arith.cmpi sgt, %jit3A_122, %sign3A_131 : i32
      %sign3A_133 = arith.extui %sign3A_132 : i1 to i32
      %sign3A_134 = arith.constant 0 : i32
      %sign3A_135 = arith.cmpi slt, %jit3A_122, %sign3A_134 : i32
      %sign3A_136 = arith.extui %sign3A_135 : i1 to i32
      %sign3A_137 = arith.subi %sign3A_133, %sign3A_136 : i32
      %ne3A_138 = arith.cmpi ne, %sign3A_130, %sign3A_137 : i32
      %rem3A_139 = arith.remsi %add3A_121, %jit3A_122 : i32
      %ne3A_140 = arith.constant 0 : i32
      %ne3A_141 = arith.cmpi ne, %rem3A_139, %ne3A_140 : i32
      %and3A_142 = arith.andi %ne3A_138, %ne3A_141 : i1
      %sub3A_143 = arith.constant 1 : i32
      %sub3A_144 = arith.subi %div3A_123, %sub3A_143 : i32
      %select_n3A_145 = arith.select %and3A_142, %sub3A_144, %div3A_123 : i32
      %jit3A_146 = arith.constant 1024 : i32
      %eq3A_147 = arith.constant 0 : i32
      %eq3A_148 = arith.cmpi eq, %jit3A_146, %eq3A_147 : i32
      %jit3A_149 = arith.constant 1 : i32
      %select_n3A_150 = arith.select %eq3A_148, %jit3A_149, %jit3A_146 : i32
      %rem3A_151 = arith.remsi %add3A_121, %select_n3A_150 : i32
      %ne3A_152 = arith.constant 0 : i32
      %ne3A_153 = arith.cmpi ne, %rem3A_151, %ne3A_152 : i32
      %lt3A_154 = arith.constant 0 : i32
      %lt3A_155 = arith.cmpi slt, %rem3A_151, %lt3A_154 : i32
      %lt3A_156 = arith.constant 0 : i32
      %lt3A_157 = arith.cmpi slt, %select_n3A_150, %lt3A_156 : i32
      %ne3A_158 = arith.xori %lt3A_155, %lt3A_157 : i1
      %and3A_159 = arith.andi %ne3A_158, %ne3A_153 : i1
      %add3A_160 = arith.addi %rem3A_151, %select_n3A_150 : i32
      %select_n3A_161 = arith.select %and3A_159, %add3A_160, %rem3A_151 : i32
      %mul3A_162 = arith.constant 8 : i32
      %mul3A_163 = arith.muli %select_n3A_161, %mul3A_162 : i32
      %dma_start3A_164 = arith.constant 0 : i32
      %dma_start3A_165 = tpu.memref_slice %arg2[%select_n3A_145, %mul3A_163, %dma_start3A_164] : memref<2x8192x2048xf32, #tpu.memory_space<hbm>> -> memref<1x8x2048xf32, #tpu.memory_space<hbm>>
      %dma_start3A_166 = tpu.memref_squeeze %dma_start3A_165 : memref<1x8x2048xf32, #tpu.memory_space<hbm>> -> memref<8x2048xf32, #tpu.memory_space<hbm>>
      %dma_start3A_167 = arith.constant 0 : i32
      %dma_start3A_168 = tpu.memref_slice %arg2[%select_n3A_145, %mul3A_163, %dma_start3A_167] : memref<2x8192x2048xf32, #tpu.memory_space<hbm>> -> memref<1x8x2048xf32, #tpu.memory_space<hbm>>
      %dma_start3A_169 = tpu.memref_squeeze %dma_start3A_168 : memref<1x8x2048xf32, #tpu.memory_space<hbm>> -> memref<8x2048xf32, #tpu.memory_space<hbm>>
      tpu.enqueue_dma source(%dma_start3A_169 : memref<8x2048xf32, #tpu.memory_space<hbm>>) target(%arg6 : memref<8x2048xf32, #tpu.memory_space<vmem>>) target_semaphore(%arg10 : memref<!tpu.dma_semaphore, #tpu.memory_space<semaphore_mem>>)
      %mul3A_170 = arith.constant 64 : i32
      %mul3A_171 = arith.muli %add3A, %mul3A_170 : i32
      %add3A_172 = arith.constant 0 : i32
      %add3A_173 = arith.addi %mul3A_171, %add3A_172 : i32
      %jit3A_174 = arith.constant 1024 : i32
      %div3A_175 = arith.divsi %add3A_173, %jit3A_174 : i32
      %sign3A_176 = arith.constant 0 : i32
      %sign3A_177 = arith.cmpi sgt, %add3A_173, %sign3A_176 : i32
      %sign3A_178 = arith.extui %sign3A_177 : i1 to i32
      %sign3A_179 = arith.constant 0 : i32
      %sign3A_180 = arith.cmpi slt, %add3A_173, %sign3A_179 : i32
      %sign3A_181 = arith.extui %sign3A_180 : i1 to i32
      %sign3A_182 = arith.subi %sign3A_178, %sign3A_181 : i32
      %sign3A_183 = arith.constant 0 : i32
      %sign3A_184 = arith.cmpi sgt, %jit3A_174, %sign3A_183 : i32
      %sign3A_185 = arith.extui %sign3A_184 : i1 to i32
      %sign3A_186 = arith.constant 0 : i32
      %sign3A_187 = arith.cmpi slt, %jit3A_174, %sign3A_186 : i32
      %sign3A_188 = arith.extui %sign3A_187 : i1 to i32
      %sign3A_189 = arith.subi %sign3A_185, %sign3A_188 : i32
      %ne3A_190 = arith.cmpi ne, %sign3A_182, %sign3A_189 : i32
      %rem3A_191 = arith.remsi %add3A_173, %jit3A_174 : i32
      %ne3A_192 = arith.constant 0 : i32
      %ne3A_193 = arith.cmpi ne, %rem3A_191, %ne3A_192 : i32
      %and3A_194 = arith.andi %ne3A_190, %ne3A_193 : i1
      %sub3A_195 = arith.constant 1 : i32
      %sub3A_196 = arith.subi %div3A_175, %sub3A_195 : i32
      %select_n3A_197 = arith.select %and3A_194, %sub3A_196, %div3A_175 : i32
      %jit3A_198 = arith.constant 1024 : i32
      %eq3A_199 = arith.constant 0 : i32
      %eq3A_200 = arith.cmpi eq, %jit3A_198, %eq3A_199 : i32
      %jit3A_201 = arith.constant 1 : i32
      %select_n3A_202 = arith.select %eq3A_200, %jit3A_201, %jit3A_198 : i32
      %rem3A_203 = arith.remsi %add3A_173, %select_n3A_202 : i32
      %ne3A_204 = arith.constant 0 : i32
      %ne3A_205 = arith.cmpi ne, %rem3A_203, %ne3A_204 : i32
      %lt3A_206 = arith.constant 0 : i32
      %lt3A_207 = arith.cmpi slt, %rem3A_203, %lt3A_206 : i32
      %lt3A_208 = arith.constant 0 : i32
      %lt3A_209 = arith.cmpi slt, %select_n3A_202, %lt3A_208 : i32
      %ne3A_210 = arith.xori %lt3A_207, %lt3A_209 : i1
      %and3A_211 = arith.andi %ne3A_210, %ne3A_205 : i1
      %add3A_212 = arith.addi %rem3A_203, %select_n3A_202 : i32
      %select_n3A_213 = arith.select %and3A_211, %add3A_212, %rem3A_203 : i32
      %mul3A_214 = arith.constant 8 : i32
      %mul3A_215 = arith.muli %select_n3A_213, %mul3A_214 : i32
      %dma_wait3A_216 = arith.constant 0 : i32
      %dma_wait3A_217 = tpu.memref_slice %arg2[%select_n3A_197, %mul3A_215, %dma_wait3A_216] : memref<2x8192x2048xf32, #tpu.memory_space<hbm>> -> memref<1x8x2048xf32, #tpu.memory_space<hbm>>
      %dma_wait3A_218 = tpu.memref_squeeze %dma_wait3A_217 : memref<1x8x2048xf32, #tpu.memory_space<hbm>> -> memref<8x2048xf32, #tpu.memory_space<hbm>>
      %dma_wait3A_219 = arith.constant 0 : i32
      %dma_wait3A_220 = tpu.memref_slice %arg2[%select_n3A_197, %mul3A_215, %dma_wait3A_219] : memref<2x8192x2048xf32, #tpu.memory_space<hbm>> -> memref<1x8x2048xf32, #tpu.memory_space<hbm>>
      %dma_wait3A_221 = tpu.memref_squeeze %dma_wait3A_220 : memref<1x8x2048xf32, #tpu.memory_space<hbm>> -> memref<8x2048xf32, #tpu.memory_space<hbm>>
      tpu.wait_dma2 semaphore(%arg9 : memref<!tpu.dma_semaphore, #tpu.memory_space<semaphore_mem>>) src(%dma_wait3A_221 : memref<8x2048xf32, #tpu.memory_space<hbm>>) dst(%arg5 : memref<8x2048xf32, #tpu.memory_space<vmem>>)
      %scan3A_222 = arith.constant 0 : i32
      %scan3A_223 = arith.constant 128 : i32
      %scan3A_224 = arith.addi %scan3A_222, %scan3A_223 : i32
      %scan3A_225 = arith.constant 1 : i32
      scf.for %scan3A_339 = %scan3A_222 to %scan3A_224 step %scan3A_225  : i32 {
        %mul3A_340 = arith.constant 1 : i32
        %mul3A_341 = arith.muli %scan3A_339, %mul3A_340 : i32
        %add3A_342 = arith.constant 0 : i32
        %add3A_343 = arith.addi %add3A_342, %mul3A_341 : i32
        %shift_right_arithmetic3A = arith.constant 4 : i32
        %shift_right_arithmetic3A_344 = arith.shrsi %add3A_343, %shift_right_arithmetic3A : i32
        %and3A_345 = arith.constant 15 : i32
        %and3A_346 = arith.andi %add3A_343, %and3A_345 : i32
        %mul3A_347 = arith.constant 128 : i32
        %mul3A_348 = arith.muli %and3A_346, %mul3A_347 : i32
        %add3A_349 = arith.constant 0 : i32
        %add3A_350 = arith.addi %mul3A_348, %add3A_349 : i32
        %get3A_351 = arith.index_cast %shift_right_arithmetic3A_344 : i32 to index
        %get3A_352 = arith.index_cast %add3A_350 : i32 to index
        %get3A_353 = tpu.vector_load %arg5[%get3A_351, %get3A_352] {strides = array<i32>} : memref<8x2048xf32, #tpu.memory_space<vmem>>, vector<16xf32>,
        %add3A_354 = arith.constant 16 : i32
        %add3A_355 = arith.addi %mul3A_348, %add3A_354 : i32
        %get3A_356 = arith.index_cast %shift_right_arithmetic3A_344 : i32 to index
        %get3A_357 = arith.index_cast %add3A_355 : i32 to index
        %get3A_358 = tpu.vector_load %arg5[%get3A_356, %get3A_357] {strides = array<i32>} : memref<8x2048xf32, #tpu.memory_space<vmem>>, vector<16xf32>,
        %add3A_359 = arith.constant 32 : i32
        %add3A_360 = arith.addi %mul3A_348, %add3A_359 : i32
        %get3A_361 = arith.index_cast %shift_right_arithmetic3A_344 : i32 to index
        %get3A_362 = arith.index_cast %add3A_360 : i32 to index
        %get3A_363 = tpu.vector_load %arg5[%get3A_361, %get3A_362] {strides = array<i32>} : memref<8x2048xf32, #tpu.memory_space<vmem>>, vector<16xf32>,
        %add3A_364 = arith.constant 48 : i32
        %add3A_365 = arith.addi %mul3A_348, %add3A_364 : i32
        %get3A_366 = arith.index_cast %shift_right_arithmetic3A_344 : i32 to index
        %get3A_367 = arith.index_cast %add3A_365 : i32 to index
        %get3A_368 = tpu.vector_load %arg5[%get3A_366, %get3A_367] {strides = array<i32>} : memref<8x2048xf32, #tpu.memory_space<vmem>>, vector<16xf32>,
        %add3A_369 = arith.constant 64 : i32
        %add3A_370 = arith.addi %mul3A_348, %add3A_369 : i32
        %get3A_371 = arith.index_cast %shift_right_arithmetic3A_344 : i32 to index
        %get3A_372 = arith.index_cast %add3A_370 : i32 to index
        %get3A_373 = tpu.vector_load %arg5[%get3A_371, %get3A_372] {strides = array<i32>} : memref<8x2048xf32, #tpu.memory_space<vmem>>, vector<16xf32>,
        %add3A_374 = arith.constant 80 : i32
        %add3A_375 = arith.addi %mul3A_348, %add3A_374 : i32
        %get3A_376 = arith.index_cast %shift_right_arithmetic3A_344 : i32 to index
        %get3A_377 = arith.index_cast %add3A_375 : i32 to index
        %get3A_378 = tpu.vector_load %arg5[%get3A_376, %get3A_377] {strides = array<i32>} : memref<8x2048xf32, #tpu.memory_space<vmem>>, vector<16xf32>,
        %add3A_379 = arith.constant 96 : i32
        %add3A_380 = arith.addi %mul3A_348, %add3A_379 : i32
        %get3A_381 = arith.index_cast %shift_right_arithmetic3A_344 : i32 to index
        %get3A_382 = arith.index_cast %add3A_380 : i32 to index
        %get3A_383 = tpu.vector_load %arg5[%get3A_381, %get3A_382] {strides = array<i32>} : memref<8x2048xf32, #tpu.memory_space<vmem>>, vector<16xf32>,
        %add3A_384 = arith.constant 112 : i32
        %add3A_385 = arith.addi %mul3A_348, %add3A_384 : i32
        %get3A_386 = arith.index_cast %shift_right_arithmetic3A_344 : i32 to index
        %get3A_387 = arith.index_cast %add3A_385 : i32 to index
        %get3A_388 = tpu.vector_load %arg5[%get3A_386, %get3A_387] {strides = array<i32>} : memref<8x2048xf32, #tpu.memory_space<vmem>>, vector<16xf32>,
        %bitcast_convert_type3A = tpu.bitcast %get3A_353 : vector<16xf32> -> vector<16xi32>
        %shift_right_arithmetic3A_389 = arith.constant 31 : i32
        %shift_right_arithmetic3A_390 = vector.broadcast %shift_right_arithmetic3A_389 : i32 to vector<16xi32>
        %shift_right_arithmetic3A_391 = arith.shrsi %bitcast_convert_type3A, %shift_right_arithmetic3A_390 : vector<16xi32>
        %and3A_392 = arith.constant 2147483647 : i32
        %and3A_393 = vector.broadcast %and3A_392 : i32 to vector<16xi32>
        %and3A_394 = arith.andi %shift_right_arithmetic3A_391, %and3A_393 : vector<16xi32>
        %xor3A = arith.xori %bitcast_convert_type3A, %and3A_394 : vector<16xi32>
        %shift_right_arithmetic3A_395 = arith.constant 20 : i32
        %shift_right_arithmetic3A_396 = vector.broadcast %shift_right_arithmetic3A_395 : i32 to vector<16xi32>
        %shift_right_arithmetic3A_397 = arith.shrsi %xor3A, %shift_right_arithmetic3A_396 : vector<16xi32>
        %shift_right_arithmetic3A_398 = arith.constant 12 : i32
        %shift_right_arithmetic3A_399 = vector.broadcast %shift_right_arithmetic3A_398 : i32 to vector<16xi32>
        %shift_right_arithmetic3A_400 = arith.shrsi %xor3A, %shift_right_arithmetic3A_399 : vector<16xi32>
        %and3A_401 = arith.constant 255 : i32
        %and3A_402 = vector.broadcast %and3A_401 : i32 to vector<16xi32>
        %and3A_403 = arith.andi %shift_right_arithmetic3A_400, %and3A_402 : vector<16xi32>
        %shift_left3A = arith.constant 4 : i32
        %shift_left3A_404 = vector.broadcast %shift_left3A : i32 to vector<16xi32>
        %shift_left3A_405 = arith.shli %and3A_403, %shift_left3A_404 : vector<16xi32>
        %add3A_406 = arith.addi %shift_left3A_405, %iota3A : vector<16xi32>
        %eq3A_407 = arith.cmpi eq, %shift_right_arithmetic3A_397, %get3A_2 : vector<16xi32>
        %eq3A_408 = arith.cmpi eq, %shift_right_arithmetic3A_397, %get3A_4 : vector<16xi32>
        %eq3A_409 = arith.cmpi eq, %shift_right_arithmetic3A_397, %get3A_6 : vector<16xi32>
        %eq3A_410 = arith.cmpi eq, %shift_right_arithmetic3A_397, %get3A_8 : vector<16xi32>
        %bitcast_convert_type3A_411 = tpu.bitcast %get3A_358 : vector<16xf32> -> vector<16xi32>
        %shift_right_arithmetic3A_412 = arith.constant 31 : i32
        %shift_right_arithmetic3A_413 = vector.broadcast %shift_right_arithmetic3A_412 : i32 to vector<16xi32>
        %shift_right_arithmetic3A_414 = arith.shrsi %bitcast_convert_type3A_411, %shift_right_arithmetic3A_413 : vector<16xi32>
        %and3A_415 = arith.constant 2147483647 : i32
        %and3A_416 = vector.broadcast %and3A_415 : i32 to vector<16xi32>
        %and3A_417 = arith.andi %shift_right_arithmetic3A_414, %and3A_416 : vector<16xi32>
        %xor3A_418 = arith.xori %bitcast_convert_type3A_411, %and3A_417 : vector<16xi32>
        %shift_right_arithmetic3A_419 = arith.constant 20 : i32
        %shift_right_arithmetic3A_420 = vector.broadcast %shift_right_arithmetic3A_419 : i32 to vector<16xi32>
        %shift_right_arithmetic3A_421 = arith.shrsi %xor3A_418, %shift_right_arithmetic3A_420 : vector<16xi32>
        %shift_right_arithmetic3A_422 = arith.constant 12 : i32
        %shift_right_arithmetic3A_423 = vector.broadcast %shift_right_arithmetic3A_422 : i32 to vector<16xi32>
        %shift_right_arithmetic3A_424 = arith.shrsi %xor3A_418, %shift_right_arithmetic3A_423 : vector<16xi32>
        %and3A_425 = arith.constant 255 : i32
        %and3A_426 = vector.broadcast %and3A_425 : i32 to vector<16xi32>
        %and3A_427 = arith.andi %shift_right_arithmetic3A_424, %and3A_426 : vector<16xi32>
        %shift_left3A_428 = arith.constant 4 : i32
        %shift_left3A_429 = vector.broadcast %shift_left3A_428 : i32 to vector<16xi32>
        %shift_left3A_430 = arith.shli %and3A_427, %shift_left3A_429 : vector<16xi32>
        %add3A_431 = arith.addi %shift_left3A_430, %iota3A : vector<16xi32>
        %eq3A_432 = arith.cmpi eq, %shift_right_arithmetic3A_421, %get3A_2 : vector<16xi32>
        %eq3A_433 = arith.cmpi eq, %shift_right_arithmetic3A_421, %get3A_4 : vector<16xi32>
        %eq3A_434 = arith.cmpi eq, %shift_right_arithmetic3A_421, %get3A_6 : vector<16xi32>
        %eq3A_435 = arith.cmpi eq, %shift_right_arithmetic3A_421, %get3A_8 : vector<16xi32>
        %bitcast_convert_type3A_436 = tpu.bitcast %get3A_363 : vector<16xf32> -> vector<16xi32>
        %shift_right_arithmetic3A_437 = arith.constant 31 : i32
        %shift_right_arithmetic3A_438 = vector.broadcast %shift_right_arithmetic3A_437 : i32 to vector<16xi32>
        %shift_right_arithmetic3A_439 = arith.shrsi %bitcast_convert_type3A_436, %shift_right_arithmetic3A_438 : vector<16xi32>
        %and3A_440 = arith.constant 2147483647 : i32
        %and3A_441 = vector.broadcast %and3A_440 : i32 to vector<16xi32>
        %and3A_442 = arith.andi %shift_right_arithmetic3A_439, %and3A_441 : vector<16xi32>
        %xor3A_443 = arith.xori %bitcast_convert_type3A_436, %and3A_442 : vector<16xi32>
        %shift_right_arithmetic3A_444 = arith.constant 20 : i32
        %shift_right_arithmetic3A_445 = vector.broadcast %shift_right_arithmetic3A_444 : i32 to vector<16xi32>
        %shift_right_arithmetic3A_446 = arith.shrsi %xor3A_443, %shift_right_arithmetic3A_445 : vector<16xi32>
        %shift_right_arithmetic3A_447 = arith.constant 12 : i32
        %shift_right_arithmetic3A_448 = vector.broadcast %shift_right_arithmetic3A_447 : i32 to vector<16xi32>
        %shift_right_arithmetic3A_449 = arith.shrsi %xor3A_443, %shift_right_arithmetic3A_448 : vector<16xi32>
        %and3A_450 = arith.constant 255 : i32
        %and3A_451 = vector.broadcast %and3A_450 : i32 to vector<16xi32>
        %and3A_452 = arith.andi %shift_right_arithmetic3A_449, %and3A_451 : vector<16xi32>
        %shift_left3A_453 = arith.constant 4 : i32
        %shift_left3A_454 = vector.broadcast %shift_left3A_453 : i32 to vector<16xi32>
        %shift_left3A_455 = arith.shli %and3A_452, %shift_left3A_454 : vector<16xi32>
        %add3A_456 = arith.addi %shift_left3A_455, %iota3A : vector<16xi32>
        %eq3A_457 = arith.cmpi eq, %shift_right_arithmetic3A_446, %get3A_2 : vector<16xi32>
        %eq3A_458 = arith.cmpi eq, %shift_right_arithmetic3A_446, %get3A_4 : vector<16xi32>
        %eq3A_459 = arith.cmpi eq, %shift_right_arithmetic3A_446, %get3A_6 : vector<16xi32>
        %eq3A_460 = arith.cmpi eq, %shift_right_arithmetic3A_446, %get3A_8 : vector<16xi32>
        %bitcast_convert_type3A_461 = tpu.bitcast %get3A_368 : vector<16xf32> -> vector<16xi32>
        %shift_right_arithmetic3A_462 = arith.constant 31 : i32
        %shift_right_arithmetic3A_463 = vector.broadcast %shift_right_arithmetic3A_462 : i32 to vector<16xi32>
        %shift_right_arithmetic3A_464 = arith.shrsi %bitcast_convert_type3A_461, %shift_right_arithmetic3A_463 : vector<16xi32>
        %and3A_465 = arith.constant 2147483647 : i32
        %and3A_466 = vector.broadcast %and3A_465 : i32 to vector<16xi32>
        %and3A_467 = arith.andi %shift_right_arithmetic3A_464, %and3A_466 : vector<16xi32>
        %xor3A_468 = arith.xori %bitcast_convert_type3A_461, %and3A_467 : vector<16xi32>
        %shift_right_arithmetic3A_469 = arith.constant 20 : i32
        %shift_right_arithmetic3A_470 = vector.broadcast %shift_right_arithmetic3A_469 : i32 to vector<16xi32>
        %shift_right_arithmetic3A_471 = arith.shrsi %xor3A_468, %shift_right_arithmetic3A_470 : vector<16xi32>
        %shift_right_arithmetic3A_472 = arith.constant 12 : i32
        %shift_right_arithmetic3A_473 = vector.broadcast %shift_right_arithmetic3A_472 : i32 to vector<16xi32>
        %shift_right_arithmetic3A_474 = arith.shrsi %xor3A_468, %shift_right_arithmetic3A_473 : vector<16xi32>
        %and3A_475 = arith.constant 255 : i32
        %and3A_476 = vector.broadcast %and3A_475 : i32 to vector<16xi32>
        %and3A_477 = arith.andi %shift_right_arithmetic3A_474, %and3A_476 : vector<16xi32>
        %shift_left3A_478 = arith.constant 4 : i32
        %shift_left3A_479 = vector.broadcast %shift_left3A_478 : i32 to vector<16xi32>
        %shift_left3A_480 = arith.shli %and3A_477, %shift_left3A_479 : vector<16xi32>
        %add3A_481 = arith.addi %shift_left3A_480, %iota3A : vector<16xi32>
        %eq3A_482 = arith.cmpi eq, %shift_right_arithmetic3A_471, %get3A_2 : vector<16xi32>
        %eq3A_483 = arith.cmpi eq, %shift_right_arithmetic3A_471, %get3A_4 : vector<16xi32>
        %eq3A_484 = arith.cmpi eq, %shift_right_arithmetic3A_471, %get3A_6 : vector<16xi32>
        %eq3A_485 = arith.cmpi eq, %shift_right_arithmetic3A_471, %get3A_8 : vector<16xi32>
        %bitcast_convert_type3A_486 = tpu.bitcast %get3A_373 : vector<16xf32> -> vector<16xi32>
        %shift_right_arithmetic3A_487 = arith.constant 31 : i32
        %shift_right_arithmetic3A_488 = vector.broadcast %shift_right_arithmetic3A_487 : i32 to vector<16xi32>
        %shift_right_arithmetic3A_489 = arith.shrsi %bitcast_convert_type3A_486, %shift_right_arithmetic3A_488 : vector<16xi32>
        %and3A_490 = arith.constant 2147483647 : i32
        %and3A_491 = vector.broadcast %and3A_490 : i32 to vector<16xi32>
        %and3A_492 = arith.andi %shift_right_arithmetic3A_489, %and3A_491 : vector<16xi32>
        %xor3A_493 = arith.xori %bitcast_convert_type3A_486, %and3A_492 : vector<16xi32>
        %shift_right_arithmetic3A_494 = arith.constant 20 : i32
        %shift_right_arithmetic3A_495 = vector.broadcast %shift_right_arithmetic3A_494 : i32 to vector<16xi32>
        %shift_right_arithmetic3A_496 = arith.shrsi %xor3A_493, %shift_right_arithmetic3A_495 : vector<16xi32>
        %shift_right_arithmetic3A_497 = arith.constant 12 : i32
        %shift_right_arithmetic3A_498 = vector.broadcast %shift_right_arithmetic3A_497 : i32 to vector<16xi32>
        %shift_right_arithmetic3A_499 = arith.shrsi %xor3A_493, %shift_right_arithmetic3A_498 : vector<16xi32>
        %and3A_500 = arith.constant 255 : i32
        %and3A_501 = vector.broadcast %and3A_500 : i32 to vector<16xi32>
        %and3A_502 = arith.andi %shift_right_arithmetic3A_499, %and3A_501 : vector<16xi32>
        %shift_left3A_503 = arith.constant 4 : i32
        %shift_left3A_504 = vector.broadcast %shift_left3A_503 : i32 to vector<16xi32>
        %shift_left3A_505 = arith.shli %and3A_502, %shift_left3A_504 : vector<16xi32>
        %add3A_506 = arith.addi %shift_left3A_505, %iota3A : vector<16xi32>
        %eq3A_507 = arith.cmpi eq, %shift_right_arithmetic3A_496, %get3A_2 : vector<16xi32>
        %eq3A_508 = arith.cmpi eq, %shift_right_arithmetic3A_496, %get3A_4 : vector<16xi32>
        %eq3A_509 = arith.cmpi eq, %shift_right_arithmetic3A_496, %get3A_6 : vector<16xi32>
        %eq3A_510 = arith.cmpi eq, %shift_right_arithmetic3A_496, %get3A_8 : vector<16xi32>
        %bitcast_convert_type3A_511 = tpu.bitcast %get3A_378 : vector<16xf32> -> vector<16xi32>
        %shift_right_arithmetic3A_512 = arith.constant 31 : i32
        %shift_right_arithmetic3A_513 = vector.broadcast %shift_right_arithmetic3A_512 : i32 to vector<16xi32>
        %shift_right_arithmetic3A_514 = arith.shrsi %bitcast_convert_type3A_511, %shift_right_arithmetic3A_513 : vector<16xi32>
        %and3A_515 = arith.constant 2147483647 : i32
        %and3A_516 = vector.broadcast %and3A_515 : i32 to vector<16xi32>
        %and3A_517 = arith.andi %shift_right_arithmetic3A_514, %and3A_516 : vector<16xi32>
        %xor3A_518 = arith.xori %bitcast_convert_type3A_511, %and3A_517 : vector<16xi32>
        %shift_right_arithmetic3A_519 = arith.constant 20 : i32
        %shift_right_arithmetic3A_520 = vector.broadcast %shift_right_arithmetic3A_519 : i32 to vector<16xi32>
        %shift_right_arithmetic3A_521 = arith.shrsi %xor3A_518, %shift_right_arithmetic3A_520 : vector<16xi32>
        %shift_right_arithmetic3A_522 = arith.constant 12 : i32
        %shift_right_arithmetic3A_523 = vector.broadcast %shift_right_arithmetic3A_522 : i32 to vector<16xi32>
        %shift_right_arithmetic3A_524 = arith.shrsi %xor3A_518, %shift_right_arithmetic3A_523 : vector<16xi32>
        %and3A_525 = arith.constant 255 : i32
        %and3A_526 = vector.broadcast %and3A_525 : i32 to vector<16xi32>
        %and3A_527 = arith.andi %shift_right_arithmetic3A_524, %and3A_526 : vector<16xi32>
        %shift_left3A_528 = arith.constant 4 : i32
        %shift_left3A_529 = vector.broadcast %shift_left3A_528 : i32 to vector<16xi32>
        %shift_left3A_530 = arith.shli %and3A_527, %shift_left3A_529 : vector<16xi32>
        %add3A_531 = arith.addi %shift_left3A_530, %iota3A : vector<16xi32>
        %eq3A_532 = arith.cmpi eq, %shift_right_arithmetic3A_521, %get3A_2 : vector<16xi32>
        %eq3A_533 = arith.cmpi eq, %shift_right_arithmetic3A_521, %get3A_4 : vector<16xi32>
        %eq3A_534 = arith.cmpi eq, %shift_right_arithmetic3A_521, %get3A_6 : vector<16xi32>
        %eq3A_535 = arith.cmpi eq, %shift_right_arithmetic3A_521, %get3A_8 : vector<16xi32>
        %bitcast_convert_type3A_536 = tpu.bitcast %get3A_383 : vector<16xf32> -> vector<16xi32>
        %shift_right_arithmetic3A_537 = arith.constant 31 : i32
        %shift_right_arithmetic3A_538 = vector.broadcast %shift_right_arithmetic3A_537 : i32 to vector<16xi32>
        %shift_right_arithmetic3A_539 = arith.shrsi %bitcast_convert_type3A_536, %shift_right_arithmetic3A_538 : vector<16xi32>
        %and3A_540 = arith.constant 2147483647 : i32
        %and3A_541 = vector.broadcast %and3A_540 : i32 to vector<16xi32>
        %and3A_542 = arith.andi %shift_right_arithmetic3A_539, %and3A_541 : vector<16xi32>
        %xor3A_543 = arith.xori %bitcast_convert_type3A_536, %and3A_542 : vector<16xi32>
        %shift_right_arithmetic3A_544 = arith.constant 20 : i32
        %shift_right_arithmetic3A_545 = vector.broadcast %shift_right_arithmetic3A_544 : i32 to vector<16xi32>
        %shift_right_arithmetic3A_546 = arith.shrsi %xor3A_543, %shift_right_arithmetic3A_545 : vector<16xi32>
        %shift_right_arithmetic3A_547 = arith.constant 12 : i32
        %shift_right_arithmetic3A_548 = vector.broadcast %shift_right_arithmetic3A_547 : i32 to vector<16xi32>
        %shift_right_arithmetic3A_549 = arith.shrsi %xor3A_543, %shift_right_arithmetic3A_548 : vector<16xi32>
        %and3A_550 = arith.constant 255 : i32
        %and3A_551 = vector.broadcast %and3A_550 : i32 to vector<16xi32>
        %and3A_552 = arith.andi %shift_right_arithmetic3A_549, %and3A_551 : vector<16xi32>
        %shift_left3A_553 = arith.constant 4 : i32
        %shift_left3A_554 = vector.broadcast %shift_left3A_553 : i32 to vector<16xi32>
        %shift_left3A_555 = arith.shli %and3A_552, %shift_left3A_554 : vector<16xi32>
        %add3A_556 = arith.addi %shift_left3A_555, %iota3A : vector<16xi32>
        %eq3A_557 = arith.cmpi eq, %shift_right_arithmetic3A_546, %get3A_2 : vector<16xi32>
        %eq3A_558 = arith.cmpi eq, %shift_right_arithmetic3A_546, %get3A_4 : vector<16xi32>
        %eq3A_559 = arith.cmpi eq, %shift_right_arithmetic3A_546, %get3A_6 : vector<16xi32>
        %eq3A_560 = arith.cmpi eq, %shift_right_arithmetic3A_546, %get3A_8 : vector<16xi32>
        %bitcast_convert_type3A_561 = tpu.bitcast %get3A_388 : vector<16xf32> -> vector<16xi32>
        %shift_right_arithmetic3A_562 = arith.constant 31 : i32
        %shift_right_arithmetic3A_563 = vector.broadcast %shift_right_arithmetic3A_562 : i32 to vector<16xi32>
        %shift_right_arithmetic3A_564 = arith.shrsi %bitcast_convert_type3A_561, %shift_right_arithmetic3A_563 : vector<16xi32>
        %and3A_565 = arith.constant 2147483647 : i32
        %and3A_566 = vector.broadcast %and3A_565 : i32 to vector<16xi32>
        %and3A_567 = arith.andi %shift_right_arithmetic3A_564, %and3A_566 : vector<16xi32>
        %xor3A_568 = arith.xori %bitcast_convert_type3A_561, %and3A_567 : vector<16xi32>
        %shift_right_arithmetic3A_569 = arith.constant 20 : i32
        %shift_right_arithmetic3A_570 = vector.broadcast %shift_right_arithmetic3A_569 : i32 to vector<16xi32>
        %shift_right_arithmetic3A_571 = arith.shrsi %xor3A_568, %shift_right_arithmetic3A_570 : vector<16xi32>
        %shift_right_arithmetic3A_572 = arith.constant 12 : i32
        %shift_right_arithmetic3A_573 = vector.broadcast %shift_right_arithmetic3A_572 : i32 to vector<16xi32>
        %shift_right_arithmetic3A_574 = arith.shrsi %xor3A_568, %shift_right_arithmetic3A_573 : vector<16xi32>
        %and3A_575 = arith.constant 255 : i32
        %and3A_576 = vector.broadcast %and3A_575 : i32 to vector<16xi32>
        %and3A_577 = arith.andi %shift_right_arithmetic3A_574, %and3A_576 : vector<16xi32>
        %shift_left3A_578 = arith.constant 4 : i32
        %shift_left3A_579 = vector.broadcast %shift_left3A_578 : i32 to vector<16xi32>
        %shift_left3A_580 = arith.shli %and3A_577, %shift_left3A_579 : vector<16xi32>
        %add3A_581 = arith.addi %shift_left3A_580, %iota3A : vector<16xi32>
        %eq3A_582 = arith.cmpi eq, %shift_right_arithmetic3A_571, %get3A_2 : vector<16xi32>
        %eq3A_583 = arith.cmpi eq, %shift_right_arithmetic3A_571, %get3A_4 : vector<16xi32>
        %eq3A_584 = arith.cmpi eq, %shift_right_arithmetic3A_571, %get3A_6 : vector<16xi32>
        %eq3A_585 = arith.cmpi eq, %shift_right_arithmetic3A_571, %get3A_8 : vector<16xi32>
        %add3A_586 = arith.constant 0 : i32
        %add3A_587 = vector.broadcast %add3A_586 : i32 to vector<16xi32>
        %add3A_588 = arith.addi %add3A_406, %add3A_587 : vector<16xi32>
        tpu.vector_store_idx %arg7[%add3A_588], %broadcast_in_dim3A_1 masked %eq3A_407 {add = true} : memref<16384xi32, #tpu.memory_space<vmem>>[vector<16xi32>], vector<16xi32>, vector<16xi1>
        %add3A_589 = arith.constant 4096 : i32
        %add3A_590 = vector.broadcast %add3A_589 : i32 to vector<16xi32>
        %add3A_591 = arith.addi %add3A_406, %add3A_590 : vector<16xi32>
        tpu.vector_store_idx %arg7[%add3A_591], %broadcast_in_dim3A_1 masked %eq3A_408 {add = true} : memref<16384xi32, #tpu.memory_space<vmem>>[vector<16xi32>], vector<16xi32>, vector<16xi1>
        %add3A_592 = arith.constant 8192 : i32
        %add3A_593 = vector.broadcast %add3A_592 : i32 to vector<16xi32>
        %add3A_594 = arith.addi %add3A_406, %add3A_593 : vector<16xi32>
        tpu.vector_store_idx %arg7[%add3A_594], %broadcast_in_dim3A_1 masked %eq3A_409 {add = true} : memref<16384xi32, #tpu.memory_space<vmem>>[vector<16xi32>], vector<16xi32>, vector<16xi1>
        %add3A_595 = arith.constant 12288 : i32
        %add3A_596 = vector.broadcast %add3A_595 : i32 to vector<16xi32>
        %add3A_597 = arith.addi %add3A_406, %add3A_596 : vector<16xi32>
        tpu.vector_store_idx %arg7[%add3A_597], %broadcast_in_dim3A_1 masked %eq3A_410 {add = true} : memref<16384xi32, #tpu.memory_space<vmem>>[vector<16xi32>], vector<16xi32>, vector<16xi1>
        %add3A_598 = arith.constant 0 : i32
        %add3A_599 = vector.broadcast %add3A_598 : i32 to vector<16xi32>
        %add3A_600 = arith.addi %add3A_431, %add3A_599 : vector<16xi32>
        tpu.vector_store_idx %arg7[%add3A_600], %broadcast_in_dim3A_1 masked %eq3A_432 {add = true} : memref<16384xi32, #tpu.memory_space<vmem>>[vector<16xi32>], vector<16xi32>, vector<16xi1>
        %add3A_601 = arith.constant 4096 : i32
        %add3A_602 = vector.broadcast %add3A_601 : i32 to vector<16xi32>
        %add3A_603 = arith.addi %add3A_431, %add3A_602 : vector<16xi32>
        tpu.vector_store_idx %arg7[%add3A_603], %broadcast_in_dim3A_1 masked %eq3A_433 {add = true} : memref<16384xi32, #tpu.memory_space<vmem>>[vector<16xi32>], vector<16xi32>, vector<16xi1>
        %add3A_604 = arith.constant 8192 : i32
        %add3A_605 = vector.broadcast %add3A_604 : i32 to vector<16xi32>
        %add3A_606 = arith.addi %add3A_431, %add3A_605 : vector<16xi32>
        tpu.vector_store_idx %arg7[%add3A_606], %broadcast_in_dim3A_1 masked %eq3A_434 {add = true} : memref<16384xi32, #tpu.memory_space<vmem>>[vector<16xi32>], vector<16xi32>, vector<16xi1>
        %add3A_607 = arith.constant 12288 : i32
        %add3A_608 = vector.broadcast %add3A_607 : i32 to vector<16xi32>
        %add3A_609 = arith.addi %add3A_431, %add3A_608 : vector<16xi32>
        tpu.vector_store_idx %arg7[%add3A_609], %broadcast_in_dim3A_1 masked %eq3A_435 {add = true} : memref<16384xi32, #tpu.memory_space<vmem>>[vector<16xi32>], vector<16xi32>, vector<16xi1>
        %add3A_610 = arith.constant 0 : i32
        %add3A_611 = vector.broadcast %add3A_610 : i32 to vector<16xi32>
        %add3A_612 = arith.addi %add3A_456, %add3A_611 : vector<16xi32>
        tpu.vector_store_idx %arg7[%add3A_612], %broadcast_in_dim3A_1 masked %eq3A_457 {add = true} : memref<16384xi32, #tpu.memory_space<vmem>>[vector<16xi32>], vector<16xi32>, vector<16xi1>
        %add3A_613 = arith.constant 4096 : i32
        %add3A_614 = vector.broadcast %add3A_613 : i32 to vector<16xi32>
        %add3A_615 = arith.addi %add3A_456, %add3A_614 : vector<16xi32>
        tpu.vector_store_idx %arg7[%add3A_615], %broadcast_in_dim3A_1 masked %eq3A_458 {add = true} : memref<16384xi32, #tpu.memory_space<vmem>>[vector<16xi32>], vector<16xi32>, vector<16xi1>
        %add3A_616 = arith.constant 8192 : i32
        %add3A_617 = vector.broadcast %add3A_616 : i32 to vector<16xi32>
        %add3A_618 = arith.addi %add3A_456, %add3A_617 : vector<16xi32>
        tpu.vector_store_idx %arg7[%add3A_618], %broadcast_in_dim3A_1 masked %eq3A_459 {add = true} : memref<16384xi32, #tpu.memory_space<vmem>>[vector<16xi32>], vector<16xi32>, vector<16xi1>
        %add3A_619 = arith.constant 12288 : i32
        %add3A_620 = vector.broadcast %add3A_619 : i32 to vector<16xi32>
        %add3A_621 = arith.addi %add3A_456, %add3A_620 : vector<16xi32>
        tpu.vector_store_idx %arg7[%add3A_621], %broadcast_in_dim3A_1 masked %eq3A_460 {add = true} : memref<16384xi32, #tpu.memory_space<vmem>>[vector<16xi32>], vector<16xi32>, vector<16xi1>
        %add3A_622 = arith.constant 0 : i32
        %add3A_623 = vector.broadcast %add3A_622 : i32 to vector<16xi32>
        %add3A_624 = arith.addi %add3A_481, %add3A_623 : vector<16xi32>
        tpu.vector_store_idx %arg7[%add3A_624], %broadcast_in_dim3A_1 masked %eq3A_482 {add = true} : memref<16384xi32, #tpu.memory_space<vmem>>[vector<16xi32>], vector<16xi32>, vector<16xi1>
        %add3A_625 = arith.constant 4096 : i32
        %add3A_626 = vector.broadcast %add3A_625 : i32 to vector<16xi32>
        %add3A_627 = arith.addi %add3A_481, %add3A_626 : vector<16xi32>
        tpu.vector_store_idx %arg7[%add3A_627], %broadcast_in_dim3A_1 masked %eq3A_483 {add = true} : memref<16384xi32, #tpu.memory_space<vmem>>[vector<16xi32>], vector<16xi32>, vector<16xi1>
        %add3A_628 = arith.constant 8192 : i32
        %add3A_629 = vector.broadcast %add3A_628 : i32 to vector<16xi32>
        %add3A_630 = arith.addi %add3A_481, %add3A_629 : vector<16xi32>
        tpu.vector_store_idx %arg7[%add3A_630], %broadcast_in_dim3A_1 masked %eq3A_484 {add = true} : memref<16384xi32, #tpu.memory_space<vmem>>[vector<16xi32>], vector<16xi32>, vector<16xi1>
        %add3A_631 = arith.constant 12288 : i32
        %add3A_632 = vector.broadcast %add3A_631 : i32 to vector<16xi32>
        %add3A_633 = arith.addi %add3A_481, %add3A_632 : vector<16xi32>
        tpu.vector_store_idx %arg7[%add3A_633], %broadcast_in_dim3A_1 masked %eq3A_485 {add = true} : memref<16384xi32, #tpu.memory_space<vmem>>[vector<16xi32>], vector<16xi32>, vector<16xi1>
        %add3A_634 = arith.constant 0 : i32
        %add3A_635 = vector.broadcast %add3A_634 : i32 to vector<16xi32>
        %add3A_636 = arith.addi %add3A_506, %add3A_635 : vector<16xi32>
        tpu.vector_store_idx %arg7[%add3A_636], %broadcast_in_dim3A_1 masked %eq3A_507 {add = true} : memref<16384xi32, #tpu.memory_space<vmem>>[vector<16xi32>], vector<16xi32>, vector<16xi1>
        %add3A_637 = arith.constant 4096 : i32
        %add3A_638 = vector.broadcast %add3A_637 : i32 to vector<16xi32>
        %add3A_639 = arith.addi %add3A_506, %add3A_638 : vector<16xi32>
        tpu.vector_store_idx %arg7[%add3A_639], %broadcast_in_dim3A_1 masked %eq3A_508 {add = true} : memref<16384xi32, #tpu.memory_space<vmem>>[vector<16xi32>], vector<16xi32>, vector<16xi1>
        %add3A_640 = arith.constant 8192 : i32
        %add3A_641 = vector.broadcast %add3A_640 : i32 to vector<16xi32>
        %add3A_642 = arith.addi %add3A_506, %add3A_641 : vector<16xi32>
        tpu.vector_store_idx %arg7[%add3A_642], %broadcast_in_dim3A_1 masked %eq3A_509 {add = true} : memref<16384xi32, #tpu.memory_space<vmem>>[vector<16xi32>], vector<16xi32>, vector<16xi1>
        %add3A_643 = arith.constant 12288 : i32
        %add3A_644 = vector.broadcast %add3A_643 : i32 to vector<16xi32>
        %add3A_645 = arith.addi %add3A_506, %add3A_644 : vector<16xi32>
        tpu.vector_store_idx %arg7[%add3A_645], %broadcast_in_dim3A_1 masked %eq3A_510 {add = true} : memref<16384xi32, #tpu.memory_space<vmem>>[vector<16xi32>], vector<16xi32>, vector<16xi1>
        %add3A_646 = arith.constant 0 : i32
        %add3A_647 = vector.broadcast %add3A_646 : i32 to vector<16xi32>
        %add3A_648 = arith.addi %add3A_531, %add3A_647 : vector<16xi32>
        tpu.vector_store_idx %arg7[%add3A_648], %broadcast_in_dim3A_1 masked %eq3A_532 {add = true} : memref<16384xi32, #tpu.memory_space<vmem>>[vector<16xi32>], vector<16xi32>, vector<16xi1>
        %add3A_649 = arith.constant 4096 : i32
        %add3A_650 = vector.broadcast %add3A_649 : i32 to vector<16xi32>
        %add3A_651 = arith.addi %add3A_531, %add3A_650 : vector<16xi32>
        tpu.vector_store_idx %arg7[%add3A_651], %broadcast_in_dim3A_1 masked %eq3A_533 {add = true} : memref<16384xi32, #tpu.memory_space<vmem>>[vector<16xi32>], vector<16xi32>, vector<16xi1>
        %add3A_652 = arith.constant 8192 : i32
        %add3A_653 = vector.broadcast %add3A_652 : i32 to vector<16xi32>
        %add3A_654 = arith.addi %add3A_531, %add3A_653 : vector<16xi32>
        tpu.vector_store_idx %arg7[%add3A_654], %broadcast_in_dim3A_1 masked %eq3A_534 {add = true} : memref<16384xi32, #tpu.memory_space<vmem>>[vector<16xi32>], vector<16xi32>, vector<16xi1>
        %add3A_655 = arith.constant 12288 : i32
        %add3A_656 = vector.broadcast %add3A_655 : i32 to vector<16xi32>
        %add3A_657 = arith.addi %add3A_531, %add3A_656 : vector<16xi32>
        tpu.vector_store_idx %arg7[%add3A_657], %broadcast_in_dim3A_1 masked %eq3A_535 {add = true} : memref<16384xi32, #tpu.memory_space<vmem>>[vector<16xi32>], vector<16xi32>, vector<16xi1>
        %add3A_658 = arith.constant 0 : i32
        %add3A_659 = vector.broadcast %add3A_658 : i32 to vector<16xi32>
        %add3A_660 = arith.addi %add3A_556, %add3A_659 : vector<16xi32>
        tpu.vector_store_idx %arg7[%add3A_660], %broadcast_in_dim3A_1 masked %eq3A_557 {add = true} : memref<16384xi32, #tpu.memory_space<vmem>>[vector<16xi32>], vector<16xi32>, vector<16xi1>
        %add3A_661 = arith.constant 4096 : i32
        %add3A_662 = vector.broadcast %add3A_661 : i32 to vector<16xi32>
        %add3A_663 = arith.addi %add3A_556, %add3A_662 : vector<16xi32>
        tpu.vector_store_idx %arg7[%add3A_663], %broadcast_in_dim3A_1 masked %eq3A_558 {add = true} : memref<16384xi32, #tpu.memory_space<vmem>>[vector<16xi32>], vector<16xi32>, vector<16xi1>
        %add3A_664 = arith.constant 8192 : i32
        %add3A_665 = vector.broadcast %add3A_664 : i32 to vector<16xi32>
        %add3A_666 = arith.addi %add3A_556, %add3A_665 : vector<16xi32>
        tpu.vector_store_idx %arg7[%add3A_666], %broadcast_in_dim3A_1 masked %eq3A_559 {add = true} : memref<16384xi32, #tpu.memory_space<vmem>>[vector<16xi32>], vector<16xi32>, vector<16xi1>
        %add3A_667 = arith.constant 12288 : i32
        %add3A_668 = vector.broadcast %add3A_667 : i32 to vector<16xi32>
        %add3A_669 = arith.addi %add3A_556, %add3A_668 : vector<16xi32>
        tpu.vector_store_idx %arg7[%add3A_669], %broadcast_in_dim3A_1 masked %eq3A_560 {add = true} : memref<16384xi32, #tpu.memory_space<vmem>>[vector<16xi32>], vector<16xi32>, vector<16xi1>
        %add3A_670 = arith.constant 0 : i32
        %add3A_671 = vector.broadcast %add3A_670 : i32 to vector<16xi32>
        %add3A_672 = arith.addi %add3A_581, %add3A_671 : vector<16xi32>
        tpu.vector_store_idx %arg7[%add3A_672], %broadcast_in_dim3A_1 masked %eq3A_582 {add = true} : memref<16384xi32, #tpu.memory_space<vmem>>[vector<16xi32>], vector<16xi32>, vector<16xi1>
        %add3A_673 = arith.constant 4096 : i32
        %add3A_674 = vector.broadcast %add3A_673 : i32 to vector<16xi32>
        %add3A_675 = arith.addi %add3A_581, %add3A_674 : vector<16xi32>
        tpu.vector_store_idx %arg7[%add3A_675], %broadcast_in_dim3A_1 masked %eq3A_583 {add = true} : memref<16384xi32, #tpu.memory_space<vmem>>[vector<16xi32>], vector<16xi32>, vector<16xi1>
        %add3A_676 = arith.constant 8192 : i32
        %add3A_677 = vector.broadcast %add3A_676 : i32 to vector<16xi32>
        %add3A_678 = arith.addi %add3A_581, %add3A_677 : vector<16xi32>
        tpu.vector_store_idx %arg7[%add3A_678], %broadcast_in_dim3A_1 masked %eq3A_584 {add = true} : memref<16384xi32, #tpu.memory_space<vmem>>[vector<16xi32>], vector<16xi32>, vector<16xi1>
        %add3A_679 = arith.constant 12288 : i32
        %add3A_680 = vector.broadcast %add3A_679 : i32 to vector<16xi32>
        %add3A_681 = arith.addi %add3A_581, %add3A_680 : vector<16xi32>
        tpu.vector_store_idx %arg7[%add3A_681], %broadcast_in_dim3A_1 masked %eq3A_585 {add = true} : memref<16384xi32, #tpu.memory_space<vmem>>[vector<16xi32>], vector<16xi32>, vector<16xi1>
      }
      %scan3A_226 = arith.constant 128 : i32
      %add3A_227 = arith.constant 2 : i32
      %add3A_228 = arith.addi %add3A_114, %add3A_227 : i32
      %and3A_229 = arith.constant 63 : i32
      %and3A_230 = arith.andi %add3A_228, %and3A_229 : i32
      %mul3A_231 = arith.constant 64 : i32
      %mul3A_232 = arith.muli %add3A, %mul3A_231 : i32
      %add3A_233 = arith.addi %mul3A_232, %and3A_230 : i32
      %jit3A_234 = arith.constant 1024 : i32
      %div3A_235 = arith.divsi %add3A_233, %jit3A_234 : i32
      %sign3A_236 = arith.constant 0 : i32
      %sign3A_237 = arith.cmpi sgt, %add3A_233, %sign3A_236 : i32
      %sign3A_238 = arith.extui %sign3A_237 : i1 to i32
      %sign3A_239 = arith.constant 0 : i32
      %sign3A_240 = arith.cmpi slt, %add3A_233, %sign3A_239 : i32
      %sign3A_241 = arith.extui %sign3A_240 : i1 to i32
      %sign3A_242 = arith.subi %sign3A_238, %sign3A_241 : i32
      %sign3A_243 = arith.constant 0 : i32
      %sign3A_244 = arith.cmpi sgt, %jit3A_234, %sign3A_243 : i32
      %sign3A_245 = arith.extui %sign3A_244 : i1 to i32
      %sign3A_246 = arith.constant 0 : i32
      %sign3A_247 = arith.cmpi slt, %jit3A_234, %sign3A_246 : i32
      %sign3A_248 = arith.extui %sign3A_247 : i1 to i32
      %sign3A_249 = arith.subi %sign3A_245, %sign3A_248 : i32
      %ne3A_250 = arith.cmpi ne, %sign3A_242, %sign3A_249 : i32
      %rem3A_251 = arith.remsi %add3A_233, %jit3A_234 : i32
      %ne3A_252 = arith.constant 0 : i32
      %ne3A_253 = arith.cmpi ne, %rem3A_251, %ne3A_252 : i32
      %and3A_254 = arith.andi %ne3A_250, %ne3A_253 : i1
      %sub3A_255 = arith.constant 1 : i32
      %sub3A_256 = arith.subi %div3A_235, %sub3A_255 : i32
      %select_n3A_257 = arith.select %and3A_254, %sub3A_256, %div3A_235 : i32
      %jit3A_258 = arith.constant 1024 : i32
      %eq3A_259 = arith.constant 0 : i32
      %eq3A_260 = arith.cmpi eq, %jit3A_258, %eq3A_259 : i32
      %jit3A_261 = arith.constant 1 : i32
      %select_n3A_262 = arith.select %eq3A_260, %jit3A_261, %jit3A_258 : i32
      %rem3A_263 = arith.remsi %add3A_233, %select_n3A_262 : i32
      %ne3A_264 = arith.constant 0 : i32
      %ne3A_265 = arith.cmpi ne, %rem3A_263, %ne3A_264 : i32
      %lt3A_266 = arith.constant 0 : i32
      %lt3A_267 = arith.cmpi slt, %rem3A_263, %lt3A_266 : i32
      %lt3A_268 = arith.constant 0 : i32
      %lt3A_269 = arith.cmpi slt, %select_n3A_262, %lt3A_268 : i32
      %ne3A_270 = arith.xori %lt3A_267, %lt3A_269 : i1
      %and3A_271 = arith.andi %ne3A_270, %ne3A_265 : i1
      %add3A_272 = arith.addi %rem3A_263, %select_n3A_262 : i32
      %select_n3A_273 = arith.select %and3A_271, %add3A_272, %rem3A_263 : i32
      %mul3A_274 = arith.constant 8 : i32
      %mul3A_275 = arith.muli %select_n3A_273, %mul3A_274 : i32
      %dma_start3A_276 = arith.constant 0 : i32
      %dma_start3A_277 = tpu.memref_slice %arg2[%select_n3A_257, %mul3A_275, %dma_start3A_276] : memref<2x8192x2048xf32, #tpu.memory_space<hbm>> -> memref<1x8x2048xf32, #tpu.memory_space<hbm>>
      %dma_start3A_278 = tpu.memref_squeeze %dma_start3A_277 : memref<1x8x2048xf32, #tpu.memory_space<hbm>> -> memref<8x2048xf32, #tpu.memory_space<hbm>>
      %dma_start3A_279 = arith.constant 0 : i32
      %dma_start3A_280 = tpu.memref_slice %arg2[%select_n3A_257, %mul3A_275, %dma_start3A_279] : memref<2x8192x2048xf32, #tpu.memory_space<hbm>> -> memref<1x8x2048xf32, #tpu.memory_space<hbm>>
      %dma_start3A_281 = tpu.memref_squeeze %dma_start3A_280 : memref<1x8x2048xf32, #tpu.memory_space<hbm>> -> memref<8x2048xf32, #tpu.memory_space<hbm>>
      tpu.enqueue_dma source(%dma_start3A_281 : memref<8x2048xf32, #tpu.memory_space<hbm>>) target(%arg5 : memref<8x2048xf32, #tpu.memory_space<vmem>>) target_semaphore(%arg9 : memref<!tpu.dma_semaphore, #tpu.memory_space<semaphore_mem>>)
      %mul3A_282 = arith.constant 64 : i32
      %mul3A_283 = arith.muli %add3A, %mul3A_282 : i32
      %add3A_284 = arith.constant 0 : i32
      %add3A_285 = arith.addi %mul3A_283, %add3A_284 : i32
      %jit3A_286 = arith.constant 1024 : i32
      %div3A_287 = arith.divsi %add3A_285, %jit3A_286 : i32
      %sign3A_288 = arith.constant 0 : i32
      %sign3A_289 = arith.cmpi sgt, %add3A_285, %sign3A_288 : i32
      %sign3A_290 = arith.extui %sign3A_289 : i1 to i32
      %sign3A_291 = arith.constant 0 : i32
      %sign3A_292 = arith.cmpi slt, %add3A_285, %sign3A_291 : i32
      %sign3A_293 = arith.extui %sign3A_292 : i1 to i32
      %sign3A_294 = arith.subi %sign3A_290, %sign3A_293 : i32
      %sign3A_295 = arith.constant 0 : i32
      %sign3A_296 = arith.cmpi sgt, %jit3A_286, %sign3A_295 : i32
      %sign3A_297 = arith.extui %sign3A_296 : i1 to i32
      %sign3A_298 = arith.constant 0 : i32
      %sign3A_299 = arith.cmpi slt, %jit3A_286, %sign3A_298 : i32
      %sign3A_300 = arith.extui %sign3A_299 : i1 to i32
      %sign3A_301 = arith.subi %sign3A_297, %sign3A_300 : i32
      %ne3A_302 = arith.cmpi ne, %sign3A_294, %sign3A_301 : i32
      %rem3A_303 = arith.remsi %add3A_285, %jit3A_286 : i32
      %ne3A_304 = arith.constant 0 : i32
      %ne3A_305 = arith.cmpi ne, %rem3A_303, %ne3A_304 : i32
      %and3A_306 = arith.andi %ne3A_302, %ne3A_305 : i1
      %sub3A_307 = arith.constant 1 : i32
      %sub3A_308 = arith.subi %div3A_287, %sub3A_307 : i32
      %select_n3A_309 = arith.select %and3A_306, %sub3A_308, %div3A_287 : i32
      %jit3A_310 = arith.constant 1024 : i32
      %eq3A_311 = arith.constant 0 : i32
      %eq3A_312 = arith.cmpi eq, %jit3A_310, %eq3A_311 : i32
      %jit3A_313 = arith.constant 1 : i32
      %select_n3A_314 = arith.select %eq3A_312, %jit3A_313, %jit3A_310 : i32
      %rem3A_315 = arith.remsi %add3A_285, %select_n3A_314 : i32
      %ne3A_316 = arith.constant 0 : i32
      %ne3A_317 = arith.cmpi ne, %rem3A_315, %ne3A_316 : i32
      %lt3A_318 = arith.constant 0 : i32
      %lt3A_319 = arith.cmpi slt, %rem3A_315, %lt3A_318 : i32
      %lt3A_320 = arith.constant 0 : i32
      %lt3A_321 = arith.cmpi slt, %select_n3A_314, %lt3A_320 : i32
      %ne3A_322 = arith.xori %lt3A_319, %lt3A_321 : i1
      %and3A_323 = arith.andi %ne3A_322, %ne3A_317 : i1
      %add3A_324 = arith.addi %rem3A_315, %select_n3A_314 : i32
      %select_n3A_325 = arith.select %and3A_323, %add3A_324, %rem3A_315 : i32
      %mul3A_326 = arith.constant 8 : i32
      %mul3A_327 = arith.muli %select_n3A_325, %mul3A_326 : i32
      %dma_wait3A_328 = arith.constant 0 : i32
      %dma_wait3A_329 = tpu.memref_slice %arg2[%select_n3A_309, %mul3A_327, %dma_wait3A_328] : memref<2x8192x2048xf32, #tpu.memory_space<hbm>> -> memref<1x8x2048xf32, #tpu.memory_space<hbm>>
      %dma_wait3A_330 = tpu.memref_squeeze %dma_wait3A_329 : memref<1x8x2048xf32, #tpu.memory_space<hbm>> -> memref<8x2048xf32, #tpu.memory_space<hbm>>
      %dma_wait3A_331 = arith.constant 0 : i32
      %dma_wait3A_332 = tpu.memref_slice %arg2[%select_n3A_309, %mul3A_327, %dma_wait3A_331] : memref<2x8192x2048xf32, #tpu.memory_space<hbm>> -> memref<1x8x2048xf32, #tpu.memory_space<hbm>>
      %dma_wait3A_333 = tpu.memref_squeeze %dma_wait3A_332 : memref<1x8x2048xf32, #tpu.memory_space<hbm>> -> memref<8x2048xf32, #tpu.memory_space<hbm>>
      tpu.wait_dma2 semaphore(%arg10 : memref<!tpu.dma_semaphore, #tpu.memory_space<semaphore_mem>>) src(%dma_wait3A_333 : memref<8x2048xf32, #tpu.memory_space<hbm>>) dst(%arg6 : memref<8x2048xf32, #tpu.memory_space<vmem>>)
      %scan3A_334 = arith.constant 0 : i32
      %scan3A_335 = arith.constant 128 : i32
      %scan3A_336 = arith.addi %scan3A_334, %scan3A_335 : i32
      %scan3A_337 = arith.constant 1 : i32
      scf.for %scan3A_339 = %scan3A_334 to %scan3A_336 step %scan3A_337  : i32 {
        %mul3A_340 = arith.constant 1 : i32
        %mul3A_341 = arith.muli %scan3A_339, %mul3A_340 : i32
        %add3A_342 = arith.constant 0 : i32
        %add3A_343 = arith.addi %add3A_342, %mul3A_341 : i32
        %shift_right_arithmetic3A = arith.constant 4 : i32
        %shift_right_arithmetic3A_344 = arith.shrsi %add3A_343, %shift_right_arithmetic3A : i32
        %and3A_345 = arith.constant 15 : i32
        %and3A_346 = arith.andi %add3A_343, %and3A_345 : i32
        %mul3A_347 = arith.constant 128 : i32
        %mul3A_348 = arith.muli %and3A_346, %mul3A_347 : i32
        %add3A_349 = arith.constant 0 : i32
        %add3A_350 = arith.addi %mul3A_348, %add3A_349 : i32
        %get3A_351 = arith.index_cast %shift_right_arithmetic3A_344 : i32 to index
        %get3A_352 = arith.index_cast %add3A_350 : i32 to index
        %get3A_353 = tpu.vector_load %arg6[%get3A_351, %get3A_352] {strides = array<i32>} : memref<8x2048xf32, #tpu.memory_space<vmem>>, vector<16xf32>,
        %add3A_354 = arith.constant 16 : i32
        %add3A_355 = arith.addi %mul3A_348, %add3A_354 : i32
        %get3A_356 = arith.index_cast %shift_right_arithmetic3A_344 : i32 to index
        %get3A_357 = arith.index_cast %add3A_355 : i32 to index
        %get3A_358 = tpu.vector_load %arg6[%get3A_356, %get3A_357] {strides = array<i32>} : memref<8x2048xf32, #tpu.memory_space<vmem>>, vector<16xf32>,
        %add3A_359 = arith.constant 32 : i32
        %add3A_360 = arith.addi %mul3A_348, %add3A_359 : i32
        %get3A_361 = arith.index_cast %shift_right_arithmetic3A_344 : i32 to index
        %get3A_362 = arith.index_cast %add3A_360 : i32 to index
        %get3A_363 = tpu.vector_load %arg6[%get3A_361, %get3A_362] {strides = array<i32>} : memref<8x2048xf32, #tpu.memory_space<vmem>>, vector<16xf32>,
        %add3A_364 = arith.constant 48 : i32
        %add3A_365 = arith.addi %mul3A_348, %add3A_364 : i32
        %get3A_366 = arith.index_cast %shift_right_arithmetic3A_344 : i32 to index
        %get3A_367 = arith.index_cast %add3A_365 : i32 to index
        %get3A_368 = tpu.vector_load %arg6[%get3A_366, %get3A_367] {strides = array<i32>} : memref<8x2048xf32, #tpu.memory_space<vmem>>, vector<16xf32>,
        %add3A_369 = arith.constant 64 : i32
        %add3A_370 = arith.addi %mul3A_348, %add3A_369 : i32
        %get3A_371 = arith.index_cast %shift_right_arithmetic3A_344 : i32 to index
        %get3A_372 = arith.index_cast %add3A_370 : i32 to index
        %get3A_373 = tpu.vector_load %arg6[%get3A_371, %get3A_372] {strides = array<i32>} : memref<8x2048xf32, #tpu.memory_space<vmem>>, vector<16xf32>,
        %add3A_374 = arith.constant 80 : i32
        %add3A_375 = arith.addi %mul3A_348, %add3A_374 : i32
        %get3A_376 = arith.index_cast %shift_right_arithmetic3A_344 : i32 to index
        %get3A_377 = arith.index_cast %add3A_375 : i32 to index
        %get3A_378 = tpu.vector_load %arg6[%get3A_376, %get3A_377] {strides = array<i32>} : memref<8x2048xf32, #tpu.memory_space<vmem>>, vector<16xf32>,
        %add3A_379 = arith.constant 96 : i32
        %add3A_380 = arith.addi %mul3A_348, %add3A_379 : i32
        %get3A_381 = arith.index_cast %shift_right_arithmetic3A_344 : i32 to index
        %get3A_382 = arith.index_cast %add3A_380 : i32 to index
        %get3A_383 = tpu.vector_load %arg6[%get3A_381, %get3A_382] {strides = array<i32>} : memref<8x2048xf32, #tpu.memory_space<vmem>>, vector<16xf32>,
        %add3A_384 = arith.constant 112 : i32
        %add3A_385 = arith.addi %mul3A_348, %add3A_384 : i32
        %get3A_386 = arith.index_cast %shift_right_arithmetic3A_344 : i32 to index
        %get3A_387 = arith.index_cast %add3A_385 : i32 to index
        %get3A_388 = tpu.vector_load %arg6[%get3A_386, %get3A_387] {strides = array<i32>} : memref<8x2048xf32, #tpu.memory_space<vmem>>, vector<16xf32>,
        %bitcast_convert_type3A = tpu.bitcast %get3A_353 : vector<16xf32> -> vector<16xi32>
        %shift_right_arithmetic3A_389 = arith.constant 31 : i32
        %shift_right_arithmetic3A_390 = vector.broadcast %shift_right_arithmetic3A_389 : i32 to vector<16xi32>
        %shift_right_arithmetic3A_391 = arith.shrsi %bitcast_convert_type3A, %shift_right_arithmetic3A_390 : vector<16xi32>
        %and3A_392 = arith.constant 2147483647 : i32
        %and3A_393 = vector.broadcast %and3A_392 : i32 to vector<16xi32>
        %and3A_394 = arith.andi %shift_right_arithmetic3A_391, %and3A_393 : vector<16xi32>
        %xor3A = arith.xori %bitcast_convert_type3A, %and3A_394 : vector<16xi32>
        %shift_right_arithmetic3A_395 = arith.constant 20 : i32
        %shift_right_arithmetic3A_396 = vector.broadcast %shift_right_arithmetic3A_395 : i32 to vector<16xi32>
        %shift_right_arithmetic3A_397 = arith.shrsi %xor3A, %shift_right_arithmetic3A_396 : vector<16xi32>
        %shift_right_arithmetic3A_398 = arith.constant 12 : i32
        %shift_right_arithmetic3A_399 = vector.broadcast %shift_right_arithmetic3A_398 : i32 to vector<16xi32>
        %shift_right_arithmetic3A_400 = arith.shrsi %xor3A, %shift_right_arithmetic3A_399 : vector<16xi32>
        %and3A_401 = arith.constant 255 : i32
        %and3A_402 = vector.broadcast %and3A_401 : i32 to vector<16xi32>
        %and3A_403 = arith.andi %shift_right_arithmetic3A_400, %and3A_402 : vector<16xi32>
        %shift_left3A = arith.constant 4 : i32
        %shift_left3A_404 = vector.broadcast %shift_left3A : i32 to vector<16xi32>
        %shift_left3A_405 = arith.shli %and3A_403, %shift_left3A_404 : vector<16xi32>
        %add3A_406 = arith.addi %shift_left3A_405, %iota3A : vector<16xi32>
        %eq3A_407 = arith.cmpi eq, %shift_right_arithmetic3A_397, %get3A_2 : vector<16xi32>
        %eq3A_408 = arith.cmpi eq, %shift_right_arithmetic3A_397, %get3A_4 : vector<16xi32>
        %eq3A_409 = arith.cmpi eq, %shift_right_arithmetic3A_397, %get3A_6 : vector<16xi32>
        %eq3A_410 = arith.cmpi eq, %shift_right_arithmetic3A_397, %get3A_8 : vector<16xi32>
        %bitcast_convert_type3A_411 = tpu.bitcast %get3A_358 : vector<16xf32> -> vector<16xi32>
        %shift_right_arithmetic3A_412 = arith.constant 31 : i32
        %shift_right_arithmetic3A_413 = vector.broadcast %shift_right_arithmetic3A_412 : i32 to vector<16xi32>
        %shift_right_arithmetic3A_414 = arith.shrsi %bitcast_convert_type3A_411, %shift_right_arithmetic3A_413 : vector<16xi32>
        %and3A_415 = arith.constant 2147483647 : i32
        %and3A_416 = vector.broadcast %and3A_415 : i32 to vector<16xi32>
        %and3A_417 = arith.andi %shift_right_arithmetic3A_414, %and3A_416 : vector<16xi32>
        %xor3A_418 = arith.xori %bitcast_convert_type3A_411, %and3A_417 : vector<16xi32>
        %shift_right_arithmetic3A_419 = arith.constant 20 : i32
        %shift_right_arithmetic3A_420 = vector.broadcast %shift_right_arithmetic3A_419 : i32 to vector<16xi32>
        %shift_right_arithmetic3A_421 = arith.shrsi %xor3A_418, %shift_right_arithmetic3A_420 : vector<16xi32>
        %shift_right_arithmetic3A_422 = arith.constant 12 : i32
        %shift_right_arithmetic3A_423 = vector.broadcast %shift_right_arithmetic3A_422 : i32 to vector<16xi32>
        %shift_right_arithmetic3A_424 = arith.shrsi %xor3A_418, %shift_right_arithmetic3A_423 : vector<16xi32>
        %and3A_425 = arith.constant 255 : i32
        %and3A_426 = vector.broadcast %and3A_425 : i32 to vector<16xi32>
        %and3A_427 = arith.andi %shift_right_arithmetic3A_424, %and3A_426 : vector<16xi32>
        %shift_left3A_428 = arith.constant 4 : i32
        %shift_left3A_429 = vector.broadcast %shift_left3A_428 : i32 to vector<16xi32>
        %shift_left3A_430 = arith.shli %and3A_427, %shift_left3A_429 : vector<16xi32>
        %add3A_431 = arith.addi %shift_left3A_430, %iota3A : vector<16xi32>
        %eq3A_432 = arith.cmpi eq, %shift_right_arithmetic3A_421, %get3A_2 : vector<16xi32>
        %eq3A_433 = arith.cmpi eq, %shift_right_arithmetic3A_421, %get3A_4 : vector<16xi32>
        %eq3A_434 = arith.cmpi eq, %shift_right_arithmetic3A_421, %get3A_6 : vector<16xi32>
        %eq3A_435 = arith.cmpi eq, %shift_right_arithmetic3A_421, %get3A_8 : vector<16xi32>
        %bitcast_convert_type3A_436 = tpu.bitcast %get3A_363 : vector<16xf32> -> vector<16xi32>
        %shift_right_arithmetic3A_437 = arith.constant 31 : i32
        %shift_right_arithmetic3A_438 = vector.broadcast %shift_right_arithmetic3A_437 : i32 to vector<16xi32>
        %shift_right_arithmetic3A_439 = arith.shrsi %bitcast_convert_type3A_436, %shift_right_arithmetic3A_438 : vector<16xi32>
        %and3A_440 = arith.constant 2147483647 : i32
        %and3A_441 = vector.broadcast %and3A_440 : i32 to vector<16xi32>
        %and3A_442 = arith.andi %shift_right_arithmetic3A_439, %and3A_441 : vector<16xi32>
        %xor3A_443 = arith.xori %bitcast_convert_type3A_436, %and3A_442 : vector<16xi32>
        %shift_right_arithmetic3A_444 = arith.constant 20 : i32
        %shift_right_arithmetic3A_445 = vector.broadcast %shift_right_arithmetic3A_444 : i32 to vector<16xi32>
        %shift_right_arithmetic3A_446 = arith.shrsi %xor3A_443, %shift_right_arithmetic3A_445 : vector<16xi32>
        %shift_right_arithmetic3A_447 = arith.constant 12 : i32
        %shift_right_arithmetic3A_448 = vector.broadcast %shift_right_arithmetic3A_447 : i32 to vector<16xi32>
        %shift_right_arithmetic3A_449 = arith.shrsi %xor3A_443, %shift_right_arithmetic3A_448 : vector<16xi32>
        %and3A_450 = arith.constant 255 : i32
        %and3A_451 = vector.broadcast %and3A_450 : i32 to vector<16xi32>
        %and3A_452 = arith.andi %shift_right_arithmetic3A_449, %and3A_451 : vector<16xi32>
        %shift_left3A_453 = arith.constant 4 : i32
        %shift_left3A_454 = vector.broadcast %shift_left3A_453 : i32 to vector<16xi32>
        %shift_left3A_455 = arith.shli %and3A_452, %shift_left3A_454 : vector<16xi32>
        %add3A_456 = arith.addi %shift_left3A_455, %iota3A : vector<16xi32>
        %eq3A_457 = arith.cmpi eq, %shift_right_arithmetic3A_446, %get3A_2 : vector<16xi32>
        %eq3A_458 = arith.cmpi eq, %shift_right_arithmetic3A_446, %get3A_4 : vector<16xi32>
        %eq3A_459 = arith.cmpi eq, %shift_right_arithmetic3A_446, %get3A_6 : vector<16xi32>
        %eq3A_460 = arith.cmpi eq, %shift_right_arithmetic3A_446, %get3A_8 : vector<16xi32>
        %bitcast_convert_type3A_461 = tpu.bitcast %get3A_368 : vector<16xf32> -> vector<16xi32>
        %shift_right_arithmetic3A_462 = arith.constant 31 : i32
        %shift_right_arithmetic3A_463 = vector.broadcast %shift_right_arithmetic3A_462 : i32 to vector<16xi32>
        %shift_right_arithmetic3A_464 = arith.shrsi %bitcast_convert_type3A_461, %shift_right_arithmetic3A_463 : vector<16xi32>
        %and3A_465 = arith.constant 2147483647 : i32
        %and3A_466 = vector.broadcast %and3A_465 : i32 to vector<16xi32>
        %and3A_467 = arith.andi %shift_right_arithmetic3A_464, %and3A_466 : vector<16xi32>
        %xor3A_468 = arith.xori %bitcast_convert_type3A_461, %and3A_467 : vector<16xi32>
        %shift_right_arithmetic3A_469 = arith.constant 20 : i32
        %shift_right_arithmetic3A_470 = vector.broadcast %shift_right_arithmetic3A_469 : i32 to vector<16xi32>
        %shift_right_arithmetic3A_471 = arith.shrsi %xor3A_468, %shift_right_arithmetic3A_470 : vector<16xi32>
        %shift_right_arithmetic3A_472 = arith.constant 12 : i32
        %shift_right_arithmetic3A_473 = vector.broadcast %shift_right_arithmetic3A_472 : i32 to vector<16xi32>
        %shift_right_arithmetic3A_474 = arith.shrsi %xor3A_468, %shift_right_arithmetic3A_473 : vector<16xi32>
        %and3A_475 = arith.constant 255 : i32
        %and3A_476 = vector.broadcast %and3A_475 : i32 to vector<16xi32>
        %and3A_477 = arith.andi %shift_right_arithmetic3A_474, %and3A_476 : vector<16xi32>
        %shift_left3A_478 = arith.constant 4 : i32
        %shift_left3A_479 = vector.broadcast %shift_left3A_478 : i32 to vector<16xi32>
        %shift_left3A_480 = arith.shli %and3A_477, %shift_left3A_479 : vector<16xi32>
        %add3A_481 = arith.addi %shift_left3A_480, %iota3A : vector<16xi32>
        %eq3A_482 = arith.cmpi eq, %shift_right_arithmetic3A_471, %get3A_2 : vector<16xi32>
        %eq3A_483 = arith.cmpi eq, %shift_right_arithmetic3A_471, %get3A_4 : vector<16xi32>
        %eq3A_484 = arith.cmpi eq, %shift_right_arithmetic3A_471, %get3A_6 : vector<16xi32>
        %eq3A_485 = arith.cmpi eq, %shift_right_arithmetic3A_471, %get3A_8 : vector<16xi32>
        %bitcast_convert_type3A_486 = tpu.bitcast %get3A_373 : vector<16xf32> -> vector<16xi32>
        %shift_right_arithmetic3A_487 = arith.constant 31 : i32
        %shift_right_arithmetic3A_488 = vector.broadcast %shift_right_arithmetic3A_487 : i32 to vector<16xi32>
        %shift_right_arithmetic3A_489 = arith.shrsi %bitcast_convert_type3A_486, %shift_right_arithmetic3A_488 : vector<16xi32>
        %and3A_490 = arith.constant 2147483647 : i32
        %and3A_491 = vector.broadcast %and3A_490 : i32 to vector<16xi32>
        %and3A_492 = arith.andi %shift_right_arithmetic3A_489, %and3A_491 : vector<16xi32>
        %xor3A_493 = arith.xori %bitcast_convert_type3A_486, %and3A_492 : vector<16xi32>
        %shift_right_arithmetic3A_494 = arith.constant 20 : i32
        %shift_right_arithmetic3A_495 = vector.broadcast %shift_right_arithmetic3A_494 : i32 to vector<16xi32>
        %shift_right_arithmetic3A_496 = arith.shrsi %xor3A_493, %shift_right_arithmetic3A_495 : vector<16xi32>
        %shift_right_arithmetic3A_497 = arith.constant 12 : i32
        %shift_right_arithmetic3A_498 = vector.broadcast %shift_right_arithmetic3A_497 : i32 to vector<16xi32>
        %shift_right_arithmetic3A_499 = arith.shrsi %xor3A_493, %shift_right_arithmetic3A_498 : vector<16xi32>
        %and3A_500 = arith.constant 255 : i32
        %and3A_501 = vector.broadcast %and3A_500 : i32 to vector<16xi32>
        %and3A_502 = arith.andi %shift_right_arithmetic3A_499, %and3A_501 : vector<16xi32>
        %shift_left3A_503 = arith.constant 4 : i32
        %shift_left3A_504 = vector.broadcast %shift_left3A_503 : i32 to vector<16xi32>
        %shift_left3A_505 = arith.shli %and3A_502, %shift_left3A_504 : vector<16xi32>
        %add3A_506 = arith.addi %shift_left3A_505, %iota3A : vector<16xi32>
        %eq3A_507 = arith.cmpi eq, %shift_right_arithmetic3A_496, %get3A_2 : vector<16xi32>
        %eq3A_508 = arith.cmpi eq, %shift_right_arithmetic3A_496, %get3A_4 : vector<16xi32>
        %eq3A_509 = arith.cmpi eq, %shift_right_arithmetic3A_496, %get3A_6 : vector<16xi32>
        %eq3A_510 = arith.cmpi eq, %shift_right_arithmetic3A_496, %get3A_8 : vector<16xi32>
        %bitcast_convert_type3A_511 = tpu.bitcast %get3A_378 : vector<16xf32> -> vector<16xi32>
        %shift_right_arithmetic3A_512 = arith.constant 31 : i32
        %shift_right_arithmetic3A_513 = vector.broadcast %shift_right_arithmetic3A_512 : i32 to vector<16xi32>
        %shift_right_arithmetic3A_514 = arith.shrsi %bitcast_convert_type3A_511, %shift_right_arithmetic3A_513 : vector<16xi32>
        %and3A_515 = arith.constant 2147483647 : i32
        %and3A_516 = vector.broadcast %and3A_515 : i32 to vector<16xi32>
        %and3A_517 = arith.andi %shift_right_arithmetic3A_514, %and3A_516 : vector<16xi32>
        %xor3A_518 = arith.xori %bitcast_convert_type3A_511, %and3A_517 : vector<16xi32>
        %shift_right_arithmetic3A_519 = arith.constant 20 : i32
        %shift_right_arithmetic3A_520 = vector.broadcast %shift_right_arithmetic3A_519 : i32 to vector<16xi32>
        %shift_right_arithmetic3A_521 = arith.shrsi %xor3A_518, %shift_right_arithmetic3A_520 : vector<16xi32>
        %shift_right_arithmetic3A_522 = arith.constant 12 : i32
        %shift_right_arithmetic3A_523 = vector.broadcast %shift_right_arithmetic3A_522 : i32 to vector<16xi32>
        %shift_right_arithmetic3A_524 = arith.shrsi %xor3A_518, %shift_right_arithmetic3A_523 : vector<16xi32>
        %and3A_525 = arith.constant 255 : i32
        %and3A_526 = vector.broadcast %and3A_525 : i32 to vector<16xi32>
        %and3A_527 = arith.andi %shift_right_arithmetic3A_524, %and3A_526 : vector<16xi32>
        %shift_left3A_528 = arith.constant 4 : i32
        %shift_left3A_529 = vector.broadcast %shift_left3A_528 : i32 to vector<16xi32>
        %shift_left3A_530 = arith.shli %and3A_527, %shift_left3A_529 : vector<16xi32>
        %add3A_531 = arith.addi %shift_left3A_530, %iota3A : vector<16xi32>
        %eq3A_532 = arith.cmpi eq, %shift_right_arithmetic3A_521, %get3A_2 : vector<16xi32>
        %eq3A_533 = arith.cmpi eq, %shift_right_arithmetic3A_521, %get3A_4 : vector<16xi32>
        %eq3A_534 = arith.cmpi eq, %shift_right_arithmetic3A_521, %get3A_6 : vector<16xi32>
        %eq3A_535 = arith.cmpi eq, %shift_right_arithmetic3A_521, %get3A_8 : vector<16xi32>
        %bitcast_convert_type3A_536 = tpu.bitcast %get3A_383 : vector<16xf32> -> vector<16xi32>
        %shift_right_arithmetic3A_537 = arith.constant 31 : i32
        %shift_right_arithmetic3A_538 = vector.broadcast %shift_right_arithmetic3A_537 : i32 to vector<16xi32>
        %shift_right_arithmetic3A_539 = arith.shrsi %bitcast_convert_type3A_536, %shift_right_arithmetic3A_538 : vector<16xi32>
        %and3A_540 = arith.constant 2147483647 : i32
        %and3A_541 = vector.broadcast %and3A_540 : i32 to vector<16xi32>
        %and3A_542 = arith.andi %shift_right_arithmetic3A_539, %and3A_541 : vector<16xi32>
        %xor3A_543 = arith.xori %bitcast_convert_type3A_536, %and3A_542 : vector<16xi32>
        %shift_right_arithmetic3A_544 = arith.constant 20 : i32
        %shift_right_arithmetic3A_545 = vector.broadcast %shift_right_arithmetic3A_544 : i32 to vector<16xi32>
        %shift_right_arithmetic3A_546 = arith.shrsi %xor3A_543, %shift_right_arithmetic3A_545 : vector<16xi32>
        %shift_right_arithmetic3A_547 = arith.constant 12 : i32
        %shift_right_arithmetic3A_548 = vector.broadcast %shift_right_arithmetic3A_547 : i32 to vector<16xi32>
        %shift_right_arithmetic3A_549 = arith.shrsi %xor3A_543, %shift_right_arithmetic3A_548 : vector<16xi32>
        %and3A_550 = arith.constant 255 : i32
        %and3A_551 = vector.broadcast %and3A_550 : i32 to vector<16xi32>
        %and3A_552 = arith.andi %shift_right_arithmetic3A_549, %and3A_551 : vector<16xi32>
        %shift_left3A_553 = arith.constant 4 : i32
        %shift_left3A_554 = vector.broadcast %shift_left3A_553 : i32 to vector<16xi32>
        %shift_left3A_555 = arith.shli %and3A_552, %shift_left3A_554 : vector<16xi32>
        %add3A_556 = arith.addi %shift_left3A_555, %iota3A : vector<16xi32>
        %eq3A_557 = arith.cmpi eq, %shift_right_arithmetic3A_546, %get3A_2 : vector<16xi32>
        %eq3A_558 = arith.cmpi eq, %shift_right_arithmetic3A_546, %get3A_4 : vector<16xi32>
        %eq3A_559 = arith.cmpi eq, %shift_right_arithmetic3A_546, %get3A_6 : vector<16xi32>
        %eq3A_560 = arith.cmpi eq, %shift_right_arithmetic3A_546, %get3A_8 : vector<16xi32>
        %bitcast_convert_type3A_561 = tpu.bitcast %get3A_388 : vector<16xf32> -> vector<16xi32>
        %shift_right_arithmetic3A_562 = arith.constant 31 : i32
        %shift_right_arithmetic3A_563 = vector.broadcast %shift_right_arithmetic3A_562 : i32 to vector<16xi32>
        %shift_right_arithmetic3A_564 = arith.shrsi %bitcast_convert_type3A_561, %shift_right_arithmetic3A_563 : vector<16xi32>
        %and3A_565 = arith.constant 2147483647 : i32
        %and3A_566 = vector.broadcast %and3A_565 : i32 to vector<16xi32>
        %and3A_567 = arith.andi %shift_right_arithmetic3A_564, %and3A_566 : vector<16xi32>
        %xor3A_568 = arith.xori %bitcast_convert_type3A_561, %and3A_567 : vector<16xi32>
        %shift_right_arithmetic3A_569 = arith.constant 20 : i32
        %shift_right_arithmetic3A_570 = vector.broadcast %shift_right_arithmetic3A_569 : i32 to vector<16xi32>
        %shift_right_arithmetic3A_571 = arith.shrsi %xor3A_568, %shift_right_arithmetic3A_570 : vector<16xi32>
        %shift_right_arithmetic3A_572 = arith.constant 12 : i32
        %shift_right_arithmetic3A_573 = vector.broadcast %shift_right_arithmetic3A_572 : i32 to vector<16xi32>
        %shift_right_arithmetic3A_574 = arith.shrsi %xor3A_568, %shift_right_arithmetic3A_573 : vector<16xi32>
        %and3A_575 = arith.constant 255 : i32
        %and3A_576 = vector.broadcast %and3A_575 : i32 to vector<16xi32>
        %and3A_577 = arith.andi %shift_right_arithmetic3A_574, %and3A_576 : vector<16xi32>
        %shift_left3A_578 = arith.constant 4 : i32
        %shift_left3A_579 = vector.broadcast %shift_left3A_578 : i32 to vector<16xi32>
        %shift_left3A_580 = arith.shli %and3A_577, %shift_left3A_579 : vector<16xi32>
        %add3A_581 = arith.addi %shift_left3A_580, %iota3A : vector<16xi32>
        %eq3A_582 = arith.cmpi eq, %shift_right_arithmetic3A_571, %get3A_2 : vector<16xi32>
        %eq3A_583 = arith.cmpi eq, %shift_right_arithmetic3A_571, %get3A_4 : vector<16xi32>
        %eq3A_584 = arith.cmpi eq, %shift_right_arithmetic3A_571, %get3A_6 : vector<16xi32>
        %eq3A_585 = arith.cmpi eq, %shift_right_arithmetic3A_571, %get3A_8 : vector<16xi32>
        %add3A_586 = arith.constant 0 : i32
        %add3A_587 = vector.broadcast %add3A_586 : i32 to vector<16xi32>
        %add3A_588 = arith.addi %add3A_406, %add3A_587 : vector<16xi32>
        tpu.vector_store_idx %arg7[%add3A_588], %broadcast_in_dim3A_1 masked %eq3A_407 {add = true} : memref<16384xi32, #tpu.memory_space<vmem>>[vector<16xi32>], vector<16xi32>, vector<16xi1>
        %add3A_589 = arith.constant 4096 : i32
        %add3A_590 = vector.broadcast %add3A_589 : i32 to vector<16xi32>
        %add3A_591 = arith.addi %add3A_406, %add3A_590 : vector<16xi32>
        tpu.vector_store_idx %arg7[%add3A_591], %broadcast_in_dim3A_1 masked %eq3A_408 {add = true} : memref<16384xi32, #tpu.memory_space<vmem>>[vector<16xi32>], vector<16xi32>, vector<16xi1>
        %add3A_592 = arith.constant 8192 : i32
        %add3A_593 = vector.broadcast %add3A_592 : i32 to vector<16xi32>
        %add3A_594 = arith.addi %add3A_406, %add3A_593 : vector<16xi32>
        tpu.vector_store_idx %arg7[%add3A_594], %broadcast_in_dim3A_1 masked %eq3A_409 {add = true} : memref<16384xi32, #tpu.memory_space<vmem>>[vector<16xi32>], vector<16xi32>, vector<16xi1>
        %add3A_595 = arith.constant 12288 : i32
        %add3A_596 = vector.broadcast %add3A_595 : i32 to vector<16xi32>
        %add3A_597 = arith.addi %add3A_406, %add3A_596 : vector<16xi32>
        tpu.vector_store_idx %arg7[%add3A_597], %broadcast_in_dim3A_1 masked %eq3A_410 {add = true} : memref<16384xi32, #tpu.memory_space<vmem>>[vector<16xi32>], vector<16xi32>, vector<16xi1>
        %add3A_598 = arith.constant 0 : i32
        %add3A_599 = vector.broadcast %add3A_598 : i32 to vector<16xi32>
        %add3A_600 = arith.addi %add3A_431, %add3A_599 : vector<16xi32>
        tpu.vector_store_idx %arg7[%add3A_600], %broadcast_in_dim3A_1 masked %eq3A_432 {add = true} : memref<16384xi32, #tpu.memory_space<vmem>>[vector<16xi32>], vector<16xi32>, vector<16xi1>
        %add3A_601 = arith.constant 4096 : i32
        %add3A_602 = vector.broadcast %add3A_601 : i32 to vector<16xi32>
        %add3A_603 = arith.addi %add3A_431, %add3A_602 : vector<16xi32>
        tpu.vector_store_idx %arg7[%add3A_603], %broadcast_in_dim3A_1 masked %eq3A_433 {add = true} : memref<16384xi32, #tpu.memory_space<vmem>>[vector<16xi32>], vector<16xi32>, vector<16xi1>
        %add3A_604 = arith.constant 8192 : i32
        %add3A_605 = vector.broadcast %add3A_604 : i32 to vector<16xi32>
        %add3A_606 = arith.addi %add3A_431, %add3A_605 : vector<16xi32>
        tpu.vector_store_idx %arg7[%add3A_606], %broadcast_in_dim3A_1 masked %eq3A_434 {add = true} : memref<16384xi32, #tpu.memory_space<vmem>>[vector<16xi32>], vector<16xi32>, vector<16xi1>
        %add3A_607 = arith.constant 12288 : i32
        %add3A_608 = vector.broadcast %add3A_607 : i32 to vector<16xi32>
        %add3A_609 = arith.addi %add3A_431, %add3A_608 : vector<16xi32>
        tpu.vector_store_idx %arg7[%add3A_609], %broadcast_in_dim3A_1 masked %eq3A_435 {add = true} : memref<16384xi32, #tpu.memory_space<vmem>>[vector<16xi32>], vector<16xi32>, vector<16xi1>
        %add3A_610 = arith.constant 0 : i32
        %add3A_611 = vector.broadcast %add3A_610 : i32 to vector<16xi32>
        %add3A_612 = arith.addi %add3A_456, %add3A_611 : vector<16xi32>
        tpu.vector_store_idx %arg7[%add3A_612], %broadcast_in_dim3A_1 masked %eq3A_457 {add = true} : memref<16384xi32, #tpu.memory_space<vmem>>[vector<16xi32>], vector<16xi32>, vector<16xi1>
        %add3A_613 = arith.constant 4096 : i32
        %add3A_614 = vector.broadcast %add3A_613 : i32 to vector<16xi32>
        %add3A_615 = arith.addi %add3A_456, %add3A_614 : vector<16xi32>
        tpu.vector_store_idx %arg7[%add3A_615], %broadcast_in_dim3A_1 masked %eq3A_458 {add = true} : memref<16384xi32, #tpu.memory_space<vmem>>[vector<16xi32>], vector<16xi32>, vector<16xi1>
        %add3A_616 = arith.constant 8192 : i32
        %add3A_617 = vector.broadcast %add3A_616 : i32 to vector<16xi32>
        %add3A_618 = arith.addi %add3A_456, %add3A_617 : vector<16xi32>
        tpu.vector_store_idx %arg7[%add3A_618], %broadcast_in_dim3A_1 masked %eq3A_459 {add = true} : memref<16384xi32, #tpu.memory_space<vmem>>[vector<16xi32>], vector<16xi32>, vector<16xi1>
        %add3A_619 = arith.constant 12288 : i32
        %add3A_620 = vector.broadcast %add3A_619 : i32 to vector<16xi32>
        %add3A_621 = arith.addi %add3A_456, %add3A_620 : vector<16xi32>
        tpu.vector_store_idx %arg7[%add3A_621], %broadcast_in_dim3A_1 masked %eq3A_460 {add = true} : memref<16384xi32, #tpu.memory_space<vmem>>[vector<16xi32>], vector<16xi32>, vector<16xi1>
        %add3A_622 = arith.constant 0 : i32
        %add3A_623 = vector.broadcast %add3A_622 : i32 to vector<16xi32>
        %add3A_624 = arith.addi %add3A_481, %add3A_623 : vector<16xi32>
        tpu.vector_store_idx %arg7[%add3A_624], %broadcast_in_dim3A_1 masked %eq3A_482 {add = true} : memref<16384xi32, #tpu.memory_space<vmem>>[vector<16xi32>], vector<16xi32>, vector<16xi1>
        %add3A_625 = arith.constant 4096 : i32
        %add3A_626 = vector.broadcast %add3A_625 : i32 to vector<16xi32>
        %add3A_627 = arith.addi %add3A_481, %add3A_626 : vector<16xi32>
        tpu.vector_store_idx %arg7[%add3A_627], %broadcast_in_dim3A_1 masked %eq3A_483 {add = true} : memref<16384xi32, #tpu.memory_space<vmem>>[vector<16xi32>], vector<16xi32>, vector<16xi1>
        %add3A_628 = arith.constant 8192 : i32
        %add3A_629 = vector.broadcast %add3A_628 : i32 to vector<16xi32>
        %add3A_630 = arith.addi %add3A_481, %add3A_629 : vector<16xi32>
        tpu.vector_store_idx %arg7[%add3A_630], %broadcast_in_dim3A_1 masked %eq3A_484 {add = true} : memref<16384xi32, #tpu.memory_space<vmem>>[vector<16xi32>], vector<16xi32>, vector<16xi1>
        %add3A_631 = arith.constant 12288 : i32
        %add3A_632 = vector.broadcast %add3A_631 : i32 to vector<16xi32>
        %add3A_633 = arith.addi %add3A_481, %add3A_632 : vector<16xi32>
        tpu.vector_store_idx %arg7[%add3A_633], %broadcast_in_dim3A_1 masked %eq3A_485 {add = true} : memref<16384xi32, #tpu.memory_space<vmem>>[vector<16xi32>], vector<16xi32>, vector<16xi1>
        %add3A_634 = arith.constant 0 : i32
        %add3A_635 = vector.broadcast %add3A_634 : i32 to vector<16xi32>
        %add3A_636 = arith.addi %add3A_506, %add3A_635 : vector<16xi32>
        tpu.vector_store_idx %arg7[%add3A_636], %broadcast_in_dim3A_1 masked %eq3A_507 {add = true} : memref<16384xi32, #tpu.memory_space<vmem>>[vector<16xi32>], vector<16xi32>, vector<16xi1>
        %add3A_637 = arith.constant 4096 : i32
        %add3A_638 = vector.broadcast %add3A_637 : i32 to vector<16xi32>
        %add3A_639 = arith.addi %add3A_506, %add3A_638 : vector<16xi32>
        tpu.vector_store_idx %arg7[%add3A_639], %broadcast_in_dim3A_1 masked %eq3A_508 {add = true} : memref<16384xi32, #tpu.memory_space<vmem>>[vector<16xi32>], vector<16xi32>, vector<16xi1>
        %add3A_640 = arith.constant 8192 : i32
        %add3A_641 = vector.broadcast %add3A_640 : i32 to vector<16xi32>
        %add3A_642 = arith.addi %add3A_506, %add3A_641 : vector<16xi32>
        tpu.vector_store_idx %arg7[%add3A_642], %broadcast_in_dim3A_1 masked %eq3A_509 {add = true} : memref<16384xi32, #tpu.memory_space<vmem>>[vector<16xi32>], vector<16xi32>, vector<16xi1>
        %add3A_643 = arith.constant 12288 : i32
        %add3A_644 = vector.broadcast %add3A_643 : i32 to vector<16xi32>
        %add3A_645 = arith.addi %add3A_506, %add3A_644 : vector<16xi32>
        tpu.vector_store_idx %arg7[%add3A_645], %broadcast_in_dim3A_1 masked %eq3A_510 {add = true} : memref<16384xi32, #tpu.memory_space<vmem>>[vector<16xi32>], vector<16xi32>, vector<16xi1>
        %add3A_646 = arith.constant 0 : i32
        %add3A_647 = vector.broadcast %add3A_646 : i32 to vector<16xi32>
        %add3A_648 = arith.addi %add3A_531, %add3A_647 : vector<16xi32>
        tpu.vector_store_idx %arg7[%add3A_648], %broadcast_in_dim3A_1 masked %eq3A_532 {add = true} : memref<16384xi32, #tpu.memory_space<vmem>>[vector<16xi32>], vector<16xi32>, vector<16xi1>
        %add3A_649 = arith.constant 4096 : i32
        %add3A_650 = vector.broadcast %add3A_649 : i32 to vector<16xi32>
        %add3A_651 = arith.addi %add3A_531, %add3A_650 : vector<16xi32>
        tpu.vector_store_idx %arg7[%add3A_651], %broadcast_in_dim3A_1 masked %eq3A_533 {add = true} : memref<16384xi32, #tpu.memory_space<vmem>>[vector<16xi32>], vector<16xi32>, vector<16xi1>
        %add3A_652 = arith.constant 8192 : i32
        %add3A_653 = vector.broadcast %add3A_652 : i32 to vector<16xi32>
        %add3A_654 = arith.addi %add3A_531, %add3A_653 : vector<16xi32>
        tpu.vector_store_idx %arg7[%add3A_654], %broadcast_in_dim3A_1 masked %eq3A_534 {add = true} : memref<16384xi32, #tpu.memory_space<vmem>>[vector<16xi32>], vector<16xi32>, vector<16xi1>
        %add3A_655 = arith.constant 12288 : i32
        %add3A_656 = vector.broadcast %add3A_655 : i32 to vector<16xi32>
        %add3A_657 = arith.addi %add3A_531, %add3A_656 : vector<16xi32>
        tpu.vector_store_idx %arg7[%add3A_657], %broadcast_in_dim3A_1 masked %eq3A_535 {add = true} : memref<16384xi32, #tpu.memory_space<vmem>>[vector<16xi32>], vector<16xi32>, vector<16xi1>
        %add3A_658 = arith.constant 0 : i32
        %add3A_659 = vector.broadcast %add3A_658 : i32 to vector<16xi32>
        %add3A_660 = arith.addi %add3A_556, %add3A_659 : vector<16xi32>
        tpu.vector_store_idx %arg7[%add3A_660], %broadcast_in_dim3A_1 masked %eq3A_557 {add = true} : memref<16384xi32, #tpu.memory_space<vmem>>[vector<16xi32>], vector<16xi32>, vector<16xi1>
        %add3A_661 = arith.constant 4096 : i32
        %add3A_662 = vector.broadcast %add3A_661 : i32 to vector<16xi32>
        %add3A_663 = arith.addi %add3A_556, %add3A_662 : vector<16xi32>
        tpu.vector_store_idx %arg7[%add3A_663], %broadcast_in_dim3A_1 masked %eq3A_558 {add = true} : memref<16384xi32, #tpu.memory_space<vmem>>[vector<16xi32>], vector<16xi32>, vector<16xi1>
        %add3A_664 = arith.constant 8192 : i32
        %add3A_665 = vector.broadcast %add3A_664 : i32 to vector<16xi32>
        %add3A_666 = arith.addi %add3A_556, %add3A_665 : vector<16xi32>
        tpu.vector_store_idx %arg7[%add3A_666], %broadcast_in_dim3A_1 masked %eq3A_559 {add = true} : memref<16384xi32, #tpu.memory_space<vmem>>[vector<16xi32>], vector<16xi32>, vector<16xi1>
        %add3A_667 = arith.constant 12288 : i32
        %add3A_668 = vector.broadcast %add3A_667 : i32 to vector<16xi32>
        %add3A_669 = arith.addi %add3A_556, %add3A_668 : vector<16xi32>
        tpu.vector_store_idx %arg7[%add3A_669], %broadcast_in_dim3A_1 masked %eq3A_560 {add = true} : memref<16384xi32, #tpu.memory_space<vmem>>[vector<16xi32>], vector<16xi32>, vector<16xi1>
        %add3A_670 = arith.constant 0 : i32
        %add3A_671 = vector.broadcast %add3A_670 : i32 to vector<16xi32>
        %add3A_672 = arith.addi %add3A_581, %add3A_671 : vector<16xi32>
        tpu.vector_store_idx %arg7[%add3A_672], %broadcast_in_dim3A_1 masked %eq3A_582 {add = true} : memref<16384xi32, #tpu.memory_space<vmem>>[vector<16xi32>], vector<16xi32>, vector<16xi1>
        %add3A_673 = arith.constant 4096 : i32
        %add3A_674 = vector.broadcast %add3A_673 : i32 to vector<16xi32>
        %add3A_675 = arith.addi %add3A_581, %add3A_674 : vector<16xi32>
        tpu.vector_store_idx %arg7[%add3A_675], %broadcast_in_dim3A_1 masked %eq3A_583 {add = true} : memref<16384xi32, #tpu.memory_space<vmem>>[vector<16xi32>], vector<16xi32>, vector<16xi1>
        %add3A_676 = arith.constant 8192 : i32
        %add3A_677 = vector.broadcast %add3A_676 : i32 to vector<16xi32>
        %add3A_678 = arith.addi %add3A_581, %add3A_677 : vector<16xi32>
        tpu.vector_store_idx %arg7[%add3A_678], %broadcast_in_dim3A_1 masked %eq3A_584 {add = true} : memref<16384xi32, #tpu.memory_space<vmem>>[vector<16xi32>], vector<16xi32>, vector<16xi1>
        %add3A_679 = arith.constant 12288 : i32
        %add3A_680 = vector.broadcast %add3A_679 : i32 to vector<16xi32>
        %add3A_681 = arith.addi %add3A_581, %add3A_680 : vector<16xi32>
        tpu.vector_store_idx %arg7[%add3A_681], %broadcast_in_dim3A_1 masked %eq3A_585 {add = true} : memref<16384xi32, #tpu.memory_space<vmem>>[vector<16xi32>], vector<16xi32>, vector<16xi1>
      }
      %scan3A_338 = arith.constant 128 : i32
    }
    %scan3A_58 = arith.constant 32 : i32
    %mul3A_59 = arith.constant 64 : i32
    %mul3A_60 = arith.muli %add3A, %mul3A_59 : i32
    %add3A_61 = arith.constant 0 : i32
    %add3A_62 = arith.addi %mul3A_60, %add3A_61 : i32
    %jit3A_63 = arith.constant 1024 : i32
    %div3A_64 = arith.divsi %add3A_62, %jit3A_63 : i32
    %sign3A_65 = arith.constant 0 : i32
    %sign3A_66 = arith.cmpi sgt, %add3A_62, %sign3A_65 : i32
    %sign3A_67 = arith.extui %sign3A_66 : i1 to i32
    %sign3A_68 = arith.constant 0 : i32
    %sign3A_69 = arith.cmpi slt, %add3A_62, %sign3A_68 : i32
    %sign3A_70 = arith.extui %sign3A_69 : i1 to i32
    %sign3A_71 = arith.subi %sign3A_67, %sign3A_70 : i32
    %sign3A_72 = arith.constant 0 : i32
    %sign3A_73 = arith.cmpi sgt, %jit3A_63, %sign3A_72 : i32
    %sign3A_74 = arith.extui %sign3A_73 : i1 to i32
    %sign3A_75 = arith.constant 0 : i32
    %sign3A_76 = arith.cmpi slt, %jit3A_63, %sign3A_75 : i32
    %sign3A_77 = arith.extui %sign3A_76 : i1 to i32
    %sign3A_78 = arith.subi %sign3A_74, %sign3A_77 : i32
    %ne3A_79 = arith.cmpi ne, %sign3A_71, %sign3A_78 : i32
    %rem3A_80 = arith.remsi %add3A_62, %jit3A_63 : i32
    %ne3A_81 = arith.constant 0 : i32
    %ne3A_82 = arith.cmpi ne, %rem3A_80, %ne3A_81 : i32
    %and3A_83 = arith.andi %ne3A_79, %ne3A_82 : i1
    %sub3A_84 = arith.constant 1 : i32
    %sub3A_85 = arith.subi %div3A_64, %sub3A_84 : i32
    %select_n3A_86 = arith.select %and3A_83, %sub3A_85, %div3A_64 : i32
    %jit3A_87 = arith.constant 1024 : i32
    %eq3A_88 = arith.constant 0 : i32
    %eq3A_89 = arith.cmpi eq, %jit3A_87, %eq3A_88 : i32
    %jit3A_90 = arith.constant 1 : i32
    %select_n3A_91 = arith.select %eq3A_89, %jit3A_90, %jit3A_87 : i32
    %rem3A_92 = arith.remsi %add3A_62, %select_n3A_91 : i32
    %ne3A_93 = arith.constant 0 : i32
    %ne3A_94 = arith.cmpi ne, %rem3A_92, %ne3A_93 : i32
    %lt3A_95 = arith.constant 0 : i32
    %lt3A_96 = arith.cmpi slt, %rem3A_92, %lt3A_95 : i32
    %lt3A_97 = arith.constant 0 : i32
    %lt3A_98 = arith.cmpi slt, %select_n3A_91, %lt3A_97 : i32
    %ne3A_99 = arith.xori %lt3A_96, %lt3A_98 : i1
    %and3A_100 = arith.andi %ne3A_99, %ne3A_94 : i1
    %add3A_101 = arith.addi %rem3A_92, %select_n3A_91 : i32
    %select_n3A_102 = arith.select %and3A_100, %add3A_101, %rem3A_92 : i32
    %mul3A_103 = arith.constant 8 : i32
    %mul3A_104 = arith.muli %select_n3A_102, %mul3A_103 : i32
    %dma_wait3A = arith.constant 0 : i32
    %dma_wait3A_105 = tpu.memref_slice %arg2[%select_n3A_86, %mul3A_104, %dma_wait3A] : memref<2x8192x2048xf32, #tpu.memory_space<hbm>> -> memref<1x8x2048xf32, #tpu.memory_space<hbm>>
    %dma_wait3A_106 = tpu.memref_squeeze %dma_wait3A_105 : memref<1x8x2048xf32, #tpu.memory_space<hbm>> -> memref<8x2048xf32, #tpu.memory_space<hbm>>
    %dma_wait3A_107 = arith.constant 0 : i32
    %dma_wait3A_108 = tpu.memref_slice %arg2[%select_n3A_86, %mul3A_104, %dma_wait3A_107] : memref<2x8192x2048xf32, #tpu.memory_space<hbm>> -> memref<1x8x2048xf32, #tpu.memory_space<hbm>>
    %dma_wait3A_109 = tpu.memref_squeeze %dma_wait3A_108 : memref<1x8x2048xf32, #tpu.memory_space<hbm>> -> memref<8x2048xf32, #tpu.memory_space<hbm>>
    tpu.wait_dma2 semaphore(%arg9 : memref<!tpu.dma_semaphore, #tpu.memory_space<semaphore_mem>>) src(%dma_wait3A_109 : memref<8x2048xf32, #tpu.memory_space<hbm>>) dst(%arg5 : memref<8x2048xf32, #tpu.memory_space<vmem>>)
    "tpu.region"() ({
      %run_scoped3A = tpu.sem_alloc : memref<!tpu.dma_semaphore, #tpu.memory_space<semaphore_mem>>
      %dma_start3A_110 = arith.constant 0 : i32
      %dma_start3A_111 = tpu.memref_slice %arg4[%add3A, %dma_start3A_110] : memref<32x16384xi32, #tpu.memory_space<hbm>> -> memref<1x16384xi32, #tpu.memory_space<hbm>>
      %dma_start3A_112 = tpu.memref_squeeze %dma_start3A_111 : memref<1x16384xi32, #tpu.memory_space<hbm>> -> memref<16384xi32, #tpu.memory_space<hbm>>
      %dma_start3A_113 = arith.constant 0 : i32
      %dma_start3A_114 = tpu.memref_slice %arg4[%add3A, %dma_start3A_113] : memref<32x16384xi32, #tpu.memory_space<hbm>> -> memref<1x16384xi32, #tpu.memory_space<hbm>>
      %dma_start3A_115 = tpu.memref_squeeze %dma_start3A_114 : memref<1x16384xi32, #tpu.memory_space<hbm>> -> memref<16384xi32, #tpu.memory_space<hbm>>
      tpu.enqueue_dma source(%arg7 : memref<16384xi32, #tpu.memory_space<vmem>>) target(%dma_start3A_115 : memref<16384xi32, #tpu.memory_space<hbm>>) target_semaphore(%run_scoped3A : memref<!tpu.dma_semaphore, #tpu.memory_space<semaphore_mem>>)
      %dma_wait3A_116 = arith.constant 0 : i32
      %dma_wait3A_117 = tpu.memref_slice %arg4[%add3A, %dma_wait3A_116] : memref<32x16384xi32, #tpu.memory_space<hbm>> -> memref<1x16384xi32, #tpu.memory_space<hbm>>
      %dma_wait3A_118 = tpu.memref_squeeze %dma_wait3A_117 : memref<1x16384xi32, #tpu.memory_space<hbm>> -> memref<16384xi32, #tpu.memory_space<hbm>>
      %dma_wait3A_119 = arith.constant 0 : i32
      %dma_wait3A_120 = tpu.memref_slice %arg4[%add3A, %dma_wait3A_119] : memref<32x16384xi32, #tpu.memory_space<hbm>> -> memref<1x16384xi32, #tpu.memory_space<hbm>>
      %dma_wait3A_121 = tpu.memref_squeeze %dma_wait3A_120 : memref<1x16384xi32, #tpu.memory_space<hbm>> -> memref<16384xi32, #tpu.memory_space<hbm>>
      tpu.wait_dma2 semaphore(%run_scoped3A : memref<!tpu.dma_semaphore, #tpu.memory_space<semaphore_mem>>) src(%arg7 : memref<16384xi32, #tpu.memory_space<vmem>>) dst(%dma_wait3A_121 : memref<16384xi32, #tpu.memory_space<hbm>>)
      tpu.yield
    }) : () -> ()
    return
  }
}

#map = affine_map<(d0, d1) -> (0, 0, 0)>
#map1 = affine_map<(d0, d1) -> (0, 0)>
module attributes {stable_mosaic.version = 14 : i64} {
  func.func @_hist_pass1_body(%arg0: i32, %arg1: i32, %arg2: memref<2x8192x2048xf32, #tpu.memory_space<hbm>>, %arg3: memref<32x65536xi32, #tpu.memory_space<hbm>>, %arg4: memref<8x2048xf32, #tpu.memory_space<vmem>>, %arg5: memref<8x2048xf32, #tpu.memory_space<vmem>>, %arg6: memref<65536xi32, #tpu.memory_space<vmem>>, %arg7: memref<!tpu.dma_semaphore, #tpu.memory_space<semaphore_mem>>, %arg8: memref<!tpu.dma_semaphore, #tpu.memory_space<semaphore_mem>>) attributes {dimension_semantics = [#tpu.dimension_semantics<core_parallel>, #tpu.dimension_semantics<subcore_parallel>], iteration_bounds = array<i64: 2, 16>, scalar_prefetch = 0 : i64, scratch_operands = 5 : i64, tpu.core_type = #tpu.core_type<sc_vector_subcore>, window_params = [{transform_indices = #map}, {transform_indices = #map1}]} {
    %mul3A = arith.constant 16 : i32
    %mul3A_0 = arith.muli %arg0, %mul3A : i32
    %add3A = arith.addi %mul3A_0, %arg1 : i32
    %iota3A = tpu.iota {dimensions = array<i32: 0>} : vector<16xi32>
    %add3A_1 = arith.constant 32768 : i32
    %add3A_2 = vector.broadcast %add3A_1 : i32 to vector<16xi32>
    %add3A_3 = arith.addi %iota3A, %add3A_2 : vector<16xi32>
    %broadcast_in_dim3A = arith.constant 1 : i32
    %broadcast_in_dim3A_4 = vector.broadcast %broadcast_in_dim3A : i32 to vector<16xi32>
    %scan3A = arith.constant 0 : i32
    %scan3A_5 = arith.constant 4096 : i32
    %scan3A_6 = arith.addi %scan3A, %scan3A_5 : i32
    %scan3A_7 = arith.constant 1 : i32
    scf.for %scan3A_106 = %scan3A to %scan3A_6 step %scan3A_7  : i32 {
      %mul3A_107 = arith.constant 1 : i32
      %mul3A_108 = arith.muli %scan3A_106, %mul3A_107 : i32
      %add3A_109 = arith.constant 0 : i32
      %add3A_110 = arith.addi %add3A_109, %mul3A_108 : i32
      %broadcast_in_dim3A_111 = arith.constant 0 : i32
      %broadcast_in_dim3A_112 = vector.broadcast %broadcast_in_dim3A_111 : i32 to vector<16xi32>
      %mul3A_113 = arith.constant 16 : i32
      %mul3A_114 = arith.muli %add3A_110, %mul3A_113 : i32
      %swap3A = arith.index_cast %mul3A_114 : i32 to index
      %swap3A_115 = tpu.vector_load %arg6[%swap3A] {strides = array<i32>} : memref<65536xi32, #tpu.memory_space<vmem>>, vector<16xi32>,
      tpu.vector_store %arg6[%swap3A], %broadcast_in_dim3A_112 {strides = array<i32>} : memref<65536xi32, #tpu.memory_space<vmem>>, vector<16xi32>,
    }
    %scan3A_8 = arith.constant 4096 : i32
    %mul3A_9 = arith.constant 64 : i32
    %mul3A_10 = arith.muli %add3A, %mul3A_9 : i32
    %add3A_11 = arith.constant 0 : i32
    %add3A_12 = arith.addi %mul3A_10, %add3A_11 : i32
    %jit3A = arith.constant 1024 : i32
    %div3A = arith.divsi %add3A_12, %jit3A : i32
    %sign3A = arith.constant 0 : i32
    %sign3A_13 = arith.cmpi sgt, %add3A_12, %sign3A : i32
    %sign3A_14 = arith.extui %sign3A_13 : i1 to i32
    %sign3A_15 = arith.constant 0 : i32
    %sign3A_16 = arith.cmpi slt, %add3A_12, %sign3A_15 : i32
    %sign3A_17 = arith.extui %sign3A_16 : i1 to i32
    %sign3A_18 = arith.subi %sign3A_14, %sign3A_17 : i32
    %sign3A_19 = arith.constant 0 : i32
    %sign3A_20 = arith.cmpi sgt, %jit3A, %sign3A_19 : i32
    %sign3A_21 = arith.extui %sign3A_20 : i1 to i32
    %sign3A_22 = arith.constant 0 : i32
    %sign3A_23 = arith.cmpi slt, %jit3A, %sign3A_22 : i32
    %sign3A_24 = arith.extui %sign3A_23 : i1 to i32
    %sign3A_25 = arith.subi %sign3A_21, %sign3A_24 : i32
    %ne3A = arith.cmpi ne, %sign3A_18, %sign3A_25 : i32
    %rem3A = arith.remsi %add3A_12, %jit3A : i32
    %ne3A_26 = arith.constant 0 : i32
    %ne3A_27 = arith.cmpi ne, %rem3A, %ne3A_26 : i32
    %and3A = arith.andi %ne3A, %ne3A_27 : i1
    %sub3A = arith.constant 1 : i32
    %sub3A_28 = arith.subi %div3A, %sub3A : i32
    %select_n3A = arith.select %and3A, %sub3A_28, %div3A : i32
    %jit3A_29 = arith.constant 1024 : i32
    %eq3A = arith.constant 0 : i32
    %eq3A_30 = arith.cmpi eq, %jit3A_29, %eq3A : i32
    %jit3A_31 = arith.constant 1 : i32
    %select_n3A_32 = arith.select %eq3A_30, %jit3A_31, %jit3A_29 : i32
    %rem3A_33 = arith.remsi %add3A_12, %select_n3A_32 : i32
    %ne3A_34 = arith.constant 0 : i32
    %ne3A_35 = arith.cmpi ne, %rem3A_33, %ne3A_34 : i32
    %lt3A = arith.constant 0 : i32
    %lt3A_36 = arith.cmpi slt, %rem3A_33, %lt3A : i32
    %lt3A_37 = arith.constant 0 : i32
    %lt3A_38 = arith.cmpi slt, %select_n3A_32, %lt3A_37 : i32
    %ne3A_39 = arith.xori %lt3A_36, %lt3A_38 : i1
    %and3A_40 = arith.andi %ne3A_39, %ne3A_35 : i1
    %add3A_41 = arith.addi %rem3A_33, %select_n3A_32 : i32
    %select_n3A_42 = arith.select %and3A_40, %add3A_41, %rem3A_33 : i32
    %mul3A_43 = arith.constant 8 : i32
    %mul3A_44 = arith.muli %select_n3A_42, %mul3A_43 : i32
    %dma_start3A = arith.constant 0 : i32
    %dma_start3A_45 = tpu.memref_slice %arg2[%select_n3A, %mul3A_44, %dma_start3A] : memref<2x8192x2048xf32, #tpu.memory_space<hbm>> -> memref<1x8x2048xf32, #tpu.memory_space<hbm>>
    %dma_start3A_46 = tpu.memref_squeeze %dma_start3A_45 : memref<1x8x2048xf32, #tpu.memory_space<hbm>> -> memref<8x2048xf32, #tpu.memory_space<hbm>>
    %dma_start3A_47 = arith.constant 0 : i32
    %dma_start3A_48 = tpu.memref_slice %arg2[%select_n3A, %mul3A_44, %dma_start3A_47] : memref<2x8192x2048xf32, #tpu.memory_space<hbm>> -> memref<1x8x2048xf32, #tpu.memory_space<hbm>>
    %dma_start3A_49 = tpu.memref_squeeze %dma_start3A_48 : memref<1x8x2048xf32, #tpu.memory_space<hbm>> -> memref<8x2048xf32, #tpu.memory_space<hbm>>
    tpu.enqueue_dma source(%dma_start3A_49 : memref<8x2048xf32, #tpu.memory_space<hbm>>) target(%arg4 : memref<8x2048xf32, #tpu.memory_space<vmem>>) target_semaphore(%arg7 : memref<!tpu.dma_semaphore, #tpu.memory_space<semaphore_mem>>)
    %scan3A_50 = arith.constant 0 : i32
    %scan3A_51 = arith.constant 32 : i32
    %scan3A_52 = arith.addi %scan3A_50, %scan3A_51 : i32
    %scan3A_53 = arith.constant 1 : i32
    scf.for %scan3A_106 = %scan3A_50 to %scan3A_52 step %scan3A_53  : i32 {
      %mul3A_107 = arith.constant 2 : i32
      %mul3A_108 = arith.muli %scan3A_106, %mul3A_107 : i32
      %add3A_109 = arith.constant 0 : i32
      %add3A_110 = arith.addi %add3A_109, %mul3A_108 : i32
      %add3A_111 = arith.constant 1 : i32
      %add3A_112 = arith.addi %add3A_110, %add3A_111 : i32
      %and3A_113 = arith.constant 63 : i32
      %and3A_114 = arith.andi %add3A_112, %and3A_113 : i32
      %mul3A_115 = arith.constant 64 : i32
      %mul3A_116 = arith.muli %add3A, %mul3A_115 : i32
      %add3A_117 = arith.addi %mul3A_116, %and3A_114 : i32
      %jit3A_118 = arith.constant 1024 : i32
      %div3A_119 = arith.divsi %add3A_117, %jit3A_118 : i32
      %sign3A_120 = arith.constant 0 : i32
      %sign3A_121 = arith.cmpi sgt, %add3A_117, %sign3A_120 : i32
      %sign3A_122 = arith.extui %sign3A_121 : i1 to i32
      %sign3A_123 = arith.constant 0 : i32
      %sign3A_124 = arith.cmpi slt, %add3A_117, %sign3A_123 : i32
      %sign3A_125 = arith.extui %sign3A_124 : i1 to i32
      %sign3A_126 = arith.subi %sign3A_122, %sign3A_125 : i32
      %sign3A_127 = arith.constant 0 : i32
      %sign3A_128 = arith.cmpi sgt, %jit3A_118, %sign3A_127 : i32
      %sign3A_129 = arith.extui %sign3A_128 : i1 to i32
      %sign3A_130 = arith.constant 0 : i32
      %sign3A_131 = arith.cmpi slt, %jit3A_118, %sign3A_130 : i32
      %sign3A_132 = arith.extui %sign3A_131 : i1 to i32
      %sign3A_133 = arith.subi %sign3A_129, %sign3A_132 : i32
      %ne3A_134 = arith.cmpi ne, %sign3A_126, %sign3A_133 : i32
      %rem3A_135 = arith.remsi %add3A_117, %jit3A_118 : i32
      %ne3A_136 = arith.constant 0 : i32
      %ne3A_137 = arith.cmpi ne, %rem3A_135, %ne3A_136 : i32
      %and3A_138 = arith.andi %ne3A_134, %ne3A_137 : i1
      %sub3A_139 = arith.constant 1 : i32
      %sub3A_140 = arith.subi %div3A_119, %sub3A_139 : i32
      %select_n3A_141 = arith.select %and3A_138, %sub3A_140, %div3A_119 : i32
      %jit3A_142 = arith.constant 1024 : i32
      %eq3A_143 = arith.constant 0 : i32
      %eq3A_144 = arith.cmpi eq, %jit3A_142, %eq3A_143 : i32
      %jit3A_145 = arith.constant 1 : i32
      %select_n3A_146 = arith.select %eq3A_144, %jit3A_145, %jit3A_142 : i32
      %rem3A_147 = arith.remsi %add3A_117, %select_n3A_146 : i32
      %ne3A_148 = arith.constant 0 : i32
      %ne3A_149 = arith.cmpi ne, %rem3A_147, %ne3A_148 : i32
      %lt3A_150 = arith.constant 0 : i32
      %lt3A_151 = arith.cmpi slt, %rem3A_147, %lt3A_150 : i32
      %lt3A_152 = arith.constant 0 : i32
      %lt3A_153 = arith.cmpi slt, %select_n3A_146, %lt3A_152 : i32
      %ne3A_154 = arith.xori %lt3A_151, %lt3A_153 : i1
      %and3A_155 = arith.andi %ne3A_154, %ne3A_149 : i1
      %add3A_156 = arith.addi %rem3A_147, %select_n3A_146 : i32
      %select_n3A_157 = arith.select %and3A_155, %add3A_156, %rem3A_147 : i32
      %mul3A_158 = arith.constant 8 : i32
      %mul3A_159 = arith.muli %select_n3A_157, %mul3A_158 : i32
      %dma_start3A_160 = arith.constant 0 : i32
      %dma_start3A_161 = tpu.memref_slice %arg2[%select_n3A_141, %mul3A_159, %dma_start3A_160] : memref<2x8192x2048xf32, #tpu.memory_space<hbm>> -> memref<1x8x2048xf32, #tpu.memory_space<hbm>>
      %dma_start3A_162 = tpu.memref_squeeze %dma_start3A_161 : memref<1x8x2048xf32, #tpu.memory_space<hbm>> -> memref<8x2048xf32, #tpu.memory_space<hbm>>
      %dma_start3A_163 = arith.constant 0 : i32
      %dma_start3A_164 = tpu.memref_slice %arg2[%select_n3A_141, %mul3A_159, %dma_start3A_163] : memref<2x8192x2048xf32, #tpu.memory_space<hbm>> -> memref<1x8x2048xf32, #tpu.memory_space<hbm>>
      %dma_start3A_165 = tpu.memref_squeeze %dma_start3A_164 : memref<1x8x2048xf32, #tpu.memory_space<hbm>> -> memref<8x2048xf32, #tpu.memory_space<hbm>>
      tpu.enqueue_dma source(%dma_start3A_165 : memref<8x2048xf32, #tpu.memory_space<hbm>>) target(%arg5 : memref<8x2048xf32, #tpu.memory_space<vmem>>) target_semaphore(%arg8 : memref<!tpu.dma_semaphore, #tpu.memory_space<semaphore_mem>>)
      %mul3A_166 = arith.constant 64 : i32
      %mul3A_167 = arith.muli %add3A, %mul3A_166 : i32
      %add3A_168 = arith.constant 0 : i32
      %add3A_169 = arith.addi %mul3A_167, %add3A_168 : i32
      %jit3A_170 = arith.constant 1024 : i32
      %div3A_171 = arith.divsi %add3A_169, %jit3A_170 : i32
      %sign3A_172 = arith.constant 0 : i32
      %sign3A_173 = arith.cmpi sgt, %add3A_169, %sign3A_172 : i32
      %sign3A_174 = arith.extui %sign3A_173 : i1 to i32
      %sign3A_175 = arith.constant 0 : i32
      %sign3A_176 = arith.cmpi slt, %add3A_169, %sign3A_175 : i32
      %sign3A_177 = arith.extui %sign3A_176 : i1 to i32
      %sign3A_178 = arith.subi %sign3A_174, %sign3A_177 : i32
      %sign3A_179 = arith.constant 0 : i32
      %sign3A_180 = arith.cmpi sgt, %jit3A_170, %sign3A_179 : i32
      %sign3A_181 = arith.extui %sign3A_180 : i1 to i32
      %sign3A_182 = arith.constant 0 : i32
      %sign3A_183 = arith.cmpi slt, %jit3A_170, %sign3A_182 : i32
      %sign3A_184 = arith.extui %sign3A_183 : i1 to i32
      %sign3A_185 = arith.subi %sign3A_181, %sign3A_184 : i32
      %ne3A_186 = arith.cmpi ne, %sign3A_178, %sign3A_185 : i32
      %rem3A_187 = arith.remsi %add3A_169, %jit3A_170 : i32
      %ne3A_188 = arith.constant 0 : i32
      %ne3A_189 = arith.cmpi ne, %rem3A_187, %ne3A_188 : i32
      %and3A_190 = arith.andi %ne3A_186, %ne3A_189 : i1
      %sub3A_191 = arith.constant 1 : i32
      %sub3A_192 = arith.subi %div3A_171, %sub3A_191 : i32
      %select_n3A_193 = arith.select %and3A_190, %sub3A_192, %div3A_171 : i32
      %jit3A_194 = arith.constant 1024 : i32
      %eq3A_195 = arith.constant 0 : i32
      %eq3A_196 = arith.cmpi eq, %jit3A_194, %eq3A_195 : i32
      %jit3A_197 = arith.constant 1 : i32
      %select_n3A_198 = arith.select %eq3A_196, %jit3A_197, %jit3A_194 : i32
      %rem3A_199 = arith.remsi %add3A_169, %select_n3A_198 : i32
      %ne3A_200 = arith.constant 0 : i32
      %ne3A_201 = arith.cmpi ne, %rem3A_199, %ne3A_200 : i32
      %lt3A_202 = arith.constant 0 : i32
      %lt3A_203 = arith.cmpi slt, %rem3A_199, %lt3A_202 : i32
      %lt3A_204 = arith.constant 0 : i32
      %lt3A_205 = arith.cmpi slt, %select_n3A_198, %lt3A_204 : i32
      %ne3A_206 = arith.xori %lt3A_203, %lt3A_205 : i1
      %and3A_207 = arith.andi %ne3A_206, %ne3A_201 : i1
      %add3A_208 = arith.addi %rem3A_199, %select_n3A_198 : i32
      %select_n3A_209 = arith.select %and3A_207, %add3A_208, %rem3A_199 : i32
      %mul3A_210 = arith.constant 8 : i32
      %mul3A_211 = arith.muli %select_n3A_209, %mul3A_210 : i32
      %dma_wait3A_212 = arith.constant 0 : i32
      %dma_wait3A_213 = tpu.memref_slice %arg2[%select_n3A_193, %mul3A_211, %dma_wait3A_212] : memref<2x8192x2048xf32, #tpu.memory_space<hbm>> -> memref<1x8x2048xf32, #tpu.memory_space<hbm>>
      %dma_wait3A_214 = tpu.memref_squeeze %dma_wait3A_213 : memref<1x8x2048xf32, #tpu.memory_space<hbm>> -> memref<8x2048xf32, #tpu.memory_space<hbm>>
      %dma_wait3A_215 = arith.constant 0 : i32
      %dma_wait3A_216 = tpu.memref_slice %arg2[%select_n3A_193, %mul3A_211, %dma_wait3A_215] : memref<2x8192x2048xf32, #tpu.memory_space<hbm>> -> memref<1x8x2048xf32, #tpu.memory_space<hbm>>
      %dma_wait3A_217 = tpu.memref_squeeze %dma_wait3A_216 : memref<1x8x2048xf32, #tpu.memory_space<hbm>> -> memref<8x2048xf32, #tpu.memory_space<hbm>>
      tpu.wait_dma2 semaphore(%arg7 : memref<!tpu.dma_semaphore, #tpu.memory_space<semaphore_mem>>) src(%dma_wait3A_217 : memref<8x2048xf32, #tpu.memory_space<hbm>>) dst(%arg4 : memref<8x2048xf32, #tpu.memory_space<vmem>>)
      %scan3A_218 = arith.constant 0 : i32
      %scan3A_219 = arith.constant 64 : i32
      %scan3A_220 = arith.addi %scan3A_218, %scan3A_219 : i32
      %scan3A_221 = arith.constant 1 : i32
      scf.for %scan3A_335 = %scan3A_218 to %scan3A_220 step %scan3A_221  : i32 {
        %mul3A_336 = arith.constant 1 : i32
        %mul3A_337 = arith.muli %scan3A_335, %mul3A_336 : i32
        %add3A_338 = arith.constant 0 : i32
        %add3A_339 = arith.addi %add3A_338, %mul3A_337 : i32
        %shift_right_arithmetic3A = arith.constant 3 : i32
        %shift_right_arithmetic3A_340 = arith.shrsi %add3A_339, %shift_right_arithmetic3A : i32
        %and3A_341 = arith.constant 7 : i32
        %and3A_342 = arith.andi %add3A_339, %and3A_341 : i32
        %mul3A_343 = arith.constant 256 : i32
        %mul3A_344 = arith.muli %and3A_342, %mul3A_343 : i32
        %add3A_345 = arith.constant 0 : i32
        %add3A_346 = arith.addi %mul3A_344, %add3A_345 : i32
        %get3A = arith.index_cast %shift_right_arithmetic3A_340 : i32 to index
        %get3A_347 = arith.index_cast %add3A_346 : i32 to index
        %get3A_348 = tpu.vector_load %arg4[%get3A, %get3A_347] {strides = array<i32>} : memref<8x2048xf32, #tpu.memory_space<vmem>>, vector<16xf32>,
        %add3A_349 = arith.constant 16 : i32
        %add3A_350 = arith.addi %mul3A_344, %add3A_349 : i32
        %get3A_351 = arith.index_cast %shift_right_arithmetic3A_340 : i32 to index
        %get3A_352 = arith.index_cast %add3A_350 : i32 to index
        %get3A_353 = tpu.vector_load %arg4[%get3A_351, %get3A_352] {strides = array<i32>} : memref<8x2048xf32, #tpu.memory_space<vmem>>, vector<16xf32>,
        %add3A_354 = arith.constant 32 : i32
        %add3A_355 = arith.addi %mul3A_344, %add3A_354 : i32
        %get3A_356 = arith.index_cast %shift_right_arithmetic3A_340 : i32 to index
        %get3A_357 = arith.index_cast %add3A_355 : i32 to index
        %get3A_358 = tpu.vector_load %arg4[%get3A_356, %get3A_357] {strides = array<i32>} : memref<8x2048xf32, #tpu.memory_space<vmem>>, vector<16xf32>,
        %add3A_359 = arith.constant 48 : i32
        %add3A_360 = arith.addi %mul3A_344, %add3A_359 : i32
        %get3A_361 = arith.index_cast %shift_right_arithmetic3A_340 : i32 to index
        %get3A_362 = arith.index_cast %add3A_360 : i32 to index
        %get3A_363 = tpu.vector_load %arg4[%get3A_361, %get3A_362] {strides = array<i32>} : memref<8x2048xf32, #tpu.memory_space<vmem>>, vector<16xf32>,
        %add3A_364 = arith.constant 64 : i32
        %add3A_365 = arith.addi %mul3A_344, %add3A_364 : i32
        %get3A_366 = arith.index_cast %shift_right_arithmetic3A_340 : i32 to index
        %get3A_367 = arith.index_cast %add3A_365 : i32 to index
        %get3A_368 = tpu.vector_load %arg4[%get3A_366, %get3A_367] {strides = array<i32>} : memref<8x2048xf32, #tpu.memory_space<vmem>>, vector<16xf32>,
        %add3A_369 = arith.constant 80 : i32
        %add3A_370 = arith.addi %mul3A_344, %add3A_369 : i32
        %get3A_371 = arith.index_cast %shift_right_arithmetic3A_340 : i32 to index
        %get3A_372 = arith.index_cast %add3A_370 : i32 to index
        %get3A_373 = tpu.vector_load %arg4[%get3A_371, %get3A_372] {strides = array<i32>} : memref<8x2048xf32, #tpu.memory_space<vmem>>, vector<16xf32>,
        %add3A_374 = arith.constant 96 : i32
        %add3A_375 = arith.addi %mul3A_344, %add3A_374 : i32
        %get3A_376 = arith.index_cast %shift_right_arithmetic3A_340 : i32 to index
        %get3A_377 = arith.index_cast %add3A_375 : i32 to index
        %get3A_378 = tpu.vector_load %arg4[%get3A_376, %get3A_377] {strides = array<i32>} : memref<8x2048xf32, #tpu.memory_space<vmem>>, vector<16xf32>,
        %add3A_379 = arith.constant 112 : i32
        %add3A_380 = arith.addi %mul3A_344, %add3A_379 : i32
        %get3A_381 = arith.index_cast %shift_right_arithmetic3A_340 : i32 to index
        %get3A_382 = arith.index_cast %add3A_380 : i32 to index
        %get3A_383 = tpu.vector_load %arg4[%get3A_381, %get3A_382] {strides = array<i32>} : memref<8x2048xf32, #tpu.memory_space<vmem>>, vector<16xf32>,
        %add3A_384 = arith.constant 128 : i32
        %add3A_385 = arith.addi %mul3A_344, %add3A_384 : i32
        %get3A_386 = arith.index_cast %shift_right_arithmetic3A_340 : i32 to index
        %get3A_387 = arith.index_cast %add3A_385 : i32 to index
        %get3A_388 = tpu.vector_load %arg4[%get3A_386, %get3A_387] {strides = array<i32>} : memref<8x2048xf32, #tpu.memory_space<vmem>>, vector<16xf32>,
        %add3A_389 = arith.constant 144 : i32
        %add3A_390 = arith.addi %mul3A_344, %add3A_389 : i32
        %get3A_391 = arith.index_cast %shift_right_arithmetic3A_340 : i32 to index
        %get3A_392 = arith.index_cast %add3A_390 : i32 to index
        %get3A_393 = tpu.vector_load %arg4[%get3A_391, %get3A_392] {strides = array<i32>} : memref<8x2048xf32, #tpu.memory_space<vmem>>, vector<16xf32>,
        %add3A_394 = arith.constant 160 : i32
        %add3A_395 = arith.addi %mul3A_344, %add3A_394 : i32
        %get3A_396 = arith.index_cast %shift_right_arithmetic3A_340 : i32 to index
        %get3A_397 = arith.index_cast %add3A_395 : i32 to index
        %get3A_398 = tpu.vector_load %arg4[%get3A_396, %get3A_397] {strides = array<i32>} : memref<8x2048xf32, #tpu.memory_space<vmem>>, vector<16xf32>,
        %add3A_399 = arith.constant 176 : i32
        %add3A_400 = arith.addi %mul3A_344, %add3A_399 : i32
        %get3A_401 = arith.index_cast %shift_right_arithmetic3A_340 : i32 to index
        %get3A_402 = arith.index_cast %add3A_400 : i32 to index
        %get3A_403 = tpu.vector_load %arg4[%get3A_401, %get3A_402] {strides = array<i32>} : memref<8x2048xf32, #tpu.memory_space<vmem>>, vector<16xf32>,
        %add3A_404 = arith.constant 192 : i32
        %add3A_405 = arith.addi %mul3A_344, %add3A_404 : i32
        %get3A_406 = arith.index_cast %shift_right_arithmetic3A_340 : i32 to index
        %get3A_407 = arith.index_cast %add3A_405 : i32 to index
        %get3A_408 = tpu.vector_load %arg4[%get3A_406, %get3A_407] {strides = array<i32>} : memref<8x2048xf32, #tpu.memory_space<vmem>>, vector<16xf32>,
        %add3A_409 = arith.constant 208 : i32
        %add3A_410 = arith.addi %mul3A_344, %add3A_409 : i32
        %get3A_411 = arith.index_cast %shift_right_arithmetic3A_340 : i32 to index
        %get3A_412 = arith.index_cast %add3A_410 : i32 to index
        %get3A_413 = tpu.vector_load %arg4[%get3A_411, %get3A_412] {strides = array<i32>} : memref<8x2048xf32, #tpu.memory_space<vmem>>, vector<16xf32>,
        %add3A_414 = arith.constant 224 : i32
        %add3A_415 = arith.addi %mul3A_344, %add3A_414 : i32
        %get3A_416 = arith.index_cast %shift_right_arithmetic3A_340 : i32 to index
        %get3A_417 = arith.index_cast %add3A_415 : i32 to index
        %get3A_418 = tpu.vector_load %arg4[%get3A_416, %get3A_417] {strides = array<i32>} : memref<8x2048xf32, #tpu.memory_space<vmem>>, vector<16xf32>,
        %add3A_419 = arith.constant 240 : i32
        %add3A_420 = arith.addi %mul3A_344, %add3A_419 : i32
        %get3A_421 = arith.index_cast %shift_right_arithmetic3A_340 : i32 to index
        %get3A_422 = arith.index_cast %add3A_420 : i32 to index
        %get3A_423 = tpu.vector_load %arg4[%get3A_421, %get3A_422] {strides = array<i32>} : memref<8x2048xf32, #tpu.memory_space<vmem>>, vector<16xf32>,
        %bitcast_convert_type3A = tpu.bitcast %get3A_348 : vector<16xf32> -> vector<16xi32>
        %shift_right_arithmetic3A_424 = arith.constant 31 : i32
        %shift_right_arithmetic3A_425 = vector.broadcast %shift_right_arithmetic3A_424 : i32 to vector<16xi32>
        %shift_right_arithmetic3A_426 = arith.shrsi %bitcast_convert_type3A, %shift_right_arithmetic3A_425 : vector<16xi32>
        %and3A_427 = arith.constant 2147483647 : i32
        %and3A_428 = vector.broadcast %and3A_427 : i32 to vector<16xi32>
        %and3A_429 = arith.andi %shift_right_arithmetic3A_426, %and3A_428 : vector<16xi32>
        %xor3A = arith.xori %bitcast_convert_type3A, %and3A_429 : vector<16xi32>
        %shift_right_arithmetic3A_430 = arith.constant 20 : i32
        %shift_right_arithmetic3A_431 = vector.broadcast %shift_right_arithmetic3A_430 : i32 to vector<16xi32>
        %shift_right_arithmetic3A_432 = arith.shrsi %xor3A, %shift_right_arithmetic3A_431 : vector<16xi32>
        %shift_left3A = arith.constant 4 : i32
        %shift_left3A_433 = vector.broadcast %shift_left3A : i32 to vector<16xi32>
        %shift_left3A_434 = arith.shli %shift_right_arithmetic3A_432, %shift_left3A_433 : vector<16xi32>
        %add3A_435 = arith.addi %shift_left3A_434, %add3A_3 : vector<16xi32>
        %bitcast_convert_type3A_436 = tpu.bitcast %get3A_353 : vector<16xf32> -> vector<16xi32>
        %shift_right_arithmetic3A_437 = arith.constant 31 : i32
        %shift_right_arithmetic3A_438 = vector.broadcast %shift_right_arithmetic3A_437 : i32 to vector<16xi32>
        %shift_right_arithmetic3A_439 = arith.shrsi %bitcast_convert_type3A_436, %shift_right_arithmetic3A_438 : vector<16xi32>
        %and3A_440 = arith.constant 2147483647 : i32
        %and3A_441 = vector.broadcast %and3A_440 : i32 to vector<16xi32>
        %and3A_442 = arith.andi %shift_right_arithmetic3A_439, %and3A_441 : vector<16xi32>
        %xor3A_443 = arith.xori %bitcast_convert_type3A_436, %and3A_442 : vector<16xi32>
        %shift_right_arithmetic3A_444 = arith.constant 20 : i32
        %shift_right_arithmetic3A_445 = vector.broadcast %shift_right_arithmetic3A_444 : i32 to vector<16xi32>
        %shift_right_arithmetic3A_446 = arith.shrsi %xor3A_443, %shift_right_arithmetic3A_445 : vector<16xi32>
        %shift_left3A_447 = arith.constant 4 : i32
        %shift_left3A_448 = vector.broadcast %shift_left3A_447 : i32 to vector<16xi32>
        %shift_left3A_449 = arith.shli %shift_right_arithmetic3A_446, %shift_left3A_448 : vector<16xi32>
        %add3A_450 = arith.addi %shift_left3A_449, %add3A_3 : vector<16xi32>
        %bitcast_convert_type3A_451 = tpu.bitcast %get3A_358 : vector<16xf32> -> vector<16xi32>
        %shift_right_arithmetic3A_452 = arith.constant 31 : i32
        %shift_right_arithmetic3A_453 = vector.broadcast %shift_right_arithmetic3A_452 : i32 to vector<16xi32>
        %shift_right_arithmetic3A_454 = arith.shrsi %bitcast_convert_type3A_451, %shift_right_arithmetic3A_453 : vector<16xi32>
        %and3A_455 = arith.constant 2147483647 : i32
        %and3A_456 = vector.broadcast %and3A_455 : i32 to vector<16xi32>
        %and3A_457 = arith.andi %shift_right_arithmetic3A_454, %and3A_456 : vector<16xi32>
        %xor3A_458 = arith.xori %bitcast_convert_type3A_451, %and3A_457 : vector<16xi32>
        %shift_right_arithmetic3A_459 = arith.constant 20 : i32
        %shift_right_arithmetic3A_460 = vector.broadcast %shift_right_arithmetic3A_459 : i32 to vector<16xi32>
        %shift_right_arithmetic3A_461 = arith.shrsi %xor3A_458, %shift_right_arithmetic3A_460 : vector<16xi32>
        %shift_left3A_462 = arith.constant 4 : i32
        %shift_left3A_463 = vector.broadcast %shift_left3A_462 : i32 to vector<16xi32>
        %shift_left3A_464 = arith.shli %shift_right_arithmetic3A_461, %shift_left3A_463 : vector<16xi32>
        %add3A_465 = arith.addi %shift_left3A_464, %add3A_3 : vector<16xi32>
        %bitcast_convert_type3A_466 = tpu.bitcast %get3A_363 : vector<16xf32> -> vector<16xi32>
        %shift_right_arithmetic3A_467 = arith.constant 31 : i32
        %shift_right_arithmetic3A_468 = vector.broadcast %shift_right_arithmetic3A_467 : i32 to vector<16xi32>
        %shift_right_arithmetic3A_469 = arith.shrsi %bitcast_convert_type3A_466, %shift_right_arithmetic3A_468 : vector<16xi32>
        %and3A_470 = arith.constant 2147483647 : i32
        %and3A_471 = vector.broadcast %and3A_470 : i32 to vector<16xi32>
        %and3A_472 = arith.andi %shift_right_arithmetic3A_469, %and3A_471 : vector<16xi32>
        %xor3A_473 = arith.xori %bitcast_convert_type3A_466, %and3A_472 : vector<16xi32>
        %shift_right_arithmetic3A_474 = arith.constant 20 : i32
        %shift_right_arithmetic3A_475 = vector.broadcast %shift_right_arithmetic3A_474 : i32 to vector<16xi32>
        %shift_right_arithmetic3A_476 = arith.shrsi %xor3A_473, %shift_right_arithmetic3A_475 : vector<16xi32>
        %shift_left3A_477 = arith.constant 4 : i32
        %shift_left3A_478 = vector.broadcast %shift_left3A_477 : i32 to vector<16xi32>
        %shift_left3A_479 = arith.shli %shift_right_arithmetic3A_476, %shift_left3A_478 : vector<16xi32>
        %add3A_480 = arith.addi %shift_left3A_479, %add3A_3 : vector<16xi32>
        %bitcast_convert_type3A_481 = tpu.bitcast %get3A_368 : vector<16xf32> -> vector<16xi32>
        %shift_right_arithmetic3A_482 = arith.constant 31 : i32
        %shift_right_arithmetic3A_483 = vector.broadcast %shift_right_arithmetic3A_482 : i32 to vector<16xi32>
        %shift_right_arithmetic3A_484 = arith.shrsi %bitcast_convert_type3A_481, %shift_right_arithmetic3A_483 : vector<16xi32>
        %and3A_485 = arith.constant 2147483647 : i32
        %and3A_486 = vector.broadcast %and3A_485 : i32 to vector<16xi32>
        %and3A_487 = arith.andi %shift_right_arithmetic3A_484, %and3A_486 : vector<16xi32>
        %xor3A_488 = arith.xori %bitcast_convert_type3A_481, %and3A_487 : vector<16xi32>
        %shift_right_arithmetic3A_489 = arith.constant 20 : i32
        %shift_right_arithmetic3A_490 = vector.broadcast %shift_right_arithmetic3A_489 : i32 to vector<16xi32>
        %shift_right_arithmetic3A_491 = arith.shrsi %xor3A_488, %shift_right_arithmetic3A_490 : vector<16xi32>
        %shift_left3A_492 = arith.constant 4 : i32
        %shift_left3A_493 = vector.broadcast %shift_left3A_492 : i32 to vector<16xi32>
        %shift_left3A_494 = arith.shli %shift_right_arithmetic3A_491, %shift_left3A_493 : vector<16xi32>
        %add3A_495 = arith.addi %shift_left3A_494, %add3A_3 : vector<16xi32>
        %bitcast_convert_type3A_496 = tpu.bitcast %get3A_373 : vector<16xf32> -> vector<16xi32>
        %shift_right_arithmetic3A_497 = arith.constant 31 : i32
        %shift_right_arithmetic3A_498 = vector.broadcast %shift_right_arithmetic3A_497 : i32 to vector<16xi32>
        %shift_right_arithmetic3A_499 = arith.shrsi %bitcast_convert_type3A_496, %shift_right_arithmetic3A_498 : vector<16xi32>
        %and3A_500 = arith.constant 2147483647 : i32
        %and3A_501 = vector.broadcast %and3A_500 : i32 to vector<16xi32>
        %and3A_502 = arith.andi %shift_right_arithmetic3A_499, %and3A_501 : vector<16xi32>
        %xor3A_503 = arith.xori %bitcast_convert_type3A_496, %and3A_502 : vector<16xi32>
        %shift_right_arithmetic3A_504 = arith.constant 20 : i32
        %shift_right_arithmetic3A_505 = vector.broadcast %shift_right_arithmetic3A_504 : i32 to vector<16xi32>
        %shift_right_arithmetic3A_506 = arith.shrsi %xor3A_503, %shift_right_arithmetic3A_505 : vector<16xi32>
        %shift_left3A_507 = arith.constant 4 : i32
        %shift_left3A_508 = vector.broadcast %shift_left3A_507 : i32 to vector<16xi32>
        %shift_left3A_509 = arith.shli %shift_right_arithmetic3A_506, %shift_left3A_508 : vector<16xi32>
        %add3A_510 = arith.addi %shift_left3A_509, %add3A_3 : vector<16xi32>
        %bitcast_convert_type3A_511 = tpu.bitcast %get3A_378 : vector<16xf32> -> vector<16xi32>
        %shift_right_arithmetic3A_512 = arith.constant 31 : i32
        %shift_right_arithmetic3A_513 = vector.broadcast %shift_right_arithmetic3A_512 : i32 to vector<16xi32>
        %shift_right_arithmetic3A_514 = arith.shrsi %bitcast_convert_type3A_511, %shift_right_arithmetic3A_513 : vector<16xi32>
        %and3A_515 = arith.constant 2147483647 : i32
        %and3A_516 = vector.broadcast %and3A_515 : i32 to vector<16xi32>
        %and3A_517 = arith.andi %shift_right_arithmetic3A_514, %and3A_516 : vector<16xi32>
        %xor3A_518 = arith.xori %bitcast_convert_type3A_511, %and3A_517 : vector<16xi32>
        %shift_right_arithmetic3A_519 = arith.constant 20 : i32
        %shift_right_arithmetic3A_520 = vector.broadcast %shift_right_arithmetic3A_519 : i32 to vector<16xi32>
        %shift_right_arithmetic3A_521 = arith.shrsi %xor3A_518, %shift_right_arithmetic3A_520 : vector<16xi32>
        %shift_left3A_522 = arith.constant 4 : i32
        %shift_left3A_523 = vector.broadcast %shift_left3A_522 : i32 to vector<16xi32>
        %shift_left3A_524 = arith.shli %shift_right_arithmetic3A_521, %shift_left3A_523 : vector<16xi32>
        %add3A_525 = arith.addi %shift_left3A_524, %add3A_3 : vector<16xi32>
        %bitcast_convert_type3A_526 = tpu.bitcast %get3A_383 : vector<16xf32> -> vector<16xi32>
        %shift_right_arithmetic3A_527 = arith.constant 31 : i32
        %shift_right_arithmetic3A_528 = vector.broadcast %shift_right_arithmetic3A_527 : i32 to vector<16xi32>
        %shift_right_arithmetic3A_529 = arith.shrsi %bitcast_convert_type3A_526, %shift_right_arithmetic3A_528 : vector<16xi32>
        %and3A_530 = arith.constant 2147483647 : i32
        %and3A_531 = vector.broadcast %and3A_530 : i32 to vector<16xi32>
        %and3A_532 = arith.andi %shift_right_arithmetic3A_529, %and3A_531 : vector<16xi32>
        %xor3A_533 = arith.xori %bitcast_convert_type3A_526, %and3A_532 : vector<16xi32>
        %shift_right_arithmetic3A_534 = arith.constant 20 : i32
        %shift_right_arithmetic3A_535 = vector.broadcast %shift_right_arithmetic3A_534 : i32 to vector<16xi32>
        %shift_right_arithmetic3A_536 = arith.shrsi %xor3A_533, %shift_right_arithmetic3A_535 : vector<16xi32>
        %shift_left3A_537 = arith.constant 4 : i32
        %shift_left3A_538 = vector.broadcast %shift_left3A_537 : i32 to vector<16xi32>
        %shift_left3A_539 = arith.shli %shift_right_arithmetic3A_536, %shift_left3A_538 : vector<16xi32>
        %add3A_540 = arith.addi %shift_left3A_539, %add3A_3 : vector<16xi32>
        %bitcast_convert_type3A_541 = tpu.bitcast %get3A_388 : vector<16xf32> -> vector<16xi32>
        %shift_right_arithmetic3A_542 = arith.constant 31 : i32
        %shift_right_arithmetic3A_543 = vector.broadcast %shift_right_arithmetic3A_542 : i32 to vector<16xi32>
        %shift_right_arithmetic3A_544 = arith.shrsi %bitcast_convert_type3A_541, %shift_right_arithmetic3A_543 : vector<16xi32>
        %and3A_545 = arith.constant 2147483647 : i32
        %and3A_546 = vector.broadcast %and3A_545 : i32 to vector<16xi32>
        %and3A_547 = arith.andi %shift_right_arithmetic3A_544, %and3A_546 : vector<16xi32>
        %xor3A_548 = arith.xori %bitcast_convert_type3A_541, %and3A_547 : vector<16xi32>
        %shift_right_arithmetic3A_549 = arith.constant 20 : i32
        %shift_right_arithmetic3A_550 = vector.broadcast %shift_right_arithmetic3A_549 : i32 to vector<16xi32>
        %shift_right_arithmetic3A_551 = arith.shrsi %xor3A_548, %shift_right_arithmetic3A_550 : vector<16xi32>
        %shift_left3A_552 = arith.constant 4 : i32
        %shift_left3A_553 = vector.broadcast %shift_left3A_552 : i32 to vector<16xi32>
        %shift_left3A_554 = arith.shli %shift_right_arithmetic3A_551, %shift_left3A_553 : vector<16xi32>
        %add3A_555 = arith.addi %shift_left3A_554, %add3A_3 : vector<16xi32>
        %bitcast_convert_type3A_556 = tpu.bitcast %get3A_393 : vector<16xf32> -> vector<16xi32>
        %shift_right_arithmetic3A_557 = arith.constant 31 : i32
        %shift_right_arithmetic3A_558 = vector.broadcast %shift_right_arithmetic3A_557 : i32 to vector<16xi32>
        %shift_right_arithmetic3A_559 = arith.shrsi %bitcast_convert_type3A_556, %shift_right_arithmetic3A_558 : vector<16xi32>
        %and3A_560 = arith.constant 2147483647 : i32
        %and3A_561 = vector.broadcast %and3A_560 : i32 to vector<16xi32>
        %and3A_562 = arith.andi %shift_right_arithmetic3A_559, %and3A_561 : vector<16xi32>
        %xor3A_563 = arith.xori %bitcast_convert_type3A_556, %and3A_562 : vector<16xi32>
        %shift_right_arithmetic3A_564 = arith.constant 20 : i32
        %shift_right_arithmetic3A_565 = vector.broadcast %shift_right_arithmetic3A_564 : i32 to vector<16xi32>
        %shift_right_arithmetic3A_566 = arith.shrsi %xor3A_563, %shift_right_arithmetic3A_565 : vector<16xi32>
        %shift_left3A_567 = arith.constant 4 : i32
        %shift_left3A_568 = vector.broadcast %shift_left3A_567 : i32 to vector<16xi32>
        %shift_left3A_569 = arith.shli %shift_right_arithmetic3A_566, %shift_left3A_568 : vector<16xi32>
        %add3A_570 = arith.addi %shift_left3A_569, %add3A_3 : vector<16xi32>
        %bitcast_convert_type3A_571 = tpu.bitcast %get3A_398 : vector<16xf32> -> vector<16xi32>
        %shift_right_arithmetic3A_572 = arith.constant 31 : i32
        %shift_right_arithmetic3A_573 = vector.broadcast %shift_right_arithmetic3A_572 : i32 to vector<16xi32>
        %shift_right_arithmetic3A_574 = arith.shrsi %bitcast_convert_type3A_571, %shift_right_arithmetic3A_573 : vector<16xi32>
        %and3A_575 = arith.constant 2147483647 : i32
        %and3A_576 = vector.broadcast %and3A_575 : i32 to vector<16xi32>
        %and3A_577 = arith.andi %shift_right_arithmetic3A_574, %and3A_576 : vector<16xi32>
        %xor3A_578 = arith.xori %bitcast_convert_type3A_571, %and3A_577 : vector<16xi32>
        %shift_right_arithmetic3A_579 = arith.constant 20 : i32
        %shift_right_arithmetic3A_580 = vector.broadcast %shift_right_arithmetic3A_579 : i32 to vector<16xi32>
        %shift_right_arithmetic3A_581 = arith.shrsi %xor3A_578, %shift_right_arithmetic3A_580 : vector<16xi32>
        %shift_left3A_582 = arith.constant 4 : i32
        %shift_left3A_583 = vector.broadcast %shift_left3A_582 : i32 to vector<16xi32>
        %shift_left3A_584 = arith.shli %shift_right_arithmetic3A_581, %shift_left3A_583 : vector<16xi32>
        %add3A_585 = arith.addi %shift_left3A_584, %add3A_3 : vector<16xi32>
        %bitcast_convert_type3A_586 = tpu.bitcast %get3A_403 : vector<16xf32> -> vector<16xi32>
        %shift_right_arithmetic3A_587 = arith.constant 31 : i32
        %shift_right_arithmetic3A_588 = vector.broadcast %shift_right_arithmetic3A_587 : i32 to vector<16xi32>
        %shift_right_arithmetic3A_589 = arith.shrsi %bitcast_convert_type3A_586, %shift_right_arithmetic3A_588 : vector<16xi32>
        %and3A_590 = arith.constant 2147483647 : i32
        %and3A_591 = vector.broadcast %and3A_590 : i32 to vector<16xi32>
        %and3A_592 = arith.andi %shift_right_arithmetic3A_589, %and3A_591 : vector<16xi32>
        %xor3A_593 = arith.xori %bitcast_convert_type3A_586, %and3A_592 : vector<16xi32>
        %shift_right_arithmetic3A_594 = arith.constant 20 : i32
        %shift_right_arithmetic3A_595 = vector.broadcast %shift_right_arithmetic3A_594 : i32 to vector<16xi32>
        %shift_right_arithmetic3A_596 = arith.shrsi %xor3A_593, %shift_right_arithmetic3A_595 : vector<16xi32>
        %shift_left3A_597 = arith.constant 4 : i32
        %shift_left3A_598 = vector.broadcast %shift_left3A_597 : i32 to vector<16xi32>
        %shift_left3A_599 = arith.shli %shift_right_arithmetic3A_596, %shift_left3A_598 : vector<16xi32>
        %add3A_600 = arith.addi %shift_left3A_599, %add3A_3 : vector<16xi32>
        %bitcast_convert_type3A_601 = tpu.bitcast %get3A_408 : vector<16xf32> -> vector<16xi32>
        %shift_right_arithmetic3A_602 = arith.constant 31 : i32
        %shift_right_arithmetic3A_603 = vector.broadcast %shift_right_arithmetic3A_602 : i32 to vector<16xi32>
        %shift_right_arithmetic3A_604 = arith.shrsi %bitcast_convert_type3A_601, %shift_right_arithmetic3A_603 : vector<16xi32>
        %and3A_605 = arith.constant 2147483647 : i32
        %and3A_606 = vector.broadcast %and3A_605 : i32 to vector<16xi32>
        %and3A_607 = arith.andi %shift_right_arithmetic3A_604, %and3A_606 : vector<16xi32>
        %xor3A_608 = arith.xori %bitcast_convert_type3A_601, %and3A_607 : vector<16xi32>
        %shift_right_arithmetic3A_609 = arith.constant 20 : i32
        %shift_right_arithmetic3A_610 = vector.broadcast %shift_right_arithmetic3A_609 : i32 to vector<16xi32>
        %shift_right_arithmetic3A_611 = arith.shrsi %xor3A_608, %shift_right_arithmetic3A_610 : vector<16xi32>
        %shift_left3A_612 = arith.constant 4 : i32
        %shift_left3A_613 = vector.broadcast %shift_left3A_612 : i32 to vector<16xi32>
        %shift_left3A_614 = arith.shli %shift_right_arithmetic3A_611, %shift_left3A_613 : vector<16xi32>
        %add3A_615 = arith.addi %shift_left3A_614, %add3A_3 : vector<16xi32>
        %bitcast_convert_type3A_616 = tpu.bitcast %get3A_413 : vector<16xf32> -> vector<16xi32>
        %shift_right_arithmetic3A_617 = arith.constant 31 : i32
        %shift_right_arithmetic3A_618 = vector.broadcast %shift_right_arithmetic3A_617 : i32 to vector<16xi32>
        %shift_right_arithmetic3A_619 = arith.shrsi %bitcast_convert_type3A_616, %shift_right_arithmetic3A_618 : vector<16xi32>
        %and3A_620 = arith.constant 2147483647 : i32
        %and3A_621 = vector.broadcast %and3A_620 : i32 to vector<16xi32>
        %and3A_622 = arith.andi %shift_right_arithmetic3A_619, %and3A_621 : vector<16xi32>
        %xor3A_623 = arith.xori %bitcast_convert_type3A_616, %and3A_622 : vector<16xi32>
        %shift_right_arithmetic3A_624 = arith.constant 20 : i32
        %shift_right_arithmetic3A_625 = vector.broadcast %shift_right_arithmetic3A_624 : i32 to vector<16xi32>
        %shift_right_arithmetic3A_626 = arith.shrsi %xor3A_623, %shift_right_arithmetic3A_625 : vector<16xi32>
        %shift_left3A_627 = arith.constant 4 : i32
        %shift_left3A_628 = vector.broadcast %shift_left3A_627 : i32 to vector<16xi32>
        %shift_left3A_629 = arith.shli %shift_right_arithmetic3A_626, %shift_left3A_628 : vector<16xi32>
        %add3A_630 = arith.addi %shift_left3A_629, %add3A_3 : vector<16xi32>
        %bitcast_convert_type3A_631 = tpu.bitcast %get3A_418 : vector<16xf32> -> vector<16xi32>
        %shift_right_arithmetic3A_632 = arith.constant 31 : i32
        %shift_right_arithmetic3A_633 = vector.broadcast %shift_right_arithmetic3A_632 : i32 to vector<16xi32>
        %shift_right_arithmetic3A_634 = arith.shrsi %bitcast_convert_type3A_631, %shift_right_arithmetic3A_633 : vector<16xi32>
        %and3A_635 = arith.constant 2147483647 : i32
        %and3A_636 = vector.broadcast %and3A_635 : i32 to vector<16xi32>
        %and3A_637 = arith.andi %shift_right_arithmetic3A_634, %and3A_636 : vector<16xi32>
        %xor3A_638 = arith.xori %bitcast_convert_type3A_631, %and3A_637 : vector<16xi32>
        %shift_right_arithmetic3A_639 = arith.constant 20 : i32
        %shift_right_arithmetic3A_640 = vector.broadcast %shift_right_arithmetic3A_639 : i32 to vector<16xi32>
        %shift_right_arithmetic3A_641 = arith.shrsi %xor3A_638, %shift_right_arithmetic3A_640 : vector<16xi32>
        %shift_left3A_642 = arith.constant 4 : i32
        %shift_left3A_643 = vector.broadcast %shift_left3A_642 : i32 to vector<16xi32>
        %shift_left3A_644 = arith.shli %shift_right_arithmetic3A_641, %shift_left3A_643 : vector<16xi32>
        %add3A_645 = arith.addi %shift_left3A_644, %add3A_3 : vector<16xi32>
        %bitcast_convert_type3A_646 = tpu.bitcast %get3A_423 : vector<16xf32> -> vector<16xi32>
        %shift_right_arithmetic3A_647 = arith.constant 31 : i32
        %shift_right_arithmetic3A_648 = vector.broadcast %shift_right_arithmetic3A_647 : i32 to vector<16xi32>
        %shift_right_arithmetic3A_649 = arith.shrsi %bitcast_convert_type3A_646, %shift_right_arithmetic3A_648 : vector<16xi32>
        %and3A_650 = arith.constant 2147483647 : i32
        %and3A_651 = vector.broadcast %and3A_650 : i32 to vector<16xi32>
        %and3A_652 = arith.andi %shift_right_arithmetic3A_649, %and3A_651 : vector<16xi32>
        %xor3A_653 = arith.xori %bitcast_convert_type3A_646, %and3A_652 : vector<16xi32>
        %shift_right_arithmetic3A_654 = arith.constant 20 : i32
        %shift_right_arithmetic3A_655 = vector.broadcast %shift_right_arithmetic3A_654 : i32 to vector<16xi32>
        %shift_right_arithmetic3A_656 = arith.shrsi %xor3A_653, %shift_right_arithmetic3A_655 : vector<16xi32>
        %shift_left3A_657 = arith.constant 4 : i32
        %shift_left3A_658 = vector.broadcast %shift_left3A_657 : i32 to vector<16xi32>
        %shift_left3A_659 = arith.shli %shift_right_arithmetic3A_656, %shift_left3A_658 : vector<16xi32>
        %add3A_660 = arith.addi %shift_left3A_659, %add3A_3 : vector<16xi32>
        tpu.vector_store_idx %arg6[%add3A_435], %broadcast_in_dim3A_4 {add = true} : memref<65536xi32, #tpu.memory_space<vmem>>[vector<16xi32>], vector<16xi32>,
        tpu.vector_store_idx %arg6[%add3A_450], %broadcast_in_dim3A_4 {add = true} : memref<65536xi32, #tpu.memory_space<vmem>>[vector<16xi32>], vector<16xi32>,
        tpu.vector_store_idx %arg6[%add3A_465], %broadcast_in_dim3A_4 {add = true} : memref<65536xi32, #tpu.memory_space<vmem>>[vector<16xi32>], vector<16xi32>,
        tpu.vector_store_idx %arg6[%add3A_480], %broadcast_in_dim3A_4 {add = true} : memref<65536xi32, #tpu.memory_space<vmem>>[vector<16xi32>], vector<16xi32>,
        tpu.vector_store_idx %arg6[%add3A_495], %broadcast_in_dim3A_4 {add = true} : memref<65536xi32, #tpu.memory_space<vmem>>[vector<16xi32>], vector<16xi32>,
        tpu.vector_store_idx %arg6[%add3A_510], %broadcast_in_dim3A_4 {add = true} : memref<65536xi32, #tpu.memory_space<vmem>>[vector<16xi32>], vector<16xi32>,
        tpu.vector_store_idx %arg6[%add3A_525], %broadcast_in_dim3A_4 {add = true} : memref<65536xi32, #tpu.memory_space<vmem>>[vector<16xi32>], vector<16xi32>,
        tpu.vector_store_idx %arg6[%add3A_540], %broadcast_in_dim3A_4 {add = true} : memref<65536xi32, #tpu.memory_space<vmem>>[vector<16xi32>], vector<16xi32>,
        tpu.vector_store_idx %arg6[%add3A_555], %broadcast_in_dim3A_4 {add = true} : memref<65536xi32, #tpu.memory_space<vmem>>[vector<16xi32>], vector<16xi32>,
        tpu.vector_store_idx %arg6[%add3A_570], %broadcast_in_dim3A_4 {add = true} : memref<65536xi32, #tpu.memory_space<vmem>>[vector<16xi32>], vector<16xi32>,
        tpu.vector_store_idx %arg6[%add3A_585], %broadcast_in_dim3A_4 {add = true} : memref<65536xi32, #tpu.memory_space<vmem>>[vector<16xi32>], vector<16xi32>,
        tpu.vector_store_idx %arg6[%add3A_600], %broadcast_in_dim3A_4 {add = true} : memref<65536xi32, #tpu.memory_space<vmem>>[vector<16xi32>], vector<16xi32>,
        tpu.vector_store_idx %arg6[%add3A_615], %broadcast_in_dim3A_4 {add = true} : memref<65536xi32, #tpu.memory_space<vmem>>[vector<16xi32>], vector<16xi32>,
        tpu.vector_store_idx %arg6[%add3A_630], %broadcast_in_dim3A_4 {add = true} : memref<65536xi32, #tpu.memory_space<vmem>>[vector<16xi32>], vector<16xi32>,
        tpu.vector_store_idx %arg6[%add3A_645], %broadcast_in_dim3A_4 {add = true} : memref<65536xi32, #tpu.memory_space<vmem>>[vector<16xi32>], vector<16xi32>,
        tpu.vector_store_idx %arg6[%add3A_660], %broadcast_in_dim3A_4 {add = true} : memref<65536xi32, #tpu.memory_space<vmem>>[vector<16xi32>], vector<16xi32>,
      }
      %scan3A_222 = arith.constant 64 : i32
      %add3A_223 = arith.constant 2 : i32
      %add3A_224 = arith.addi %add3A_110, %add3A_223 : i32
      %and3A_225 = arith.constant 63 : i32
      %and3A_226 = arith.andi %add3A_224, %and3A_225 : i32
      %mul3A_227 = arith.constant 64 : i32
      %mul3A_228 = arith.muli %add3A, %mul3A_227 : i32
      %add3A_229 = arith.addi %mul3A_228, %and3A_226 : i32
      %jit3A_230 = arith.constant 1024 : i32
      %div3A_231 = arith.divsi %add3A_229, %jit3A_230 : i32
      %sign3A_232 = arith.constant 0 : i32
      %sign3A_233 = arith.cmpi sgt, %add3A_229, %sign3A_232 : i32
      %sign3A_234 = arith.extui %sign3A_233 : i1 to i32
      %sign3A_235 = arith.constant 0 : i32
      %sign3A_236 = arith.cmpi slt, %add3A_229, %sign3A_235 : i32
      %sign3A_237 = arith.extui %sign3A_236 : i1 to i32
      %sign3A_238 = arith.subi %sign3A_234, %sign3A_237 : i32
      %sign3A_239 = arith.constant 0 : i32
      %sign3A_240 = arith.cmpi sgt, %jit3A_230, %sign3A_239 : i32
      %sign3A_241 = arith.extui %sign3A_240 : i1 to i32
      %sign3A_242 = arith.constant 0 : i32
      %sign3A_243 = arith.cmpi slt, %jit3A_230, %sign3A_242 : i32
      %sign3A_244 = arith.extui %sign3A_243 : i1 to i32
      %sign3A_245 = arith.subi %sign3A_241, %sign3A_244 : i32
      %ne3A_246 = arith.cmpi ne, %sign3A_238, %sign3A_245 : i32
      %rem3A_247 = arith.remsi %add3A_229, %jit3A_230 : i32
      %ne3A_248 = arith.constant 0 : i32
      %ne3A_249 = arith.cmpi ne, %rem3A_247, %ne3A_248 : i32
      %and3A_250 = arith.andi %ne3A_246, %ne3A_249 : i1
      %sub3A_251 = arith.constant 1 : i32
      %sub3A_252 = arith.subi %div3A_231, %sub3A_251 : i32
      %select_n3A_253 = arith.select %and3A_250, %sub3A_252, %div3A_231 : i32
      %jit3A_254 = arith.constant 1024 : i32
      %eq3A_255 = arith.constant 0 : i32
      %eq3A_256 = arith.cmpi eq, %jit3A_254, %eq3A_255 : i32
      %jit3A_257 = arith.constant 1 : i32
      %select_n3A_258 = arith.select %eq3A_256, %jit3A_257, %jit3A_254 : i32
      %rem3A_259 = arith.remsi %add3A_229, %select_n3A_258 : i32
      %ne3A_260 = arith.constant 0 : i32
      %ne3A_261 = arith.cmpi ne, %rem3A_259, %ne3A_260 : i32
      %lt3A_262 = arith.constant 0 : i32
      %lt3A_263 = arith.cmpi slt, %rem3A_259, %lt3A_262 : i32
      %lt3A_264 = arith.constant 0 : i32
      %lt3A_265 = arith.cmpi slt, %select_n3A_258, %lt3A_264 : i32
      %ne3A_266 = arith.xori %lt3A_263, %lt3A_265 : i1
      %and3A_267 = arith.andi %ne3A_266, %ne3A_261 : i1
      %add3A_268 = arith.addi %rem3A_259, %select_n3A_258 : i32
      %select_n3A_269 = arith.select %and3A_267, %add3A_268, %rem3A_259 : i32
      %mul3A_270 = arith.constant 8 : i32
      %mul3A_271 = arith.muli %select_n3A_269, %mul3A_270 : i32
      %dma_start3A_272 = arith.constant 0 : i32
      %dma_start3A_273 = tpu.memref_slice %arg2[%select_n3A_253, %mul3A_271, %dma_start3A_272] : memref<2x8192x2048xf32, #tpu.memory_space<hbm>> -> memref<1x8x2048xf32, #tpu.memory_space<hbm>>
      %dma_start3A_274 = tpu.memref_squeeze %dma_start3A_273 : memref<1x8x2048xf32, #tpu.memory_space<hbm>> -> memref<8x2048xf32, #tpu.memory_space<hbm>>
      %dma_start3A_275 = arith.constant 0 : i32
      %dma_start3A_276 = tpu.memref_slice %arg2[%select_n3A_253, %mul3A_271, %dma_start3A_275] : memref<2x8192x2048xf32, #tpu.memory_space<hbm>> -> memref<1x8x2048xf32, #tpu.memory_space<hbm>>
      %dma_start3A_277 = tpu.memref_squeeze %dma_start3A_276 : memref<1x8x2048xf32, #tpu.memory_space<hbm>> -> memref<8x2048xf32, #tpu.memory_space<hbm>>
      tpu.enqueue_dma source(%dma_start3A_277 : memref<8x2048xf32, #tpu.memory_space<hbm>>) target(%arg4 : memref<8x2048xf32, #tpu.memory_space<vmem>>) target_semaphore(%arg7 : memref<!tpu.dma_semaphore, #tpu.memory_space<semaphore_mem>>)
      %mul3A_278 = arith.constant 64 : i32
      %mul3A_279 = arith.muli %add3A, %mul3A_278 : i32
      %add3A_280 = arith.constant 0 : i32
      %add3A_281 = arith.addi %mul3A_279, %add3A_280 : i32
      %jit3A_282 = arith.constant 1024 : i32
      %div3A_283 = arith.divsi %add3A_281, %jit3A_282 : i32
      %sign3A_284 = arith.constant 0 : i32
      %sign3A_285 = arith.cmpi sgt, %add3A_281, %sign3A_284 : i32
      %sign3A_286 = arith.extui %sign3A_285 : i1 to i32
      %sign3A_287 = arith.constant 0 : i32
      %sign3A_288 = arith.cmpi slt, %add3A_281, %sign3A_287 : i32
      %sign3A_289 = arith.extui %sign3A_288 : i1 to i32
      %sign3A_290 = arith.subi %sign3A_286, %sign3A_289 : i32
      %sign3A_291 = arith.constant 0 : i32
      %sign3A_292 = arith.cmpi sgt, %jit3A_282, %sign3A_291 : i32
      %sign3A_293 = arith.extui %sign3A_292 : i1 to i32
      %sign3A_294 = arith.constant 0 : i32
      %sign3A_295 = arith.cmpi slt, %jit3A_282, %sign3A_294 : i32
      %sign3A_296 = arith.extui %sign3A_295 : i1 to i32
      %sign3A_297 = arith.subi %sign3A_293, %sign3A_296 : i32
      %ne3A_298 = arith.cmpi ne, %sign3A_290, %sign3A_297 : i32
      %rem3A_299 = arith.remsi %add3A_281, %jit3A_282 : i32
      %ne3A_300 = arith.constant 0 : i32
      %ne3A_301 = arith.cmpi ne, %rem3A_299, %ne3A_300 : i32
      %and3A_302 = arith.andi %ne3A_298, %ne3A_301 : i1
      %sub3A_303 = arith.constant 1 : i32
      %sub3A_304 = arith.subi %div3A_283, %sub3A_303 : i32
      %select_n3A_305 = arith.select %and3A_302, %sub3A_304, %div3A_283 : i32
      %jit3A_306 = arith.constant 1024 : i32
      %eq3A_307 = arith.constant 0 : i32
      %eq3A_308 = arith.cmpi eq, %jit3A_306, %eq3A_307 : i32
      %jit3A_309 = arith.constant 1 : i32
      %select_n3A_310 = arith.select %eq3A_308, %jit3A_309, %jit3A_306 : i32
      %rem3A_311 = arith.remsi %add3A_281, %select_n3A_310 : i32
      %ne3A_312 = arith.constant 0 : i32
      %ne3A_313 = arith.cmpi ne, %rem3A_311, %ne3A_312 : i32
      %lt3A_314 = arith.constant 0 : i32
      %lt3A_315 = arith.cmpi slt, %rem3A_311, %lt3A_314 : i32
      %lt3A_316 = arith.constant 0 : i32
      %lt3A_317 = arith.cmpi slt, %select_n3A_310, %lt3A_316 : i32
      %ne3A_318 = arith.xori %lt3A_315, %lt3A_317 : i1
      %and3A_319 = arith.andi %ne3A_318, %ne3A_313 : i1
      %add3A_320 = arith.addi %rem3A_311, %select_n3A_310 : i32
      %select_n3A_321 = arith.select %and3A_319, %add3A_320, %rem3A_311 : i32
      %mul3A_322 = arith.constant 8 : i32
      %mul3A_323 = arith.muli %select_n3A_321, %mul3A_322 : i32
      %dma_wait3A_324 = arith.constant 0 : i32
      %dma_wait3A_325 = tpu.memref_slice %arg2[%select_n3A_305, %mul3A_323, %dma_wait3A_324] : memref<2x8192x2048xf32, #tpu.memory_space<hbm>> -> memref<1x8x2048xf32, #tpu.memory_space<hbm>>
      %dma_wait3A_326 = tpu.memref_squeeze %dma_wait3A_325 : memref<1x8x2048xf32, #tpu.memory_space<hbm>> -> memref<8x2048xf32, #tpu.memory_space<hbm>>
      %dma_wait3A_327 = arith.constant 0 : i32
      %dma_wait3A_328 = tpu.memref_slice %arg2[%select_n3A_305, %mul3A_323, %dma_wait3A_327] : memref<2x8192x2048xf32, #tpu.memory_space<hbm>> -> memref<1x8x2048xf32, #tpu.memory_space<hbm>>
      %dma_wait3A_329 = tpu.memref_squeeze %dma_wait3A_328 : memref<1x8x2048xf32, #tpu.memory_space<hbm>> -> memref<8x2048xf32, #tpu.memory_space<hbm>>
      tpu.wait_dma2 semaphore(%arg8 : memref<!tpu.dma_semaphore, #tpu.memory_space<semaphore_mem>>) src(%dma_wait3A_329 : memref<8x2048xf32, #tpu.memory_space<hbm>>) dst(%arg5 : memref<8x2048xf32, #tpu.memory_space<vmem>>)
      %scan3A_330 = arith.constant 0 : i32
      %scan3A_331 = arith.constant 64 : i32
      %scan3A_332 = arith.addi %scan3A_330, %scan3A_331 : i32
      %scan3A_333 = arith.constant 1 : i32
      scf.for %scan3A_335 = %scan3A_330 to %scan3A_332 step %scan3A_333  : i32 {
        %mul3A_336 = arith.constant 1 : i32
        %mul3A_337 = arith.muli %scan3A_335, %mul3A_336 : i32
        %add3A_338 = arith.constant 0 : i32
        %add3A_339 = arith.addi %add3A_338, %mul3A_337 : i32
        %shift_right_arithmetic3A = arith.constant 3 : i32
        %shift_right_arithmetic3A_340 = arith.shrsi %add3A_339, %shift_right_arithmetic3A : i32
        %and3A_341 = arith.constant 7 : i32
        %and3A_342 = arith.andi %add3A_339, %and3A_341 : i32
        %mul3A_343 = arith.constant 256 : i32
        %mul3A_344 = arith.muli %and3A_342, %mul3A_343 : i32
        %add3A_345 = arith.constant 0 : i32
        %add3A_346 = arith.addi %mul3A_344, %add3A_345 : i32
        %get3A = arith.index_cast %shift_right_arithmetic3A_340 : i32 to index
        %get3A_347 = arith.index_cast %add3A_346 : i32 to index
        %get3A_348 = tpu.vector_load %arg5[%get3A, %get3A_347] {strides = array<i32>} : memref<8x2048xf32, #tpu.memory_space<vmem>>, vector<16xf32>,
        %add3A_349 = arith.constant 16 : i32
        %add3A_350 = arith.addi %mul3A_344, %add3A_349 : i32
        %get3A_351 = arith.index_cast %shift_right_arithmetic3A_340 : i32 to index
        %get3A_352 = arith.index_cast %add3A_350 : i32 to index
        %get3A_353 = tpu.vector_load %arg5[%get3A_351, %get3A_352] {strides = array<i32>} : memref<8x2048xf32, #tpu.memory_space<vmem>>, vector<16xf32>,
        %add3A_354 = arith.constant 32 : i32
        %add3A_355 = arith.addi %mul3A_344, %add3A_354 : i32
        %get3A_356 = arith.index_cast %shift_right_arithmetic3A_340 : i32 to index
        %get3A_357 = arith.index_cast %add3A_355 : i32 to index
        %get3A_358 = tpu.vector_load %arg5[%get3A_356, %get3A_357] {strides = array<i32>} : memref<8x2048xf32, #tpu.memory_space<vmem>>, vector<16xf32>,
        %add3A_359 = arith.constant 48 : i32
        %add3A_360 = arith.addi %mul3A_344, %add3A_359 : i32
        %get3A_361 = arith.index_cast %shift_right_arithmetic3A_340 : i32 to index
        %get3A_362 = arith.index_cast %add3A_360 : i32 to index
        %get3A_363 = tpu.vector_load %arg5[%get3A_361, %get3A_362] {strides = array<i32>} : memref<8x2048xf32, #tpu.memory_space<vmem>>, vector<16xf32>,
        %add3A_364 = arith.constant 64 : i32
        %add3A_365 = arith.addi %mul3A_344, %add3A_364 : i32
        %get3A_366 = arith.index_cast %shift_right_arithmetic3A_340 : i32 to index
        %get3A_367 = arith.index_cast %add3A_365 : i32 to index
        %get3A_368 = tpu.vector_load %arg5[%get3A_366, %get3A_367] {strides = array<i32>} : memref<8x2048xf32, #tpu.memory_space<vmem>>, vector<16xf32>,
        %add3A_369 = arith.constant 80 : i32
        %add3A_370 = arith.addi %mul3A_344, %add3A_369 : i32
        %get3A_371 = arith.index_cast %shift_right_arithmetic3A_340 : i32 to index
        %get3A_372 = arith.index_cast %add3A_370 : i32 to index
        %get3A_373 = tpu.vector_load %arg5[%get3A_371, %get3A_372] {strides = array<i32>} : memref<8x2048xf32, #tpu.memory_space<vmem>>, vector<16xf32>,
        %add3A_374 = arith.constant 96 : i32
        %add3A_375 = arith.addi %mul3A_344, %add3A_374 : i32
        %get3A_376 = arith.index_cast %shift_right_arithmetic3A_340 : i32 to index
        %get3A_377 = arith.index_cast %add3A_375 : i32 to index
        %get3A_378 = tpu.vector_load %arg5[%get3A_376, %get3A_377] {strides = array<i32>} : memref<8x2048xf32, #tpu.memory_space<vmem>>, vector<16xf32>,
        %add3A_379 = arith.constant 112 : i32
        %add3A_380 = arith.addi %mul3A_344, %add3A_379 : i32
        %get3A_381 = arith.index_cast %shift_right_arithmetic3A_340 : i32 to index
        %get3A_382 = arith.index_cast %add3A_380 : i32 to index
        %get3A_383 = tpu.vector_load %arg5[%get3A_381, %get3A_382] {strides = array<i32>} : memref<8x2048xf32, #tpu.memory_space<vmem>>, vector<16xf32>,
        %add3A_384 = arith.constant 128 : i32
        %add3A_385 = arith.addi %mul3A_344, %add3A_384 : i32
        %get3A_386 = arith.index_cast %shift_right_arithmetic3A_340 : i32 to index
        %get3A_387 = arith.index_cast %add3A_385 : i32 to index
        %get3A_388 = tpu.vector_load %arg5[%get3A_386, %get3A_387] {strides = array<i32>} : memref<8x2048xf32, #tpu.memory_space<vmem>>, vector<16xf32>,
        %add3A_389 = arith.constant 144 : i32
        %add3A_390 = arith.addi %mul3A_344, %add3A_389 : i32
        %get3A_391 = arith.index_cast %shift_right_arithmetic3A_340 : i32 to index
        %get3A_392 = arith.index_cast %add3A_390 : i32 to index
        %get3A_393 = tpu.vector_load %arg5[%get3A_391, %get3A_392] {strides = array<i32>} : memref<8x2048xf32, #tpu.memory_space<vmem>>, vector<16xf32>,
        %add3A_394 = arith.constant 160 : i32
        %add3A_395 = arith.addi %mul3A_344, %add3A_394 : i32
        %get3A_396 = arith.index_cast %shift_right_arithmetic3A_340 : i32 to index
        %get3A_397 = arith.index_cast %add3A_395 : i32 to index
        %get3A_398 = tpu.vector_load %arg5[%get3A_396, %get3A_397] {strides = array<i32>} : memref<8x2048xf32, #tpu.memory_space<vmem>>, vector<16xf32>,
        %add3A_399 = arith.constant 176 : i32
        %add3A_400 = arith.addi %mul3A_344, %add3A_399 : i32
        %get3A_401 = arith.index_cast %shift_right_arithmetic3A_340 : i32 to index
        %get3A_402 = arith.index_cast %add3A_400 : i32 to index
        %get3A_403 = tpu.vector_load %arg5[%get3A_401, %get3A_402] {strides = array<i32>} : memref<8x2048xf32, #tpu.memory_space<vmem>>, vector<16xf32>,
        %add3A_404 = arith.constant 192 : i32
        %add3A_405 = arith.addi %mul3A_344, %add3A_404 : i32
        %get3A_406 = arith.index_cast %shift_right_arithmetic3A_340 : i32 to index
        %get3A_407 = arith.index_cast %add3A_405 : i32 to index
        %get3A_408 = tpu.vector_load %arg5[%get3A_406, %get3A_407] {strides = array<i32>} : memref<8x2048xf32, #tpu.memory_space<vmem>>, vector<16xf32>,
        %add3A_409 = arith.constant 208 : i32
        %add3A_410 = arith.addi %mul3A_344, %add3A_409 : i32
        %get3A_411 = arith.index_cast %shift_right_arithmetic3A_340 : i32 to index
        %get3A_412 = arith.index_cast %add3A_410 : i32 to index
        %get3A_413 = tpu.vector_load %arg5[%get3A_411, %get3A_412] {strides = array<i32>} : memref<8x2048xf32, #tpu.memory_space<vmem>>, vector<16xf32>,
        %add3A_414 = arith.constant 224 : i32
        %add3A_415 = arith.addi %mul3A_344, %add3A_414 : i32
        %get3A_416 = arith.index_cast %shift_right_arithmetic3A_340 : i32 to index
        %get3A_417 = arith.index_cast %add3A_415 : i32 to index
        %get3A_418 = tpu.vector_load %arg5[%get3A_416, %get3A_417] {strides = array<i32>} : memref<8x2048xf32, #tpu.memory_space<vmem>>, vector<16xf32>,
        %add3A_419 = arith.constant 240 : i32
        %add3A_420 = arith.addi %mul3A_344, %add3A_419 : i32
        %get3A_421 = arith.index_cast %shift_right_arithmetic3A_340 : i32 to index
        %get3A_422 = arith.index_cast %add3A_420 : i32 to index
        %get3A_423 = tpu.vector_load %arg5[%get3A_421, %get3A_422] {strides = array<i32>} : memref<8x2048xf32, #tpu.memory_space<vmem>>, vector<16xf32>,
        %bitcast_convert_type3A = tpu.bitcast %get3A_348 : vector<16xf32> -> vector<16xi32>
        %shift_right_arithmetic3A_424 = arith.constant 31 : i32
        %shift_right_arithmetic3A_425 = vector.broadcast %shift_right_arithmetic3A_424 : i32 to vector<16xi32>
        %shift_right_arithmetic3A_426 = arith.shrsi %bitcast_convert_type3A, %shift_right_arithmetic3A_425 : vector<16xi32>
        %and3A_427 = arith.constant 2147483647 : i32
        %and3A_428 = vector.broadcast %and3A_427 : i32 to vector<16xi32>
        %and3A_429 = arith.andi %shift_right_arithmetic3A_426, %and3A_428 : vector<16xi32>
        %xor3A = arith.xori %bitcast_convert_type3A, %and3A_429 : vector<16xi32>
        %shift_right_arithmetic3A_430 = arith.constant 20 : i32
        %shift_right_arithmetic3A_431 = vector.broadcast %shift_right_arithmetic3A_430 : i32 to vector<16xi32>
        %shift_right_arithmetic3A_432 = arith.shrsi %xor3A, %shift_right_arithmetic3A_431 : vector<16xi32>
        %shift_left3A = arith.constant 4 : i32
        %shift_left3A_433 = vector.broadcast %shift_left3A : i32 to vector<16xi32>
        %shift_left3A_434 = arith.shli %shift_right_arithmetic3A_432, %shift_left3A_433 : vector<16xi32>
        %add3A_435 = arith.addi %shift_left3A_434, %add3A_3 : vector<16xi32>
        %bitcast_convert_type3A_436 = tpu.bitcast %get3A_353 : vector<16xf32> -> vector<16xi32>
        %shift_right_arithmetic3A_437 = arith.constant 31 : i32
        %shift_right_arithmetic3A_438 = vector.broadcast %shift_right_arithmetic3A_437 : i32 to vector<16xi32>
        %shift_right_arithmetic3A_439 = arith.shrsi %bitcast_convert_type3A_436, %shift_right_arithmetic3A_438 : vector<16xi32>
        %and3A_440 = arith.constant 2147483647 : i32
        %and3A_441 = vector.broadcast %and3A_440 : i32 to vector<16xi32>
        %and3A_442 = arith.andi %shift_right_arithmetic3A_439, %and3A_441 : vector<16xi32>
        %xor3A_443 = arith.xori %bitcast_convert_type3A_436, %and3A_442 : vector<16xi32>
        %shift_right_arithmetic3A_444 = arith.constant 20 : i32
        %shift_right_arithmetic3A_445 = vector.broadcast %shift_right_arithmetic3A_444 : i32 to vector<16xi32>
        %shift_right_arithmetic3A_446 = arith.shrsi %xor3A_443, %shift_right_arithmetic3A_445 : vector<16xi32>
        %shift_left3A_447 = arith.constant 4 : i32
        %shift_left3A_448 = vector.broadcast %shift_left3A_447 : i32 to vector<16xi32>
        %shift_left3A_449 = arith.shli %shift_right_arithmetic3A_446, %shift_left3A_448 : vector<16xi32>
        %add3A_450 = arith.addi %shift_left3A_449, %add3A_3 : vector<16xi32>
        %bitcast_convert_type3A_451 = tpu.bitcast %get3A_358 : vector<16xf32> -> vector<16xi32>
        %shift_right_arithmetic3A_452 = arith.constant 31 : i32
        %shift_right_arithmetic3A_453 = vector.broadcast %shift_right_arithmetic3A_452 : i32 to vector<16xi32>
        %shift_right_arithmetic3A_454 = arith.shrsi %bitcast_convert_type3A_451, %shift_right_arithmetic3A_453 : vector<16xi32>
        %and3A_455 = arith.constant 2147483647 : i32
        %and3A_456 = vector.broadcast %and3A_455 : i32 to vector<16xi32>
        %and3A_457 = arith.andi %shift_right_arithmetic3A_454, %and3A_456 : vector<16xi32>
        %xor3A_458 = arith.xori %bitcast_convert_type3A_451, %and3A_457 : vector<16xi32>
        %shift_right_arithmetic3A_459 = arith.constant 20 : i32
        %shift_right_arithmetic3A_460 = vector.broadcast %shift_right_arithmetic3A_459 : i32 to vector<16xi32>
        %shift_right_arithmetic3A_461 = arith.shrsi %xor3A_458, %shift_right_arithmetic3A_460 : vector<16xi32>
        %shift_left3A_462 = arith.constant 4 : i32
        %shift_left3A_463 = vector.broadcast %shift_left3A_462 : i32 to vector<16xi32>
        %shift_left3A_464 = arith.shli %shift_right_arithmetic3A_461, %shift_left3A_463 : vector<16xi32>
        %add3A_465 = arith.addi %shift_left3A_464, %add3A_3 : vector<16xi32>
        %bitcast_convert_type3A_466 = tpu.bitcast %get3A_363 : vector<16xf32> -> vector<16xi32>
        %shift_right_arithmetic3A_467 = arith.constant 31 : i32
        %shift_right_arithmetic3A_468 = vector.broadcast %shift_right_arithmetic3A_467 : i32 to vector<16xi32>
        %shift_right_arithmetic3A_469 = arith.shrsi %bitcast_convert_type3A_466, %shift_right_arithmetic3A_468 : vector<16xi32>
        %and3A_470 = arith.constant 2147483647 : i32
        %and3A_471 = vector.broadcast %and3A_470 : i32 to vector<16xi32>
        %and3A_472 = arith.andi %shift_right_arithmetic3A_469, %and3A_471 : vector<16xi32>
        %xor3A_473 = arith.xori %bitcast_convert_type3A_466, %and3A_472 : vector<16xi32>
        %shift_right_arithmetic3A_474 = arith.constant 20 : i32
        %shift_right_arithmetic3A_475 = vector.broadcast %shift_right_arithmetic3A_474 : i32 to vector<16xi32>
        %shift_right_arithmetic3A_476 = arith.shrsi %xor3A_473, %shift_right_arithmetic3A_475 : vector<16xi32>
        %shift_left3A_477 = arith.constant 4 : i32
        %shift_left3A_478 = vector.broadcast %shift_left3A_477 : i32 to vector<16xi32>
        %shift_left3A_479 = arith.shli %shift_right_arithmetic3A_476, %shift_left3A_478 : vector<16xi32>
        %add3A_480 = arith.addi %shift_left3A_479, %add3A_3 : vector<16xi32>
        %bitcast_convert_type3A_481 = tpu.bitcast %get3A_368 : vector<16xf32> -> vector<16xi32>
        %shift_right_arithmetic3A_482 = arith.constant 31 : i32
        %shift_right_arithmetic3A_483 = vector.broadcast %shift_right_arithmetic3A_482 : i32 to vector<16xi32>
        %shift_right_arithmetic3A_484 = arith.shrsi %bitcast_convert_type3A_481, %shift_right_arithmetic3A_483 : vector<16xi32>
        %and3A_485 = arith.constant 2147483647 : i32
        %and3A_486 = vector.broadcast %and3A_485 : i32 to vector<16xi32>
        %and3A_487 = arith.andi %shift_right_arithmetic3A_484, %and3A_486 : vector<16xi32>
        %xor3A_488 = arith.xori %bitcast_convert_type3A_481, %and3A_487 : vector<16xi32>
        %shift_right_arithmetic3A_489 = arith.constant 20 : i32
        %shift_right_arithmetic3A_490 = vector.broadcast %shift_right_arithmetic3A_489 : i32 to vector<16xi32>
        %shift_right_arithmetic3A_491 = arith.shrsi %xor3A_488, %shift_right_arithmetic3A_490 : vector<16xi32>
        %shift_left3A_492 = arith.constant 4 : i32
        %shift_left3A_493 = vector.broadcast %shift_left3A_492 : i32 to vector<16xi32>
        %shift_left3A_494 = arith.shli %shift_right_arithmetic3A_491, %shift_left3A_493 : vector<16xi32>
        %add3A_495 = arith.addi %shift_left3A_494, %add3A_3 : vector<16xi32>
        %bitcast_convert_type3A_496 = tpu.bitcast %get3A_373 : vector<16xf32> -> vector<16xi32>
        %shift_right_arithmetic3A_497 = arith.constant 31 : i32
        %shift_right_arithmetic3A_498 = vector.broadcast %shift_right_arithmetic3A_497 : i32 to vector<16xi32>
        %shift_right_arithmetic3A_499 = arith.shrsi %bitcast_convert_type3A_496, %shift_right_arithmetic3A_498 : vector<16xi32>
        %and3A_500 = arith.constant 2147483647 : i32
        %and3A_501 = vector.broadcast %and3A_500 : i32 to vector<16xi32>
        %and3A_502 = arith.andi %shift_right_arithmetic3A_499, %and3A_501 : vector<16xi32>
        %xor3A_503 = arith.xori %bitcast_convert_type3A_496, %and3A_502 : vector<16xi32>
        %shift_right_arithmetic3A_504 = arith.constant 20 : i32
        %shift_right_arithmetic3A_505 = vector.broadcast %shift_right_arithmetic3A_504 : i32 to vector<16xi32>
        %shift_right_arithmetic3A_506 = arith.shrsi %xor3A_503, %shift_right_arithmetic3A_505 : vector<16xi32>
        %shift_left3A_507 = arith.constant 4 : i32
        %shift_left3A_508 = vector.broadcast %shift_left3A_507 : i32 to vector<16xi32>
        %shift_left3A_509 = arith.shli %shift_right_arithmetic3A_506, %shift_left3A_508 : vector<16xi32>
        %add3A_510 = arith.addi %shift_left3A_509, %add3A_3 : vector<16xi32>
        %bitcast_convert_type3A_511 = tpu.bitcast %get3A_378 : vector<16xf32> -> vector<16xi32>
        %shift_right_arithmetic3A_512 = arith.constant 31 : i32
        %shift_right_arithmetic3A_513 = vector.broadcast %shift_right_arithmetic3A_512 : i32 to vector<16xi32>
        %shift_right_arithmetic3A_514 = arith.shrsi %bitcast_convert_type3A_511, %shift_right_arithmetic3A_513 : vector<16xi32>
        %and3A_515 = arith.constant 2147483647 : i32
        %and3A_516 = vector.broadcast %and3A_515 : i32 to vector<16xi32>
        %and3A_517 = arith.andi %shift_right_arithmetic3A_514, %and3A_516 : vector<16xi32>
        %xor3A_518 = arith.xori %bitcast_convert_type3A_511, %and3A_517 : vector<16xi32>
        %shift_right_arithmetic3A_519 = arith.constant 20 : i32
        %shift_right_arithmetic3A_520 = vector.broadcast %shift_right_arithmetic3A_519 : i32 to vector<16xi32>
        %shift_right_arithmetic3A_521 = arith.shrsi %xor3A_518, %shift_right_arithmetic3A_520 : vector<16xi32>
        %shift_left3A_522 = arith.constant 4 : i32
        %shift_left3A_523 = vector.broadcast %shift_left3A_522 : i32 to vector<16xi32>
        %shift_left3A_524 = arith.shli %shift_right_arithmetic3A_521, %shift_left3A_523 : vector<16xi32>
        %add3A_525 = arith.addi %shift_left3A_524, %add3A_3 : vector<16xi32>
        %bitcast_convert_type3A_526 = tpu.bitcast %get3A_383 : vector<16xf32> -> vector<16xi32>
        %shift_right_arithmetic3A_527 = arith.constant 31 : i32
        %shift_right_arithmetic3A_528 = vector.broadcast %shift_right_arithmetic3A_527 : i32 to vector<16xi32>
        %shift_right_arithmetic3A_529 = arith.shrsi %bitcast_convert_type3A_526, %shift_right_arithmetic3A_528 : vector<16xi32>
        %and3A_530 = arith.constant 2147483647 : i32
        %and3A_531 = vector.broadcast %and3A_530 : i32 to vector<16xi32>
        %and3A_532 = arith.andi %shift_right_arithmetic3A_529, %and3A_531 : vector<16xi32>
        %xor3A_533 = arith.xori %bitcast_convert_type3A_526, %and3A_532 : vector<16xi32>
        %shift_right_arithmetic3A_534 = arith.constant 20 : i32
        %shift_right_arithmetic3A_535 = vector.broadcast %shift_right_arithmetic3A_534 : i32 to vector<16xi32>
        %shift_right_arithmetic3A_536 = arith.shrsi %xor3A_533, %shift_right_arithmetic3A_535 : vector<16xi32>
        %shift_left3A_537 = arith.constant 4 : i32
        %shift_left3A_538 = vector.broadcast %shift_left3A_537 : i32 to vector<16xi32>
        %shift_left3A_539 = arith.shli %shift_right_arithmetic3A_536, %shift_left3A_538 : vector<16xi32>
        %add3A_540 = arith.addi %shift_left3A_539, %add3A_3 : vector<16xi32>
        %bitcast_convert_type3A_541 = tpu.bitcast %get3A_388 : vector<16xf32> -> vector<16xi32>
        %shift_right_arithmetic3A_542 = arith.constant 31 : i32
        %shift_right_arithmetic3A_543 = vector.broadcast %shift_right_arithmetic3A_542 : i32 to vector<16xi32>
        %shift_right_arithmetic3A_544 = arith.shrsi %bitcast_convert_type3A_541, %shift_right_arithmetic3A_543 : vector<16xi32>
        %and3A_545 = arith.constant 2147483647 : i32
        %and3A_546 = vector.broadcast %and3A_545 : i32 to vector<16xi32>
        %and3A_547 = arith.andi %shift_right_arithmetic3A_544, %and3A_546 : vector<16xi32>
        %xor3A_548 = arith.xori %bitcast_convert_type3A_541, %and3A_547 : vector<16xi32>
        %shift_right_arithmetic3A_549 = arith.constant 20 : i32
        %shift_right_arithmetic3A_550 = vector.broadcast %shift_right_arithmetic3A_549 : i32 to vector<16xi32>
        %shift_right_arithmetic3A_551 = arith.shrsi %xor3A_548, %shift_right_arithmetic3A_550 : vector<16xi32>
        %shift_left3A_552 = arith.constant 4 : i32
        %shift_left3A_553 = vector.broadcast %shift_left3A_552 : i32 to vector<16xi32>
        %shift_left3A_554 = arith.shli %shift_right_arithmetic3A_551, %shift_left3A_553 : vector<16xi32>
        %add3A_555 = arith.addi %shift_left3A_554, %add3A_3 : vector<16xi32>
        %bitcast_convert_type3A_556 = tpu.bitcast %get3A_393 : vector<16xf32> -> vector<16xi32>
        %shift_right_arithmetic3A_557 = arith.constant 31 : i32
        %shift_right_arithmetic3A_558 = vector.broadcast %shift_right_arithmetic3A_557 : i32 to vector<16xi32>
        %shift_right_arithmetic3A_559 = arith.shrsi %bitcast_convert_type3A_556, %shift_right_arithmetic3A_558 : vector<16xi32>
        %and3A_560 = arith.constant 2147483647 : i32
        %and3A_561 = vector.broadcast %and3A_560 : i32 to vector<16xi32>
        %and3A_562 = arith.andi %shift_right_arithmetic3A_559, %and3A_561 : vector<16xi32>
        %xor3A_563 = arith.xori %bitcast_convert_type3A_556, %and3A_562 : vector<16xi32>
        %shift_right_arithmetic3A_564 = arith.constant 20 : i32
        %shift_right_arithmetic3A_565 = vector.broadcast %shift_right_arithmetic3A_564 : i32 to vector<16xi32>
        %shift_right_arithmetic3A_566 = arith.shrsi %xor3A_563, %shift_right_arithmetic3A_565 : vector<16xi32>
        %shift_left3A_567 = arith.constant 4 : i32
        %shift_left3A_568 = vector.broadcast %shift_left3A_567 : i32 to vector<16xi32>
        %shift_left3A_569 = arith.shli %shift_right_arithmetic3A_566, %shift_left3A_568 : vector<16xi32>
        %add3A_570 = arith.addi %shift_left3A_569, %add3A_3 : vector<16xi32>
        %bitcast_convert_type3A_571 = tpu.bitcast %get3A_398 : vector<16xf32> -> vector<16xi32>
        %shift_right_arithmetic3A_572 = arith.constant 31 : i32
        %shift_right_arithmetic3A_573 = vector.broadcast %shift_right_arithmetic3A_572 : i32 to vector<16xi32>
        %shift_right_arithmetic3A_574 = arith.shrsi %bitcast_convert_type3A_571, %shift_right_arithmetic3A_573 : vector<16xi32>
        %and3A_575 = arith.constant 2147483647 : i32
        %and3A_576 = vector.broadcast %and3A_575 : i32 to vector<16xi32>
        %and3A_577 = arith.andi %shift_right_arithmetic3A_574, %and3A_576 : vector<16xi32>
        %xor3A_578 = arith.xori %bitcast_convert_type3A_571, %and3A_577 : vector<16xi32>
        %shift_right_arithmetic3A_579 = arith.constant 20 : i32
        %shift_right_arithmetic3A_580 = vector.broadcast %shift_right_arithmetic3A_579 : i32 to vector<16xi32>
        %shift_right_arithmetic3A_581 = arith.shrsi %xor3A_578, %shift_right_arithmetic3A_580 : vector<16xi32>
        %shift_left3A_582 = arith.constant 4 : i32
        %shift_left3A_583 = vector.broadcast %shift_left3A_582 : i32 to vector<16xi32>
        %shift_left3A_584 = arith.shli %shift_right_arithmetic3A_581, %shift_left3A_583 : vector<16xi32>
        %add3A_585 = arith.addi %shift_left3A_584, %add3A_3 : vector<16xi32>
        %bitcast_convert_type3A_586 = tpu.bitcast %get3A_403 : vector<16xf32> -> vector<16xi32>
        %shift_right_arithmetic3A_587 = arith.constant 31 : i32
        %shift_right_arithmetic3A_588 = vector.broadcast %shift_right_arithmetic3A_587 : i32 to vector<16xi32>
        %shift_right_arithmetic3A_589 = arith.shrsi %bitcast_convert_type3A_586, %shift_right_arithmetic3A_588 : vector<16xi32>
        %and3A_590 = arith.constant 2147483647 : i32
        %and3A_591 = vector.broadcast %and3A_590 : i32 to vector<16xi32>
        %and3A_592 = arith.andi %shift_right_arithmetic3A_589, %and3A_591 : vector<16xi32>
        %xor3A_593 = arith.xori %bitcast_convert_type3A_586, %and3A_592 : vector<16xi32>
        %shift_right_arithmetic3A_594 = arith.constant 20 : i32
        %shift_right_arithmetic3A_595 = vector.broadcast %shift_right_arithmetic3A_594 : i32 to vector<16xi32>
        %shift_right_arithmetic3A_596 = arith.shrsi %xor3A_593, %shift_right_arithmetic3A_595 : vector<16xi32>
        %shift_left3A_597 = arith.constant 4 : i32
        %shift_left3A_598 = vector.broadcast %shift_left3A_597 : i32 to vector<16xi32>
        %shift_left3A_599 = arith.shli %shift_right_arithmetic3A_596, %shift_left3A_598 : vector<16xi32>
        %add3A_600 = arith.addi %shift_left3A_599, %add3A_3 : vector<16xi32>
        %bitcast_convert_type3A_601 = tpu.bitcast %get3A_408 : vector<16xf32> -> vector<16xi32>
        %shift_right_arithmetic3A_602 = arith.constant 31 : i32
        %shift_right_arithmetic3A_603 = vector.broadcast %shift_right_arithmetic3A_602 : i32 to vector<16xi32>
        %shift_right_arithmetic3A_604 = arith.shrsi %bitcast_convert_type3A_601, %shift_right_arithmetic3A_603 : vector<16xi32>
        %and3A_605 = arith.constant 2147483647 : i32
        %and3A_606 = vector.broadcast %and3A_605 : i32 to vector<16xi32>
        %and3A_607 = arith.andi %shift_right_arithmetic3A_604, %and3A_606 : vector<16xi32>
        %xor3A_608 = arith.xori %bitcast_convert_type3A_601, %and3A_607 : vector<16xi32>
        %shift_right_arithmetic3A_609 = arith.constant 20 : i32
        %shift_right_arithmetic3A_610 = vector.broadcast %shift_right_arithmetic3A_609 : i32 to vector<16xi32>
        %shift_right_arithmetic3A_611 = arith.shrsi %xor3A_608, %shift_right_arithmetic3A_610 : vector<16xi32>
        %shift_left3A_612 = arith.constant 4 : i32
        %shift_left3A_613 = vector.broadcast %shift_left3A_612 : i32 to vector<16xi32>
        %shift_left3A_614 = arith.shli %shift_right_arithmetic3A_611, %shift_left3A_613 : vector<16xi32>
        %add3A_615 = arith.addi %shift_left3A_614, %add3A_3 : vector<16xi32>
        %bitcast_convert_type3A_616 = tpu.bitcast %get3A_413 : vector<16xf32> -> vector<16xi32>
        %shift_right_arithmetic3A_617 = arith.constant 31 : i32
        %shift_right_arithmetic3A_618 = vector.broadcast %shift_right_arithmetic3A_617 : i32 to vector<16xi32>
        %shift_right_arithmetic3A_619 = arith.shrsi %bitcast_convert_type3A_616, %shift_right_arithmetic3A_618 : vector<16xi32>
        %and3A_620 = arith.constant 2147483647 : i32
        %and3A_621 = vector.broadcast %and3A_620 : i32 to vector<16xi32>
        %and3A_622 = arith.andi %shift_right_arithmetic3A_619, %and3A_621 : vector<16xi32>
        %xor3A_623 = arith.xori %bitcast_convert_type3A_616, %and3A_622 : vector<16xi32>
        %shift_right_arithmetic3A_624 = arith.constant 20 : i32
        %shift_right_arithmetic3A_625 = vector.broadcast %shift_right_arithmetic3A_624 : i32 to vector<16xi32>
        %shift_right_arithmetic3A_626 = arith.shrsi %xor3A_623, %shift_right_arithmetic3A_625 : vector<16xi32>
        %shift_left3A_627 = arith.constant 4 : i32
        %shift_left3A_628 = vector.broadcast %shift_left3A_627 : i32 to vector<16xi32>
        %shift_left3A_629 = arith.shli %shift_right_arithmetic3A_626, %shift_left3A_628 : vector<16xi32>
        %add3A_630 = arith.addi %shift_left3A_629, %add3A_3 : vector<16xi32>
        %bitcast_convert_type3A_631 = tpu.bitcast %get3A_418 : vector<16xf32> -> vector<16xi32>
        %shift_right_arithmetic3A_632 = arith.constant 31 : i32
        %shift_right_arithmetic3A_633 = vector.broadcast %shift_right_arithmetic3A_632 : i32 to vector<16xi32>
        %shift_right_arithmetic3A_634 = arith.shrsi %bitcast_convert_type3A_631, %shift_right_arithmetic3A_633 : vector<16xi32>
        %and3A_635 = arith.constant 2147483647 : i32
        %and3A_636 = vector.broadcast %and3A_635 : i32 to vector<16xi32>
        %and3A_637 = arith.andi %shift_right_arithmetic3A_634, %and3A_636 : vector<16xi32>
        %xor3A_638 = arith.xori %bitcast_convert_type3A_631, %and3A_637 : vector<16xi32>
        %shift_right_arithmetic3A_639 = arith.constant 20 : i32
        %shift_right_arithmetic3A_640 = vector.broadcast %shift_right_arithmetic3A_639 : i32 to vector<16xi32>
        %shift_right_arithmetic3A_641 = arith.shrsi %xor3A_638, %shift_right_arithmetic3A_640 : vector<16xi32>
        %shift_left3A_642 = arith.constant 4 : i32
        %shift_left3A_643 = vector.broadcast %shift_left3A_642 : i32 to vector<16xi32>
        %shift_left3A_644 = arith.shli %shift_right_arithmetic3A_641, %shift_left3A_643 : vector<16xi32>
        %add3A_645 = arith.addi %shift_left3A_644, %add3A_3 : vector<16xi32>
        %bitcast_convert_type3A_646 = tpu.bitcast %get3A_423 : vector<16xf32> -> vector<16xi32>
        %shift_right_arithmetic3A_647 = arith.constant 31 : i32
        %shift_right_arithmetic3A_648 = vector.broadcast %shift_right_arithmetic3A_647 : i32 to vector<16xi32>
        %shift_right_arithmetic3A_649 = arith.shrsi %bitcast_convert_type3A_646, %shift_right_arithmetic3A_648 : vector<16xi32>
        %and3A_650 = arith.constant 2147483647 : i32
        %and3A_651 = vector.broadcast %and3A_650 : i32 to vector<16xi32>
        %and3A_652 = arith.andi %shift_right_arithmetic3A_649, %and3A_651 : vector<16xi32>
        %xor3A_653 = arith.xori %bitcast_convert_type3A_646, %and3A_652 : vector<16xi32>
        %shift_right_arithmetic3A_654 = arith.constant 20 : i32
        %shift_right_arithmetic3A_655 = vector.broadcast %shift_right_arithmetic3A_654 : i32 to vector<16xi32>
        %shift_right_arithmetic3A_656 = arith.shrsi %xor3A_653, %shift_right_arithmetic3A_655 : vector<16xi32>
        %shift_left3A_657 = arith.constant 4 : i32
        %shift_left3A_658 = vector.broadcast %shift_left3A_657 : i32 to vector<16xi32>
        %shift_left3A_659 = arith.shli %shift_right_arithmetic3A_656, %shift_left3A_658 : vector<16xi32>
        %add3A_660 = arith.addi %shift_left3A_659, %add3A_3 : vector<16xi32>
        tpu.vector_store_idx %arg6[%add3A_435], %broadcast_in_dim3A_4 {add = true} : memref<65536xi32, #tpu.memory_space<vmem>>[vector<16xi32>], vector<16xi32>,
        tpu.vector_store_idx %arg6[%add3A_450], %broadcast_in_dim3A_4 {add = true} : memref<65536xi32, #tpu.memory_space<vmem>>[vector<16xi32>], vector<16xi32>,
        tpu.vector_store_idx %arg6[%add3A_465], %broadcast_in_dim3A_4 {add = true} : memref<65536xi32, #tpu.memory_space<vmem>>[vector<16xi32>], vector<16xi32>,
        tpu.vector_store_idx %arg6[%add3A_480], %broadcast_in_dim3A_4 {add = true} : memref<65536xi32, #tpu.memory_space<vmem>>[vector<16xi32>], vector<16xi32>,
        tpu.vector_store_idx %arg6[%add3A_495], %broadcast_in_dim3A_4 {add = true} : memref<65536xi32, #tpu.memory_space<vmem>>[vector<16xi32>], vector<16xi32>,
        tpu.vector_store_idx %arg6[%add3A_510], %broadcast_in_dim3A_4 {add = true} : memref<65536xi32, #tpu.memory_space<vmem>>[vector<16xi32>], vector<16xi32>,
        tpu.vector_store_idx %arg6[%add3A_525], %broadcast_in_dim3A_4 {add = true} : memref<65536xi32, #tpu.memory_space<vmem>>[vector<16xi32>], vector<16xi32>,
        tpu.vector_store_idx %arg6[%add3A_540], %broadcast_in_dim3A_4 {add = true} : memref<65536xi32, #tpu.memory_space<vmem>>[vector<16xi32>], vector<16xi32>,
        tpu.vector_store_idx %arg6[%add3A_555], %broadcast_in_dim3A_4 {add = true} : memref<65536xi32, #tpu.memory_space<vmem>>[vector<16xi32>], vector<16xi32>,
        tpu.vector_store_idx %arg6[%add3A_570], %broadcast_in_dim3A_4 {add = true} : memref<65536xi32, #tpu.memory_space<vmem>>[vector<16xi32>], vector<16xi32>,
        tpu.vector_store_idx %arg6[%add3A_585], %broadcast_in_dim3A_4 {add = true} : memref<65536xi32, #tpu.memory_space<vmem>>[vector<16xi32>], vector<16xi32>,
        tpu.vector_store_idx %arg6[%add3A_600], %broadcast_in_dim3A_4 {add = true} : memref<65536xi32, #tpu.memory_space<vmem>>[vector<16xi32>], vector<16xi32>,
        tpu.vector_store_idx %arg6[%add3A_615], %broadcast_in_dim3A_4 {add = true} : memref<65536xi32, #tpu.memory_space<vmem>>[vector<16xi32>], vector<16xi32>,
        tpu.vector_store_idx %arg6[%add3A_630], %broadcast_in_dim3A_4 {add = true} : memref<65536xi32, #tpu.memory_space<vmem>>[vector<16xi32>], vector<16xi32>,
        tpu.vector_store_idx %arg6[%add3A_645], %broadcast_in_dim3A_4 {add = true} : memref<65536xi32, #tpu.memory_space<vmem>>[vector<16xi32>], vector<16xi32>,
        tpu.vector_store_idx %arg6[%add3A_660], %broadcast_in_dim3A_4 {add = true} : memref<65536xi32, #tpu.memory_space<vmem>>[vector<16xi32>], vector<16xi32>,
      }
      %scan3A_334 = arith.constant 64 : i32
    }
    %scan3A_54 = arith.constant 32 : i32
    %mul3A_55 = arith.constant 64 : i32
    %mul3A_56 = arith.muli %add3A, %mul3A_55 : i32
    %add3A_57 = arith.constant 0 : i32
    %add3A_58 = arith.addi %mul3A_56, %add3A_57 : i32
    %jit3A_59 = arith.constant 1024 : i32
    %div3A_60 = arith.divsi %add3A_58, %jit3A_59 : i32
    %sign3A_61 = arith.constant 0 : i32
    %sign3A_62 = arith.cmpi sgt, %add3A_58, %sign3A_61 : i32
    %sign3A_63 = arith.extui %sign3A_62 : i1 to i32
    %sign3A_64 = arith.constant 0 : i32
    %sign3A_65 = arith.cmpi slt, %add3A_58, %sign3A_64 : i32
    %sign3A_66 = arith.extui %sign3A_65 : i1 to i32
    %sign3A_67 = arith.subi %sign3A_63, %sign3A_66 : i32
    %sign3A_68 = arith.constant 0 : i32
    %sign3A_69 = arith.cmpi sgt, %jit3A_59, %sign3A_68 : i32
    %sign3A_70 = arith.extui %sign3A_69 : i1 to i32
    %sign3A_71 = arith.constant 0 : i32
    %sign3A_72 = arith.cmpi slt, %jit3A_59, %sign3A_71 : i32
    %sign3A_73 = arith.extui %sign3A_72 : i1 to i32
    %sign3A_74 = arith.subi %sign3A_70, %sign3A_73 : i32
    %ne3A_75 = arith.cmpi ne, %sign3A_67, %sign3A_74 : i32
    %rem3A_76 = arith.remsi %add3A_58, %jit3A_59 : i32
    %ne3A_77 = arith.constant 0 : i32
    %ne3A_78 = arith.cmpi ne, %rem3A_76, %ne3A_77 : i32
    %and3A_79 = arith.andi %ne3A_75, %ne3A_78 : i1
    %sub3A_80 = arith.constant 1 : i32
    %sub3A_81 = arith.subi %div3A_60, %sub3A_80 : i32
    %select_n3A_82 = arith.select %and3A_79, %sub3A_81, %div3A_60 : i32
    %jit3A_83 = arith.constant 1024 : i32
    %eq3A_84 = arith.constant 0 : i32
    %eq3A_85 = arith.cmpi eq, %jit3A_83, %eq3A_84 : i32
    %jit3A_86 = arith.constant 1 : i32
    %select_n3A_87 = arith.select %eq3A_85, %jit3A_86, %jit3A_83 : i32
    %rem3A_88 = arith.remsi %add3A_58, %select_n3A_87 : i32
    %ne3A_89 = arith.constant 0 : i32
    %ne3A_90 = arith.cmpi ne, %rem3A_88, %ne3A_89 : i32
    %lt3A_91 = arith.constant 0 : i32
    %lt3A_92 = arith.cmpi slt, %rem3A_88, %lt3A_91 : i32
    %lt3A_93 = arith.constant 0 : i32
    %lt3A_94 = arith.cmpi slt, %select_n3A_87, %lt3A_93 : i32
    %ne3A_95 = arith.xori %lt3A_92, %lt3A_94 : i1
    %and3A_96 = arith.andi %ne3A_95, %ne3A_90 : i1
    %add3A_97 = arith.addi %rem3A_88, %select_n3A_87 : i32
    %select_n3A_98 = arith.select %and3A_96, %add3A_97, %rem3A_88 : i32
    %mul3A_99 = arith.constant 8 : i32
    %mul3A_100 = arith.muli %select_n3A_98, %mul3A_99 : i32
    %dma_wait3A = arith.constant 0 : i32
    %dma_wait3A_101 = tpu.memref_slice %arg2[%select_n3A_82, %mul3A_100, %dma_wait3A] : memref<2x8192x2048xf32, #tpu.memory_space<hbm>> -> memref<1x8x2048xf32, #tpu.memory_space<hbm>>
    %dma_wait3A_102 = tpu.memref_squeeze %dma_wait3A_101 : memref<1x8x2048xf32, #tpu.memory_space<hbm>> -> memref<8x2048xf32, #tpu.memory_space<hbm>>
    %dma_wait3A_103 = arith.constant 0 : i32
    %dma_wait3A_104 = tpu.memref_slice %arg2[%select_n3A_82, %mul3A_100, %dma_wait3A_103] : memref<2x8192x2048xf32, #tpu.memory_space<hbm>> -> memref<1x8x2048xf32, #tpu.memory_space<hbm>>
    %dma_wait3A_105 = tpu.memref_squeeze %dma_wait3A_104 : memref<1x8x2048xf32, #tpu.memory_space<hbm>> -> memref<8x2048xf32, #tpu.memory_space<hbm>>
    tpu.wait_dma2 semaphore(%arg7 : memref<!tpu.dma_semaphore, #tpu.memory_space<semaphore_mem>>) src(%dma_wait3A_105 : memref<8x2048xf32, #tpu.memory_space<hbm>>) dst(%arg4 : memref<8x2048xf32, #tpu.memory_space<vmem>>)
    "tpu.region"() ({
      %run_scoped3A = tpu.sem_alloc : memref<!tpu.dma_semaphore, #tpu.memory_space<semaphore_mem>>
      %dma_start3A_106 = arith.constant 0 : i32
      %dma_start3A_107 = tpu.memref_slice %arg3[%add3A, %dma_start3A_106] : memref<32x65536xi32, #tpu.memory_space<hbm>> -> memref<1x65536xi32, #tpu.memory_space<hbm>>
      %dma_start3A_108 = tpu.memref_squeeze %dma_start3A_107 : memref<1x65536xi32, #tpu.memory_space<hbm>> -> memref<65536xi32, #tpu.memory_space<hbm>>
      %dma_start3A_109 = arith.constant 0 : i32
      %dma_start3A_110 = tpu.memref_slice %arg3[%add3A, %dma_start3A_109] : memref<32x65536xi32, #tpu.memory_space<hbm>> -> memref<1x65536xi32, #tpu.memory_space<hbm>>
      %dma_start3A_111 = tpu.memref_squeeze %dma_start3A_110 : memref<1x65536xi32, #tpu.memory_space<hbm>> -> memref<65536xi32, #tpu.memory_space<hbm>>
      tpu.enqueue_dma source(%arg6 : memref<65536xi32, #tpu.memory_space<vmem>>) target(%dma_start3A_111 : memref<65536xi32, #tpu.memory_space<hbm>>) target_semaphore(%run_scoped3A : memref<!tpu.dma_semaphore, #tpu.memory_space<semaphore_mem>>)
      %dma_wait3A_112 = arith.constant 0 : i32
      %dma_wait3A_113 = tpu.memref_slice %arg3[%add3A, %dma_wait3A_112] : memref<32x65536xi32, #tpu.memory_space<hbm>> -> memref<1x65536xi32, #tpu.memory_space<hbm>>
      %dma_wait3A_114 = tpu.memref_squeeze %dma_wait3A_113 : memref<1x65536xi32, #tpu.memory_space<hbm>> -> memref<65536xi32, #tpu.memory_space<hbm>>
      %dma_wait3A_115 = arith.constant 0 : i32
      %dma_wait3A_116 = tpu.memref_slice %arg3[%add3A, %dma_wait3A_115] : memref<32x65536xi32, #tpu.memory_space<hbm>> -> memref<1x65536xi32, #tpu.memory_space<hbm>>
      %dma_wait3A_117 = tpu.memref_squeeze %dma_wait3A_116 : memref<1x65536xi32, #tpu.memory_space<hbm>> -> memref<65536xi32, #tpu.memory_space<hbm>>
      tpu.wait_dma2 semaphore(%run_scoped3A : memref<!tpu.dma_semaphore, #tpu.memory_space<semaphore_mem>>) src(%arg6 : memref<65536xi32, #tpu.memory_space<vmem>>) dst(%dma_wait3A_117 : memref<65536xi32, #tpu.memory_space<hbm>>)
      tpu.yield
    }) : () -> ()
    return
  }
}

module attributes {stable_mosaic.version = 14 : i64} {
  func.func @_selb_body(%arg0: i32, %arg1: memref<1x512x128xi32, #tpu.memory_space<vmem>>, %arg2: memref<1x16xi32, #tpu.memory_space<smem>>, %arg3: memref<512x128xi32, #tpu.memory_space<vmem>>) attributes {dimension_semantics = [#tpu.dimension_semantics<arbitrary>], iteration_bounds = array<i64: 32>, scalar_prefetch = 0 : i64, scratch_operands = 1 : i64, tpu.core_type = #tpu.core_type<tc>, window_params = [{transform_indices = @transform_0, window_bounds = array<i64: 1, 512, 128>}, {transform_indices = @transform_1, window_bounds = array<i64: 1, 16>}]} {
    %eq3A = arith.constant 0 : i32
    %eq3A_0 = arith.cmpi eq, %arg0, %eq3A : i32
    %convert_element_type3A = arith.extui %eq3A_0 : i1 to i32
    %cond3A = arith.constant 0 : i32
    %cond3A_1 = arith.cmpi ne, %convert_element_type3A, %cond3A : i32
    scf.if %cond3A_1 {
      %broadcast_in_dim3A = arith.constant 0 : i32
      %broadcast_in_dim3A_16 = vector.broadcast %broadcast_in_dim3A : i32 to vector<512x128xi32>
      %swap3A_17 = arith.constant 0 : index
      %swap3A_18 = arith.constant 0 : index
      %swap3A_19 = vector.load %arg3[%swap3A_17, %swap3A_18] : memref<512x128xi32, #tpu.memory_space<vmem>>, vector<512x128xi32>
      tpu.vector_store %arg3[%swap3A_17, %swap3A_18], %broadcast_in_dim3A_16 {strides = array<i32>} : memref<512x128xi32, #tpu.memory_space<vmem>>, vector<512x128xi32>,
    } else {
    }
    %get3A = arith.constant 0 : index
    %get3A_2 = arith.constant 0 : index
    %get3A_3 = vector.load %arg3[%get3A, %get3A_2] : memref<512x128xi32, #tpu.memory_space<vmem>>, vector<512x128xi32>
    %get3A_4 = arith.constant 0 : index
    %get3A_5 = arith.constant 0 : index
    %get3A_6 = arith.constant 0 : index
    %get3A_7 = vector.load %arg1[%get3A_4, %get3A_5, %get3A_6] : memref<1x512x128xi32, #tpu.memory_space<vmem>>, vector<1x512x128xi32>
    %get3A_8 = vector.shape_cast %get3A_7 : vector<1x512x128xi32> to vector<512x128xi32>
    %add3A = arith.addi %get3A_3, %get3A_8 : vector<512x128xi32>
    %swap3A = arith.constant 0 : index
    %swap3A_9 = arith.constant 0 : index
    %swap3A_10 = vector.load %arg3[%swap3A, %swap3A_9] : memref<512x128xi32, #tpu.memory_space<vmem>>, vector<512x128xi32>
    tpu.vector_store %arg3[%swap3A, %swap3A_9], %add3A {strides = array<i32>} : memref<512x128xi32, #tpu.memory_space<vmem>>, vector<512x128xi32>,
    %eq3A_11 = arith.constant 31 : i32
    %eq3A_12 = arith.cmpi eq, %arg0, %eq3A_11 : i32
    %convert_element_type3A_13 = arith.extui %eq3A_12 : i1 to i32
    %cond3A_14 = arith.constant 0 : i32
    %cond3A_15 = arith.cmpi ne, %convert_element_type3A_13, %cond3A_14 : i32
    scf.if %cond3A_15 {
      %get3A_16 = arith.constant 0 : index
      %get3A_17 = arith.constant 0 : index
      %get3A_18 = vector.load %arg3[%get3A_16, %get3A_17] : memref<512x128xi32, #tpu.memory_space<vmem>>, vector<512x128xi32>
      %roll3A = arith.constant 1 : i32
      %roll3A_19 = tpu.dynamic_rotate %get3A_18 by %roll3A dim 1 : vector<512x128xi32>, i32 -> vector<512x128xi32>
      %iota3A = tpu.iota {dimensions = array<i32: 1>} : vector<512x128xi32>
      %ge3A = arith.constant 1 : i32
      %ge3A_20 = vector.broadcast %ge3A : i32 to vector<512x128xi32>
      %ge3A_21 = arith.cmpi sge, %iota3A, %ge3A_20 : vector<512x128xi32>
      %jit3A = arith.constant 0 : i32
      %broadcast_in_dim3A = vector.broadcast %jit3A : i32 to vector<512x128xi32>
      %select_n3A = arith.select %ge3A_21, %roll3A_19, %broadcast_in_dim3A : vector<512x128xi1>, vector<512x128xi32>
      %add3A_22 = arith.addi %get3A_18, %select_n3A : vector<512x128xi32>
      %roll3A_23 = arith.constant 2 : i32
      %roll3A_24 = tpu.dynamic_rotate %add3A_22 by %roll3A_23 dim 1 : vector<512x128xi32>, i32 -> vector<512x128xi32>
      %iota3A_25 = tpu.iota {dimensions = array<i32: 1>} : vector<512x128xi32>
      %ge3A_26 = arith.constant 2 : i32
      %ge3A_27 = vector.broadcast %ge3A_26 : i32 to vector<512x128xi32>
      %ge3A_28 = arith.cmpi sge, %iota3A_25, %ge3A_27 : vector<512x128xi32>
      %jit3A_29 = arith.constant 0 : i32
      %broadcast_in_dim3A_30 = vector.broadcast %jit3A_29 : i32 to vector<512x128xi32>
      %select_n3A_31 = arith.select %ge3A_28, %roll3A_24, %broadcast_in_dim3A_30 : vector<512x128xi1>, vector<512x128xi32>
      %add3A_32 = arith.addi %add3A_22, %select_n3A_31 : vector<512x128xi32>
      %roll3A_33 = arith.constant 4 : i32
      %roll3A_34 = tpu.dynamic_rotate %add3A_32 by %roll3A_33 dim 1 : vector<512x128xi32>, i32 -> vector<512x128xi32>
      %iota3A_35 = tpu.iota {dimensions = array<i32: 1>} : vector<512x128xi32>
      %ge3A_36 = arith.constant 4 : i32
      %ge3A_37 = vector.broadcast %ge3A_36 : i32 to vector<512x128xi32>
      %ge3A_38 = arith.cmpi sge, %iota3A_35, %ge3A_37 : vector<512x128xi32>
      %jit3A_39 = arith.constant 0 : i32
      %broadcast_in_dim3A_40 = vector.broadcast %jit3A_39 : i32 to vector<512x128xi32>
      %select_n3A_41 = arith.select %ge3A_38, %roll3A_34, %broadcast_in_dim3A_40 : vector<512x128xi1>, vector<512x128xi32>
      %add3A_42 = arith.addi %add3A_32, %select_n3A_41 : vector<512x128xi32>
      %roll3A_43 = arith.constant 8 : i32
      %roll3A_44 = tpu.dynamic_rotate %add3A_42 by %roll3A_43 dim 1 : vector<512x128xi32>, i32 -> vector<512x128xi32>
      %iota3A_45 = tpu.iota {dimensions = array<i32: 1>} : vector<512x128xi32>
      %ge3A_46 = arith.constant 8 : i32
      %ge3A_47 = vector.broadcast %ge3A_46 : i32 to vector<512x128xi32>
      %ge3A_48 = arith.cmpi sge, %iota3A_45, %ge3A_47 : vector<512x128xi32>
      %jit3A_49 = arith.constant 0 : i32
      %broadcast_in_dim3A_50 = vector.broadcast %jit3A_49 : i32 to vector<512x128xi32>
      %select_n3A_51 = arith.select %ge3A_48, %roll3A_44, %broadcast_in_dim3A_50 : vector<512x128xi1>, vector<512x128xi32>
      %add3A_52 = arith.addi %add3A_42, %select_n3A_51 : vector<512x128xi32>
      %roll3A_53 = arith.constant 16 : i32
      %roll3A_54 = tpu.dynamic_rotate %add3A_52 by %roll3A_53 dim 1 : vector<512x128xi32>, i32 -> vector<512x128xi32>
      %iota3A_55 = tpu.iota {dimensions = array<i32: 1>} : vector<512x128xi32>
      %ge3A_56 = arith.constant 16 : i32
      %ge3A_57 = vector.broadcast %ge3A_56 : i32 to vector<512x128xi32>
      %ge3A_58 = arith.cmpi sge, %iota3A_55, %ge3A_57 : vector<512x128xi32>
      %jit3A_59 = arith.constant 0 : i32
      %broadcast_in_dim3A_60 = vector.broadcast %jit3A_59 : i32 to vector<512x128xi32>
      %select_n3A_61 = arith.select %ge3A_58, %roll3A_54, %broadcast_in_dim3A_60 : vector<512x128xi1>, vector<512x128xi32>
      %add3A_62 = arith.addi %add3A_52, %select_n3A_61 : vector<512x128xi32>
      %roll3A_63 = arith.constant 32 : i32
      %roll3A_64 = tpu.dynamic_rotate %add3A_62 by %roll3A_63 dim 1 : vector<512x128xi32>, i32 -> vector<512x128xi32>
      %iota3A_65 = tpu.iota {dimensions = array<i32: 1>} : vector<512x128xi32>
      %ge3A_66 = arith.constant 32 : i32
      %ge3A_67 = vector.broadcast %ge3A_66 : i32 to vector<512x128xi32>
      %ge3A_68 = arith.cmpi sge, %iota3A_65, %ge3A_67 : vector<512x128xi32>
      %jit3A_69 = arith.constant 0 : i32
      %broadcast_in_dim3A_70 = vector.broadcast %jit3A_69 : i32 to vector<512x128xi32>
      %select_n3A_71 = arith.select %ge3A_68, %roll3A_64, %broadcast_in_dim3A_70 : vector<512x128xi1>, vector<512x128xi32>
      %add3A_72 = arith.addi %add3A_62, %select_n3A_71 : vector<512x128xi32>
      %roll3A_73 = arith.constant 64 : i32
      %roll3A_74 = tpu.dynamic_rotate %add3A_72 by %roll3A_73 dim 1 : vector<512x128xi32>, i32 -> vector<512x128xi32>
      %iota3A_75 = tpu.iota {dimensions = array<i32: 1>} : vector<512x128xi32>
      %ge3A_76 = arith.constant 64 : i32
      %ge3A_77 = vector.broadcast %ge3A_76 : i32 to vector<512x128xi32>
      %ge3A_78 = arith.cmpi sge, %iota3A_75, %ge3A_77 : vector<512x128xi32>
      %jit3A_79 = arith.constant 0 : i32
      %broadcast_in_dim3A_80 = vector.broadcast %jit3A_79 : i32 to vector<512x128xi32>
      %select_n3A_81 = arith.select %ge3A_78, %roll3A_74, %broadcast_in_dim3A_80 : vector<512x128xi1>, vector<512x128xi32>
      %add3A_82 = arith.addi %add3A_72, %select_n3A_81 : vector<512x128xi32>
      %slice3A = vector.extract_strided_slice %add3A_82 {offsets = [0, 127], sizes = [512, 1], strides = [1, 1]} : vector<512x128xi32> to vector<512x1xi32>
      %broadcast_in_dim3A_83 = vector.shape_cast %slice3A : vector<512x1xi32> to vector<512x1xi32>
      %broadcast_in_dim3A_84 = vector.broadcast %broadcast_in_dim3A_83 : vector<512x1xi32> to vector<512x128xi32>
      %roll3A_85 = arith.constant 1 : i32
      %roll3A_86 = tpu.dynamic_rotate %broadcast_in_dim3A_84 by %roll3A_85 dim 0 : vector<512x128xi32>, i32 -> vector<512x128xi32>
      %iota3A_87 = tpu.iota {dimensions = array<i32: 0>} : vector<512x128xi32>
      %ge3A_88 = arith.constant 1 : i32
      %ge3A_89 = vector.broadcast %ge3A_88 : i32 to vector<512x128xi32>
      %ge3A_90 = arith.cmpi sge, %iota3A_87, %ge3A_89 : vector<512x128xi32>
      %jit3A_91 = arith.constant 0 : i32
      %broadcast_in_dim3A_92 = vector.broadcast %jit3A_91 : i32 to vector<512x128xi32>
      %select_n3A_93 = arith.select %ge3A_90, %roll3A_86, %broadcast_in_dim3A_92 : vector<512x128xi1>, vector<512x128xi32>
      %add3A_94 = arith.addi %broadcast_in_dim3A_84, %select_n3A_93 : vector<512x128xi32>
      %roll3A_95 = arith.constant 2 : i32
      %roll3A_96 = tpu.dynamic_rotate %add3A_94 by %roll3A_95 dim 0 : vector<512x128xi32>, i32 -> vector<512x128xi32>
      %iota3A_97 = tpu.iota {dimensions = array<i32: 0>} : vector<512x128xi32>
      %ge3A_98 = arith.constant 2 : i32
      %ge3A_99 = vector.broadcast %ge3A_98 : i32 to vector<512x128xi32>
      %ge3A_100 = arith.cmpi sge, %iota3A_97, %ge3A_99 : vector<512x128xi32>
      %jit3A_101 = arith.constant 0 : i32
      %broadcast_in_dim3A_102 = vector.broadcast %jit3A_101 : i32 to vector<512x128xi32>
      %select_n3A_103 = arith.select %ge3A_100, %roll3A_96, %broadcast_in_dim3A_102 : vector<512x128xi1>, vector<512x128xi32>
      %add3A_104 = arith.addi %add3A_94, %select_n3A_103 : vector<512x128xi32>
      %roll3A_105 = arith.constant 4 : i32
      %roll3A_106 = tpu.dynamic_rotate %add3A_104 by %roll3A_105 dim 0 : vector<512x128xi32>, i32 -> vector<512x128xi32>
      %iota3A_107 = tpu.iota {dimensions = array<i32: 0>} : vector<512x128xi32>
      %ge3A_108 = arith.constant 4 : i32
      %ge3A_109 = vector.broadcast %ge3A_108 : i32 to vector<512x128xi32>
      %ge3A_110 = arith.cmpi sge, %iota3A_107, %ge3A_109 : vector<512x128xi32>
      %jit3A_111 = arith.constant 0 : i32
      %broadcast_in_dim3A_112 = vector.broadcast %jit3A_111 : i32 to vector<512x128xi32>
      %select_n3A_113 = arith.select %ge3A_110, %roll3A_106, %broadcast_in_dim3A_112 : vector<512x128xi1>, vector<512x128xi32>
      %add3A_114 = arith.addi %add3A_104, %select_n3A_113 : vector<512x128xi32>
      %roll3A_115 = arith.constant 8 : i32
      %roll3A_116 = tpu.dynamic_rotate %add3A_114 by %roll3A_115 dim 0 : vector<512x128xi32>, i32 -> vector<512x128xi32>
      %iota3A_117 = tpu.iota {dimensions = array<i32: 0>} : vector<512x128xi32>
      %ge3A_118 = arith.constant 8 : i32
      %ge3A_119 = vector.broadcast %ge3A_118 : i32 to vector<512x128xi32>
      %ge3A_120 = arith.cmpi sge, %iota3A_117, %ge3A_119 : vector<512x128xi32>
      %jit3A_121 = arith.constant 0 : i32
      %broadcast_in_dim3A_122 = vector.broadcast %jit3A_121 : i32 to vector<512x128xi32>
      %select_n3A_123 = arith.select %ge3A_120, %roll3A_116, %broadcast_in_dim3A_122 : vector<512x128xi1>, vector<512x128xi32>
      %add3A_124 = arith.addi %add3A_114, %select_n3A_123 : vector<512x128xi32>
      %roll3A_125 = arith.constant 16 : i32
      %roll3A_126 = tpu.dynamic_rotate %add3A_124 by %roll3A_125 dim 0 : vector<512x128xi32>, i32 -> vector<512x128xi32>
      %iota3A_127 = tpu.iota {dimensions = array<i32: 0>} : vector<512x128xi32>
      %ge3A_128 = arith.constant 16 : i32
      %ge3A_129 = vector.broadcast %ge3A_128 : i32 to vector<512x128xi32>
      %ge3A_130 = arith.cmpi sge, %iota3A_127, %ge3A_129 : vector<512x128xi32>
      %jit3A_131 = arith.constant 0 : i32
      %broadcast_in_dim3A_132 = vector.broadcast %jit3A_131 : i32 to vector<512x128xi32>
      %select_n3A_133 = arith.select %ge3A_130, %roll3A_126, %broadcast_in_dim3A_132 : vector<512x128xi1>, vector<512x128xi32>
      %add3A_134 = arith.addi %add3A_124, %select_n3A_133 : vector<512x128xi32>
      %roll3A_135 = arith.constant 32 : i32
      %roll3A_136 = tpu.dynamic_rotate %add3A_134 by %roll3A_135 dim 0 : vector<512x128xi32>, i32 -> vector<512x128xi32>
      %iota3A_137 = tpu.iota {dimensions = array<i32: 0>} : vector<512x128xi32>
      %ge3A_138 = arith.constant 32 : i32
      %ge3A_139 = vector.broadcast %ge3A_138 : i32 to vector<512x128xi32>
      %ge3A_140 = arith.cmpi sge, %iota3A_137, %ge3A_139 : vector<512x128xi32>
      %jit3A_141 = arith.constant 0 : i32
      %broadcast_in_dim3A_142 = vector.broadcast %jit3A_141 : i32 to vector<512x128xi32>
      %select_n3A_143 = arith.select %ge3A_140, %roll3A_136, %broadcast_in_dim3A_142 : vector<512x128xi1>, vector<512x128xi32>
      %add3A_144 = arith.addi %add3A_134, %select_n3A_143 : vector<512x128xi32>
      %roll3A_145 = arith.constant 64 : i32
      %roll3A_146 = tpu.dynamic_rotate %add3A_144 by %roll3A_145 dim 0 : vector<512x128xi32>, i32 -> vector<512x128xi32>
      %iota3A_147 = tpu.iota {dimensions = array<i32: 0>} : vector<512x128xi32>
      %ge3A_148 = arith.constant 64 : i32
      %ge3A_149 = vector.broadcast %ge3A_148 : i32 to vector<512x128xi32>
      %ge3A_150 = arith.cmpi sge, %iota3A_147, %ge3A_149 : vector<512x128xi32>
      %jit3A_151 = arith.constant 0 : i32
      %broadcast_in_dim3A_152 = vector.broadcast %jit3A_151 : i32 to vector<512x128xi32>
      %select_n3A_153 = arith.select %ge3A_150, %roll3A_146, %broadcast_in_dim3A_152 : vector<512x128xi1>, vector<512x128xi32>
      %add3A_154 = arith.addi %add3A_144, %select_n3A_153 : vector<512x128xi32>
      %roll3A_155 = arith.constant 128 : i32
      %roll3A_156 = tpu.dynamic_rotate %add3A_154 by %roll3A_155 dim 0 : vector<512x128xi32>, i32 -> vector<512x128xi32>
      %iota3A_157 = tpu.iota {dimensions = array<i32: 0>} : vector<512x128xi32>
      %ge3A_158 = arith.constant 128 : i32
      %ge3A_159 = vector.broadcast %ge3A_158 : i32 to vector<512x128xi32>
      %ge3A_160 = arith.cmpi sge, %iota3A_157, %ge3A_159 : vector<512x128xi32>
      %jit3A_161 = arith.constant 0 : i32
      %broadcast_in_dim3A_162 = vector.broadcast %jit3A_161 : i32 to vector<512x128xi32>
      %select_n3A_163 = arith.select %ge3A_160, %roll3A_156, %broadcast_in_dim3A_162 : vector<512x128xi1>, vector<512x128xi32>
      %add3A_164 = arith.addi %add3A_154, %select_n3A_163 : vector<512x128xi32>
      %roll3A_165 = arith.constant 256 : i32
      %roll3A_166 = tpu.dynamic_rotate %add3A_164 by %roll3A_165 dim 0 : vector<512x128xi32>, i32 -> vector<512x128xi32>
      %iota3A_167 = tpu.iota {dimensions = array<i32: 0>} : vector<512x128xi32>
      %ge3A_168 = arith.constant 256 : i32
      %ge3A_169 = vector.broadcast %ge3A_168 : i32 to vector<512x128xi32>
      %ge3A_170 = arith.cmpi sge, %iota3A_167, %ge3A_169 : vector<512x128xi32>
      %jit3A_171 = arith.constant 0 : i32
      %broadcast_in_dim3A_172 = vector.broadcast %jit3A_171 : i32 to vector<512x128xi32>
      %select_n3A_173 = arith.select %ge3A_170, %roll3A_166, %broadcast_in_dim3A_172 : vector<512x128xi1>, vector<512x128xi32>
      %add3A_174 = arith.addi %add3A_164, %select_n3A_173 : vector<512x128xi32>
      %add3A_175 = arith.addi %add3A_82, %add3A_174 : vector<512x128xi32>
      %sub3A = arith.subi %add3A_175, %broadcast_in_dim3A_84 : vector<512x128xi32>
      %iota3A_176 = tpu.iota {dimensions = array<i32: 1>} : vector<512x128xi32>
      %iota3A_177 = tpu.iota {dimensions = array<i32: 0>} : vector<512x128xi32>
      %and3A = arith.constant 15 : i32
      %and3A_178 = vector.broadcast %and3A : i32 to vector<512x128xi32>
      %and3A_179 = arith.andi %iota3A_176, %and3A_178 : vector<512x128xi32>
      %eq3A_180 = arith.constant 15 : i32
      %eq3A_181 = vector.broadcast %eq3A_180 : i32 to vector<512x128xi32>
      %eq3A_182 = arith.cmpi eq, %and3A_179, %eq3A_181 : vector<512x128xi32>
      %mul3A = arith.constant 8 : i32
      %mul3A_183 = vector.broadcast %mul3A : i32 to vector<512x128xi32>
      %mul3A_184 = arith.muli %iota3A_177, %mul3A_183 : vector<512x128xi32>
      %shift_right_arithmetic3A = arith.constant 4 : i32
      %shift_right_arithmetic3A_185 = vector.broadcast %shift_right_arithmetic3A : i32 to vector<512x128xi32>
      %shift_right_arithmetic3A_186 = arith.shrsi %iota3A_176, %shift_right_arithmetic3A_185 : vector<512x128xi32>
      %add3A_187 = arith.addi %mul3A_184, %shift_right_arithmetic3A_186 : vector<512x128xi32>
      %le3A = arith.constant 1677721 : i32
      %le3A_188 = vector.broadcast %le3A : i32 to vector<512x128xi32>
      %le3A_189 = arith.cmpi sle, %sub3A, %le3A_188 : vector<512x128xi32>
      %and3A_190 = arith.andi %eq3A_182, %le3A_189 : vector<512x128xi1>
      %jit3A_191 = arith.constant 1 : i32
      %jit3A_192 = arith.constant 0 : i32
      %broadcast_in_dim3A_193 = vector.broadcast %jit3A_191 : i32 to vector<512x128xi32>
      %broadcast_in_dim3A_194 = vector.broadcast %jit3A_192 : i32 to vector<512x128xi32>
      %select_n3A_195 = arith.select %and3A_190, %broadcast_in_dim3A_193, %broadcast_in_dim3A_194 : vector<512x128xi1>, vector<512x128xi32>
      %reduce_sum3A = vector.shape_cast %select_n3A_195 : vector<512x128xi32> to vector<1x512x128xi32>
      %reduce_sum3A_196 = arith.constant dense<0> : vector<1xi32>
      %reduce_sum3A_197 = vector.multi_reduction <add>, %reduce_sum3A, %reduce_sum3A_196 [1, 2] : vector<1x512x128xi32> to vector<1xi32>
      %reduce_sum3A_198 = vector.shape_cast %reduce_sum3A_197 : vector<1xi32> to vector<1x1x1xi32>
      %reduce_sum3A_199 = vector.extract %reduce_sum3A_198[0, 0, 0] : i32 from vector<1x1x1xi32>
      %lt3A = vector.broadcast %reduce_sum3A_199 : i32 to vector<512x128xi32>
      %lt3A_200 = arith.cmpi slt, %add3A_187, %lt3A : vector<512x128xi32>
      %jit3A_201 = arith.constant 0 : i32
      %broadcast_in_dim3A_202 = vector.broadcast %jit3A_201 : i32 to vector<512x128xi32>
      %select_n3A_203 = arith.select %lt3A_200, %get3A_18, %broadcast_in_dim3A_202 : vector<512x128xi1>, vector<512x128xi32>
      %reduce_sum3A_204 = vector.shape_cast %select_n3A_203 : vector<512x128xi32> to vector<1x512x128xi32>
      %reduce_sum3A_205 = arith.constant dense<0> : vector<1xi32>
      %reduce_sum3A_206 = vector.multi_reduction <add>, %reduce_sum3A_204, %reduce_sum3A_205 [1, 2] : vector<1x512x128xi32> to vector<1xi32>
      %reduce_sum3A_207 = vector.shape_cast %reduce_sum3A_206 : vector<1xi32> to vector<1x1x1xi32>
      %reduce_sum3A_208 = vector.extract %reduce_sum3A_207[0, 0, 0] : i32 from vector<1x1x1xi32>
      %sub3A_209 = arith.constant 2048 : i32
      %sub3A_210 = arith.subi %reduce_sum3A_199, %sub3A_209 : i32
      %swap3A_211 = arith.constant 0 : index
      %swap3A_212 = arith.constant 0 : index
      %swap3A_213 = memref.load %arg2[%swap3A_211, %swap3A_212] : memref<1x16xi32, #tpu.memory_space<smem>>
      memref.store %sub3A_210, %arg2[%swap3A_211, %swap3A_212] : memref<1x16xi32, #tpu.memory_space<smem>>
      %sub3A_214 = arith.constant 1677721 : i32
      %sub3A_215 = arith.subi %sub3A_214, %reduce_sum3A_208 : i32
      %swap3A_216 = arith.constant 0 : index
      %swap3A_217 = arith.constant 4 : index
      %swap3A_218 = memref.load %arg2[%swap3A_216, %swap3A_217] : memref<1x16xi32, #tpu.memory_space<smem>>
      memref.store %sub3A_215, %arg2[%swap3A_216, %swap3A_217] : memref<1x16xi32, #tpu.memory_space<smem>>
      %le3A_219 = arith.constant 1677722 : i32
      %le3A_220 = vector.broadcast %le3A_219 : i32 to vector<512x128xi32>
      %le3A_221 = arith.cmpi sle, %sub3A, %le3A_220 : vector<512x128xi32>
      %and3A_222 = arith.andi %eq3A_182, %le3A_221 : vector<512x128xi1>
      %jit3A_223 = arith.constant 1 : i32
      %jit3A_224 = arith.constant 0 : i32
      %broadcast_in_dim3A_225 = vector.broadcast %jit3A_223 : i32 to vector<512x128xi32>
      %broadcast_in_dim3A_226 = vector.broadcast %jit3A_224 : i32 to vector<512x128xi32>
      %select_n3A_227 = arith.select %and3A_222, %broadcast_in_dim3A_225, %broadcast_in_dim3A_226 : vector<512x128xi1>, vector<512x128xi32>
      %reduce_sum3A_228 = vector.shape_cast %select_n3A_227 : vector<512x128xi32> to vector<1x512x128xi32>
      %reduce_sum3A_229 = arith.constant dense<0> : vector<1xi32>
      %reduce_sum3A_230 = vector.multi_reduction <add>, %reduce_sum3A_228, %reduce_sum3A_229 [1, 2] : vector<1x512x128xi32> to vector<1xi32>
      %reduce_sum3A_231 = vector.shape_cast %reduce_sum3A_230 : vector<1xi32> to vector<1x1x1xi32>
      %reduce_sum3A_232 = vector.extract %reduce_sum3A_231[0, 0, 0] : i32 from vector<1x1x1xi32>
      %lt3A_233 = vector.broadcast %reduce_sum3A_232 : i32 to vector<512x128xi32>
      %lt3A_234 = arith.cmpi slt, %add3A_187, %lt3A_233 : vector<512x128xi32>
      %jit3A_235 = arith.constant 0 : i32
      %broadcast_in_dim3A_236 = vector.broadcast %jit3A_235 : i32 to vector<512x128xi32>
      %select_n3A_237 = arith.select %lt3A_234, %get3A_18, %broadcast_in_dim3A_236 : vector<512x128xi1>, vector<512x128xi32>
      %reduce_sum3A_238 = vector.shape_cast %select_n3A_237 : vector<512x128xi32> to vector<1x512x128xi32>
      %reduce_sum3A_239 = arith.constant dense<0> : vector<1xi32>
      %reduce_sum3A_240 = vector.multi_reduction <add>, %reduce_sum3A_238, %reduce_sum3A_239 [1, 2] : vector<1x512x128xi32> to vector<1xi32>
      %reduce_sum3A_241 = vector.shape_cast %reduce_sum3A_240 : vector<1xi32> to vector<1x1x1xi32>
      %reduce_sum3A_242 = vector.extract %reduce_sum3A_241[0, 0, 0] : i32 from vector<1x1x1xi32>
      %sub3A_243 = arith.constant 2048 : i32
      %sub3A_244 = arith.subi %reduce_sum3A_232, %sub3A_243 : i32
      %swap3A_245 = arith.constant 0 : index
      %swap3A_246 = arith.constant 1 : index
      %swap3A_247 = memref.load %arg2[%swap3A_245, %swap3A_246] : memref<1x16xi32, #tpu.memory_space<smem>>
      memref.store %sub3A_244, %arg2[%swap3A_245, %swap3A_246] : memref<1x16xi32, #tpu.memory_space<smem>>
      %sub3A_248 = arith.constant 1677722 : i32
      %sub3A_249 = arith.subi %sub3A_248, %reduce_sum3A_242 : i32
      %swap3A_250 = arith.constant 0 : index
      %swap3A_251 = arith.constant 5 : index
      %swap3A_252 = memref.load %arg2[%swap3A_250, %swap3A_251] : memref<1x16xi32, #tpu.memory_space<smem>>
      memref.store %sub3A_249, %arg2[%swap3A_250, %swap3A_251] : memref<1x16xi32, #tpu.memory_space<smem>>
      %le3A_253 = arith.constant 31876710 : i32
      %le3A_254 = vector.broadcast %le3A_253 : i32 to vector<512x128xi32>
      %le3A_255 = arith.cmpi sle, %sub3A, %le3A_254 : vector<512x128xi32>
      %and3A_256 = arith.andi %eq3A_182, %le3A_255 : vector<512x128xi1>
      %jit3A_257 = arith.constant 1 : i32
      %jit3A_258 = arith.constant 0 : i32
      %broadcast_in_dim3A_259 = vector.broadcast %jit3A_257 : i32 to vector<512x128xi32>
      %broadcast_in_dim3A_260 = vector.broadcast %jit3A_258 : i32 to vector<512x128xi32>
      %select_n3A_261 = arith.select %and3A_256, %broadcast_in_dim3A_259, %broadcast_in_dim3A_260 : vector<512x128xi1>, vector<512x128xi32>
      %reduce_sum3A_262 = vector.shape_cast %select_n3A_261 : vector<512x128xi32> to vector<1x512x128xi32>
      %reduce_sum3A_263 = arith.constant dense<0> : vector<1xi32>
      %reduce_sum3A_264 = vector.multi_reduction <add>, %reduce_sum3A_262, %reduce_sum3A_263 [1, 2] : vector<1x512x128xi32> to vector<1xi32>
      %reduce_sum3A_265 = vector.shape_cast %reduce_sum3A_264 : vector<1xi32> to vector<1x1x1xi32>
      %reduce_sum3A_266 = vector.extract %reduce_sum3A_265[0, 0, 0] : i32 from vector<1x1x1xi32>
      %lt3A_267 = vector.broadcast %reduce_sum3A_266 : i32 to vector<512x128xi32>
      %lt3A_268 = arith.cmpi slt, %add3A_187, %lt3A_267 : vector<512x128xi32>
      %jit3A_269 = arith.constant 0 : i32
      %broadcast_in_dim3A_270 = vector.broadcast %jit3A_269 : i32 to vector<512x128xi32>
      %select_n3A_271 = arith.select %lt3A_268, %get3A_18, %broadcast_in_dim3A_270 : vector<512x128xi1>, vector<512x128xi32>
      %reduce_sum3A_272 = vector.shape_cast %select_n3A_271 : vector<512x128xi32> to vector<1x512x128xi32>
      %reduce_sum3A_273 = arith.constant dense<0> : vector<1xi32>
      %reduce_sum3A_274 = vector.multi_reduction <add>, %reduce_sum3A_272, %reduce_sum3A_273 [1, 2] : vector<1x512x128xi32> to vector<1xi32>
      %reduce_sum3A_275 = vector.shape_cast %reduce_sum3A_274 : vector<1xi32> to vector<1x1x1xi32>
      %reduce_sum3A_276 = vector.extract %reduce_sum3A_275[0, 0, 0] : i32 from vector<1x1x1xi32>
      %sub3A_277 = arith.constant 2048 : i32
      %sub3A_278 = arith.subi %reduce_sum3A_266, %sub3A_277 : i32
      %swap3A_279 = arith.constant 0 : index
      %swap3A_280 = arith.constant 2 : index
      %swap3A_281 = memref.load %arg2[%swap3A_279, %swap3A_280] : memref<1x16xi32, #tpu.memory_space<smem>>
      memref.store %sub3A_278, %arg2[%swap3A_279, %swap3A_280] : memref<1x16xi32, #tpu.memory_space<smem>>
      %sub3A_282 = arith.constant 31876710 : i32
      %sub3A_283 = arith.subi %sub3A_282, %reduce_sum3A_276 : i32
      %swap3A_284 = arith.constant 0 : index
      %swap3A_285 = arith.constant 6 : index
      %swap3A_286 = memref.load %arg2[%swap3A_284, %swap3A_285] : memref<1x16xi32, #tpu.memory_space<smem>>
      memref.store %sub3A_283, %arg2[%swap3A_284, %swap3A_285] : memref<1x16xi32, #tpu.memory_space<smem>>
      %le3A_287 = arith.constant 31876710 : i32
      %le3A_288 = vector.broadcast %le3A_287 : i32 to vector<512x128xi32>
      %le3A_289 = arith.cmpi sle, %sub3A, %le3A_288 : vector<512x128xi32>
      %and3A_290 = arith.andi %eq3A_182, %le3A_289 : vector<512x128xi1>
      %jit3A_291 = arith.constant 1 : i32
      %jit3A_292 = arith.constant 0 : i32
      %broadcast_in_dim3A_293 = vector.broadcast %jit3A_291 : i32 to vector<512x128xi32>
      %broadcast_in_dim3A_294 = vector.broadcast %jit3A_292 : i32 to vector<512x128xi32>
      %select_n3A_295 = arith.select %and3A_290, %broadcast_in_dim3A_293, %broadcast_in_dim3A_294 : vector<512x128xi1>, vector<512x128xi32>
      %reduce_sum3A_296 = vector.shape_cast %select_n3A_295 : vector<512x128xi32> to vector<1x512x128xi32>
      %reduce_sum3A_297 = arith.constant dense<0> : vector<1xi32>
      %reduce_sum3A_298 = vector.multi_reduction <add>, %reduce_sum3A_296, %reduce_sum3A_297 [1, 2] : vector<1x512x128xi32> to vector<1xi32>
      %reduce_sum3A_299 = vector.shape_cast %reduce_sum3A_298 : vector<1xi32> to vector<1x1x1xi32>
      %reduce_sum3A_300 = vector.extract %reduce_sum3A_299[0, 0, 0] : i32 from vector<1x1x1xi32>
      %lt3A_301 = vector.broadcast %reduce_sum3A_300 : i32 to vector<512x128xi32>
      %lt3A_302 = arith.cmpi slt, %add3A_187, %lt3A_301 : vector<512x128xi32>
      %jit3A_303 = arith.constant 0 : i32
      %broadcast_in_dim3A_304 = vector.broadcast %jit3A_303 : i32 to vector<512x128xi32>
      %select_n3A_305 = arith.select %lt3A_302, %get3A_18, %broadcast_in_dim3A_304 : vector<512x128xi1>, vector<512x128xi32>
      %reduce_sum3A_306 = vector.shape_cast %select_n3A_305 : vector<512x128xi32> to vector<1x512x128xi32>
      %reduce_sum3A_307 = arith.constant dense<0> : vector<1xi32>
      %reduce_sum3A_308 = vector.multi_reduction <add>, %reduce_sum3A_306, %reduce_sum3A_307 [1, 2] : vector<1x512x128xi32> to vector<1xi32>
      %reduce_sum3A_309 = vector.shape_cast %reduce_sum3A_308 : vector<1xi32> to vector<1x1x1xi32>
      %reduce_sum3A_310 = vector.extract %reduce_sum3A_309[0, 0, 0] : i32 from vector<1x1x1xi32>
      %sub3A_311 = arith.constant 2048 : i32
      %sub3A_312 = arith.subi %reduce_sum3A_300, %sub3A_311 : i32
      %swap3A_313 = arith.constant 0 : index
      %swap3A_314 = arith.constant 3 : index
      %swap3A_315 = memref.load %arg2[%swap3A_313, %swap3A_314] : memref<1x16xi32, #tpu.memory_space<smem>>
      memref.store %sub3A_312, %arg2[%swap3A_313, %swap3A_314] : memref<1x16xi32, #tpu.memory_space<smem>>
      %sub3A_316 = arith.constant 31876710 : i32
      %sub3A_317 = arith.subi %sub3A_316, %reduce_sum3A_310 : i32
      %swap3A_318 = arith.constant 0 : index
      %swap3A_319 = arith.constant 7 : index
      %swap3A_320 = memref.load %arg2[%swap3A_318, %swap3A_319] : memref<1x16xi32, #tpu.memory_space<smem>>
      memref.store %sub3A_317, %arg2[%swap3A_318, %swap3A_319] : memref<1x16xi32, #tpu.memory_space<smem>>
      %reduce_sum3A_321 = vector.shape_cast %get3A_18 : vector<512x128xi32> to vector<1x512x128xi32>
      %reduce_sum3A_322 = arith.constant dense<0> : vector<1xi32>
      %reduce_sum3A_323 = vector.multi_reduction <add>, %reduce_sum3A_321, %reduce_sum3A_322 [1, 2] : vector<1x512x128xi32> to vector<1xi32>
      %reduce_sum3A_324 = vector.shape_cast %reduce_sum3A_323 : vector<1xi32> to vector<1x1x1xi32>
      %reduce_sum3A_325 = vector.extract %reduce_sum3A_324[0, 0, 0] : i32 from vector<1x1x1xi32>
      %swap3A_326 = arith.constant 0 : index
      %swap3A_327 = arith.constant 8 : index
      %swap3A_328 = memref.load %arg2[%swap3A_326, %swap3A_327] : memref<1x16xi32, #tpu.memory_space<smem>>
      memref.store %reduce_sum3A_325, %arg2[%swap3A_326, %swap3A_327] : memref<1x16xi32, #tpu.memory_space<smem>>
      %swap3A_329 = arith.constant 0 : i32
      %swap3A_330 = arith.constant 0 : index
      %swap3A_331 = arith.constant 9 : index
      %swap3A_332 = memref.load %arg2[%swap3A_330, %swap3A_331] : memref<1x16xi32, #tpu.memory_space<smem>>
      memref.store %swap3A_329, %arg2[%swap3A_330, %swap3A_331] : memref<1x16xi32, #tpu.memory_space<smem>>
      %swap3A_333 = arith.constant 0 : i32
      %swap3A_334 = arith.constant 0 : index
      %swap3A_335 = arith.constant 10 : index
      %swap3A_336 = memref.load %arg2[%swap3A_334, %swap3A_335] : memref<1x16xi32, #tpu.memory_space<smem>>
      memref.store %swap3A_333, %arg2[%swap3A_334, %swap3A_335] : memref<1x16xi32, #tpu.memory_space<smem>>
      %swap3A_337 = arith.constant 0 : i32
      %swap3A_338 = arith.constant 0 : index
      %swap3A_339 = arith.constant 11 : index
      %swap3A_340 = memref.load %arg2[%swap3A_338, %swap3A_339] : memref<1x16xi32, #tpu.memory_space<smem>>
      memref.store %swap3A_337, %arg2[%swap3A_338, %swap3A_339] : memref<1x16xi32, #tpu.memory_space<smem>>
      %swap3A_341 = arith.constant 0 : i32
      %swap3A_342 = arith.constant 0 : index
      %swap3A_343 = arith.constant 12 : index
      %swap3A_344 = memref.load %arg2[%swap3A_342, %swap3A_343] : memref<1x16xi32, #tpu.memory_space<smem>>
      memref.store %swap3A_341, %arg2[%swap3A_342, %swap3A_343] : memref<1x16xi32, #tpu.memory_space<smem>>
      %swap3A_345 = arith.constant 0 : i32
      %swap3A_346 = arith.constant 0 : index
      %swap3A_347 = arith.constant 13 : index
      %swap3A_348 = memref.load %arg2[%swap3A_346, %swap3A_347] : memref<1x16xi32, #tpu.memory_space<smem>>
      memref.store %swap3A_345, %arg2[%swap3A_346, %swap3A_347] : memref<1x16xi32, #tpu.memory_space<smem>>
      %swap3A_349 = arith.constant 0 : i32
      %swap3A_350 = arith.constant 0 : index
      %swap3A_351 = arith.constant 14 : index
      %swap3A_352 = memref.load %arg2[%swap3A_350, %swap3A_351] : memref<1x16xi32, #tpu.memory_space<smem>>
      memref.store %swap3A_349, %arg2[%swap3A_350, %swap3A_351] : memref<1x16xi32, #tpu.memory_space<smem>>
      %swap3A_353 = arith.constant 0 : i32
      %swap3A_354 = arith.constant 0 : index
      %swap3A_355 = arith.constant 15 : index
      %swap3A_356 = memref.load %arg2[%swap3A_354, %swap3A_355] : memref<1x16xi32, #tpu.memory_space<smem>>
      memref.store %swap3A_353, %arg2[%swap3A_354, %swap3A_355] : memref<1x16xi32, #tpu.memory_space<smem>>
    } else {
    }
    return
  }
  func.func @transform_0(%arg0: i32) -> (i32, i32, i32) {
    %c0_i32 = arith.constant 0 : i32
    %c0_i32_0 = arith.constant 0 : i32
    %c0_i32_1 = arith.constant 0 : i32
    return %arg0, %c0_i32, %c0_i32_0 : i32, i32, i32
  }
  func.func @transform_1(%arg0: i32) -> (i32, i32) {
    %c0_i32 = arith.constant 0 : i32
    %c0_i32_0 = arith.constant 0 : i32
    %c0_i32_1 = arith.constant 0 : i32
    return %c0_i32, %c0_i32_0 : i32, i32
  }
}

module attributes {stable_mosaic.version = 14 : i64} {
  func.func @_seld_body(%arg0: i32, %arg1: memref<1x1x16384xi32, #tpu.memory_space<vmem>>, %arg2: memref<1x16xi32, #tpu.memory_space<smem>>, %arg3: memref<1x2xf32, #tpu.memory_space<smem>>, %arg4: memref<1x2xf32, #tpu.memory_space<smem>>, %arg5: memref<1x16384xi32, #tpu.memory_space<vmem>>) attributes {dimension_semantics = [#tpu.dimension_semantics<arbitrary>], iteration_bounds = array<i64: 32>, scalar_prefetch = 0 : i64, scratch_operands = 1 : i64, tpu.core_type = #tpu.core_type<tc>, window_params = [{transform_indices = @transform_0, window_bounds = array<i64: 1, 1, 16384>}, {transform_indices = @transform_1, window_bounds = array<i64: 1, 16>}, {transform_indices = @transform_2, window_bounds = array<i64: 1, 2>}, {transform_indices = @transform_3, window_bounds = array<i64: 1, 2>}]} {
    %eq3A = arith.constant 0 : i32
    %eq3A_0 = arith.cmpi eq, %arg0, %eq3A : i32
    %convert_element_type3A = arith.extui %eq3A_0 : i1 to i32
    %cond3A = arith.constant 0 : i32
    %cond3A_1 = arith.cmpi ne, %convert_element_type3A, %cond3A : i32
    scf.if %cond3A_1 {
      %broadcast_in_dim3A = arith.constant 0 : i32
      %broadcast_in_dim3A_16 = vector.broadcast %broadcast_in_dim3A : i32 to vector<1x16384xi32>
      %swap3A_17 = arith.constant 0 : index
      %swap3A_18 = arith.constant 0 : index
      %swap3A_19 = vector.load %arg5[%swap3A_17, %swap3A_18] : memref<1x16384xi32, #tpu.memory_space<vmem>>, vector<1x16384xi32>
      tpu.vector_store %arg5[%swap3A_17, %swap3A_18], %broadcast_in_dim3A_16 {strides = array<i32>} : memref<1x16384xi32, #tpu.memory_space<vmem>>, vector<1x16384xi32>,
    } else {
    }
    %get3A = arith.constant 0 : index
    %get3A_2 = arith.constant 0 : index
    %get3A_3 = vector.load %arg5[%get3A, %get3A_2] : memref<1x16384xi32, #tpu.memory_space<vmem>>, vector<1x16384xi32>
    %get3A_4 = arith.constant 0 : index
    %get3A_5 = arith.constant 0 : index
    %get3A_6 = arith.constant 0 : index
    %get3A_7 = vector.load %arg1[%get3A_4, %get3A_5, %get3A_6] : memref<1x1x16384xi32, #tpu.memory_space<vmem>>, vector<1x1x16384xi32>
    %get3A_8 = vector.shape_cast %get3A_7 : vector<1x1x16384xi32> to vector<1x16384xi32>
    %add3A = arith.addi %get3A_3, %get3A_8 : vector<1x16384xi32>
    %swap3A = arith.constant 0 : index
    %swap3A_9 = arith.constant 0 : index
    %swap3A_10 = vector.load %arg5[%swap3A, %swap3A_9] : memref<1x16384xi32, #tpu.memory_space<vmem>>, vector<1x16384xi32>
    tpu.vector_store %arg5[%swap3A, %swap3A_9], %add3A {strides = array<i32>} : memref<1x16384xi32, #tpu.memory_space<vmem>>, vector<1x16384xi32>,
    %eq3A_11 = arith.constant 31 : i32
    %eq3A_12 = arith.cmpi eq, %arg0, %eq3A_11 : i32
    %convert_element_type3A_13 = arith.extui %eq3A_12 : i1 to i32
    %cond3A_14 = arith.constant 0 : i32
    %cond3A_15 = arith.cmpi ne, %convert_element_type3A_13, %cond3A_14 : i32
    scf.if %cond3A_15 {
      %get3A_16 = arith.constant 0 : index
      %get3A_17 = arith.constant 0 : index
      %get3A_18 = vector.load %arg5[%get3A_16, %get3A_17] : memref<1x16384xi32, #tpu.memory_space<vmem>>, vector<1x4096xi32>
      %roll3A = arith.constant 1 : i32
      %roll3A_19 = tpu.dynamic_rotate %get3A_18 by %roll3A dim 1 : vector<1x4096xi32>, i32 -> vector<1x4096xi32>
      %iota3A = tpu.iota {dimensions = array<i32: 1>} : vector<1x4096xi32>
      %ge3A = arith.constant 1 : i32
      %ge3A_20 = vector.broadcast %ge3A : i32 to vector<1x4096xi32>
      %ge3A_21 = arith.cmpi sge, %iota3A, %ge3A_20 : vector<1x4096xi32>
      %jit3A = arith.constant 0 : i32
      %broadcast_in_dim3A = vector.broadcast %jit3A : i32 to vector<1x4096xi32>
      %select_n3A = arith.select %ge3A_21, %roll3A_19, %broadcast_in_dim3A : vector<1x4096xi1>, vector<1x4096xi32>
      %add3A_22 = arith.addi %get3A_18, %select_n3A : vector<1x4096xi32>
      %roll3A_23 = arith.constant 2 : i32
      %roll3A_24 = tpu.dynamic_rotate %add3A_22 by %roll3A_23 dim 1 : vector<1x4096xi32>, i32 -> vector<1x4096xi32>
      %iota3A_25 = tpu.iota {dimensions = array<i32: 1>} : vector<1x4096xi32>
      %ge3A_26 = arith.constant 2 : i32
      %ge3A_27 = vector.broadcast %ge3A_26 : i32 to vector<1x4096xi32>
      %ge3A_28 = arith.cmpi sge, %iota3A_25, %ge3A_27 : vector<1x4096xi32>
      %jit3A_29 = arith.constant 0 : i32
      %broadcast_in_dim3A_30 = vector.broadcast %jit3A_29 : i32 to vector<1x4096xi32>
      %select_n3A_31 = arith.select %ge3A_28, %roll3A_24, %broadcast_in_dim3A_30 : vector<1x4096xi1>, vector<1x4096xi32>
      %add3A_32 = arith.addi %add3A_22, %select_n3A_31 : vector<1x4096xi32>
      %roll3A_33 = arith.constant 4 : i32
      %roll3A_34 = tpu.dynamic_rotate %add3A_32 by %roll3A_33 dim 1 : vector<1x4096xi32>, i32 -> vector<1x4096xi32>
      %iota3A_35 = tpu.iota {dimensions = array<i32: 1>} : vector<1x4096xi32>
      %ge3A_36 = arith.constant 4 : i32
      %ge3A_37 = vector.broadcast %ge3A_36 : i32 to vector<1x4096xi32>
      %ge3A_38 = arith.cmpi sge, %iota3A_35, %ge3A_37 : vector<1x4096xi32>
      %jit3A_39 = arith.constant 0 : i32
      %broadcast_in_dim3A_40 = vector.broadcast %jit3A_39 : i32 to vector<1x4096xi32>
      %select_n3A_41 = arith.select %ge3A_38, %roll3A_34, %broadcast_in_dim3A_40 : vector<1x4096xi1>, vector<1x4096xi32>
      %add3A_42 = arith.addi %add3A_32, %select_n3A_41 : vector<1x4096xi32>
      %roll3A_43 = arith.constant 8 : i32
      %roll3A_44 = tpu.dynamic_rotate %add3A_42 by %roll3A_43 dim 1 : vector<1x4096xi32>, i32 -> vector<1x4096xi32>
      %iota3A_45 = tpu.iota {dimensions = array<i32: 1>} : vector<1x4096xi32>
      %ge3A_46 = arith.constant 8 : i32
      %ge3A_47 = vector.broadcast %ge3A_46 : i32 to vector<1x4096xi32>
      %ge3A_48 = arith.cmpi sge, %iota3A_45, %ge3A_47 : vector<1x4096xi32>
      %jit3A_49 = arith.constant 0 : i32
      %broadcast_in_dim3A_50 = vector.broadcast %jit3A_49 : i32 to vector<1x4096xi32>
      %select_n3A_51 = arith.select %ge3A_48, %roll3A_44, %broadcast_in_dim3A_50 : vector<1x4096xi1>, vector<1x4096xi32>
      %add3A_52 = arith.addi %add3A_42, %select_n3A_51 : vector<1x4096xi32>
      %roll3A_53 = arith.constant 16 : i32
      %roll3A_54 = tpu.dynamic_rotate %add3A_52 by %roll3A_53 dim 1 : vector<1x4096xi32>, i32 -> vector<1x4096xi32>
      %iota3A_55 = tpu.iota {dimensions = array<i32: 1>} : vector<1x4096xi32>
      %ge3A_56 = arith.constant 16 : i32
      %ge3A_57 = vector.broadcast %ge3A_56 : i32 to vector<1x4096xi32>
      %ge3A_58 = arith.cmpi sge, %iota3A_55, %ge3A_57 : vector<1x4096xi32>
      %jit3A_59 = arith.constant 0 : i32
      %broadcast_in_dim3A_60 = vector.broadcast %jit3A_59 : i32 to vector<1x4096xi32>
      %select_n3A_61 = arith.select %ge3A_58, %roll3A_54, %broadcast_in_dim3A_60 : vector<1x4096xi1>, vector<1x4096xi32>
      %add3A_62 = arith.addi %add3A_52, %select_n3A_61 : vector<1x4096xi32>
      %roll3A_63 = arith.constant 32 : i32
      %roll3A_64 = tpu.dynamic_rotate %add3A_62 by %roll3A_63 dim 1 : vector<1x4096xi32>, i32 -> vector<1x4096xi32>
      %iota3A_65 = tpu.iota {dimensions = array<i32: 1>} : vector<1x4096xi32>
      %ge3A_66 = arith.constant 32 : i32
      %ge3A_67 = vector.broadcast %ge3A_66 : i32 to vector<1x4096xi32>
      %ge3A_68 = arith.cmpi sge, %iota3A_65, %ge3A_67 : vector<1x4096xi32>
      %jit3A_69 = arith.constant 0 : i32
      %broadcast_in_dim3A_70 = vector.broadcast %jit3A_69 : i32 to vector<1x4096xi32>
      %select_n3A_71 = arith.select %ge3A_68, %roll3A_64, %broadcast_in_dim3A_70 : vector<1x4096xi1>, vector<1x4096xi32>
      %add3A_72 = arith.addi %add3A_62, %select_n3A_71 : vector<1x4096xi32>
      %roll3A_73 = arith.constant 64 : i32
      %roll3A_74 = tpu.dynamic_rotate %add3A_72 by %roll3A_73 dim 1 : vector<1x4096xi32>, i32 -> vector<1x4096xi32>
      %iota3A_75 = tpu.iota {dimensions = array<i32: 1>} : vector<1x4096xi32>
      %ge3A_76 = arith.constant 64 : i32
      %ge3A_77 = vector.broadcast %ge3A_76 : i32 to vector<1x4096xi32>
      %ge3A_78 = arith.cmpi sge, %iota3A_75, %ge3A_77 : vector<1x4096xi32>
      %jit3A_79 = arith.constant 0 : i32
      %broadcast_in_dim3A_80 = vector.broadcast %jit3A_79 : i32 to vector<1x4096xi32>
      %select_n3A_81 = arith.select %ge3A_78, %roll3A_74, %broadcast_in_dim3A_80 : vector<1x4096xi1>, vector<1x4096xi32>
      %add3A_82 = arith.addi %add3A_72, %select_n3A_81 : vector<1x4096xi32>
      %roll3A_83 = arith.constant 128 : i32
      %roll3A_84 = tpu.dynamic_rotate %add3A_82 by %roll3A_83 dim 1 : vector<1x4096xi32>, i32 -> vector<1x4096xi32>
      %iota3A_85 = tpu.iota {dimensions = array<i32: 1>} : vector<1x4096xi32>
      %ge3A_86 = arith.constant 128 : i32
      %ge3A_87 = vector.broadcast %ge3A_86 : i32 to vector<1x4096xi32>
      %ge3A_88 = arith.cmpi sge, %iota3A_85, %ge3A_87 : vector<1x4096xi32>
      %jit3A_89 = arith.constant 0 : i32
      %broadcast_in_dim3A_90 = vector.broadcast %jit3A_89 : i32 to vector<1x4096xi32>
      %select_n3A_91 = arith.select %ge3A_88, %roll3A_84, %broadcast_in_dim3A_90 : vector<1x4096xi1>, vector<1x4096xi32>
      %add3A_92 = arith.addi %add3A_82, %select_n3A_91 : vector<1x4096xi32>
      %roll3A_93 = arith.constant 256 : i32
      %roll3A_94 = tpu.dynamic_rotate %add3A_92 by %roll3A_93 dim 1 : vector<1x4096xi32>, i32 -> vector<1x4096xi32>
      %iota3A_95 = tpu.iota {dimensions = array<i32: 1>} : vector<1x4096xi32>
      %ge3A_96 = arith.constant 256 : i32
      %ge3A_97 = vector.broadcast %ge3A_96 : i32 to vector<1x4096xi32>
      %ge3A_98 = arith.cmpi sge, %iota3A_95, %ge3A_97 : vector<1x4096xi32>
      %jit3A_99 = arith.constant 0 : i32
      %broadcast_in_dim3A_100 = vector.broadcast %jit3A_99 : i32 to vector<1x4096xi32>
      %select_n3A_101 = arith.select %ge3A_98, %roll3A_94, %broadcast_in_dim3A_100 : vector<1x4096xi1>, vector<1x4096xi32>
      %add3A_102 = arith.addi %add3A_92, %select_n3A_101 : vector<1x4096xi32>
      %roll3A_103 = arith.constant 512 : i32
      %roll3A_104 = tpu.dynamic_rotate %add3A_102 by %roll3A_103 dim 1 : vector<1x4096xi32>, i32 -> vector<1x4096xi32>
      %iota3A_105 = tpu.iota {dimensions = array<i32: 1>} : vector<1x4096xi32>
      %ge3A_106 = arith.constant 512 : i32
      %ge3A_107 = vector.broadcast %ge3A_106 : i32 to vector<1x4096xi32>
      %ge3A_108 = arith.cmpi sge, %iota3A_105, %ge3A_107 : vector<1x4096xi32>
      %jit3A_109 = arith.constant 0 : i32
      %broadcast_in_dim3A_110 = vector.broadcast %jit3A_109 : i32 to vector<1x4096xi32>
      %select_n3A_111 = arith.select %ge3A_108, %roll3A_104, %broadcast_in_dim3A_110 : vector<1x4096xi1>, vector<1x4096xi32>
      %add3A_112 = arith.addi %add3A_102, %select_n3A_111 : vector<1x4096xi32>
      %roll3A_113 = arith.constant 1024 : i32
      %roll3A_114 = tpu.dynamic_rotate %add3A_112 by %roll3A_113 dim 1 : vector<1x4096xi32>, i32 -> vector<1x4096xi32>
      %iota3A_115 = tpu.iota {dimensions = array<i32: 1>} : vector<1x4096xi32>
      %ge3A_116 = arith.constant 1024 : i32
      %ge3A_117 = vector.broadcast %ge3A_116 : i32 to vector<1x4096xi32>
      %ge3A_118 = arith.cmpi sge, %iota3A_115, %ge3A_117 : vector<1x4096xi32>
      %jit3A_119 = arith.constant 0 : i32
      %broadcast_in_dim3A_120 = vector.broadcast %jit3A_119 : i32 to vector<1x4096xi32>
      %select_n3A_121 = arith.select %ge3A_118, %roll3A_114, %broadcast_in_dim3A_120 : vector<1x4096xi1>, vector<1x4096xi32>
      %add3A_122 = arith.addi %add3A_112, %select_n3A_121 : vector<1x4096xi32>
      %roll3A_123 = arith.constant 2048 : i32
      %roll3A_124 = tpu.dynamic_rotate %add3A_122 by %roll3A_123 dim 1 : vector<1x4096xi32>, i32 -> vector<1x4096xi32>
      %iota3A_125 = tpu.iota {dimensions = array<i32: 1>} : vector<1x4096xi32>
      %ge3A_126 = arith.constant 2048 : i32
      %ge3A_127 = vector.broadcast %ge3A_126 : i32 to vector<1x4096xi32>
      %ge3A_128 = arith.cmpi sge, %iota3A_125, %ge3A_127 : vector<1x4096xi32>
      %jit3A_129 = arith.constant 0 : i32
      %broadcast_in_dim3A_130 = vector.broadcast %jit3A_129 : i32 to vector<1x4096xi32>
      %select_n3A_131 = arith.select %ge3A_128, %roll3A_124, %broadcast_in_dim3A_130 : vector<1x4096xi1>, vector<1x4096xi32>
      %add3A_132 = arith.addi %add3A_122, %select_n3A_131 : vector<1x4096xi32>
      %slice3A = vector.extract_strided_slice %add3A_132 {offsets = [0, 4095], sizes = [1, 1], strides = [1, 1]} : vector<1x4096xi32> to vector<1x1xi32>
      %broadcast_in_dim3A_133 = vector.shape_cast %slice3A : vector<1x1xi32> to vector<1x1xi32>
      %broadcast_in_dim3A_134 = vector.broadcast %broadcast_in_dim3A_133 : vector<1x1xi32> to vector<1x4096xi32>
      %add3A_135 = arith.addi %add3A_132, %broadcast_in_dim3A_134 : vector<1x4096xi32>
      %sub3A = arith.subi %add3A_135, %broadcast_in_dim3A_134 : vector<1x4096xi32>
      %iota3A_136 = tpu.iota {dimensions = array<i32: 1>} : vector<1x4096xi32>
      %and3A = arith.constant 15 : i32
      %and3A_137 = vector.broadcast %and3A : i32 to vector<1x4096xi32>
      %and3A_138 = arith.andi %iota3A_136, %and3A_137 : vector<1x4096xi32>
      %eq3A_139 = arith.constant 15 : i32
      %eq3A_140 = vector.broadcast %eq3A_139 : i32 to vector<1x4096xi32>
      %eq3A_141 = arith.cmpi eq, %and3A_138, %eq3A_140 : vector<1x4096xi32>
      %get3A_142 = arith.constant 0 : index
      %get3A_143 = arith.constant 4 : index
      %get3A_144 = memref.load %arg2[%get3A_142, %get3A_143] : memref<1x16xi32, #tpu.memory_space<smem>>
      %le3A = vector.broadcast %get3A_144 : i32 to vector<1x4096xi32>
      %le3A_145 = arith.cmpi sle, %sub3A, %le3A : vector<1x4096xi32>
      %and3A_146 = arith.andi %eq3A_141, %le3A_145 : vector<1x4096xi1>
      %jit3A_147 = arith.constant 1 : i32
      %jit3A_148 = arith.constant 0 : i32
      %broadcast_in_dim3A_149 = vector.broadcast %jit3A_147 : i32 to vector<1x4096xi32>
      %broadcast_in_dim3A_150 = vector.broadcast %jit3A_148 : i32 to vector<1x4096xi32>
      %select_n3A_151 = arith.select %and3A_146, %broadcast_in_dim3A_149, %broadcast_in_dim3A_150 : vector<1x4096xi1>, vector<1x4096xi32>
      %reduce_sum3A = vector.shape_cast %select_n3A_151 : vector<1x4096xi32> to vector<1x1x4096xi32>
      %reduce_sum3A_152 = arith.constant dense<0> : vector<1xi32>
      %reduce_sum3A_153 = vector.multi_reduction <add>, %reduce_sum3A, %reduce_sum3A_152 [1, 2] : vector<1x1x4096xi32> to vector<1xi32>
      %reduce_sum3A_154 = vector.shape_cast %reduce_sum3A_153 : vector<1xi32> to vector<1x1x1xi32>
      %reduce_sum3A_155 = vector.extract %reduce_sum3A_154[0, 0, 0] : i32 from vector<1x1x1xi32>
      %get3A_156 = arith.constant 0 : index
      %get3A_157 = arith.constant 0 : index
      %get3A_158 = memref.load %arg2[%get3A_156, %get3A_157] : memref<1x16xi32, #tpu.memory_space<smem>>
      %shift_left3A = arith.constant 20 : i32
      %shift_left3A_159 = arith.shli %get3A_158, %shift_left3A : i32
      %shift_left3A_160 = arith.constant 12 : i32
      %shift_left3A_161 = arith.shli %reduce_sum3A_155, %shift_left3A_160 : i32
      %or3A = arith.ori %shift_left3A_159, %shift_left3A_161 : i32
      %or3A_162 = arith.constant 2048 : i32
      %or3A_163 = arith.ori %or3A, %or3A_162 : i32
      %ge3A_164 = arith.constant 0 : i32
      %ge3A_165 = arith.cmpi sge, %or3A_163, %ge3A_164 : i32
      %xor3A = arith.constant 2147483647 : i32
      %xor3A_166 = arith.xori %or3A_163, %xor3A : i32
      %select_n3A_167 = arith.select %ge3A_165, %or3A_163, %xor3A_166 : i32
      %bitcast_convert_type3A = arith.bitcast %select_n3A_167 : i32 to f32
      %get3A_168 = arith.constant 0 : index
      %get3A_169 = arith.constant 4096 : index
      %get3A_170 = vector.load %arg5[%get3A_168, %get3A_169] : memref<1x16384xi32, #tpu.memory_space<vmem>>, vector<1x4096xi32>
      %roll3A_171 = arith.constant 1 : i32
      %roll3A_172 = tpu.dynamic_rotate %get3A_170 by %roll3A_171 dim 1 : vector<1x4096xi32>, i32 -> vector<1x4096xi32>
      %iota3A_173 = tpu.iota {dimensions = array<i32: 1>} : vector<1x4096xi32>
      %ge3A_174 = arith.constant 1 : i32
      %ge3A_175 = vector.broadcast %ge3A_174 : i32 to vector<1x4096xi32>
      %ge3A_176 = arith.cmpi sge, %iota3A_173, %ge3A_175 : vector<1x4096xi32>
      %jit3A_177 = arith.constant 0 : i32
      %broadcast_in_dim3A_178 = vector.broadcast %jit3A_177 : i32 to vector<1x4096xi32>
      %select_n3A_179 = arith.select %ge3A_176, %roll3A_172, %broadcast_in_dim3A_178 : vector<1x4096xi1>, vector<1x4096xi32>
      %add3A_180 = arith.addi %get3A_170, %select_n3A_179 : vector<1x4096xi32>
      %roll3A_181 = arith.constant 2 : i32
      %roll3A_182 = tpu.dynamic_rotate %add3A_180 by %roll3A_181 dim 1 : vector<1x4096xi32>, i32 -> vector<1x4096xi32>
      %iota3A_183 = tpu.iota {dimensions = array<i32: 1>} : vector<1x4096xi32>
      %ge3A_184 = arith.constant 2 : i32
      %ge3A_185 = vector.broadcast %ge3A_184 : i32 to vector<1x4096xi32>
      %ge3A_186 = arith.cmpi sge, %iota3A_183, %ge3A_185 : vector<1x4096xi32>
      %jit3A_187 = arith.constant 0 : i32
      %broadcast_in_dim3A_188 = vector.broadcast %jit3A_187 : i32 to vector<1x4096xi32>
      %select_n3A_189 = arith.select %ge3A_186, %roll3A_182, %broadcast_in_dim3A_188 : vector<1x4096xi1>, vector<1x4096xi32>
      %add3A_190 = arith.addi %add3A_180, %select_n3A_189 : vector<1x4096xi32>
      %roll3A_191 = arith.constant 4 : i32
      %roll3A_192 = tpu.dynamic_rotate %add3A_190 by %roll3A_191 dim 1 : vector<1x4096xi32>, i32 -> vector<1x4096xi32>
      %iota3A_193 = tpu.iota {dimensions = array<i32: 1>} : vector<1x4096xi32>
      %ge3A_194 = arith.constant 4 : i32
      %ge3A_195 = vector.broadcast %ge3A_194 : i32 to vector<1x4096xi32>
      %ge3A_196 = arith.cmpi sge, %iota3A_193, %ge3A_195 : vector<1x4096xi32>
      %jit3A_197 = arith.constant 0 : i32
      %broadcast_in_dim3A_198 = vector.broadcast %jit3A_197 : i32 to vector<1x4096xi32>
      %select_n3A_199 = arith.select %ge3A_196, %roll3A_192, %broadcast_in_dim3A_198 : vector<1x4096xi1>, vector<1x4096xi32>
      %add3A_200 = arith.addi %add3A_190, %select_n3A_199 : vector<1x4096xi32>
      %roll3A_201 = arith.constant 8 : i32
      %roll3A_202 = tpu.dynamic_rotate %add3A_200 by %roll3A_201 dim 1 : vector<1x4096xi32>, i32 -> vector<1x4096xi32>
      %iota3A_203 = tpu.iota {dimensions = array<i32: 1>} : vector<1x4096xi32>
      %ge3A_204 = arith.constant 8 : i32
      %ge3A_205 = vector.broadcast %ge3A_204 : i32 to vector<1x4096xi32>
      %ge3A_206 = arith.cmpi sge, %iota3A_203, %ge3A_205 : vector<1x4096xi32>
      %jit3A_207 = arith.constant 0 : i32
      %broadcast_in_dim3A_208 = vector.broadcast %jit3A_207 : i32 to vector<1x4096xi32>
      %select_n3A_209 = arith.select %ge3A_206, %roll3A_202, %broadcast_in_dim3A_208 : vector<1x4096xi1>, vector<1x4096xi32>
      %add3A_210 = arith.addi %add3A_200, %select_n3A_209 : vector<1x4096xi32>
      %roll3A_211 = arith.constant 16 : i32
      %roll3A_212 = tpu.dynamic_rotate %add3A_210 by %roll3A_211 dim 1 : vector<1x4096xi32>, i32 -> vector<1x4096xi32>
      %iota3A_213 = tpu.iota {dimensions = array<i32: 1>} : vector<1x4096xi32>
      %ge3A_214 = arith.constant 16 : i32
      %ge3A_215 = vector.broadcast %ge3A_214 : i32 to vector<1x4096xi32>
      %ge3A_216 = arith.cmpi sge, %iota3A_213, %ge3A_215 : vector<1x4096xi32>
      %jit3A_217 = arith.constant 0 : i32
      %broadcast_in_dim3A_218 = vector.broadcast %jit3A_217 : i32 to vector<1x4096xi32>
      %select_n3A_219 = arith.select %ge3A_216, %roll3A_212, %broadcast_in_dim3A_218 : vector<1x4096xi1>, vector<1x4096xi32>
      %add3A_220 = arith.addi %add3A_210, %select_n3A_219 : vector<1x4096xi32>
      %roll3A_221 = arith.constant 32 : i32
      %roll3A_222 = tpu.dynamic_rotate %add3A_220 by %roll3A_221 dim 1 : vector<1x4096xi32>, i32 -> vector<1x4096xi32>
      %iota3A_223 = tpu.iota {dimensions = array<i32: 1>} : vector<1x4096xi32>
      %ge3A_224 = arith.constant 32 : i32
      %ge3A_225 = vector.broadcast %ge3A_224 : i32 to vector<1x4096xi32>
      %ge3A_226 = arith.cmpi sge, %iota3A_223, %ge3A_225 : vector<1x4096xi32>
      %jit3A_227 = arith.constant 0 : i32
      %broadcast_in_dim3A_228 = vector.broadcast %jit3A_227 : i32 to vector<1x4096xi32>
      %select_n3A_229 = arith.select %ge3A_226, %roll3A_222, %broadcast_in_dim3A_228 : vector<1x4096xi1>, vector<1x4096xi32>
      %add3A_230 = arith.addi %add3A_220, %select_n3A_229 : vector<1x4096xi32>
      %roll3A_231 = arith.constant 64 : i32
      %roll3A_232 = tpu.dynamic_rotate %add3A_230 by %roll3A_231 dim 1 : vector<1x4096xi32>, i32 -> vector<1x4096xi32>
      %iota3A_233 = tpu.iota {dimensions = array<i32: 1>} : vector<1x4096xi32>
      %ge3A_234 = arith.constant 64 : i32
      %ge3A_235 = vector.broadcast %ge3A_234 : i32 to vector<1x4096xi32>
      %ge3A_236 = arith.cmpi sge, %iota3A_233, %ge3A_235 : vector<1x4096xi32>
      %jit3A_237 = arith.constant 0 : i32
      %broadcast_in_dim3A_238 = vector.broadcast %jit3A_237 : i32 to vector<1x4096xi32>
      %select_n3A_239 = arith.select %ge3A_236, %roll3A_232, %broadcast_in_dim3A_238 : vector<1x4096xi1>, vector<1x4096xi32>
      %add3A_240 = arith.addi %add3A_230, %select_n3A_239 : vector<1x4096xi32>
      %roll3A_241 = arith.constant 128 : i32
      %roll3A_242 = tpu.dynamic_rotate %add3A_240 by %roll3A_241 dim 1 : vector<1x4096xi32>, i32 -> vector<1x4096xi32>
      %iota3A_243 = tpu.iota {dimensions = array<i32: 1>} : vector<1x4096xi32>
      %ge3A_244 = arith.constant 128 : i32
      %ge3A_245 = vector.broadcast %ge3A_244 : i32 to vector<1x4096xi32>
      %ge3A_246 = arith.cmpi sge, %iota3A_243, %ge3A_245 : vector<1x4096xi32>
      %jit3A_247 = arith.constant 0 : i32
      %broadcast_in_dim3A_248 = vector.broadcast %jit3A_247 : i32 to vector<1x4096xi32>
      %select_n3A_249 = arith.select %ge3A_246, %roll3A_242, %broadcast_in_dim3A_248 : vector<1x4096xi1>, vector<1x4096xi32>
      %add3A_250 = arith.addi %add3A_240, %select_n3A_249 : vector<1x4096xi32>
      %roll3A_251 = arith.constant 256 : i32
      %roll3A_252 = tpu.dynamic_rotate %add3A_250 by %roll3A_251 dim 1 : vector<1x4096xi32>, i32 -> vector<1x4096xi32>
      %iota3A_253 = tpu.iota {dimensions = array<i32: 1>} : vector<1x4096xi32>
      %ge3A_254 = arith.constant 256 : i32
      %ge3A_255 = vector.broadcast %ge3A_254 : i32 to vector<1x4096xi32>
      %ge3A_256 = arith.cmpi sge, %iota3A_253, %ge3A_255 : vector<1x4096xi32>
      %jit3A_257 = arith.constant 0 : i32
      %broadcast_in_dim3A_258 = vector.broadcast %jit3A_257 : i32 to vector<1x4096xi32>
      %select_n3A_259 = arith.select %ge3A_256, %roll3A_252, %broadcast_in_dim3A_258 : vector<1x4096xi1>, vector<1x4096xi32>
      %add3A_260 = arith.addi %add3A_250, %select_n3A_259 : vector<1x4096xi32>
      %roll3A_261 = arith.constant 512 : i32
      %roll3A_262 = tpu.dynamic_rotate %add3A_260 by %roll3A_261 dim 1 : vector<1x4096xi32>, i32 -> vector<1x4096xi32>
      %iota3A_263 = tpu.iota {dimensions = array<i32: 1>} : vector<1x4096xi32>
      %ge3A_264 = arith.constant 512 : i32
      %ge3A_265 = vector.broadcast %ge3A_264 : i32 to vector<1x4096xi32>
      %ge3A_266 = arith.cmpi sge, %iota3A_263, %ge3A_265 : vector<1x4096xi32>
      %jit3A_267 = arith.constant 0 : i32
      %broadcast_in_dim3A_268 = vector.broadcast %jit3A_267 : i32 to vector<1x4096xi32>
      %select_n3A_269 = arith.select %ge3A_266, %roll3A_262, %broadcast_in_dim3A_268 : vector<1x4096xi1>, vector<1x4096xi32>
      %add3A_270 = arith.addi %add3A_260, %select_n3A_269 : vector<1x4096xi32>
      %roll3A_271 = arith.constant 1024 : i32
      %roll3A_272 = tpu.dynamic_rotate %add3A_270 by %roll3A_271 dim 1 : vector<1x4096xi32>, i32 -> vector<1x4096xi32>
      %iota3A_273 = tpu.iota {dimensions = array<i32: 1>} : vector<1x4096xi32>
      %ge3A_274 = arith.constant 1024 : i32
      %ge3A_275 = vector.broadcast %ge3A_274 : i32 to vector<1x4096xi32>
      %ge3A_276 = arith.cmpi sge, %iota3A_273, %ge3A_275 : vector<1x4096xi32>
      %jit3A_277 = arith.constant 0 : i32
      %broadcast_in_dim3A_278 = vector.broadcast %jit3A_277 : i32 to vector<1x4096xi32>
      %select_n3A_279 = arith.select %ge3A_276, %roll3A_272, %broadcast_in_dim3A_278 : vector<1x4096xi1>, vector<1x4096xi32>
      %add3A_280 = arith.addi %add3A_270, %select_n3A_279 : vector<1x4096xi32>
      %roll3A_281 = arith.constant 2048 : i32
      %roll3A_282 = tpu.dynamic_rotate %add3A_280 by %roll3A_281 dim 1 : vector<1x4096xi32>, i32 -> vector<1x4096xi32>
      %iota3A_283 = tpu.iota {dimensions = array<i32: 1>} : vector<1x4096xi32>
      %ge3A_284 = arith.constant 2048 : i32
      %ge3A_285 = vector.broadcast %ge3A_284 : i32 to vector<1x4096xi32>
      %ge3A_286 = arith.cmpi sge, %iota3A_283, %ge3A_285 : vector<1x4096xi32>
      %jit3A_287 = arith.constant 0 : i32
      %broadcast_in_dim3A_288 = vector.broadcast %jit3A_287 : i32 to vector<1x4096xi32>
      %select_n3A_289 = arith.select %ge3A_286, %roll3A_282, %broadcast_in_dim3A_288 : vector<1x4096xi1>, vector<1x4096xi32>
      %add3A_290 = arith.addi %add3A_280, %select_n3A_289 : vector<1x4096xi32>
      %slice3A_291 = vector.extract_strided_slice %add3A_290 {offsets = [0, 4095], sizes = [1, 1], strides = [1, 1]} : vector<1x4096xi32> to vector<1x1xi32>
      %broadcast_in_dim3A_292 = vector.shape_cast %slice3A_291 : vector<1x1xi32> to vector<1x1xi32>
      %broadcast_in_dim3A_293 = vector.broadcast %broadcast_in_dim3A_292 : vector<1x1xi32> to vector<1x4096xi32>
      %add3A_294 = arith.addi %add3A_290, %broadcast_in_dim3A_293 : vector<1x4096xi32>
      %sub3A_295 = arith.subi %add3A_294, %broadcast_in_dim3A_293 : vector<1x4096xi32>
      %iota3A_296 = tpu.iota {dimensions = array<i32: 1>} : vector<1x4096xi32>
      %and3A_297 = arith.constant 15 : i32
      %and3A_298 = vector.broadcast %and3A_297 : i32 to vector<1x4096xi32>
      %and3A_299 = arith.andi %iota3A_296, %and3A_298 : vector<1x4096xi32>
      %eq3A_300 = arith.constant 15 : i32
      %eq3A_301 = vector.broadcast %eq3A_300 : i32 to vector<1x4096xi32>
      %eq3A_302 = arith.cmpi eq, %and3A_299, %eq3A_301 : vector<1x4096xi32>
      %get3A_303 = arith.constant 0 : index
      %get3A_304 = arith.constant 5 : index
      %get3A_305 = memref.load %arg2[%get3A_303, %get3A_304] : memref<1x16xi32, #tpu.memory_space<smem>>
      %le3A_306 = vector.broadcast %get3A_305 : i32 to vector<1x4096xi32>
      %le3A_307 = arith.cmpi sle, %sub3A_295, %le3A_306 : vector<1x4096xi32>
      %and3A_308 = arith.andi %eq3A_302, %le3A_307 : vector<1x4096xi1>
      %jit3A_309 = arith.constant 1 : i32
      %jit3A_310 = arith.constant 0 : i32
      %broadcast_in_dim3A_311 = vector.broadcast %jit3A_309 : i32 to vector<1x4096xi32>
      %broadcast_in_dim3A_312 = vector.broadcast %jit3A_310 : i32 to vector<1x4096xi32>
      %select_n3A_313 = arith.select %and3A_308, %broadcast_in_dim3A_311, %broadcast_in_dim3A_312 : vector<1x4096xi1>, vector<1x4096xi32>
      %reduce_sum3A_314 = vector.shape_cast %select_n3A_313 : vector<1x4096xi32> to vector<1x1x4096xi32>
      %reduce_sum3A_315 = arith.constant dense<0> : vector<1xi32>
      %reduce_sum3A_316 = vector.multi_reduction <add>, %reduce_sum3A_314, %reduce_sum3A_315 [1, 2] : vector<1x1x4096xi32> to vector<1xi32>
      %reduce_sum3A_317 = vector.shape_cast %reduce_sum3A_316 : vector<1xi32> to vector<1x1x1xi32>
      %reduce_sum3A_318 = vector.extract %reduce_sum3A_317[0, 0, 0] : i32 from vector<1x1x1xi32>
      %get3A_319 = arith.constant 0 : index
      %get3A_320 = arith.constant 1 : index
      %get3A_321 = memref.load %arg2[%get3A_319, %get3A_320] : memref<1x16xi32, #tpu.memory_space<smem>>
      %shift_left3A_322 = arith.constant 20 : i32
      %shift_left3A_323 = arith.shli %get3A_321, %shift_left3A_322 : i32
      %shift_left3A_324 = arith.constant 12 : i32
      %shift_left3A_325 = arith.shli %reduce_sum3A_318, %shift_left3A_324 : i32
      %or3A_326 = arith.ori %shift_left3A_323, %shift_left3A_325 : i32
      %or3A_327 = arith.constant 2048 : i32
      %or3A_328 = arith.ori %or3A_326, %or3A_327 : i32
      %ge3A_329 = arith.constant 0 : i32
      %ge3A_330 = arith.cmpi sge, %or3A_328, %ge3A_329 : i32
      %xor3A_331 = arith.constant 2147483647 : i32
      %xor3A_332 = arith.xori %or3A_328, %xor3A_331 : i32
      %select_n3A_333 = arith.select %ge3A_330, %or3A_328, %xor3A_332 : i32
      %bitcast_convert_type3A_334 = arith.bitcast %select_n3A_333 : i32 to f32
      %get3A_335 = arith.constant 0 : index
      %get3A_336 = arith.constant 8192 : index
      %get3A_337 = vector.load %arg5[%get3A_335, %get3A_336] : memref<1x16384xi32, #tpu.memory_space<vmem>>, vector<1x4096xi32>
      %roll3A_338 = arith.constant 1 : i32
      %roll3A_339 = tpu.dynamic_rotate %get3A_337 by %roll3A_338 dim 1 : vector<1x4096xi32>, i32 -> vector<1x4096xi32>
      %iota3A_340 = tpu.iota {dimensions = array<i32: 1>} : vector<1x4096xi32>
      %ge3A_341 = arith.constant 1 : i32
      %ge3A_342 = vector.broadcast %ge3A_341 : i32 to vector<1x4096xi32>
      %ge3A_343 = arith.cmpi sge, %iota3A_340, %ge3A_342 : vector<1x4096xi32>
      %jit3A_344 = arith.constant 0 : i32
      %broadcast_in_dim3A_345 = vector.broadcast %jit3A_344 : i32 to vector<1x4096xi32>
      %select_n3A_346 = arith.select %ge3A_343, %roll3A_339, %broadcast_in_dim3A_345 : vector<1x4096xi1>, vector<1x4096xi32>
      %add3A_347 = arith.addi %get3A_337, %select_n3A_346 : vector<1x4096xi32>
      %roll3A_348 = arith.constant 2 : i32
      %roll3A_349 = tpu.dynamic_rotate %add3A_347 by %roll3A_348 dim 1 : vector<1x4096xi32>, i32 -> vector<1x4096xi32>
      %iota3A_350 = tpu.iota {dimensions = array<i32: 1>} : vector<1x4096xi32>
      %ge3A_351 = arith.constant 2 : i32
      %ge3A_352 = vector.broadcast %ge3A_351 : i32 to vector<1x4096xi32>
      %ge3A_353 = arith.cmpi sge, %iota3A_350, %ge3A_352 : vector<1x4096xi32>
      %jit3A_354 = arith.constant 0 : i32
      %broadcast_in_dim3A_355 = vector.broadcast %jit3A_354 : i32 to vector<1x4096xi32>
      %select_n3A_356 = arith.select %ge3A_353, %roll3A_349, %broadcast_in_dim3A_355 : vector<1x4096xi1>, vector<1x4096xi32>
      %add3A_357 = arith.addi %add3A_347, %select_n3A_356 : vector<1x4096xi32>
      %roll3A_358 = arith.constant 4 : i32
      %roll3A_359 = tpu.dynamic_rotate %add3A_357 by %roll3A_358 dim 1 : vector<1x4096xi32>, i32 -> vector<1x4096xi32>
      %iota3A_360 = tpu.iota {dimensions = array<i32: 1>} : vector<1x4096xi32>
      %ge3A_361 = arith.constant 4 : i32
      %ge3A_362 = vector.broadcast %ge3A_361 : i32 to vector<1x4096xi32>
      %ge3A_363 = arith.cmpi sge, %iota3A_360, %ge3A_362 : vector<1x4096xi32>
      %jit3A_364 = arith.constant 0 : i32
      %broadcast_in_dim3A_365 = vector.broadcast %jit3A_364 : i32 to vector<1x4096xi32>
      %select_n3A_366 = arith.select %ge3A_363, %roll3A_359, %broadcast_in_dim3A_365 : vector<1x4096xi1>, vector<1x4096xi32>
      %add3A_367 = arith.addi %add3A_357, %select_n3A_366 : vector<1x4096xi32>
      %roll3A_368 = arith.constant 8 : i32
      %roll3A_369 = tpu.dynamic_rotate %add3A_367 by %roll3A_368 dim 1 : vector<1x4096xi32>, i32 -> vector<1x4096xi32>
      %iota3A_370 = tpu.iota {dimensions = array<i32: 1>} : vector<1x4096xi32>
      %ge3A_371 = arith.constant 8 : i32
      %ge3A_372 = vector.broadcast %ge3A_371 : i32 to vector<1x4096xi32>
      %ge3A_373 = arith.cmpi sge, %iota3A_370, %ge3A_372 : vector<1x4096xi32>
      %jit3A_374 = arith.constant 0 : i32
      %broadcast_in_dim3A_375 = vector.broadcast %jit3A_374 : i32 to vector<1x4096xi32>
      %select_n3A_376 = arith.select %ge3A_373, %roll3A_369, %broadcast_in_dim3A_375 : vector<1x4096xi1>, vector<1x4096xi32>
      %add3A_377 = arith.addi %add3A_367, %select_n3A_376 : vector<1x4096xi32>
      %roll3A_378 = arith.constant 16 : i32
      %roll3A_379 = tpu.dynamic_rotate %add3A_377 by %roll3A_378 dim 1 : vector<1x4096xi32>, i32 -> vector<1x4096xi32>
      %iota3A_380 = tpu.iota {dimensions = array<i32: 1>} : vector<1x4096xi32>
      %ge3A_381 = arith.constant 16 : i32
      %ge3A_382 = vector.broadcast %ge3A_381 : i32 to vector<1x4096xi32>
      %ge3A_383 = arith.cmpi sge, %iota3A_380, %ge3A_382 : vector<1x4096xi32>
      %jit3A_384 = arith.constant 0 : i32
      %broadcast_in_dim3A_385 = vector.broadcast %jit3A_384 : i32 to vector<1x4096xi32>
      %select_n3A_386 = arith.select %ge3A_383, %roll3A_379, %broadcast_in_dim3A_385 : vector<1x4096xi1>, vector<1x4096xi32>
      %add3A_387 = arith.addi %add3A_377, %select_n3A_386 : vector<1x4096xi32>
      %roll3A_388 = arith.constant 32 : i32
      %roll3A_389 = tpu.dynamic_rotate %add3A_387 by %roll3A_388 dim 1 : vector<1x4096xi32>, i32 -> vector<1x4096xi32>
      %iota3A_390 = tpu.iota {dimensions = array<i32: 1>} : vector<1x4096xi32>
      %ge3A_391 = arith.constant 32 : i32
      %ge3A_392 = vector.broadcast %ge3A_391 : i32 to vector<1x4096xi32>
      %ge3A_393 = arith.cmpi sge, %iota3A_390, %ge3A_392 : vector<1x4096xi32>
      %jit3A_394 = arith.constant 0 : i32
      %broadcast_in_dim3A_395 = vector.broadcast %jit3A_394 : i32 to vector<1x4096xi32>
      %select_n3A_396 = arith.select %ge3A_393, %roll3A_389, %broadcast_in_dim3A_395 : vector<1x4096xi1>, vector<1x4096xi32>
      %add3A_397 = arith.addi %add3A_387, %select_n3A_396 : vector<1x4096xi32>
      %roll3A_398 = arith.constant 64 : i32
      %roll3A_399 = tpu.dynamic_rotate %add3A_397 by %roll3A_398 dim 1 : vector<1x4096xi32>, i32 -> vector<1x4096xi32>
      %iota3A_400 = tpu.iota {dimensions = array<i32: 1>} : vector<1x4096xi32>
      %ge3A_401 = arith.constant 64 : i32
      %ge3A_402 = vector.broadcast %ge3A_401 : i32 to vector<1x4096xi32>
      %ge3A_403 = arith.cmpi sge, %iota3A_400, %ge3A_402 : vector<1x4096xi32>
      %jit3A_404 = arith.constant 0 : i32
      %broadcast_in_dim3A_405 = vector.broadcast %jit3A_404 : i32 to vector<1x4096xi32>
      %select_n3A_406 = arith.select %ge3A_403, %roll3A_399, %broadcast_in_dim3A_405 : vector<1x4096xi1>, vector<1x4096xi32>
      %add3A_407 = arith.addi %add3A_397, %select_n3A_406 : vector<1x4096xi32>
      %roll3A_408 = arith.constant 128 : i32
      %roll3A_409 = tpu.dynamic_rotate %add3A_407 by %roll3A_408 dim 1 : vector<1x4096xi32>, i32 -> vector<1x4096xi32>
      %iota3A_410 = tpu.iota {dimensions = array<i32: 1>} : vector<1x4096xi32>
      %ge3A_411 = arith.constant 128 : i32
      %ge3A_412 = vector.broadcast %ge3A_411 : i32 to vector<1x4096xi32>
      %ge3A_413 = arith.cmpi sge, %iota3A_410, %ge3A_412 : vector<1x4096xi32>
      %jit3A_414 = arith.constant 0 : i32
      %broadcast_in_dim3A_415 = vector.broadcast %jit3A_414 : i32 to vector<1x4096xi32>
      %select_n3A_416 = arith.select %ge3A_413, %roll3A_409, %broadcast_in_dim3A_415 : vector<1x4096xi1>, vector<1x4096xi32>
      %add3A_417 = arith.addi %add3A_407, %select_n3A_416 : vector<1x4096xi32>
      %roll3A_418 = arith.constant 256 : i32
      %roll3A_419 = tpu.dynamic_rotate %add3A_417 by %roll3A_418 dim 1 : vector<1x4096xi32>, i32 -> vector<1x4096xi32>
      %iota3A_420 = tpu.iota {dimensions = array<i32: 1>} : vector<1x4096xi32>
      %ge3A_421 = arith.constant 256 : i32
      %ge3A_422 = vector.broadcast %ge3A_421 : i32 to vector<1x4096xi32>
      %ge3A_423 = arith.cmpi sge, %iota3A_420, %ge3A_422 : vector<1x4096xi32>
      %jit3A_424 = arith.constant 0 : i32
      %broadcast_in_dim3A_425 = vector.broadcast %jit3A_424 : i32 to vector<1x4096xi32>
      %select_n3A_426 = arith.select %ge3A_423, %roll3A_419, %broadcast_in_dim3A_425 : vector<1x4096xi1>, vector<1x4096xi32>
      %add3A_427 = arith.addi %add3A_417, %select_n3A_426 : vector<1x4096xi32>
      %roll3A_428 = arith.constant 512 : i32
      %roll3A_429 = tpu.dynamic_rotate %add3A_427 by %roll3A_428 dim 1 : vector<1x4096xi32>, i32 -> vector<1x4096xi32>
      %iota3A_430 = tpu.iota {dimensions = array<i32: 1>} : vector<1x4096xi32>
      %ge3A_431 = arith.constant 512 : i32
      %ge3A_432 = vector.broadcast %ge3A_431 : i32 to vector<1x4096xi32>
      %ge3A_433 = arith.cmpi sge, %iota3A_430, %ge3A_432 : vector<1x4096xi32>
      %jit3A_434 = arith.constant 0 : i32
      %broadcast_in_dim3A_435 = vector.broadcast %jit3A_434 : i32 to vector<1x4096xi32>
      %select_n3A_436 = arith.select %ge3A_433, %roll3A_429, %broadcast_in_dim3A_435 : vector<1x4096xi1>, vector<1x4096xi32>
      %add3A_437 = arith.addi %add3A_427, %select_n3A_436 : vector<1x4096xi32>
      %roll3A_438 = arith.constant 1024 : i32
      %roll3A_439 = tpu.dynamic_rotate %add3A_437 by %roll3A_438 dim 1 : vector<1x4096xi32>, i32 -> vector<1x4096xi32>
      %iota3A_440 = tpu.iota {dimensions = array<i32: 1>} : vector<1x4096xi32>
      %ge3A_441 = arith.constant 1024 : i32
      %ge3A_442 = vector.broadcast %ge3A_441 : i32 to vector<1x4096xi32>
      %ge3A_443 = arith.cmpi sge, %iota3A_440, %ge3A_442 : vector<1x4096xi32>
      %jit3A_444 = arith.constant 0 : i32
      %broadcast_in_dim3A_445 = vector.broadcast %jit3A_444 : i32 to vector<1x4096xi32>
      %select_n3A_446 = arith.select %ge3A_443, %roll3A_439, %broadcast_in_dim3A_445 : vector<1x4096xi1>, vector<1x4096xi32>
      %add3A_447 = arith.addi %add3A_437, %select_n3A_446 : vector<1x4096xi32>
      %roll3A_448 = arith.constant 2048 : i32
      %roll3A_449 = tpu.dynamic_rotate %add3A_447 by %roll3A_448 dim 1 : vector<1x4096xi32>, i32 -> vector<1x4096xi32>
      %iota3A_450 = tpu.iota {dimensions = array<i32: 1>} : vector<1x4096xi32>
      %ge3A_451 = arith.constant 2048 : i32
      %ge3A_452 = vector.broadcast %ge3A_451 : i32 to vector<1x4096xi32>
      %ge3A_453 = arith.cmpi sge, %iota3A_450, %ge3A_452 : vector<1x4096xi32>
      %jit3A_454 = arith.constant 0 : i32
      %broadcast_in_dim3A_455 = vector.broadcast %jit3A_454 : i32 to vector<1x4096xi32>
      %select_n3A_456 = arith.select %ge3A_453, %roll3A_449, %broadcast_in_dim3A_455 : vector<1x4096xi1>, vector<1x4096xi32>
      %add3A_457 = arith.addi %add3A_447, %select_n3A_456 : vector<1x4096xi32>
      %slice3A_458 = vector.extract_strided_slice %add3A_457 {offsets = [0, 4095], sizes = [1, 1], strides = [1, 1]} : vector<1x4096xi32> to vector<1x1xi32>
      %broadcast_in_dim3A_459 = vector.shape_cast %slice3A_458 : vector<1x1xi32> to vector<1x1xi32>
      %broadcast_in_dim3A_460 = vector.broadcast %broadcast_in_dim3A_459 : vector<1x1xi32> to vector<1x4096xi32>
      %add3A_461 = arith.addi %add3A_457, %broadcast_in_dim3A_460 : vector<1x4096xi32>
      %sub3A_462 = arith.subi %add3A_461, %broadcast_in_dim3A_460 : vector<1x4096xi32>
      %iota3A_463 = tpu.iota {dimensions = array<i32: 1>} : vector<1x4096xi32>
      %and3A_464 = arith.constant 15 : i32
      %and3A_465 = vector.broadcast %and3A_464 : i32 to vector<1x4096xi32>
      %and3A_466 = arith.andi %iota3A_463, %and3A_465 : vector<1x4096xi32>
      %eq3A_467 = arith.constant 15 : i32
      %eq3A_468 = vector.broadcast %eq3A_467 : i32 to vector<1x4096xi32>
      %eq3A_469 = arith.cmpi eq, %and3A_466, %eq3A_468 : vector<1x4096xi32>
      %get3A_470 = arith.constant 0 : index
      %get3A_471 = arith.constant 6 : index
      %get3A_472 = memref.load %arg2[%get3A_470, %get3A_471] : memref<1x16xi32, #tpu.memory_space<smem>>
      %le3A_473 = vector.broadcast %get3A_472 : i32 to vector<1x4096xi32>
      %le3A_474 = arith.cmpi sle, %sub3A_462, %le3A_473 : vector<1x4096xi32>
      %and3A_475 = arith.andi %eq3A_469, %le3A_474 : vector<1x4096xi1>
      %jit3A_476 = arith.constant 1 : i32
      %jit3A_477 = arith.constant 0 : i32
      %broadcast_in_dim3A_478 = vector.broadcast %jit3A_476 : i32 to vector<1x4096xi32>
      %broadcast_in_dim3A_479 = vector.broadcast %jit3A_477 : i32 to vector<1x4096xi32>
      %select_n3A_480 = arith.select %and3A_475, %broadcast_in_dim3A_478, %broadcast_in_dim3A_479 : vector<1x4096xi1>, vector<1x4096xi32>
      %reduce_sum3A_481 = vector.shape_cast %select_n3A_480 : vector<1x4096xi32> to vector<1x1x4096xi32>
      %reduce_sum3A_482 = arith.constant dense<0> : vector<1xi32>
      %reduce_sum3A_483 = vector.multi_reduction <add>, %reduce_sum3A_481, %reduce_sum3A_482 [1, 2] : vector<1x1x4096xi32> to vector<1xi32>
      %reduce_sum3A_484 = vector.shape_cast %reduce_sum3A_483 : vector<1xi32> to vector<1x1x1xi32>
      %reduce_sum3A_485 = vector.extract %reduce_sum3A_484[0, 0, 0] : i32 from vector<1x1x1xi32>
      %get3A_486 = arith.constant 0 : index
      %get3A_487 = arith.constant 2 : index
      %get3A_488 = memref.load %arg2[%get3A_486, %get3A_487] : memref<1x16xi32, #tpu.memory_space<smem>>
      %shift_left3A_489 = arith.constant 20 : i32
      %shift_left3A_490 = arith.shli %get3A_488, %shift_left3A_489 : i32
      %shift_left3A_491 = arith.constant 12 : i32
      %shift_left3A_492 = arith.shli %reduce_sum3A_485, %shift_left3A_491 : i32
      %or3A_493 = arith.ori %shift_left3A_490, %shift_left3A_492 : i32
      %or3A_494 = arith.constant 2048 : i32
      %or3A_495 = arith.ori %or3A_493, %or3A_494 : i32
      %ge3A_496 = arith.constant 0 : i32
      %ge3A_497 = arith.cmpi sge, %or3A_495, %ge3A_496 : i32
      %xor3A_498 = arith.constant 2147483647 : i32
      %xor3A_499 = arith.xori %or3A_495, %xor3A_498 : i32
      %select_n3A_500 = arith.select %ge3A_497, %or3A_495, %xor3A_499 : i32
      %bitcast_convert_type3A_501 = arith.bitcast %select_n3A_500 : i32 to f32
      %get3A_502 = arith.constant 0 : index
      %get3A_503 = arith.constant 12288 : index
      %get3A_504 = vector.load %arg5[%get3A_502, %get3A_503] : memref<1x16384xi32, #tpu.memory_space<vmem>>, vector<1x4096xi32>
      %roll3A_505 = arith.constant 1 : i32
      %roll3A_506 = tpu.dynamic_rotate %get3A_504 by %roll3A_505 dim 1 : vector<1x4096xi32>, i32 -> vector<1x4096xi32>
      %iota3A_507 = tpu.iota {dimensions = array<i32: 1>} : vector<1x4096xi32>
      %ge3A_508 = arith.constant 1 : i32
      %ge3A_509 = vector.broadcast %ge3A_508 : i32 to vector<1x4096xi32>
      %ge3A_510 = arith.cmpi sge, %iota3A_507, %ge3A_509 : vector<1x4096xi32>
      %jit3A_511 = arith.constant 0 : i32
      %broadcast_in_dim3A_512 = vector.broadcast %jit3A_511 : i32 to vector<1x4096xi32>
      %select_n3A_513 = arith.select %ge3A_510, %roll3A_506, %broadcast_in_dim3A_512 : vector<1x4096xi1>, vector<1x4096xi32>
      %add3A_514 = arith.addi %get3A_504, %select_n3A_513 : vector<1x4096xi32>
      %roll3A_515 = arith.constant 2 : i32
      %roll3A_516 = tpu.dynamic_rotate %add3A_514 by %roll3A_515 dim 1 : vector<1x4096xi32>, i32 -> vector<1x4096xi32>
      %iota3A_517 = tpu.iota {dimensions = array<i32: 1>} : vector<1x4096xi32>
      %ge3A_518 = arith.constant 2 : i32
      %ge3A_519 = vector.broadcast %ge3A_518 : i32 to vector<1x4096xi32>
      %ge3A_520 = arith.cmpi sge, %iota3A_517, %ge3A_519 : vector<1x4096xi32>
      %jit3A_521 = arith.constant 0 : i32
      %broadcast_in_dim3A_522 = vector.broadcast %jit3A_521 : i32 to vector<1x4096xi32>
      %select_n3A_523 = arith.select %ge3A_520, %roll3A_516, %broadcast_in_dim3A_522 : vector<1x4096xi1>, vector<1x4096xi32>
      %add3A_524 = arith.addi %add3A_514, %select_n3A_523 : vector<1x4096xi32>
      %roll3A_525 = arith.constant 4 : i32
      %roll3A_526 = tpu.dynamic_rotate %add3A_524 by %roll3A_525 dim 1 : vector<1x4096xi32>, i32 -> vector<1x4096xi32>
      %iota3A_527 = tpu.iota {dimensions = array<i32: 1>} : vector<1x4096xi32>
      %ge3A_528 = arith.constant 4 : i32
      %ge3A_529 = vector.broadcast %ge3A_528 : i32 to vector<1x4096xi32>
      %ge3A_530 = arith.cmpi sge, %iota3A_527, %ge3A_529 : vector<1x4096xi32>
      %jit3A_531 = arith.constant 0 : i32
      %broadcast_in_dim3A_532 = vector.broadcast %jit3A_531 : i32 to vector<1x4096xi32>
      %select_n3A_533 = arith.select %ge3A_530, %roll3A_526, %broadcast_in_dim3A_532 : vector<1x4096xi1>, vector<1x4096xi32>
      %add3A_534 = arith.addi %add3A_524, %select_n3A_533 : vector<1x4096xi32>
      %roll3A_535 = arith.constant 8 : i32
      %roll3A_536 = tpu.dynamic_rotate %add3A_534 by %roll3A_535 dim 1 : vector<1x4096xi32>, i32 -> vector<1x4096xi32>
      %iota3A_537 = tpu.iota {dimensions = array<i32: 1>} : vector<1x4096xi32>
      %ge3A_538 = arith.constant 8 : i32
      %ge3A_539 = vector.broadcast %ge3A_538 : i32 to vector<1x4096xi32>
      %ge3A_540 = arith.cmpi sge, %iota3A_537, %ge3A_539 : vector<1x4096xi32>
      %jit3A_541 = arith.constant 0 : i32
      %broadcast_in_dim3A_542 = vector.broadcast %jit3A_541 : i32 to vector<1x4096xi32>
      %select_n3A_543 = arith.select %ge3A_540, %roll3A_536, %broadcast_in_dim3A_542 : vector<1x4096xi1>, vector<1x4096xi32>
      %add3A_544 = arith.addi %add3A_534, %select_n3A_543 : vector<1x4096xi32>
      %roll3A_545 = arith.constant 16 : i32
      %roll3A_546 = tpu.dynamic_rotate %add3A_544 by %roll3A_545 dim 1 : vector<1x4096xi32>, i32 -> vector<1x4096xi32>
      %iota3A_547 = tpu.iota {dimensions = array<i32: 1>} : vector<1x4096xi32>
      %ge3A_548 = arith.constant 16 : i32
      %ge3A_549 = vector.broadcast %ge3A_548 : i32 to vector<1x4096xi32>
      %ge3A_550 = arith.cmpi sge, %iota3A_547, %ge3A_549 : vector<1x4096xi32>
      %jit3A_551 = arith.constant 0 : i32
      %broadcast_in_dim3A_552 = vector.broadcast %jit3A_551 : i32 to vector<1x4096xi32>
      %select_n3A_553 = arith.select %ge3A_550, %roll3A_546, %broadcast_in_dim3A_552 : vector<1x4096xi1>, vector<1x4096xi32>
      %add3A_554 = arith.addi %add3A_544, %select_n3A_553 : vector<1x4096xi32>
      %roll3A_555 = arith.constant 32 : i32
      %roll3A_556 = tpu.dynamic_rotate %add3A_554 by %roll3A_555 dim 1 : vector<1x4096xi32>, i32 -> vector<1x4096xi32>
      %iota3A_557 = tpu.iota {dimensions = array<i32: 1>} : vector<1x4096xi32>
      %ge3A_558 = arith.constant 32 : i32
      %ge3A_559 = vector.broadcast %ge3A_558 : i32 to vector<1x4096xi32>
      %ge3A_560 = arith.cmpi sge, %iota3A_557, %ge3A_559 : vector<1x4096xi32>
      %jit3A_561 = arith.constant 0 : i32
      %broadcast_in_dim3A_562 = vector.broadcast %jit3A_561 : i32 to vector<1x4096xi32>
      %select_n3A_563 = arith.select %ge3A_560, %roll3A_556, %broadcast_in_dim3A_562 : vector<1x4096xi1>, vector<1x4096xi32>
      %add3A_564 = arith.addi %add3A_554, %select_n3A_563 : vector<1x4096xi32>
      %roll3A_565 = arith.constant 64 : i32
      %roll3A_566 = tpu.dynamic_rotate %add3A_564 by %roll3A_565 dim 1 : vector<1x4096xi32>, i32 -> vector<1x4096xi32>
      %iota3A_567 = tpu.iota {dimensions = array<i32: 1>} : vector<1x4096xi32>
      %ge3A_568 = arith.constant 64 : i32
      %ge3A_569 = vector.broadcast %ge3A_568 : i32 to vector<1x4096xi32>
      %ge3A_570 = arith.cmpi sge, %iota3A_567, %ge3A_569 : vector<1x4096xi32>
      %jit3A_571 = arith.constant 0 : i32
      %broadcast_in_dim3A_572 = vector.broadcast %jit3A_571 : i32 to vector<1x4096xi32>
      %select_n3A_573 = arith.select %ge3A_570, %roll3A_566, %broadcast_in_dim3A_572 : vector<1x4096xi1>, vector<1x4096xi32>
      %add3A_574 = arith.addi %add3A_564, %select_n3A_573 : vector<1x4096xi32>
      %roll3A_575 = arith.constant 128 : i32
      %roll3A_576 = tpu.dynamic_rotate %add3A_574 by %roll3A_575 dim 1 : vector<1x4096xi32>, i32 -> vector<1x4096xi32>
      %iota3A_577 = tpu.iota {dimensions = array<i32: 1>} : vector<1x4096xi32>
      %ge3A_578 = arith.constant 128 : i32
      %ge3A_579 = vector.broadcast %ge3A_578 : i32 to vector<1x4096xi32>
      %ge3A_580 = arith.cmpi sge, %iota3A_577, %ge3A_579 : vector<1x4096xi32>
      %jit3A_581 = arith.constant 0 : i32
      %broadcast_in_dim3A_582 = vector.broadcast %jit3A_581 : i32 to vector<1x4096xi32>
      %select_n3A_583 = arith.select %ge3A_580, %roll3A_576, %broadcast_in_dim3A_582 : vector<1x4096xi1>, vector<1x4096xi32>
      %add3A_584 = arith.addi %add3A_574, %select_n3A_583 : vector<1x4096xi32>
      %roll3A_585 = arith.constant 256 : i32
      %roll3A_586 = tpu.dynamic_rotate %add3A_584 by %roll3A_585 dim 1 : vector<1x4096xi32>, i32 -> vector<1x4096xi32>
      %iota3A_587 = tpu.iota {dimensions = array<i32: 1>} : vector<1x4096xi32>
      %ge3A_588 = arith.constant 256 : i32
      %ge3A_589 = vector.broadcast %ge3A_588 : i32 to vector<1x4096xi32>
      %ge3A_590 = arith.cmpi sge, %iota3A_587, %ge3A_589 : vector<1x4096xi32>
      %jit3A_591 = arith.constant 0 : i32
      %broadcast_in_dim3A_592 = vector.broadcast %jit3A_591 : i32 to vector<1x4096xi32>
      %select_n3A_593 = arith.select %ge3A_590, %roll3A_586, %broadcast_in_dim3A_592 : vector<1x4096xi1>, vector<1x4096xi32>
      %add3A_594 = arith.addi %add3A_584, %select_n3A_593 : vector<1x4096xi32>
      %roll3A_595 = arith.constant 512 : i32
      %roll3A_596 = tpu.dynamic_rotate %add3A_594 by %roll3A_595 dim 1 : vector<1x4096xi32>, i32 -> vector<1x4096xi32>
      %iota3A_597 = tpu.iota {dimensions = array<i32: 1>} : vector<1x4096xi32>
      %ge3A_598 = arith.constant 512 : i32
      %ge3A_599 = vector.broadcast %ge3A_598 : i32 to vector<1x4096xi32>
      %ge3A_600 = arith.cmpi sge, %iota3A_597, %ge3A_599 : vector<1x4096xi32>
      %jit3A_601 = arith.constant 0 : i32
      %broadcast_in_dim3A_602 = vector.broadcast %jit3A_601 : i32 to vector<1x4096xi32>
      %select_n3A_603 = arith.select %ge3A_600, %roll3A_596, %broadcast_in_dim3A_602 : vector<1x4096xi1>, vector<1x4096xi32>
      %add3A_604 = arith.addi %add3A_594, %select_n3A_603 : vector<1x4096xi32>
      %roll3A_605 = arith.constant 1024 : i32
      %roll3A_606 = tpu.dynamic_rotate %add3A_604 by %roll3A_605 dim 1 : vector<1x4096xi32>, i32 -> vector<1x4096xi32>
      %iota3A_607 = tpu.iota {dimensions = array<i32: 1>} : vector<1x4096xi32>
      %ge3A_608 = arith.constant 1024 : i32
      %ge3A_609 = vector.broadcast %ge3A_608 : i32 to vector<1x4096xi32>
      %ge3A_610 = arith.cmpi sge, %iota3A_607, %ge3A_609 : vector<1x4096xi32>
      %jit3A_611 = arith.constant 0 : i32
      %broadcast_in_dim3A_612 = vector.broadcast %jit3A_611 : i32 to vector<1x4096xi32>
      %select_n3A_613 = arith.select %ge3A_610, %roll3A_606, %broadcast_in_dim3A_612 : vector<1x4096xi1>, vector<1x4096xi32>
      %add3A_614 = arith.addi %add3A_604, %select_n3A_613 : vector<1x4096xi32>
      %roll3A_615 = arith.constant 2048 : i32
      %roll3A_616 = tpu.dynamic_rotate %add3A_614 by %roll3A_615 dim 1 : vector<1x4096xi32>, i32 -> vector<1x4096xi32>
      %iota3A_617 = tpu.iota {dimensions = array<i32: 1>} : vector<1x4096xi32>
      %ge3A_618 = arith.constant 2048 : i32
      %ge3A_619 = vector.broadcast %ge3A_618 : i32 to vector<1x4096xi32>
      %ge3A_620 = arith.cmpi sge, %iota3A_617, %ge3A_619 : vector<1x4096xi32>
      %jit3A_621 = arith.constant 0 : i32
      %broadcast_in_dim3A_622 = vector.broadcast %jit3A_621 : i32 to vector<1x4096xi32>
      %select_n3A_623 = arith.select %ge3A_620, %roll3A_616, %broadcast_in_dim3A_622 : vector<1x4096xi1>, vector<1x4096xi32>
      %add3A_624 = arith.addi %add3A_614, %select_n3A_623 : vector<1x4096xi32>
      %slice3A_625 = vector.extract_strided_slice %add3A_624 {offsets = [0, 4095], sizes = [1, 1], strides = [1, 1]} : vector<1x4096xi32> to vector<1x1xi32>
      %broadcast_in_dim3A_626 = vector.shape_cast %slice3A_625 : vector<1x1xi32> to vector<1x1xi32>
      %broadcast_in_dim3A_627 = vector.broadcast %broadcast_in_dim3A_626 : vector<1x1xi32> to vector<1x4096xi32>
      %add3A_628 = arith.addi %add3A_624, %broadcast_in_dim3A_627 : vector<1x4096xi32>
      %sub3A_629 = arith.subi %add3A_628, %broadcast_in_dim3A_627 : vector<1x4096xi32>
      %iota3A_630 = tpu.iota {dimensions = array<i32: 1>} : vector<1x4096xi32>
      %and3A_631 = arith.constant 15 : i32
      %and3A_632 = vector.broadcast %and3A_631 : i32 to vector<1x4096xi32>
      %and3A_633 = arith.andi %iota3A_630, %and3A_632 : vector<1x4096xi32>
      %eq3A_634 = arith.constant 15 : i32
      %eq3A_635 = vector.broadcast %eq3A_634 : i32 to vector<1x4096xi32>
      %eq3A_636 = arith.cmpi eq, %and3A_633, %eq3A_635 : vector<1x4096xi32>
      %get3A_637 = arith.constant 0 : index
      %get3A_638 = arith.constant 7 : index
      %get3A_639 = memref.load %arg2[%get3A_637, %get3A_638] : memref<1x16xi32, #tpu.memory_space<smem>>
      %le3A_640 = vector.broadcast %get3A_639 : i32 to vector<1x4096xi32>
      %le3A_641 = arith.cmpi sle, %sub3A_629, %le3A_640 : vector<1x4096xi32>
      %and3A_642 = arith.andi %eq3A_636, %le3A_641 : vector<1x4096xi1>
      %jit3A_643 = arith.constant 1 : i32
      %jit3A_644 = arith.constant 0 : i32
      %broadcast_in_dim3A_645 = vector.broadcast %jit3A_643 : i32 to vector<1x4096xi32>
      %broadcast_in_dim3A_646 = vector.broadcast %jit3A_644 : i32 to vector<1x4096xi32>
      %select_n3A_647 = arith.select %and3A_642, %broadcast_in_dim3A_645, %broadcast_in_dim3A_646 : vector<1x4096xi1>, vector<1x4096xi32>
      %reduce_sum3A_648 = vector.shape_cast %select_n3A_647 : vector<1x4096xi32> to vector<1x1x4096xi32>
      %reduce_sum3A_649 = arith.constant dense<0> : vector<1xi32>
      %reduce_sum3A_650 = vector.multi_reduction <add>, %reduce_sum3A_648, %reduce_sum3A_649 [1, 2] : vector<1x1x4096xi32> to vector<1xi32>
      %reduce_sum3A_651 = vector.shape_cast %reduce_sum3A_650 : vector<1xi32> to vector<1x1x1xi32>
      %reduce_sum3A_652 = vector.extract %reduce_sum3A_651[0, 0, 0] : i32 from vector<1x1x1xi32>
      %get3A_653 = arith.constant 0 : index
      %get3A_654 = arith.constant 3 : index
      %get3A_655 = memref.load %arg2[%get3A_653, %get3A_654] : memref<1x16xi32, #tpu.memory_space<smem>>
      %shift_left3A_656 = arith.constant 20 : i32
      %shift_left3A_657 = arith.shli %get3A_655, %shift_left3A_656 : i32
      %shift_left3A_658 = arith.constant 12 : i32
      %shift_left3A_659 = arith.shli %reduce_sum3A_652, %shift_left3A_658 : i32
      %or3A_660 = arith.ori %shift_left3A_657, %shift_left3A_659 : i32
      %or3A_661 = arith.constant 2048 : i32
      %or3A_662 = arith.ori %or3A_660, %or3A_661 : i32
      %ge3A_663 = arith.constant 0 : i32
      %ge3A_664 = arith.cmpi sge, %or3A_662, %ge3A_663 : i32
      %xor3A_665 = arith.constant 2147483647 : i32
      %xor3A_666 = arith.xori %or3A_662, %xor3A_665 : i32
      %select_n3A_667 = arith.select %ge3A_664, %or3A_662, %xor3A_666 : i32
      %bitcast_convert_type3A_668 = arith.bitcast %select_n3A_667 : i32 to f32
      %mul3A = arith.constant 3.750000e-01 : f32
      %mul3A_669 = arith.mulf %mul3A, %bitcast_convert_type3A : f32
      %mul3A_670 = arith.constant 6.250000e-01 : f32
      %mul3A_671 = arith.mulf %mul3A_670, %bitcast_convert_type3A_334 : f32
      %add3A_672 = arith.addf %mul3A_669, %mul3A_671 : f32
      %mul3A_673 = arith.constant 1.000000e+00 : f32
      %mul3A_674 = arith.mulf %mul3A_673, %bitcast_convert_type3A_501 : f32
      %mul3A_675 = arith.constant 0.000000e+00 : f32
      %mul3A_676 = arith.mulf %mul3A_675, %bitcast_convert_type3A_668 : f32
      %add3A_677 = arith.addf %mul3A_674, %mul3A_676 : f32
      %get3A_678 = arith.constant 0 : index
      %get3A_679 = arith.constant 0 : index
      %get3A_680 = memref.load %arg3[%get3A_678, %get3A_679] : memref<1x2xf32, #tpu.memory_space<smem>>
      %mul3A_681 = arith.constant 9.900000e-01 : f32
      %mul3A_682 = arith.mulf %mul3A_681, %get3A_680 : f32
      %mul3A_683 = arith.constant 0.00999999977 : f32
      %mul3A_684 = arith.mulf %mul3A_683, %add3A_672 : f32
      %add3A_685 = arith.addf %mul3A_682, %mul3A_684 : f32
      %get3A_686 = arith.constant 0 : index
      %get3A_687 = arith.constant 1 : index
      %get3A_688 = memref.load %arg3[%get3A_686, %get3A_687] : memref<1x2xf32, #tpu.memory_space<smem>>
      %mul3A_689 = arith.constant 9.900000e-01 : f32
      %mul3A_690 = arith.mulf %mul3A_689, %get3A_688 : f32
      %mul3A_691 = arith.constant 0.00999999977 : f32
      %mul3A_692 = arith.mulf %mul3A_691, %add3A_677 : f32
      %add3A_693 = arith.addf %mul3A_690, %mul3A_692 : f32
      %swap3A_694 = arith.constant 0 : index
      %swap3A_695 = arith.constant 0 : index
      %swap3A_696 = memref.load %arg4[%swap3A_694, %swap3A_695] : memref<1x2xf32, #tpu.memory_space<smem>>
      memref.store %add3A_685, %arg4[%swap3A_694, %swap3A_695] : memref<1x2xf32, #tpu.memory_space<smem>>
      %sub3A_697 = arith.subf %add3A_693, %add3A_685 : f32
      %max3A = arith.constant 1.000000e+00 : f32
      %max3A_698 = arith.maximumf %max3A, %sub3A_697 : f32
      %swap3A_699 = arith.constant 0 : index
      %swap3A_700 = arith.constant 1 : index
      %swap3A_701 = memref.load %arg4[%swap3A_699, %swap3A_700] : memref<1x2xf32, #tpu.memory_space<smem>>
      memref.store %max3A_698, %arg4[%swap3A_699, %swap3A_700] : memref<1x2xf32, #tpu.memory_space<smem>>
    } else {
    }
    return
  }
  func.func @transform_0(%arg0: i32) -> (i32, i32, i32) {
    %c0_i32 = arith.constant 0 : i32
    %c0_i32_0 = arith.constant 0 : i32
    %c0_i32_1 = arith.constant 0 : i32
    return %arg0, %c0_i32, %c0_i32_0 : i32, i32, i32
  }
  func.func @transform_1(%arg0: i32) -> (i32, i32) {
    %c0_i32 = arith.constant 0 : i32
    %c0_i32_0 = arith.constant 0 : i32
    %c0_i32_1 = arith.constant 0 : i32
    return %c0_i32, %c0_i32_0 : i32, i32
  }
  func.func @transform_2(%arg0: i32) -> (i32, i32) {
    %c0_i32 = arith.constant 0 : i32
    %c0_i32_0 = arith.constant 0 : i32
    %c0_i32_1 = arith.constant 0 : i32
    return %c0_i32, %c0_i32_0 : i32, i32
  }
  func.func @transform_3(%arg0: i32) -> (i32, i32) {
    %c0_i32 = arith.constant 0 : i32
    %c0_i32_0 = arith.constant 0 : i32
    %c0_i32_1 = arith.constant 0 : i32
    return %c0_i32, %c0_i32_0 : i32, i32
  }
}

</mosaic_0001>

<sc_bundles>
// kernel: kernel.6.cloned.1.call-start
scs
__scs_entry_jumppad:
0x0: {  	(pc) =	sbr.rel $0x88, $3  }
0x1: {  	(tag) =	ssettag $0x0;
	lr =	simm.s32 $0x1  }
0x2: {  	[smem:$0x3F9E] =	sst lr;
	_ =	strace $0xD0000000  }
0x3: {  	_ = 	snop  }
0x4: {  	_ = 	snop  }
0x5: {  	_ = 	snop  }
0x6: {  	_ = 	snop  }
0x7: {  	_ = 	snop  }
__scs_overlays_trampoline_lowered:
0x8: {  	[smem:$0x3FAD] =	sst s0  }
0x9: {  	[smem:$0x3FAE] =	sst s1  }
0xa: {  	[smem:$0x3FAF] =	sst s2  }
0xb: {  	[smem:$0x3FB0] =	sst s3  }
0xc: {  	[smem:$0x3FB1] =	sst s4  }
0xd: {  	[smem:$0x3FB2] =	sst s5  }
0xe: {  	[smem:$0x3FB3] =	sst s6  }
0xf: {  	[smem:$0x3FB4] =	sst s7  }
0x10: {  	[smem:$0x3FB5] =	sst s8  }
0x11: {  	[smem:$0x3FB6] =	sst s9;
	s0 =	simm.s32 @!p0 $0x0  }
0x12: {  	s1 =	sld [smem:$0x3F9C];
	s0 =	simm.s32 @p0 $0x1  }
0x13: {  	[smem:$0x3FB7] =	sst s0;
	s0 =	simm.s32 @!p1 $0x0  }
0x14: {  	s2 =	sld [smem:$0x3F9B];
	s0 =	simm.s32 @p1 $0x1  }
0x15: {  	[smem:$0x3FB8] =	sst s0;
	s0 =	simm.s32 @!p2 $0x0  }
0x16: {  	s3 =	sld [smem:$0x3FDB];
	s0 =	simm.s32 @p2 $0x1  }
0x17: {  	s4 =	simm.s32 $0x1BF5;
	[smem:$0x3FBA] =	sst s0  }
0x18: {  	s0 =	sld [smem:$0x3F9D];
	_ =	swait.ge [sflag:s4], $0x0  }
0x19: {  	s7 =	sld [smem:$0x3F9E]  }
0x1a: {  	s8 =	sadd.s32 $0xFFFFE003, lr  }
0x1b: {  	s9 =	sadd.s32 $0xFFFFFEF7, lr;
	s5 =	simm.s32 $0xFFFFFFFF;
	p2 =	slt.u32 s8, $0xFFFFF086  }
0x1c: {  	p1 =	slt.u32 s9, $0xF7A;
	s5 =	simm.s32 @!p2 $0x0  }
0x1d: {  	s5 =	simm.s32 @p1 $0x1;
	p0 =	seq.s32 s7, s2  }
0x1e: {  	s7 =	smul.u32 @!p0 $0xF7A, s2;
	p2 =	seq.s32 @!p0 s5, $0x0  }
0x1f: {  	s9 =	smul.u32 $0xF7A, s1;
	s8 =	simm.s32 @!p0 $0x1BF5;
	p2 =	por !p2, p0  }
0x20: {  	[sflag:s8] =	ssyncset.s32 @!p0 $0xFFFFF086;
	s6 =	sadd.s32 @!p0 s3, s7;
	s7 =	simm.s32 @!p0 $0x108  }
0x21: {  	s3 =	sadd.s32 s3, s9;
	s6 =	sadd.s32 @!p0 $0x88, s6;
	s7 =	simm.s32 @p2 $0x1082  }
0x22: {  	[simem:s7], [sflag:s8] =	dma.local @!p0 [hbm:s6], $0xF7A  }
0x23: {  	s9 =	sor.u32 $0xD0000000, s2;
	s6 =	simm.s32 $0x108;
	_ =	swait.ge @!p0 [sflag:s8], $0x0  }
0x24: {  	s3 =	sadd.s32 $0x88, s3;
	s6 =	simm.s32 @!p1 $0x1082;
	[sflag:s4] =	ssyncset.s32 $0xFFFFF086  }
0x25: {  	[simem:s6], [sflag:s4] =	dma.local [hbm:s3], $0xF7A  }
0x26: {  	[smem:$0x3F9E] =	sst s1;
	(tag) =	ssettag s2;
	_ =	strace s9  }
0x27: {  	s1 =	sld [smem:$0x3FAE]  }
0x28: {  	s2 =	sld [smem:$0x3FAF]  }
0x29: {  	s4 =	sld [smem:$0x3FB1]  }
0x2a: {  	p0 =	seq.s32 s5, $0x0;
	s5 =	sld [smem:$0x3FB2]  }
0x2b: {  	s6 =	sld [smem:$0x3FB3]  }
0x2c: {  	s7 =	sld [smem:$0x3FB4]  }
0x2d: {  	s3 =	simm.s32 $0x108;
	s8 =	sld [smem:$0x3FB5]  }
0x2e: {  	s3 =	simm.s32 @!p0 $0x1082;
	s9 =	sld [smem:$0x3FB6]  }
0x2f: {  	lr =	sadd.s32 s0, s3;
	s0 =	sld [smem:$0x3FAD]  }
0x30: {  	s3 =	sld [smem:$0x3FB0]  }
0x31: {  	[smem:$0x3FB9] =	sst s10  }
0x32: {  	s10 =	sld [smem:$0x3FB7];
	_ =	sdelay $0x3  }
0x33: {  	p0 =	seq.s32 s10, $0x1;
	s10 =	sld [smem:$0x3FB9];
	_ =	sdelay $0x3  }
0x34: {  	[smem:$0x3FB9] =	sst s10  }
0x35: {  	s10 =	sld [smem:$0x3FB8];
	_ =	sdelay $0x3  }
0x36: {  	p1 =	seq.s32 s10, $0x1;
	s10 =	sld [smem:$0x3FB9];
	_ =	sdelay $0x3  }
0x37: {  	[smem:$0x3FB9] =	sst s10  }
0x38: {  	s10 =	sld [smem:$0x3FBA]  }
0x39: {  	_ = 	snop;
	(pc) =	sbr.ind lr, $3  }
0x3a: {  	_ = 	snop  }
0x3b: {  	_ = 	snop  }
0x3c: {  	p2 =	seq.s32 s10, $0x1;
	s10 =	sld [smem:$0x3FB9]  }
0x3d: {  	_ =	shalt  }
0x3e: {  	_ =	shalt  }
0x3f: {  	_ =	shalt  }
0x40: {  	_ =	shalt  }
0x41: {  	_ =	shalt  }
0x42: {  	_ =	shalt  }
0x43: {  	_ =	shalt  }
0x44: {  	_ =	shalt  }
0x45: {  	_ =	shalt  }
0x46: {  	_ =	shalt  }
0x47: {  	_ =	shalt  }
0x48: {  	_ =	shalt  }
0x49: {  	_ =	shalt  }
0x4a: {  	_ =	shalt  }
0x4b: {  	_ =	shalt  }
0x4c: {  	_ =	shalt  }
0x4d: {  	_ =	shalt  }
0x4e: {  	_ =	shalt  }
0x4f: {  	_ =	shalt  }
0x50: {  	_ =	shalt  }
0x51: {  	_ =	shalt  }
0x52: {  	_ =	shalt  }
0x53: {  	_ =	shalt  }
0x54: {  	_ =	shalt  }
0x55: {  	_ =	shalt  }
0x56: {  	_ =	shalt  }
0x57: {  	_ =	shalt  }
0x58: {  	_ =	shalt  }
0x59: {  	_ =	shalt  }
0x5a: {  	_ =	shalt  }
0x5b: {  	_ =	shalt  }
0x5c: {  	_ =	shalt  }
0x5d: {  	_ =	shalt  }
0x5e: {  	_ =	shalt  }
0x5f: {  	_ =	shalt  }
0x60: {  	_ =	shalt  }
0x61: {  	_ =	shalt  }
0x62: {  	_ =	shalt  }
0x63: {  	_ =	shalt  }
0x64: {  	_ =	shalt  }
0x65: {  	_ =	shalt  }
0x66: {  	_ =	shalt  }
0x67: {  	_ =	shalt  }
0x68: {  	_ =	shalt  }
0x69: {  	_ =	shalt  }
0x6a: {  	_ =	shalt  }
0x6b: {  	_ =	shalt  }
0x6c: {  	_ =	shalt  }
0x6d: {  	_ =	shalt  }
0x6e: {  	_ =	shalt  }
0x6f: {  	_ =	shalt  }
0x70: {  	_ =	shalt  }
0x71: {  	_ =	shalt  }
0x72: {  	_ =	shalt  }
0x73: {  	_ =	shalt  }
0x74: {  	_ =	shalt  }
0x75: {  	_ =	shalt  }
0x76: {  	_ =	shalt  }
0x77: {  	_ =	shalt  }
0x78: {  	_ =	shalt  }
0x79: {  	_ =	shalt  }
0x7a: {  	_ =	shalt  }
0x7b: {  	_ =	shalt  }
0x7c: {  	_ =	shalt  }
0x7d: {  	_ =	shalt  }
0x7e: {  	_ =	shalt  }
0x7f: {  	_ =	shalt  }
0x80: {  	_ =	shalt  }
0x81: {  	_ =	shalt  }
0x82: {  	_ =	shalt  }
0x83: {  	_ =	shalt  }
0x84: {  	_ =	shalt  }
0x85: {  	_ =	shalt  }
0x86: {  	_ =	shalt  }
0x87: {  	_ =	shalt  }
.Lfunc_end0:
.L_simem_size_0:
called_computation_lowered:
.L_overlay_start_0:
0x88: {  	s2 =	sld [smem:$0x3FD9]  }
0x89: {  	s3 =	sld [smem:$0x3FFE];
	_ =	sdelay $0x1  }
0x8a: {  	s1 =	srdreg.scid  }
0x8b: {  	s0 =	sand.u32 $0x1, s1  }
0x8c: {  	s17 =	sshll.u32 s0, $0xA;
	s2 =	sadd.s32 s3, s2  }
0x8d: {  	s2 =	sadd.s32 s2, s17  }
0x8e: {  	[smem:$0x3FC5] =	sst s2  }
0x8f: {  	_ = 	snop  }
0x90: {  	s2 =	sld [smem:$0x3FC9];
	(tm) =	ssettm $0x1  }
0x91: {  	s18 =	sld [smem:$0x3FFB];
	_ =	sdelay $0x3  }
0x92: {  	_ =	strace s18  }
0x93: {  	s3 =	sld [smem:$0x3FFC];
	_ =	sdelay $0x3  }
0x94: {  	_ =	strace s3  }
0x95: {  	s3 =	sld [smem:$0x3FFD];
	_ =	sdelay $0x3  }
0x96: {  	_ =	strace s3  }
0x97: {  	_ =	strace $0x8FFFFFFF  }
0x98: {  	s19 =	sld [smem:$0x3FDB];
	_ =	sdelay $0x1  }
0x99: {  	s4 =	simm.s32 $_scs_section_size  }
0x9a: {  	s5 =	simm.s32 $_size__tile_overlayer_lowered;
	s6 =	simm.s32 $_tile_overlayer_lowered  }
0x9b: {  	s22 =	simm.s32 $0x1BFF;
	s21 =	sshll.u32 s6, $0x1;
	s3 =	sadd.s32 s4, s19  }
0x9c: {  	s7 =	simm.s32 $0x0;
	s20 =	sshll.u32 s5, $0x1;
	s5 =	sadd.s32 s21, s3  }
0x9d: {  	[timem:s7], [sflag:s22] =	dma.local [hbm:s5], s20  }
0x9e: {  	_ =	swait.ge [sflag:s22], s20  }
0x9f: {  	s4 =	ssub.s32 $0x0, s20;
	[sflag:s22] =	ssyncset.done $0x0  }
0xa0: {  	[sflag:s22] =	ssyncadd.s32 s4;
	_ =	sdelay $0x1  }
0xa1: {  	s23 =	simm.s32 $0x1B8B  }
0xa2: {  	_ =	swait.ge [sflag:s23], $0x1  }
0xa3: {  	[sflag:s23] =	ssyncset.done $0x0  }
0xa4: {  	s25 =	simm.s32 $0x1B8E;
	s24 =	sld [smem:$0x3FFE];
	[sflag:s23] =	ssyncadd.s32 $0xFFFFFFFF  }
0xa5: {  	s26 =	simm.s32 $execute0_lowered;
	[smem:$0x3FD2] =	sst s25  }
0xa6: {  	s5 =	sshll.u32 s26, $0x1;
	_ =	strace $0x80000046;
	[dreg:$0x1] =	wrdreg $0xFFFFFFFF  }
0xa7: {  	s28 =	simm.s32 $_size_execute0_lowered;
	s3 =	sadd.s32 s3, s5;
	[dreg:$0x0] =	wrdreg $0x0  }
0xa8: {  	s5 =	sshll.u32 s28, $0x1;
	[dreg:$0x2] =	wrdreg s3  }
0xa9: {  	[dreg:$0x3] =	wrdreg s5  }
0xaa: {  	[dreg:$0x4] =	wrdreg $0xC0  }
0xab: {  	_ =	task [dreg:s7], $0x5FFFF  }
0xac: {  	[dreg:$0x1] =	wrdreg $0xFFFFFFFF  }
0xad: {  	[dreg:$0x0] =	wrdreg $0x60  }
0xae: {  	[dreg:$0x2] =	wrdreg s2  }
0xaf: {  	[dreg:$0x3] =	wrdreg s24  }
0xb0: {  	[dreg:$0x4] =	wrdreg $0x9  }
0xb1: {  	_ =	task.clear_ibuf [dreg:s7], $0x5FFFF;
	_ =	strace $0x90000046  }
0xb2: {  	s29 =	simm.s32 $0x9;
	_ =	strace $0x80000048  }
0xb3: {  	_ =	swait.ge [sflag:s29], $0x1  }
0xb4: {  	[sflag:s29] =	ssyncadd.s32 $0xFFFFFFFF  }
0xb5: {  	_ =	strace $0x90000048  }
0xb6: {  	_ =	sfence  }
0xb7: {  	s30 =	sld [smem:$0x0];
	_ =	sdelay $0x2  }
0xb8: {  	s31 =	sshll.u32 s1, $0xD;
	s1 =	sshrl.u32 s1, $0x2  }
0xb9: {  	s3 =	sand.u32 $0x4000, s31;
	s1 =	sadd.s32 s1, s30  }
0xba: {  	s0 =	sor.u32 s3, s0;
	s1 =	sshll.u32 s1, $0x11  }
0xbb: {  	s0 =	sor.u32 s1, s0  }
0xbc: {  	s0 =	sadd.s32 $0x8F2B, s0  }
0xbd: {  	[sflag:s0] =	ssyncadd.remote.s32 $0x1  }
0xbe: {  	_ =	sfence.sel $0xFFFF  }
0xbf: {  	[dreg:$0x0] =	wrdreg $0xFFFFFFFF;
	(pc) =	sbr.abs _section_cstart, $3  }
0xc0: {  	[dreg:$0x1] =	wrdreg $0xFFFFFFFF  }
0xc1: {  	_ =	task.clear_ibuf [dreg:s7], $0x2FFFF;
	_ =	strace $0x9FFFFFFF  }
0xc2: {  	(tm) =	ssettm $0x7FFFFFFF  }
0xc3: {  	_ =	shalt  }
tec
execute0_lowered:
.L_overlay_start_1:
0x0: {  	(tag) =	ssettag $0x1  }
0x1: {  	s5 =	rddreg [dreg:$0x0]  }
0x2: {  	s3 =	rddreg [dreg:$0x1]  }
0x3: {  	s0 =	rddreg [dreg:$0x2]  }
0x4: {  	s2 =	simm.s32 $0x0;
	s1 =	stileid.u32;
	s4 =	srdreg.scid  }
0x5: {  	s11 =	simm.s32 $0x8000;
	s12 =	simm.s32 $0x2;
	s13 =	simm.s32 $0x80  }
0x6: {  	s14 =	simm.s32 $0x400;
	s15 =	simm.s32 $0x3;
	[smem:$0x7FF] =	sst s2  }
0x7: {  	s6 =	sshll.u32 s1, $0x4;
	s4 =	sand.u32 $0x1, s4;
	s26 =	sshll.u32 s1, $0x11  }
0x8: {  	_ =	strace $0x80000047;
	s6 =	sand.u32 $0x70, s6;
	s7 =	ssub.s32 $0x2, s4  }
0x9: {  	s24 =	sshll.u32 s4, $0x4;
	s28 =	sshll.u32 s4, $0x15;
	s29 =	sadd.s32 s5, s26  }
0xa: {  	s8 =	sadd.s32 s6, s3;
	s23 =	sshrl.u32 s7, $0x1;
	s25 =	sor.u32 s1, s24  }
0xb: {  	s4 =	sadd.s32 s28, s29;
	s5 =	sadd.s32 s5, s28;
	s30 =	sshll.u32 s25, $0xD  }
0xc: {  	s9 =	ssub.s32 s7, s23;
	s3 =	sshll.u32 s25, $0x6;
	s10 =	sand.u32 $0x30000, s30  }
0xd: {  	v1 =	vlaneseq.u32;
	s6 =	sand.u32 $0x3C0, s3;
	s31 =	sadd.s32 s10, s8;
	s8 =	smax.u32 s9, $0x1  }
0xe: {  	v0 =	vimm.s32 $0x0;
	v2 =	vimm.s32 $0x1;
	v1 =	vor.u32 $0x8000, v1;
	s9 =	simm.s32 $0x4000;
	s10 =	simm.s32 $0x1;
	s7 =	sadd.s32 $0xA00, s31  }
.LBB2_1:
0xf: {  	s16 =	simm.s32 $0x40;
	s17 =	simm.s32 $0x0  }
.LBB2_2:
0x10: {  	p0 =	sne.s32 s16, $0x3FFC0;
	[tilespmem:s17+$0x8000] =	vst v0;
	s17 =	smov.u32 s16;
	s16 =	sadd.s32 $0x40, s16  }
.Ltmp0:
0x11: {  	(pc) =	sbr.rel @p0 .LBB2_2-.Ltmp0, $2  }
0x12: {  	_ =	sdelay $0x2  }
0x13: {  	s17 =	sshra.s32 s17, $0x2  }
0x14: {  	[tilespmem:s17+$0x8000] =	vst v0;
	s16 =	simm.s32 $0x0;
	s17 =	simm.s32 $0x0  }
0x15: {  	[tilespmem:s16], [sflag:$0x1] =	stream.linear.gather [hbm4b:s4+s16], $0x4000, $0x38;
	[tilespmem:$0x18000] =	vst v63  }
.LBB2_4:
0x16: {  	s18 =	sshll.u32 s17, $0x1  }
0x17: {  	s19 =	sadd.s32 s18, s3  }
0x18: {  	s19 =	sshll.u32 s19, $0xB  }
0x19: {  	s19 =	sadd.s32 $0x800, s19  }
0x1a: {  	s19 =	sand.u32 $0x1FF800, s19  }
0x1b: {  	s19 =	sadd.s32 s19, s5  }
0x1c: {  	[tilespmem:s9], [sflag:$0x2] =	stream.linear.gather [hbm4b:s19+s16], $0x4000, $0x38;
	[tilespmem:$0x18000] =	vst v63  }
0x1d: {  	s31 =	simm.s32 $0x0;
	_ =	swait.ge [sflag:s10], $0x4000  }
0x1e: {  	s20 =	sand.u32 $0x380, s16;
	s19 =	sand.u32 $0x3800, s31;
	[sflag:s10] =	ssyncset.done $0x0  }
0x1f: {  	s19 =	sor.u32 s20, s19;
	[sflag:s10] =	ssyncadd.s32 $0xFFFFC000  }
0x20: {  	v5 =	vld [tilespmem:s19+$0x10]  }
0x21: {  	v6 =	vld [tilespmem:s19+$0x0]  }
0x22: {  	v7 =	vld [tilespmem:s19+$0x20]  }
0x23: {  	v9 =	vld [tilespmem:s19+$0x30]  }
0x24: {  	v13 =	vld [tilespmem:s19+$0x50]  }
0x25: {  	v17 =	vld [tilespmem:s19+$0x400]  }
0x26: {  	v18 =	vld [tilespmem:s19+$0x410]  }
0x27: {  	v21 =	vld [tilespmem:s19+$0x70];
	_ =	sdelay $0x2  }
0x28: {  	v8 =	vld [tilespmem:s19+$0x40];
	v4 =	vshra.s32 v6, $0x1F;
	v10 =	vshra.s32 v5, $0x1F  }
0x29: {  	v12 =	vshra.s32 v7, $0x1F;
	v16 =	vshra.s32 v9, $0x1F;
	v24 =	vshra.s32 v13, $0x1F  }
0x2a: {  	v3 =	vld [tilespmem:s19+$0x460];
	v25 =	vshra.s32 v17, $0x1F;
	v60 =	vshra.s32 v18, $0x1F;
	v26 =	vshra.s32 v21, $0x1F  }
0x2b: {  	v11 =	vand.u32 $0x7FF00000, v4;
	v10 =	vand.u32 $0x7FF00000, v10;
	v16 =	vand.u32 $0x7FF00000, v16  }
0x2c: {  	v25 =	vand.u32 $0x7FF00000, v25;
	v11 =	vxor.u32 v6, v11;
	v5 =	vxor.u32 v5, v10  }
0x2d: {  	v10 =	vand.u32 $0x7FF00000, v12;
	v12 =	vshra.s32 v8, $0x1F;
	v9 =	vxor.u32 v9, v16  }
0x2e: {  	v14 =	vld [tilespmem:s19+$0x60];
	v11 =	vshra.s32 v11, $0x10;
	v5 =	vshra.s32 v5, $0x10;
	v10 =	vxor.u32 v7, v10  }
0x2f: {  	v4 =	vld [tilespmem:s19+$0x450];
	v7 =	vshra.s32 v3, $0x1F;
	v12 =	vand.u32 $0x7FF00000, v12;
	v9 =	vshra.s32 v9, $0x10  }
0x30: {  	v6 =	vld [tilespmem:s19+$0x440];
	v5 =	vand.u32 $0xFFFFFFF0, v5;
	v11 =	vand.u32 $0xFFFFFFF0, v11;
	v10 =	vshra.s32 v10, $0x10  }
0x31: {  	v9 =	vand.u32 $0xFFFFFFF0, v9;
	v8 =	vxor.u32 v8, v12;
	v15 =	vadd.s32 v1, v5  }
0x32: {  	v5 =	vand.u32 $0x7FF00000, v7;
	v19 =	vadd.s32 v1, v11;
	v10 =	vand.u32 $0xFFFFFFF0, v10  }
0x33: {  	v22 =	vadd.s32 v1, v9;
	v8 =	vshra.s32 v8, $0x10;
	v9 =	vshra.s32 v14, $0x1F  }
0x34: {  	v12 =	vld [tilespmem:s19+$0x420];
	v16 =	vshra.s32 v4, $0x1F;
	v23 =	vand.u32 $0xFFFFFFF0, v8;
	v9 =	vand.u32 $0x7FF00000, v9  }
0x35: {  	v20 =	vshra.s32 v6, $0x1F;
	v8 =	vand.u32 $0x7FF00000, v16;
	v16 =	vadd.s32 v1, v10  }
0x36: {  	v7 =	vld [tilespmem:s19+$0x430];
	v10 =	vand.u32 $0x7FF00000, v24;
	v9 =	vxor.u32 v14, v9;
	v14 =	vand.u32 $0x7FF00000, v26  }
0x37: {  	v24 =	vand.u32 $0x7FF00000, v60;
	v23 =	vadd.s32 v1, v23;
	v61 =	vshra.s32 v9, $0x10  }
0x38: {  	v9 =	vxor.u32 v17, v25;
	v18 =	vxor.u32 v18, v24;
	v14 =	vxor.u32 v21, v14  }
0x39: {  	v13 =	vxor.u32 v13, v10;
	v17 =	vshra.s32 v12, $0x1F;
	v25 =	vshra.s32 v9, $0x10  }
0x3a: {  	v9 =	vld [tilespmem:s19+$0x470];
	v62 =	vand.u32 $0xFFFFFFF0, v61;
	v13 =	vshra.s32 v13, $0x10;
	v14 =	vshra.s32 v14, $0x10  }
0x3b: {  	v11 =	vshra.s32 v7, $0x1F;
	v63 =	vand.u32 $0xFFFFFFF0, v25;
	[tilespmem:v19+s11+$0x0] =	vst.idx.add.s32.msk $0xffff, v2;
	v17 =	vand.u32 $0x7FF00000, v17  }
0x3c: {  	v11 =	vand.u32 $0x7FF00000, v11;
	v10 =	vadd.s32 v1, v63;
	[tilespmem:v15+s11+$0x0] =	vst.idx.add.s32.msk $0xffff, v2;
	v15 =	vxor.u32 v12, v17  }
0x3d: {  	v12 =	vadd.s32 v1, v62;
	v17 =	vshra.s32 v18, $0x10;
	[tilespmem:v16+s11+$0x0] =	vst.idx.add.s32.msk $0xffff, v2;
	v15 =	vshra.s32 v15, $0x10  }
0x3e: {  	v16 =	vand.u32 $0xFFFFFFF0, v13;
	v13 =	vand.u32 $0xFFFFFFF0, v14;
	v14 =	vand.u32 $0xFFFFFFF0, v17;
	[tilespmem:v22+s11+$0x0] =	vst.idx.add.s32.msk $0xffff, v2  }
0x3f: {  	s20 =	simm.s32 $0x0;
	s19 =	simm.s32 $0x10;
	v17 =	vand.u32 $0x7FF00000, v20;
	v15 =	vand.u32 $0xFFFFFFF0, v15;
	v13 =	vadd.s32 v1, v13;
	[tilespmem:v23+s11+$0x0] =	vst.idx.add.s32.msk $0xffff, v2  }
.LBB2_5:
0x40: {  	p0 =	sne.s32 s19, $0x3F0  }
0x41: {  	v16 =	vadd.s32 v1, v16;
	v6 =	vxor.u32 v6, v17;
	v17 =	vshra.s32 v9, $0x1F;
	s20 =	sadd.s32 $0x2000, s20;
	s21 =	smov.u32 s19;
	s19 =	sadd.s32 $0x10, s19  }
0x42: {  	v15 =	vadd.s32 v1, v15;
	v7 =	vxor.u32 v7, v11;
	v6 =	vshra.s32 v6, $0x10  }
0x43: {  	v7 =	vshra.s32 v7, $0x10;
	v11 =	vand.u32 $0x7FF00000, v17;
	v6 =	vand.u32 $0xFFFFFFF0, v6  }
0x44: {  	v14 =	vadd.s32 v1, v14;
	v9 =	vxor.u32 v9, v11;
	v6 =	vadd.s32 v1, v6  }
0x45: {  	v4 =	vxor.u32 v4, v8;
	v7 =	vand.u32 $0xFFFFFFF0, v7;
	v8 =	vshra.s32 v9, $0x10  }
0x46: {  	v4 =	vshra.s32 v4, $0x10;
	v7 =	vadd.s32 v1, v7;
	v8 =	vand.u32 $0xFFFFFFF0, v8;
	[tilespmem:v16+s11+$0x0] =	vst.idx.add.s32.msk $0xffff, v2  }
0x47: {  	v3 =	vxor.u32 v3, v5;
	v4 =	vand.u32 $0xFFFFFFF0, v4;
	v5 =	vadd.s32 v1, v8;
	[tilespmem:v12+s11+$0x0] =	vst.idx.add.s32.msk $0xffff, v2  }
0x48: {  	v3 =	vshra.s32 v3, $0x10;
	[tilespmem:v13+s11+$0x0] =	vst.idx.add.s32.msk $0xffff, v2  }
0x49: {  	v3 =	vand.u32 $0xFFFFFFF0, v3;
	v4 =	vadd.s32 v1, v4;
	[tilespmem:v10+s11+$0x0] =	vst.idx.add.s32.msk $0xffff, v2  }
0x4a: {  	v3 =	vadd.s32 v1, v3;
	[tilespmem:v14+s11+$0x0] =	vst.idx.add.s32.msk $0xffff, v2  }
0x4b: {  	[tilespmem:v15+s11+$0x0] =	vst.idx.add.s32.msk $0xffff, v2  }
0x4c: {  	[tilespmem:v7+s11+$0x0] =	vst.idx.add.s32.msk $0xffff, v2  }
0x4d: {  	[tilespmem:v6+s11+$0x0] =	vst.idx.add.s32.msk $0xffff, v2  }
0x4e: {  	s22 =	sshrl.u32 s20, $0x2;
	[tilespmem:v4+s11+$0x0] =	vst.idx.add.s32.msk $0xffff, v2  }
0x4f: {  	s21 =	sand.u32 $0x380, s21;
	s22 =	sand.u32 $0x3800, s22;
	[tilespmem:v3+s11+$0x0] =	vst.idx.add.s32.msk $0xffff, v2  }
0x50: {  	s21 =	sor.u32 s21, s22;
	[tilespmem:v5+s11+$0x0] =	vst.idx.add.s32.msk $0xffff, v2  }
0x51: {  	v5 =	vld [tilespmem:s21+$0x10]  }
0x52: {  	v7 =	vld [tilespmem:s21+$0x0]  }
0x53: {  	v8 =	vld [tilespmem:s21+$0x20]  }
0x54: {  	v9 =	vld [tilespmem:s21+$0x30]  }
0x55: {  	v10 =	vld [tilespmem:s21+$0x40]  }
0x56: {  	v3 =	vld [tilespmem:s21+$0x460]  }
0x57: {  	v12 =	vshra.s32 v5, $0x1F;
	v4 =	vld [tilespmem:s21+$0x450];
	v11 =	vshra.s32 v7, $0x1F  }
0x58: {  	v12 =	vand.u32 $0x7FF00000, v12;
	v6 =	vld [tilespmem:s21+$0x440];
	v11 =	vand.u32 $0x7FF00000, v11;
	v13 =	vshra.s32 v8, $0x1F  }
0x59: {  	v5 =	vxor.u32 v5, v12;
	v14 =	vld [tilespmem:s21+$0x50];
	v7 =	vxor.u32 v7, v11;
	v11 =	vand.u32 $0x7FF00000, v13  }
0x5a: {  	v5 =	vshra.s32 v5, $0x10;
	v12 =	vld [tilespmem:s21+$0x60];
	v13 =	vshra.s32 v7, $0x10;
	v15 =	vshra.s32 v10, $0x1F  }
0x5b: {  	v5 =	vand.u32 $0xFFFFFFF0, v5;
	v8 =	vxor.u32 v8, v11;
	v7 =	vld [tilespmem:s21+$0x430];
	v11 =	vshra.s32 v3, $0x1F  }
0x5c: {  	v18 =	vshra.s32 v9, $0x1F;
	v17 =	vadd.s32 v1, v5;
	v16 =	vld [tilespmem:s21+$0x70];
	v5 =	vand.u32 $0x7FF00000, v11  }
0x5d: {  	v8 =	vshra.s32 v8, $0x10;
	v11 =	vand.u32 $0xFFFFFFF0, v13;
	v13 =	vand.u32 $0x7FF00000, v18;
	v19 =	vld [tilespmem:s21+$0x420]  }
0x5e: {  	v9 =	vxor.u32 v9, v13;
	v13 =	vand.u32 $0x7FF00000, v15;
	v15 =	vshra.s32 v4, $0x1F;
	v18 =	vld [tilespmem:s21+$0x400]  }
0x5f: {  	v11 =	vadd.s32 v1, v11;
	v21 =	vshra.s32 v6, $0x1F;
	v9 =	vshra.s32 v9, $0x10;
	v20 =	vld [tilespmem:s21+$0x410]  }
0x60: {  	v22 =	vand.u32 $0xFFFFFFF0, v8;
	v10 =	vxor.u32 v10, v13;
	v8 =	vand.u32 $0xFFFFFFF0, v9  }
0x61: {  	v13 =	vadd.s32 v1, v8;
	v8 =	vshra.s32 v10, $0x10;
	v10 =	vshra.s32 v12, $0x1F;
	v9 =	vld [tilespmem:s21+$0x470]  }
0x62: {  	v24 =	vshra.s32 v7, $0x1F;
	v23 =	vand.u32 $0xFFFFFFF0, v8;
	v10 =	vand.u32 $0x7FF00000, v10  }
0x63: {  	v25 =	vshra.s32 v14, $0x1F;
	v8 =	vand.u32 $0x7FF00000, v15;
	v26 =	vshra.s32 v18, $0x1F  }
0x64: {  	v15 =	vadd.s32 v1, v22;
	v22 =	vand.u32 $0x7FF00000, v25;
	v25 =	vshra.s32 v20, $0x1F;
	[tilespmem:v11+s11+$0x0] =	vst.idx.add.s32.msk $0xffff, v2  }
0x65: {  	v27 =	vshra.s32 v16, $0x1F;
	v26 =	vand.u32 $0x7FF00000, v26;
	v11 =	vand.u32 $0x7FF00000, v24;
	[tilespmem:v17+s11+$0x0] =	vst.idx.add.s32.msk $0xffff, v2  }
0x66: {  	v10 =	vxor.u32 v12, v10;
	v12 =	vand.u32 $0x7FF00000, v27;
	v17 =	vand.u32 $0x7FF00000, v25  }
0x67: {  	v10 =	vshra.s32 v10, $0x10;
	v24 =	vshra.s32 v19, $0x1F;
	v18 =	vxor.u32 v18, v26  }
0x68: {  	v23 =	vadd.s32 v1, v23;
	v18 =	vshra.s32 v18, $0x10;
	v17 =	vxor.u32 v20, v17  }
0x69: {  	v12 =	vxor.u32 v16, v12;
	v20 =	vand.u32 $0xFFFFFFF0, v10;
	v10 =	vand.u32 $0xFFFFFFF0, v18;
	[tilespmem:v15+s11+$0x0] =	vst.idx.add.s32.msk $0xffff, v2  }
.Ltmp1:
0x6a: {  	v14 =	vxor.u32 v14, v22;
	v10 =	vadd.s32 v1, v10;
	v15 =	vand.u32 $0x7FF00000, v24;
	[tilespmem:v13+s11+$0x0] =	vst.idx.add.s32.msk $0xffff, v2;
	(pc) =	sbr.rel @p0 .LBB2_5-.Ltmp1, $4  }
0x6b: {  	v13 =	vshra.s32 v14, $0x10;
	v14 =	vshra.s32 v12, $0x10;
	v15 =	vxor.u32 v19, v15  }
0x6c: {  	v17 =	vshra.s32 v17, $0x10;
	v12 =	vadd.s32 v1, v20;
	v15 =	vshra.s32 v15, $0x10  }
0x6d: {  	v16 =	vand.u32 $0xFFFFFFF0, v13;
	v13 =	vand.u32 $0xFFFFFFF0, v14;
	v15 =	vand.u32 $0xFFFFFFF0, v15;
	[tilespmem:v23+s11+$0x0] =	vst.idx.add.s32.msk $0xffff, v2  }
0x6e: {  	v14 =	vand.u32 $0xFFFFFFF0, v17;
	v17 =	vand.u32 $0x7FF00000, v21;
	v13 =	vadd.s32 v1, v13  }
0x6f: {  	v16 =	vadd.s32 v1, v16;
	_ =	sdelay $0x1  }
0x70: {  	v6 =	vxor.u32 v6, v17;
	v17 =	vshra.s32 v9, $0x1F;
	v7 =	vxor.u32 v7, v11  }
0x71: {  	v11 =	vadd.s32 v1, v15;
	v14 =	vadd.s32 v1, v14;
	v4 =	vxor.u32 v4, v8  }
0x72: {  	v3 =	vxor.u32 v3, v5;
	v6 =	vshra.s32 v6, $0x10;
	v7 =	vshra.s32 v7, $0x10  }
0x73: {  	v15 =	vand.u32 $0x7FF00000, v17;
	v4 =	vshra.s32 v4, $0x10;
	v7 =	vand.u32 $0xFFFFFFF0, v7;
	[tilespmem:v16+s11+$0x0] =	vst.idx.add.s32.msk $0xffff, v2  }
0x74: {  	v3 =	vshra.s32 v3, $0x10;
	v6 =	vand.u32 $0xFFFFFFF0, v6;
	v7 =	vadd.s32 v1, v7;
	[tilespmem:v12+s11+$0x0] =	vst.idx.add.s32.msk $0xffff, v2  }
0x75: {  	v5 =	vxor.u32 v9, v15;
	v4 =	vand.u32 $0xFFFFFFF0, v4;
	v6 =	vadd.s32 v1, v6;
	[tilespmem:v13+s11+$0x0] =	vst.idx.add.s32.msk $0xffff, v2  }
0x76: {  	v3 =	vand.u32 $0xFFFFFFF0, v3;
	v5 =	vshra.s32 v5, $0x10;
	v4 =	vadd.s32 v1, v4;
	[tilespmem:v10+s11+$0x0] =	vst.idx.add.s32.msk $0xffff, v2  }
0x77: {  	v3 =	vadd.s32 v1, v3;
	v5 =	vand.u32 $0xFFFFFFF0, v5;
	[tilespmem:v14+s11+$0x0] =	vst.idx.add.s32.msk $0xffff, v2  }
0x78: {  	v5 =	vadd.s32 v1, v5;
	[tilespmem:v11+s11+$0x0] =	vst.idx.add.s32.msk $0xffff, v2  }
0x79: {  	s18 =	sadd.s32 $0x2, s18;
	[tilespmem:v7+s11+$0x0] =	vst.idx.add.s32.msk $0xffff, v2  }
0x7a: {  	s18 =	sand.u32 $0x3E, s18;
	[tilespmem:v6+s11+$0x0] =	vst.idx.add.s32.msk $0xffff, v2  }
0x7b: {  	s18 =	sor.u32 s6, s18;
	[tilespmem:v4+s11+$0x0] =	vst.idx.add.s32.msk $0xffff, v2  }
0x7c: {  	s18 =	sshll.u32 s18, $0xB;
	[tilespmem:v3+s11+$0x0] =	vst.idx.add.s32.msk $0xffff, v2  }
0x7d: {  	s19 =	sadd.s32 s18, s5;
	s18 =	simm.s32 $0x0;
	[tilespmem:v5+s11+$0x0] =	vst.idx.add.s32.msk $0xffff, v2  }
0x7e: {  	[tilespmem:s18], [sflag:$0x1] =	stream.linear.gather [hbm4b:s19+s18], $0x4000, $0x38;
	[tilespmem:$0x18000] =	vst v63  }
0x7f: {  	s31 =	simm.s32 $0x0;
	_ =	swait.ge [sflag:s12], $0x4000  }
0x80: {  	s20 =	sand.u32 $0x380, s18;
	s19 =	sand.u32 $0x3800, s31;
	[sflag:s12] =	ssyncset.done $0x0  }
0x81: {  	s19 =	sor.u32 s20, s19;
	[sflag:s12] =	ssyncadd.s32 $0xFFFFC000  }
0x82: {  	v5 =	vld [tilespmem:s19+$0x4010]  }
0x83: {  	v6 =	vld [tilespmem:s19+$0x4000]  }
0x84: {  	v7 =	vld [tilespmem:s19+$0x4020]  }
0x85: {  	v9 =	vld [tilespmem:s19+$0x4030]  }
0x86: {  	v13 =	vld [tilespmem:s19+$0x4050]  }
0x87: {  	v17 =	vld [tilespmem:s19+$0x4400]  }
0x88: {  	v18 =	vld [tilespmem:s19+$0x4410]  }
0x89: {  	v21 =	vld [tilespmem:s19+$0x4070];
	_ =	sdelay $0x2  }
0x8a: {  	v8 =	vld [tilespmem:s19+$0x4040];
	v4 =	vshra.s32 v6, $0x1F;
	v10 =	vshra.s32 v5, $0x1F  }
0x8b: {  	v12 =	vshra.s32 v7, $0x1F;
	v16 =	vshra.s32 v9, $0x1F;
	v24 =	vshra.s32 v13, $0x1F  }
0x8c: {  	v3 =	vld [tilespmem:s19+$0x4460];
	v25 =	vshra.s32 v17, $0x1F;
	v60 =	vshra.s32 v18, $0x1F;
	v26 =	vshra.s32 v21, $0x1F  }
0x8d: {  	v11 =	vand.u32 $0x7FF00000, v4;
	v10 =	vand.u32 $0x7FF00000, v10;
	v16 =	vand.u32 $0x7FF00000, v16  }
0x8e: {  	v25 =	vand.u32 $0x7FF00000, v25;
	v11 =	vxor.u32 v6, v11;
	v5 =	vxor.u32 v5, v10  }
0x8f: {  	v10 =	vand.u32 $0x7FF00000, v12;
	v12 =	vshra.s32 v8, $0x1F;
	v9 =	vxor.u32 v9, v16  }
0x90: {  	v14 =	vld [tilespmem:s19+$0x4060];
	v11 =	vshra.s32 v11, $0x10;
	v5 =	vshra.s32 v5, $0x10;
	v10 =	vxor.u32 v7, v10  }
0x91: {  	v4 =	vld [tilespmem:s19+$0x4450];
	v7 =	vshra.s32 v3, $0x1F;
	v12 =	vand.u32 $0x7FF00000, v12;
	v9 =	vshra.s32 v9, $0x10  }
0x92: {  	v6 =	vld [tilespmem:s19+$0x4440];
	v5 =	vand.u32 $0xFFFFFFF0, v5;
	v11 =	vand.u32 $0xFFFFFFF0, v11;
	v10 =	vshra.s32 v10, $0x10  }
0x93: {  	v9 =	vand.u32 $0xFFFFFFF0, v9;
	v8 =	vxor.u32 v8, v12;
	v15 =	vadd.s32 v1, v5  }
0x94: {  	v5 =	vand.u32 $0x7FF00000, v7;
	v19 =	vadd.s32 v1, v11;
	v10 =	vand.u32 $0xFFFFFFF0, v10  }
0x95: {  	v22 =	vadd.s32 v1, v9;
	v8 =	vshra.s32 v8, $0x10;
	v9 =	vshra.s32 v14, $0x1F  }
0x96: {  	v12 =	vld [tilespmem:s19+$0x4420];
	v16 =	vshra.s32 v4, $0x1F;
	v23 =	vand.u32 $0xFFFFFFF0, v8;
	v9 =	vand.u32 $0x7FF00000, v9  }
0x97: {  	v20 =	vshra.s32 v6, $0x1F;
	v8 =	vand.u32 $0x7FF00000, v16;
	v16 =	vadd.s32 v1, v10  }
0x98: {  	v7 =	vld [tilespmem:s19+$0x4430];
	v10 =	vand.u32 $0x7FF00000, v24;
	v9 =	vxor.u32 v14, v9;
	v14 =	vand.u32 $0x7FF00000, v26  }
0x99: {  	v24 =	vand.u32 $0x7FF00000, v60;
	v23 =	vadd.s32 v1, v23;
	v61 =	vshra.s32 v9, $0x10  }
0x9a: {  	v9 =	vxor.u32 v17, v25;
	v18 =	vxor.u32 v18, v24;
	v14 =	vxor.u32 v21, v14  }
0x9b: {  	v13 =	vxor.u32 v13, v10;
	v17 =	vshra.s32 v12, $0x1F;
	v25 =	vshra.s32 v9, $0x10  }
0x9c: {  	v9 =	vld [tilespmem:s19+$0x4470];
	v62 =	vand.u32 $0xFFFFFFF0, v61;
	v13 =	vshra.s32 v13, $0x10;
	v14 =	vshra.s32 v14, $0x10  }
0x9d: {  	v11 =	vshra.s32 v7, $0x1F;
	v63 =	vand.u32 $0xFFFFFFF0, v25;
	[tilespmem:v19+s11+$0x0] =	vst.idx.add.s32.msk $0xffff, v2;
	v17 =	vand.u32 $0x7FF00000, v17  }
0x9e: {  	v11 =	vand.u32 $0x7FF00000, v11;
	v10 =	vadd.s32 v1, v63;
	[tilespmem:v15+s11+$0x0] =	vst.idx.add.s32.msk $0xffff, v2;
	v15 =	vxor.u32 v12, v17  }
0x9f: {  	v12 =	vadd.s32 v1, v62;
	v17 =	vshra.s32 v18, $0x10;
	[tilespmem:v16+s11+$0x0] =	vst.idx.add.s32.msk $0xffff, v2;
	v15 =	vshra.s32 v15, $0x10  }
0xa0: {  	v16 =	vand.u32 $0xFFFFFFF0, v13;
	v13 =	vand.u32 $0xFFFFFFF0, v14;
	v14 =	vand.u32 $0xFFFFFFF0, v17;
	[tilespmem:v22+s11+$0x0] =	vst.idx.add.s32.msk $0xffff, v2  }
0xa1: {  	s19 =	simm.s32 $0x10;
	v17 =	vand.u32 $0x7FF00000, v20;
	v15 =	vand.u32 $0xFFFFFFF0, v15;
	v13 =	vadd.s32 v1, v13;
	[tilespmem:v23+s11+$0x0] =	vst.idx.add.s32.msk $0xffff, v2  }
.LBB2_7:
0xa2: {  	p0 =	sne.s32 s19, $0x3F0  }
0xa3: {  	v16 =	vadd.s32 v1, v16;
	v6 =	vxor.u32 v6, v17;
	v17 =	vshra.s32 v9, $0x1F;
	s18 =	sadd.s32 $0x2000, s18;
	s20 =	smov.u32 s19;
	s19 =	sadd.s32 $0x10, s19  }
0xa4: {  	v15 =	vadd.s32 v1, v15;
	v7 =	vxor.u32 v7, v11;
	v6 =	vshra.s32 v6, $0x10  }
0xa5: {  	v7 =	vshra.s32 v7, $0x10;
	v11 =	vand.u32 $0x7FF00000, v17;
	v6 =	vand.u32 $0xFFFFFFF0, v6  }
0xa6: {  	v14 =	vadd.s32 v1, v14;
	v9 =	vxor.u32 v9, v11;
	v6 =	vadd.s32 v1, v6  }
0xa7: {  	v4 =	vxor.u32 v4, v8;
	v7 =	vand.u32 $0xFFFFFFF0, v7;
	v8 =	vshra.s32 v9, $0x10  }
0xa8: {  	v4 =	vshra.s32 v4, $0x10;
	v7 =	vadd.s32 v1, v7;
	v8 =	vand.u32 $0xFFFFFFF0, v8;
	[tilespmem:v16+s11+$0x0] =	vst.idx.add.s32.msk $0xffff, v2  }
0xa9: {  	v3 =	vxor.u32 v3, v5;
	v4 =	vand.u32 $0xFFFFFFF0, v4;
	v5 =	vadd.s32 v1, v8;
	[tilespmem:v12+s11+$0x0] =	vst.idx.add.s32.msk $0xffff, v2  }
0xaa: {  	v3 =	vshra.s32 v3, $0x10;
	[tilespmem:v13+s11+$0x0] =	vst.idx.add.s32.msk $0xffff, v2  }
0xab: {  	v3 =	vand.u32 $0xFFFFFFF0, v3;
	v4 =	vadd.s32 v1, v4;
	[tilespmem:v10+s11+$0x0] =	vst.idx.add.s32.msk $0xffff, v2  }
0xac: {  	v3 =	vadd.s32 v1, v3;
	[tilespmem:v14+s11+$0x0] =	vst.idx.add.s32.msk $0xffff, v2  }
0xad: {  	[tilespmem:v15+s11+$0x0] =	vst.idx.add.s32.msk $0xffff, v2  }
0xae: {  	[tilespmem:v7+s11+$0x0] =	vst.idx.add.s32.msk $0xffff, v2  }
0xaf: {  	[tilespmem:v6+s11+$0x0] =	vst.idx.add.s32.msk $0xffff, v2  }
0xb0: {  	s21 =	sshrl.u32 s18, $0x2;
	[tilespmem:v4+s11+$0x0] =	vst.idx.add.s32.msk $0xffff, v2  }
0xb1: {  	s20 =	sand.u32 $0x380, s20;
	s21 =	sand.u32 $0x3800, s21;
	[tilespmem:v3+s11+$0x0] =	vst.idx.add.s32.msk $0xffff, v2  }
0xb2: {  	s20 =	sor.u32 s20, s21;
	[tilespmem:v5+s11+$0x0] =	vst.idx.add.s32.msk $0xffff, v2  }
0xb3: {  	v5 =	vld [tilespmem:s20+$0x4010]  }
0xb4: {  	v7 =	vld [tilespmem:s20+$0x4000]  }
0xb5: {  	v8 =	vld [tilespmem:s20+$0x4020]  }
0xb6: {  	v9 =	vld [tilespmem:s20+$0x4030]  }
0xb7: {  	v10 =	vld [tilespmem:s20+$0x4040]  }
0xb8: {  	v3 =	vld [tilespmem:s20+$0x4460]  }
0xb9: {  	v12 =	vshra.s32 v5, $0x1F;
	v4 =	vld [tilespmem:s20+$0x4450];
	v11 =	vshra.s32 v7, $0x1F  }
0xba: {  	v12 =	vand.u32 $0x7FF00000, v12;
	v6 =	vld [tilespmem:s20+$0x4440];
	v11 =	vand.u32 $0x7FF00000, v11;
	v13 =	vshra.s32 v8, $0x1F  }
0xbb: {  	v5 =	vxor.u32 v5, v12;
	v14 =	vld [tilespmem:s20+$0x4050];
	v7 =	vxor.u32 v7, v11;
	v11 =	vand.u32 $0x7FF00000, v13  }
0xbc: {  	v5 =	vshra.s32 v5, $0x10;
	v12 =	vld [tilespmem:s20+$0x4060];
	v13 =	vshra.s32 v7, $0x10;
	v15 =	vshra.s32 v10, $0x1F  }
0xbd: {  	v5 =	vand.u32 $0xFFFFFFF0, v5;
	v8 =	vxor.u32 v8, v11;
	v7 =	vld [tilespmem:s20+$0x4430];
	v11 =	vshra.s32 v3, $0x1F  }
0xbe: {  	v18 =	vshra.s32 v9, $0x1F;
	v17 =	vadd.s32 v1, v5;
	v16 =	vld [tilespmem:s20+$0x4070];
	v5 =	vand.u32 $0x7FF00000, v11  }
0xbf: {  	v8 =	vshra.s32 v8, $0x10;
	v11 =	vand.u32 $0xFFFFFFF0, v13;
	v13 =	vand.u32 $0x7FF00000, v18;
	v19 =	vld [tilespmem:s20+$0x4420]  }
0xc0: {  	v9 =	vxor.u32 v9, v13;
	v13 =	vand.u32 $0x7FF00000, v15;
	v15 =	vshra.s32 v4, $0x1F;
	v18 =	vld [tilespmem:s20+$0x4400]  }
0xc1: {  	v11 =	vadd.s32 v1, v11;
	v21 =	vshra.s32 v6, $0x1F;
	v9 =	vshra.s32 v9, $0x10;
	v20 =	vld [tilespmem:s20+$0x4410]  }
0xc2: {  	v22 =	vand.u32 $0xFFFFFFF0, v8;
	v10 =	vxor.u32 v10, v13;
	v8 =	vand.u32 $0xFFFFFFF0, v9  }
0xc3: {  	v13 =	vadd.s32 v1, v8;
	v8 =	vshra.s32 v10, $0x10;
	v10 =	vshra.s32 v12, $0x1F;
	v9 =	vld [tilespmem:s20+$0x4470]  }
0xc4: {  	v24 =	vshra.s32 v7, $0x1F;
	v23 =	vand.u32 $0xFFFFFFF0, v8;
	v10 =	vand.u32 $0x7FF00000, v10  }
0xc5: {  	v25 =	vshra.s32 v14, $0x1F;
	v8 =	vand.u32 $0x7FF00000, v15;
	v26 =	vshra.s32 v18, $0x1F  }
0xc6: {  	v15 =	vadd.s32 v1, v22;
	v22 =	vand.u32 $0x7FF00000, v25;
	v25 =	vshra.s32 v20, $0x1F;
	[tilespmem:v11+s11+$0x0] =	vst.idx.add.s32.msk $0xffff, v2  }
0xc7: {  	v27 =	vshra.s32 v16, $0x1F;
	v26 =	vand.u32 $0x7FF00000, v26;
	v11 =	vand.u32 $0x7FF00000, v24;
	[tilespmem:v17+s11+$0x0] =	vst.idx.add.s32.msk $0xffff, v2  }
0xc8: {  	v10 =	vxor.u32 v12, v10;
	v12 =	vand.u32 $0x7FF00000, v27;
	v17 =	vand.u32 $0x7FF00000, v25  }
0xc9: {  	v10 =	vshra.s32 v10, $0x10;
	v24 =	vshra.s32 v19, $0x1F;
	v18 =	vxor.u32 v18, v26  }
0xca: {  	v23 =	vadd.s32 v1, v23;
	v18 =	vshra.s32 v18, $0x10;
	v17 =	vxor.u32 v20, v17  }
0xcb: {  	v12 =	vxor.u32 v16, v12;
	v20 =	vand.u32 $0xFFFFFFF0, v10;
	v10 =	vand.u32 $0xFFFFFFF0, v18;
	[tilespmem:v15+s11+$0x0] =	vst.idx.add.s32.msk $0xffff, v2  }
.Ltmp2:
0xcc: {  	v14 =	vxor.u32 v14, v22;
	v10 =	vadd.s32 v1, v10;
	v15 =	vand.u32 $0x7FF00000, v24;
	[tilespmem:v13+s11+$0x0] =	vst.idx.add.s32.msk $0xffff, v2;
	(pc) =	sbr.rel @p0 .LBB2_7-.Ltmp2, $4  }
0xcd: {  	v13 =	vshra.s32 v14, $0x10;
	v14 =	vshra.s32 v12, $0x10;
	v15 =	vxor.u32 v19, v15  }
0xce: {  	v17 =	vshra.s32 v17, $0x10;
	v12 =	vadd.s32 v1, v20;
	v15 =	vshra.s32 v15, $0x10  }
0xcf: {  	v16 =	vand.u32 $0xFFFFFFF0, v13;
	v13 =	vand.u32 $0xFFFFFFF0, v14;
	v15 =	vand.u32 $0xFFFFFFF0, v15;
	[tilespmem:v23+s11+$0x0] =	vst.idx.add.s32.msk $0xffff, v2  }
0xd0: {  	v14 =	vand.u32 $0xFFFFFFF0, v17;
	v17 =	vand.u32 $0x7FF00000, v21;
	v13 =	vadd.s32 v1, v13  }
0xd1: {  	v16 =	vadd.s32 v1, v16;
	_ =	sdelay $0x1  }
0xd2: {  	v6 =	vxor.u32 v6, v17;
	v60 =	vshra.s32 v9, $0x1F;
	v7 =	vxor.u32 v7, v11  }
0xd3: {  	v61 =	vadd.s32 v1, v15;
	v14 =	vadd.s32 v1, v14;
	v4 =	vxor.u32 v4, v8  }
0xd4: {  	v3 =	vxor.u32 v3, v5;
	v6 =	vshra.s32 v6, $0x10;
	v7 =	vshra.s32 v7, $0x10  }
0xd5: {  	v62 =	vand.u32 $0x7FF00000, v60;
	v4 =	vshra.s32 v4, $0x10;
	v7 =	vand.u32 $0xFFFFFFF0, v7;
	[tilespmem:v16+s11+$0x0] =	vst.idx.add.s32.msk $0xffff, v2  }
0xd6: {  	v3 =	vshra.s32 v3, $0x10;
	v6 =	vand.u32 $0xFFFFFFF0, v6;
	v7 =	vadd.s32 v1, v7;
	[tilespmem:v12+s11+$0x0] =	vst.idx.add.s32.msk $0xffff, v2  }
0xd7: {  	v63 =	vxor.u32 v9, v62;
	v4 =	vand.u32 $0xFFFFFFF0, v4;
	v6 =	vadd.s32 v1, v6;
	[tilespmem:v13+s11+$0x0] =	vst.idx.add.s32.msk $0xffff, v2  }
0xd8: {  	v3 =	vand.u32 $0xFFFFFFF0, v3;
	v5 =	vshra.s32 v63, $0x10;
	v4 =	vadd.s32 v1, v4;
	[tilespmem:v10+s11+$0x0] =	vst.idx.add.s32.msk $0xffff, v2  }
0xd9: {  	s17 =	sadd.s32 $0x1, s17;
	v3 =	vadd.s32 v1, v3;
	v5 =	vand.u32 $0xFFFFFFF0, v5;
	[tilespmem:v14+s11+$0x0] =	vst.idx.add.s32.msk $0xffff, v2  }
0xda: {  	p0 =	sne.s32 s17, $0x20;
	v5 =	vadd.s32 v1, v5;
	[tilespmem:v61+s11+$0x0] =	vst.idx.add.s32.msk $0xffff, v2  }
.Ltmp3:
0xdb: {  	[tilespmem:v7+s11+$0x0] =	vst.idx.add.s32.msk $0xffff, v2;
	(pc) =	sbr.rel @p0 .LBB2_4-.Ltmp3, $4  }
0xdc: {  	[tilespmem:v6+s11+$0x0] =	vst.idx.add.s32.msk $0xffff, v2  }
0xdd: {  	[tilespmem:v4+s11+$0x0] =	vst.idx.add.s32.msk $0xffff, v2  }
0xde: {  	[tilespmem:v3+s11+$0x0] =	vst.idx.add.s32.msk $0xffff, v2  }
0xdf: {  	[tilespmem:v5+s11+$0x0] =	vst.idx.add.s32.msk $0xffff, v2  }
0xe0: {  	_ =	swait.ge [sflag:s10], $0x4000;
	s2 =	sadd.s32 $0x1, s2  }
0xe1: {  	[sflag:s10] =	ssyncset.done $0x0;
	p0 =	sne.s32 s2, s8  }
.Ltmp4:
0xe2: {  	[sflag:s10] =	ssyncadd.s32 $0xFFFFC000;
	(pc) =	sbr.rel @p0 .LBB2_1-.Ltmp4, $4  }
0xe3: {  	[hbm4b:s7+s13] =	stream.strided.scatter [tilespmem:s11], [sflag:$0x3], $0x10000, s14, s13, $0x38;
	[tilespmem:$0x18000] =	vst v63  }
0xe4: {  	_ =	swait.ge [sflag:s15], $0x10000  }
0xe5: {  	[sflag:s15] =	ssyncset.done $0x0  }
0xe6: {  	[sflag:s15] =	ssyncadd.s32 $0xFFFF0000  }
0xe7: {  	_ =	sfence.sel $0x180000  }
0xe8: {  	[bflag:$0x0] =	sbarrier.arrive $0xFFFF  }
0xe9: {  	p0 =	sne.s32 s1, $0x0;
	_ =	strace $0x90000047  }
0xea: {  	s0 =	sadd.s32 @!p0 $0x100000, s0;
	[bflag:$0x2] =	sbarrier.arrive $0xFFFF  }
0xeb: {  	[sflag:s0] =	ssyncadd.tile.s32 @!p0 $0x1;
	_ =	shalt  }
.Lfunc_end2:
_tile_overlayer_lowered:
.L_overlay_start_2:
0xec: {  	(tag) =	ssettag $0x2  }
0xed: {  	s0 =	rddreg [dreg:$0x0];
	s2 =	stileid.u32  }
0xee: {  	s1 =	rddreg [dreg:$0x1];
	p0 =	sne.s32 s2, $0x0  }
0xef: {  	s3 =	rddreg [dreg:$0x2];
	[bflag:$0x3] =	sbarrier.arrive $0xFFFF;
	s2 =	simm.s32 @!p0 $0x1C03  }
0xf0: {  	[timem:s3], [sflag:s2] =	dma.local @!p0 [hbm:s0], s1  }
0xf1: {  	s0 =	simm.s32 @!p0 $0x3  }
0xf2: {  	_ =	swait.ge @!p0 [sflag:s0], s1  }
0xf3: {  	s1 =	ssub.s32 @!p0 $0x0, s1;
	[sflag:s0] =	ssyncset.done @!p0 $0x0  }
0xf4: {  	[sflag:s0] =	ssyncadd.s32 @!p0 s1  }
0xf5: {  	[bflag:$0x3] =	sbarrier.arrive $0xFFFF  }
0xf6: {  	_ =	shalt  }

// kernel: kernel.9.cloned.1.call-start
scs
__scs_entry_jumppad:
0x0: {  	(pc) =	sbr.rel $0x88, $3  }
0x1: {  	(tag) =	ssettag $0x0;
	lr =	simm.s32 $0x1  }
0x2: {  	[smem:$0x3F9E] =	sst lr;
	_ =	strace $0xD0000000  }
0x3: {  	_ = 	snop  }
0x4: {  	_ = 	snop  }
0x5: {  	_ = 	snop  }
0x6: {  	_ = 	snop  }
0x7: {  	_ = 	snop  }
__scs_overlays_trampoline_lowered:
0x8: {  	[smem:$0x3FAD] =	sst s0  }
0x9: {  	[smem:$0x3FAE] =	sst s1  }
0xa: {  	[smem:$0x3FAF] =	sst s2  }
0xb: {  	[smem:$0x3FB0] =	sst s3  }
0xc: {  	[smem:$0x3FB1] =	sst s4  }
0xd: {  	[smem:$0x3FB2] =	sst s5  }
0xe: {  	[smem:$0x3FB3] =	sst s6  }
0xf: {  	[smem:$0x3FB4] =	sst s7  }
0x10: {  	[smem:$0x3FB5] =	sst s8  }
0x11: {  	[smem:$0x3FB6] =	sst s9;
	s0 =	simm.s32 @!p0 $0x0  }
0x12: {  	s1 =	sld [smem:$0x3F9C];
	s0 =	simm.s32 @p0 $0x1  }
0x13: {  	[smem:$0x3FB7] =	sst s0;
	s0 =	simm.s32 @!p1 $0x0  }
0x14: {  	s2 =	sld [smem:$0x3F9B];
	s0 =	simm.s32 @p1 $0x1  }
0x15: {  	[smem:$0x3FB8] =	sst s0;
	s0 =	simm.s32 @!p2 $0x0  }
0x16: {  	s3 =	sld [smem:$0x3FDB];
	s0 =	simm.s32 @p2 $0x1  }
0x17: {  	s4 =	simm.s32 $0x1BF5;
	[smem:$0x3FBA] =	sst s0  }
0x18: {  	s0 =	sld [smem:$0x3F9D];
	_ =	swait.ge [sflag:s4], $0x0  }
0x19: {  	s7 =	sld [smem:$0x3F9E]  }
0x1a: {  	s8 =	sadd.s32 $0xFFFFE003, lr  }
0x1b: {  	s9 =	sadd.s32 $0xFFFFFEF7, lr;
	s5 =	simm.s32 $0xFFFFFFFF;
	p2 =	slt.u32 s8, $0xFFFFF086  }
0x1c: {  	p1 =	slt.u32 s9, $0xF7A;
	s5 =	simm.s32 @!p2 $0x0  }
0x1d: {  	s5 =	simm.s32 @p1 $0x1;
	p0 =	seq.s32 s7, s2  }
0x1e: {  	s7 =	smul.u32 @!p0 $0xF7A, s2;
	p2 =	seq.s32 @!p0 s5, $0x0  }
0x1f: {  	s9 =	smul.u32 $0xF7A, s1;
	s8 =	simm.s32 @!p0 $0x1BF5;
	p2 =	por !p2, p0  }
0x20: {  	[sflag:s8] =	ssyncset.s32 @!p0 $0xFFFFF086;
	s6 =	sadd.s32 @!p0 s3, s7;
	s7 =	simm.s32 @!p0 $0x108  }
0x21: {  	s3 =	sadd.s32 s3, s9;
	s6 =	sadd.s32 @!p0 $0x88, s6;
	s7 =	simm.s32 @p2 $0x1082  }
0x22: {  	[simem:s7], [sflag:s8] =	dma.local @!p0 [hbm:s6], $0xF7A  }
0x23: {  	s9 =	sor.u32 $0xD0000000, s2;
	s6 =	simm.s32 $0x108;
	_ =	swait.ge @!p0 [sflag:s8], $0x0  }
0x24: {  	s3 =	sadd.s32 $0x88, s3;
	s6 =	simm.s32 @!p1 $0x1082;
	[sflag:s4] =	ssyncset.s32 $0xFFFFF086  }
0x25: {  	[simem:s6], [sflag:s4] =	dma.local [hbm:s3], $0xF7A  }
0x26: {  	[smem:$0x3F9E] =	sst s1;
	(tag) =	ssettag s2;
	_ =	strace s9  }
0x27: {  	s1 =	sld [smem:$0x3FAE]  }
0x28: {  	s2 =	sld [smem:$0x3FAF]  }
0x29: {  	s4 =	sld [smem:$0x3FB1]  }
0x2a: {  	p0 =	seq.s32 s5, $0x0;
	s5 =	sld [smem:$0x3FB2]  }
0x2b: {  	s6 =	sld [smem:$0x3FB3]  }
0x2c: {  	s7 =	sld [smem:$0x3FB4]  }
0x2d: {  	s3 =	simm.s32 $0x108;
	s8 =	sld [smem:$0x3FB5]  }
0x2e: {  	s3 =	simm.s32 @!p0 $0x1082;
	s9 =	sld [smem:$0x3FB6]  }
0x2f: {  	lr =	sadd.s32 s0, s3;
	s0 =	sld [smem:$0x3FAD]  }
0x30: {  	s3 =	sld [smem:$0x3FB0]  }
0x31: {  	[smem:$0x3FB9] =	sst s10  }
0x32: {  	s10 =	sld [smem:$0x3FB7];
	_ =	sdelay $0x3  }
0x33: {  	p0 =	seq.s32 s10, $0x1;
	s10 =	sld [smem:$0x3FB9];
	_ =	sdelay $0x3  }
0x34: {  	[smem:$0x3FB9] =	sst s10  }
0x35: {  	s10 =	sld [smem:$0x3FB8];
	_ =	sdelay $0x3  }
0x36: {  	p1 =	seq.s32 s10, $0x1;
	s10 =	sld [smem:$0x3FB9];
	_ =	sdelay $0x3  }
0x37: {  	[smem:$0x3FB9] =	sst s10  }
0x38: {  	s10 =	sld [smem:$0x3FBA]  }
0x39: {  	_ = 	snop;
	(pc) =	sbr.ind lr, $3  }
0x3a: {  	_ = 	snop  }
0x3b: {  	_ = 	snop  }
0x3c: {  	p2 =	seq.s32 s10, $0x1;
	s10 =	sld [smem:$0x3FB9]  }
0x3d: {  	_ =	shalt  }
0x3e: {  	_ =	shalt  }
0x3f: {  	_ =	shalt  }
0x40: {  	_ =	shalt  }
0x41: {  	_ =	shalt  }
0x42: {  	_ =	shalt  }
0x43: {  	_ =	shalt  }
0x44: {  	_ =	shalt  }
0x45: {  	_ =	shalt  }
0x46: {  	_ =	shalt  }
0x47: {  	_ =	shalt  }
0x48: {  	_ =	shalt  }
0x49: {  	_ =	shalt  }
0x4a: {  	_ =	shalt  }
0x4b: {  	_ =	shalt  }
0x4c: {  	_ =	shalt  }
0x4d: {  	_ =	shalt  }
0x4e: {  	_ =	shalt  }
0x4f: {  	_ =	shalt  }
0x50: {  	_ =	shalt  }
0x51: {  	_ =	shalt  }
0x52: {  	_ =	shalt  }
0x53: {  	_ =	shalt  }
0x54: {  	_ =	shalt  }
0x55: {  	_ =	shalt  }
0x56: {  	_ =	shalt  }
0x57: {  	_ =	shalt  }
0x58: {  	_ =	shalt  }
0x59: {  	_ =	shalt  }
0x5a: {  	_ =	shalt  }
0x5b: {  	_ =	shalt  }
0x5c: {  	_ =	shalt  }
0x5d: {  	_ =	shalt  }
0x5e: {  	_ =	shalt  }
0x5f: {  	_ =	shalt  }
0x60: {  	_ =	shalt  }
0x61: {  	_ =	shalt  }
0x62: {  	_ =	shalt  }
0x63: {  	_ =	shalt  }
0x64: {  	_ =	shalt  }
0x65: {  	_ =	shalt  }
0x66: {  	_ =	shalt  }
0x67: {  	_ =	shalt  }
0x68: {  	_ =	shalt  }
0x69: {  	_ =	shalt  }
0x6a: {  	_ =	shalt  }
0x6b: {  	_ =	shalt  }
0x6c: {  	_ =	shalt  }
0x6d: {  	_ =	shalt  }
0x6e: {  	_ =	shalt  }
0x6f: {  	_ =	shalt  }
0x70: {  	_ =	shalt  }
0x71: {  	_ =	shalt  }
0x72: {  	_ =	shalt  }
0x73: {  	_ =	shalt  }
0x74: {  	_ =	shalt  }
0x75: {  	_ =	shalt  }
0x76: {  	_ =	shalt  }
0x77: {  	_ =	shalt  }
0x78: {  	_ =	shalt  }
0x79: {  	_ =	shalt  }
0x7a: {  	_ =	shalt  }
0x7b: {  	_ =	shalt  }
0x7c: {  	_ =	shalt  }
0x7d: {  	_ =	shalt  }
0x7e: {  	_ =	shalt  }
0x7f: {  	_ =	shalt  }
0x80: {  	_ =	shalt  }
0x81: {  	_ =	shalt  }
0x82: {  	_ =	shalt  }
0x83: {  	_ =	shalt  }
0x84: {  	_ =	shalt  }
0x85: {  	_ =	shalt  }
0x86: {  	_ =	shalt  }
0x87: {  	_ =	shalt  }
.Lfunc_end0:
.L_simem_size_0:
called_computation.1_lowered:
.L_overlay_start_0:
0x88: {  	s2 =	sld [smem:$0x3FD9]  }
0x89: {  	s3 =	sld [smem:$0x3FFE];
	_ =	sdelay $0x1  }
0x8a: {  	s1 =	srdreg.scid  }
0x8b: {  	s0 =	sand.u32 $0x1, s1  }
0x8c: {  	s14 =	sshll.u32 s0, $0xA;
	s2 =	sadd.s32 s3, s2  }
0x8d: {  	s2 =	sadd.s32 s2, s14  }
0x8e: {  	[smem:$0x3FC5] =	sst s2  }
0x8f: {  	_ = 	snop  }
0x90: {  	s2 =	sld [smem:$0x3FD0];
	_ =	sdelay $0x2  }
0x91: {  	s4 =	simm.s32 $0xA;
	s5 =	simm.s32 $0x10;
	s15 =	sld [smem:$0x3FC9]  }
0x92: {  	[smem:s5], [sflag:s4] =	dma.local [hbm:s2], $0x1  }
0x93: {  	_ =	swait.eq [sflag:s4], $0x1  }
0x94: {  	[sflag:s4] =	ssyncset.done $0x0  }
0x95: {  	[sflag:s4] =	ssyncadd.s32 $0xFFFFFFFF  }
0x96: {  	s16 =	sld [smem:$0x10];
	(tm) =	ssettm $0x1  }
0x97: {  	s17 =	sld [smem:$0x3FFB];
	_ =	sdelay $0x3  }
0x98: {  	_ =	strace s17  }
0x99: {  	s4 =	sld [smem:$0x3FFC];
	_ =	sdelay $0x3  }
0x9a: {  	_ =	strace s4  }
0x9b: {  	s4 =	sld [smem:$0x3FFD];
	_ =	sdelay $0x3  }
0x9c: {  	_ =	strace s4  }
0x9d: {  	_ =	strace $0x8FFFFFFF  }
0x9e: {  	s18 =	sld [smem:$0x3FDB];
	_ =	sdelay $0x1  }
0x9f: {  	s19 =	simm.s32 $_scs_section_size  }
0xa0: {  	s6 =	simm.s32 $_size__tile_overlayer_lowered;
	s7 =	simm.s32 $_tile_overlayer_lowered  }
0xa1: {  	s22 =	simm.s32 $0x1BFF;
	s21 =	sshll.u32 s7, $0x1;
	s4 =	sadd.s32 s19, s18  }
0xa2: {  	s8 =	simm.s32 $0x0;
	s20 =	sshll.u32 s6, $0x1;
	s6 =	sadd.s32 s21, s4  }
0xa3: {  	[timem:s8], [sflag:s22] =	dma.local [hbm:s6], s20  }
0xa4: {  	_ =	swait.ge [sflag:s22], s20  }
0xa5: {  	s5 =	ssub.s32 $0x0, s20;
	[sflag:s22] =	ssyncset.done $0x0  }
0xa6: {  	[sflag:s22] =	ssyncadd.s32 s5;
	_ =	sdelay $0x1  }
0xa7: {  	s23 =	simm.s32 $0x1B8B  }
0xa8: {  	_ =	swait.ge [sflag:s23], $0x1  }
0xa9: {  	[sflag:s23] =	ssyncset.done $0x0  }
0xaa: {  	s25 =	simm.s32 $0x1B8E;
	s24 =	sld [smem:$0x3FFE];
	[sflag:s23] =	ssyncadd.s32 $0xFFFFFFFF  }
0xab: {  	s26 =	simm.s32 $execute0_lowered;
	[smem:$0x3FD2] =	sst s25  }
0xac: {  	s6 =	sshll.u32 s26, $0x1;
	_ =	strace $0x80000049;
	[dreg:$0x1] =	wrdreg $0xFFFFFFFF  }
0xad: {  	s28 =	simm.s32 $_size_execute0_lowered;
	s4 =	sadd.s32 s4, s6;
	[dreg:$0x0] =	wrdreg $0x0  }
0xae: {  	s6 =	sshll.u32 s28, $0x1;
	[dreg:$0x2] =	wrdreg s4  }
0xaf: {  	[dreg:$0x3] =	wrdreg s6  }
0xb0: {  	[dreg:$0x4] =	wrdreg $0xC0  }
0xb1: {  	_ =	task [dreg:s8], $0x5FFFF  }
0xb2: {  	[dreg:$0x1] =	wrdreg $0xFFFFFFFF  }
0xb3: {  	[dreg:$0x0] =	wrdreg $0x60  }
0xb4: {  	[dreg:$0x2] =	wrdreg s15  }
0xb5: {  	[dreg:$0x3] =	wrdreg s16  }
0xb6: {  	[dreg:$0x4] =	wrdreg s24  }
0xb7: {  	[dreg:$0x5] =	wrdreg $0x9  }
0xb8: {  	_ =	task.clear_ibuf [dreg:s8], $0x6FFFF;
	_ =	strace $0x90000049  }
0xb9: {  	s29 =	simm.s32 $0x9;
	_ =	strace $0x8000004B  }
0xba: {  	_ =	swait.ge [sflag:s29], $0x1  }
0xbb: {  	[sflag:s29] =	ssyncadd.s32 $0xFFFFFFFF  }
0xbc: {  	_ =	strace $0x9000004B  }
0xbd: {  	_ =	sfence  }
0xbe: {  	s30 =	sld [smem:$0x0];
	_ =	sdelay $0x2  }
0xbf: {  	s31 =	sshll.u32 s1, $0xD;
	s1 =	sshrl.u32 s1, $0x2  }
0xc0: {  	s3 =	sand.u32 $0x4000, s31;
	s1 =	sadd.s32 s1, s30  }
0xc1: {  	s0 =	sor.u32 s3, s0;
	s1 =	sshll.u32 s1, $0x11  }
0xc2: {  	s0 =	sor.u32 s1, s0  }
0xc3: {  	s0 =	sadd.s32 $0x8F2B, s0  }
0xc4: {  	[sflag:s0] =	ssyncadd.remote.s32 $0x1  }
0xc5: {  	_ =	sfence.sel $0xFFFF  }
0xc6: {  	[dreg:$0x0] =	wrdreg $0xFFFFFFFF;
	(pc) =	sbr.abs _section_cstart, $3  }
0xc7: {  	[dreg:$0x1] =	wrdreg $0xFFFFFFFF  }
0xc8: {  	_ =	task.clear_ibuf [dreg:s8], $0x2FFFF;
	_ =	strace $0x9FFFFFFF  }
0xc9: {  	(tm) =	ssettm $0x7FFFFFFF  }
tec
execute0_lowered:
.L_overlay_start_1:
0x0: {  	(tag) =	ssettag $0x1  }
0x1: {  	s6 =	rddreg [dreg:$0x0]  }
0x2: {  	s1 =	rddreg [dreg:$0x1]  }
0x3: {  	s4 =	rddreg [dreg:$0x2]  }
0x4: {  	s0 =	rddreg [dreg:$0x3];
	s3 =	simm.s32 $0x0;
	s5 =	srdreg.scid  }
0x5: {  	s2 =	stileid.u32;
	s12 =	simm.s32 $0x4000;
	s13 =	simm.s32 $0x1  }
0x6: {  	s14 =	simm.s32 $0x8000;
	s15 =	simm.s32 $0x2;
	s16 =	simm.s32 $0x80  }
0x7: {  	s17 =	simm.s32 $0x400;
	s18 =	simm.s32 $0x0;
	[smem:$0x7FF] =	sst s3  }
0x8: {  	s5 =	sand.u32 $0x1, s5;
	s7 =	sshll.u32 s2, $0x4;
	s30 =	sshll.u32 s2, $0x11  }
0x9: {  	_ =	strace $0x8000004A;
	s8 =	ssub.s32 $0x2, s5;
	s7 =	sand.u32 $0x70, s7  }
0xa: {  	s10 =	sshll.u32 s5, $0x4;
	s11 =	sshll.u32 s5, $0x15;
	s31 =	sadd.s32 s6, s30  }
0xb: {  	s9 =	sshrl.u32 s8, $0x1;
	s7 =	sadd.s32 s7, s4;
	s29 =	sor.u32 s2, s10  }
0xc: {  	s5 =	sadd.s32 s11, s31;
	s9 =	ssub.s32 s8, s9;
	s8 =	sshll.u32 s29, $0xB  }
0xd: {  	s6 =	sadd.s32 s6, s11;
	s10 =	simm.s32 $0xC000;
	s8 =	sand.u32 $0xC000, s8  }
0xe: {  	v0 =	vimm.s32 $0x0;
	v1 =	vlaneseq.u32;
	v2 =	vimm.s32 $0x1;
	s11 =	simm.s32 $0x3;
	s4 =	sshll.u32 s29, $0x6;
	s8 =	sadd.s32 s8, s7  }
0xf: {  	v3 =	vor.u32 $0x1000, v1;
	v4 =	vor.u32 $0x2000, v1;
	v5 =	vor.u32 $0x3000, v1;
	s9 =	smax.u32 s9, $0x1;
	s7 =	sand.u32 $0x3C0, s4;
	s8 =	sadd.s32 $0xA00, s8  }
.LBB2_1:
0x10: {  	[tilespmem:s10], [sflag:$0x3] =	stream.linear.gather [hbm4b:s1+s3], $0x80, $0x38;
	[tilespmem:$0xC080] =	vst v63  }
0x11: {  	_ =	swait.ge [sflag:s11], $0x80  }
0x12: {  	[sflag:s11] =	ssyncset.done $0x0  }
0x13: {  	[sflag:s11] =	ssyncadd.s32 $0xFFFFFF80  }
0x14: {  	v6 =	vld [tilespmem:$0xC000]  }
0x15: {  	v7 =	vld [tilespmem:$0xC010]  }
0x16: {  	v9 =	vld [tilespmem:$0xC030]  }
0x17: {  	s19 =	simm.s32 $0x40;
	s20 =	simm.s32 $0x0;
	v8 =	vld [tilespmem:$0xC020]  }
.LBB2_2:
0x18: {  	p0 =	sne.s32 s19, $0xFFC0;
	[tilespmem:s20+$0x8000] =	vst v0;
	s20 =	smov.u32 s19;
	s19 =	sadd.s32 $0x40, s19  }
.Ltmp0:
0x19: {  	(pc) =	sbr.rel @p0 .LBB2_2-.Ltmp0, $2  }
0x1a: {  	_ =	sdelay $0x2  }
0x1b: {  	s20 =	sshra.s32 s20, $0x2  }
0x1c: {  	[tilespmem:s20+$0x8000] =	vst v0;
	s19 =	simm.s32 $0x0;
	s20 =	simm.s32 $0x0  }
0x1d: {  	[tilespmem:s19], [sflag:$0x1] =	stream.linear.gather [hbm4b:s5+s19], $0x4000, $0x38;
	[tilespmem:$0xC080] =	vst v63  }
.LBB2_4:
0x1e: {  	s21 =	sshll.u32 s20, $0x1  }
0x1f: {  	s22 =	sadd.s32 s21, s4  }
0x20: {  	s22 =	sshll.u32 s22, $0xB  }
0x21: {  	s22 =	sadd.s32 $0x800, s22  }
0x22: {  	s22 =	sand.u32 $0x1FF800, s22  }
0x23: {  	s22 =	sadd.s32 s22, s6  }
0x24: {  	[tilespmem:s12], [sflag:$0x2] =	stream.linear.gather [hbm4b:s22+s19], $0x4000, $0x38;
	[tilespmem:$0xC080] =	vst v63  }
0x25: {  	s31 =	sand.u32 $0xF000, s19;
	_ =	swait.ge [sflag:s13], $0x4000  }
0x26: {  	s23 =	sand.u32 $0x380, s19;
	s22 =	sshrl.u32 s31, $0x2;
	[sflag:s13] =	ssyncset.done $0x0  }
0x27: {  	s22 =	sor.u32 s23, s22;
	[sflag:s13] =	ssyncadd.s32 $0xFFFFC000  }
0x28: {  	v10 =	vld [tilespmem:s22+$0x0];
	_ =	sdelay $0x4  }
0x29: {  	v11 =	vshra.s32 v10, $0x1F  }
0x2a: {  	v11 =	vand.u32 $0x7FFFFFFF, v11  }
0x2b: {  	v12 =	vld [tilespmem:s22+$0x20];
	v14 =	vxor.u32 v10, v11  }
0x2c: {  	v13 =	vshrl.u32 v14, $0x8  }
0x2d: {  	s24 =	simm.s32 $0x0;
	s23 =	simm.s32 $0x8;
	v10 =	vld [tilespmem:s22+$0x10];
	v11 =	vand.u32 $0xFF0, v13;
	v13 =	vand.u32 $0xF80, v13  }
.LBB2_5:
0x2e: {  	p0 =	sne.s32 s23, $0x3F8  }
0x2f: {  	v14 =	vshra.s32 v14, $0x14;
	v15 =	vor.u32 v1, v11;
	v16 =	vor.u32 v5, v11;
	s24 =	sadd.s32 $0x1000, s24;
	s25 =	smov.u32 s23;
	s23 =	sadd.s32 $0x8, s23  }
0x30: {  	v19 =	vor.u32 v4, v11;
	v17 =	vld [tilespmem:s22+$0x30];
	v18 =	vshra.s32 v12, $0x1F;
	v15 =	vand.u32 $0x7F, v15  }
0x31: {  	vm4 =	veq.s32 v14, v9;
	v18 =	vand.u32 $0x7FFFFFFF, v18;
	v13 =	vor.u32 v13, v15  }
0x32: {  	vm6 =	veq.s32 v14, v6;
	vm5 =	veq.s32 v14, v8;
	v12 =	vxor.u32 v12, v18  }
0x33: {  	vm7 =	veq.s32 v14, v7;
	v15 =	vld [tilespmem:s22+$0x50];
	v14 =	vshra.s32 v12, $0x14;
	v12 =	vshrl.u32 v12, $0x8  }
0x34: {  	v20 =	vshra.s32 v10, $0x1F;
	v18 =	vld [tilespmem:s22+$0x40];
	v21 =	vand.u32 $0xFF0, v12;
	vm0 =	veq.s32 v14, v6  }
0x35: {  	v12 =	vand.u32 $0xF80, v12;
	v22 =	vshra.s32 v17, $0x1F;
	v23 =	vor.u32 v3, v21  }
0x36: {  	v11 =	vor.u32 v3, v11;
	v24 =	vor.u32 v1, v21;
	v25 =	vor.u32 v4, v21  }
0x37: {  	v20 =	vand.u32 $0x7FFFFFFF, v20;
	vm3 =	veq.s32 v14, v7;
	v22 =	vand.u32 $0x7FFFFFFF, v22  }
0x38: {  	v10 =	vxor.u32 v10, v20;
	vm1 =	veq.s32 v14, v8;
	v20 =	vshra.s32 v15, $0x1F  }
0x39: {  	s26 =	sand.u32 $0xF000, s24;
	v26 =	vshrl.u32 v10, $0x8;
	vm2 =	veq.s32 v14, v9;
	v14 =	vxor.u32 v17, v22  }
0x3a: {  	s25 =	sand.u32 $0x380, s25;
	s26 =	sshrl.u32 s26, $0x2;
	v10 =	vshra.s32 v10, $0x14;
	v17 =	vand.u32 $0xFF0, v26;
	v22 =	vshra.s32 v18, $0x1F  }
0x3b: {  	s25 =	sor.u32 s25, s26;
	v21 =	vor.u32 v5, v21;
	v28 =	vor.u32 v1, v17;
	v29 =	vor.u32 v4, v17;
	v27 =	vld [tilespmem:s22+$0x70]  }
0x3c: {  	vm8 =	veq.s32 v10, v6;
	v31 =	vor.u32 v3, v17;
	v28 =	vand.u32 $0x7F, v28;
	v30 =	vld [tilespmem:s22+$0x60];
	s22 =	smov.u32 s25  }
0x3d: {  	vm9 =	veq.s32 v10, v7;
	v22 =	vand.u32 $0x7FFFFFFF, v22;
	[tilespmem:v13+s14+$0x0] =	vst.idx.add.s32.msk vm6, v2;
	v13 =	vand.u32 $0xF80, v26  }
0x3e: {  	vm10 =	veq.s32 v10, v8;
	v18 =	vxor.u32 v18, v22;
	[tilespmem:v11+s14+$0x0] =	vst.idx.add.s32.msk vm7, v2;
	v11 =	vand.u32 $0x7F, v24  }
0x3f: {  	v22 =	vshrl.u32 v18, $0x8;
	v13 =	vor.u32 v13, v28;
	[tilespmem:v19+s14+$0x0] =	vst.idx.add.s32.msk vm5, v2;
	v11 =	vor.u32 v12, v11  }
0x40: {  	v12 =	vshra.s32 v14, $0x14;
	v14 =	vshrl.u32 v14, $0x8;
	v19 =	vand.u32 $0xFF0, v22;
	[tilespmem:v16+s14+$0x0] =	vst.idx.add.s32.msk vm4, v2  }
0x41: {  	vm12 =	veq.s32 v10, v9;
	vm4 =	veq.s32 v12, v7;
	v10 =	vor.u32 v1, v19  }
0x42: {  	v17 =	vor.u32 v5, v17;
	v16 =	vshra.s32 v30, $0x1F;
	v10 =	vand.u32 $0x7F, v10  }
0x43: {  	v24 =	vand.u32 $0xFF0, v14;
	vm5 =	veq.s32 v12, v8;
	v16 =	vand.u32 $0x7FFFFFFF, v16  }
0x44: {  	vm11 =	veq.s32 v12, v6;
	vm6 =	veq.s32 v12, v9;
	v12 =	vand.u32 $0xF80, v14;
	[tilespmem:v13+s14+$0x0] =	vst.idx.add.s32.msk vm8, v2  }
0x45: {  	v14 =	vshra.s32 v18, $0x14;
	v18 =	vor.u32 v4, v24;
	v13 =	vor.u32 v1, v24;
	[tilespmem:v31+s14+$0x0] =	vst.idx.add.s32.msk vm9, v2  }
0x46: {  	v22 =	vand.u32 $0xF80, v22;
	vm9 =	veq.s32 v14, v6;
	v13 =	vand.u32 $0x7F, v13;
	[tilespmem:v29+s14+$0x0] =	vst.idx.add.s32.msk vm10, v2  }
0x47: {  	v26 =	vor.u32 v3, v24;
	v10 =	vor.u32 v22, v10;
	vm10 =	veq.s32 v14, v7  }
0x48: {  	v20 =	vand.u32 $0x7FFFFFFF, v20;
	vm7 =	veq.s32 v14, v8;
	[tilespmem:v17+s14+$0x0] =	vst.idx.add.s32.msk vm12, v2;
	v17 =	vor.u32 v3, v19  }
0x49: {  	vm8 =	veq.s32 v14, v9;
	v12 =	vor.u32 v12, v13;
	v13 =	vor.u32 v4, v19  }
0x4a: {  	v14 =	vxor.u32 v15, v20;
	v15 =	vshra.s32 v27, $0x1F;
	[tilespmem:v11+s14+$0x0] =	vst.idx.add.s32.msk vm0, v2;
	v11 =	vor.u32 v5, v19  }
0x4b: {  	v20 =	vor.u32 v5, v24;
	v19 =	vshra.s32 v14, $0x14;
	v14 =	vshrl.u32 v14, $0x8;
	[tilespmem:v23+s14+$0x0] =	vst.idx.add.s32.msk vm3, v2  }
0x4c: {  	v16 =	vxor.u32 v30, v16;
	v15 =	vand.u32 $0x7FFFFFFF, v15;
	v22 =	vand.u32 $0xFF0, v14;
	[tilespmem:v25+s14+$0x0] =	vst.idx.add.s32.msk vm1, v2  }
0x4d: {  	v24 =	vshra.s32 v16, $0x14;
	v16 =	vshrl.u32 v16, $0x8;
	v23 =	vor.u32 v1, v22;
	[tilespmem:v21+s14+$0x0] =	vst.idx.add.s32.msk vm2, v2  }
0x4e: {  	vm1 =	veq.s32 v19, v6;
	[tilespmem:v12+s14+$0x0] =	vst.idx.add.s32.msk vm11, v2;
	v12 =	vand.u32 $0xF80, v14;
	v14 =	vand.u32 $0x7F, v23  }
0x4f: {  	vm3 =	veq.s32 v19, v7;
	v21 =	vand.u32 $0xFF0, v16;
	[tilespmem:v26+s14+$0x0] =	vst.idx.add.s32.msk vm4, v2;
	v12 =	vor.u32 v12, v14  }
0x50: {  	vm4 =	veq.s32 v19, v8;
	v14 =	vor.u32 v3, v22;
	[tilespmem:v18+s14+$0x0] =	vst.idx.add.s32.msk vm5, v2  }
0x51: {  	vm2 =	veq.s32 v19, v9;
	v18 =	vor.u32 v4, v22;
	[tilespmem:v20+s14+$0x0] =	vst.idx.add.s32.msk vm6, v2  }
0x52: {  	v19 =	vor.u32 v1, v21;
	[tilespmem:v10+s14+$0x0] =	vst.idx.add.s32.msk vm9, v2;
	v10 =	vor.u32 v5, v22  }
0x53: {  	v15 =	vxor.u32 v27, v15;
	vm0 =	veq.s32 v24, v8;
	[tilespmem:v17+s14+$0x0] =	vst.idx.add.s32.msk vm10, v2;
	v17 =	vand.u32 $0x7F, v19  }
0x54: {  	vm5 =	veq.s32 v24, v6;
	v19 =	vshrl.u32 v15, $0x8;
	[tilespmem:v13+s14+$0x0] =	vst.idx.add.s32.msk vm7, v2;
	v13 =	vand.u32 $0xF80, v16  }
0x55: {  	vm6 =	veq.s32 v24, v7;
	v16 =	vand.u32 $0xFF0, v19;
	[tilespmem:v11+s14+$0x0] =	vst.idx.add.s32.msk vm8, v2;
	v11 =	vor.u32 v13, v17  }
0x56: {  	v13 =	vshra.s32 v15, $0x14;
	v15 =	vor.u32 v1, v16;
	[tilespmem:v12+s14+$0x0] =	vst.idx.add.s32.msk vm1, v2;
	v12 =	vor.u32 v3, v21  }
0x57: {  	vm1 =	veq.s32 v24, v9;
	v15 =	vand.u32 $0x7F, v15;
	[tilespmem:v14+s14+$0x0] =	vst.idx.add.s32.msk vm3, v2;
	v14 =	vor.u32 v4, v21  }
0x58: {  	v17 =	vor.u32 v5, v21;
	vm3 =	veq.s32 v13, v6;
	[tilespmem:v18+s14+$0x0] =	vst.idx.add.s32.msk vm4, v2;
	v18 =	vand.u32 $0xF80, v19  }
0x59: {  	vm4 =	veq.s32 v13, v7;
	[tilespmem:v10+s14+$0x0] =	vst.idx.add.s32.msk vm2, v2;
	v10 =	vor.u32 v18, v15  }
0x5a: {  	vm2 =	veq.s32 v13, v8;
	[tilespmem:v11+s14+$0x0] =	vst.idx.add.s32.msk vm5, v2;
	v11 =	vor.u32 v3, v16  }
0x5b: {  	vm5 =	veq.s32 v13, v9;
	[tilespmem:v12+s14+$0x0] =	vst.idx.add.s32.msk vm6, v2;
	v12 =	vor.u32 v4, v16  }
0x5c: {  	v13 =	vor.u32 v5, v16;
	[tilespmem:v14+s14+$0x0] =	vst.idx.add.s32.msk vm0, v2  }
0x5d: {  	[tilespmem:v17+s14+$0x0] =	vst.idx.add.s32.msk vm1, v2  }
0x5e: {  	[tilespmem:v10+s14+$0x0] =	vst.idx.add.s32.msk vm3, v2  }
0x5f: {  	[tilespmem:v11+s14+$0x0] =	vst.idx.add.s32.msk vm4, v2  }
0x60: {  	[tilespmem:v12+s14+$0x0] =	vst.idx.add.s32.msk vm2, v2  }
0x61: {  	[tilespmem:v13+s14+$0x0] =	vst.idx.add.s32.msk vm5, v2  }
0x62: {  	v11 =	vld [tilespmem:s22+$0x0];
	_ =	sdelay $0x4  }
.Ltmp1:
0x63: {  	v10 =	vshra.s32 v11, $0x1F;
	(pc) =	sbr.rel @p0 .LBB2_5-.Ltmp1, $4  }
0x64: {  	v12 =	vld [tilespmem:s22+$0x20];
	v13 =	vand.u32 $0x7FFFFFFF, v10  }
0x65: {  	v10 =	vld [tilespmem:s22+$0x10];
	v14 =	vxor.u32 v11, v13  }
0x66: {  	v13 =	vshrl.u32 v14, $0x8  }
0x67: {  	v11 =	vand.u32 $0xFF0, v13;
	v13 =	vand.u32 $0xF80, v13  }
0x68: {  	v14 =	vshra.s32 v14, $0x14  }
0x69: {  	v15 =	vor.u32 v1, v11;
	v16 =	vor.u32 v5, v11;
	v19 =	vor.u32 v4, v11  }
0x6a: {  	v17 =	vld [tilespmem:s22+$0x30];
	v11 =	vor.u32 v3, v11;
	v18 =	vshra.s32 v12, $0x1F;
	v15 =	vand.u32 $0x7F, v15  }
0x6b: {  	vm4 =	veq.s32 v14, v9;
	vm6 =	veq.s32 v14, v6;
	vm5 =	veq.s32 v14, v8  }
0x6c: {  	v21 =	vld [tilespmem:s22+$0x40];
	vm7 =	veq.s32 v14, v7;
	v18 =	vand.u32 $0x7FFFFFFF, v18;
	v40 =	vshra.s32 v10, $0x1F  }
0x6d: {  	v30 =	vld [tilespmem:s22+$0x60];
	v13 =	vor.u32 v13, v15;
	v12 =	vxor.u32 v12, v18;
	v18 =	vand.u32 $0x7FFFFFFF, v40  }
0x6e: {  	v14 =	vshra.s32 v12, $0x14;
	v12 =	vshrl.u32 v12, $0x8;
	v10 =	vxor.u32 v10, v18  }
0x6f: {  	v20 =	vand.u32 $0xFF0, v12;
	vm0 =	veq.s32 v14, v6;
	v22 =	vshra.s32 v17, $0x1F  }
0x70: {  	v12 =	vand.u32 $0xF80, v12;
	vm3 =	veq.s32 v14, v7;
	vm2 =	veq.s32 v14, v8  }
0x71: {  	v15 =	vld [tilespmem:s22+$0x50];
	v26 =	vshrl.u32 v10, $0x8;
	vm1 =	veq.s32 v14, v9;
	v10 =	vshra.s32 v10, $0x14  }
0x72: {  	v43 =	vshra.s32 v21, $0x1F;
	v47 =	vshra.s32 v30, $0x1F;
	v23 =	vor.u32 v3, v20  }
0x73: {  	v24 =	vor.u32 v1, v20;
	v25 =	vor.u32 v4, v20;
	v22 =	vand.u32 $0x7FFFFFFF, v22  }
0x74: {  	v42 =	vand.u32 $0xFF0, v26;
	v20 =	vor.u32 v5, v20;
	vm8 =	veq.s32 v10, v6  }
0x75: {  	vm9 =	veq.s32 v10, v7;
	v26 =	vand.u32 $0xF80, v26;
	vm10 =	veq.s32 v10, v8  }
0x76: {  	vm12 =	veq.s32 v10, v9;
	v41 =	vshra.s32 v15, $0x1F;
	v14 =	vxor.u32 v17, v22  }
0x77: {  	v27 =	vor.u32 v1, v42;
	v28 =	vor.u32 v4, v42;
	v29 =	vor.u32 v3, v42  }
0x78: {  	v31 =	vld [tilespmem:s22+$0x70];
	v22 =	vand.u32 $0x7FFFFFFF, v43;
	v44 =	vand.u32 $0x7F, v24;
	v17 =	vor.u32 v5, v42  }
0x79: {  	[tilespmem:v13+s14+$0x0] =	vst.idx.add.s32.msk vm6, v2;
	v27 =	vand.u32 $0x7F, v27;
	v21 =	vxor.u32 v21, v22;
	v12 =	vor.u32 v12, v44  }
0x7a: {  	[tilespmem:v11+s14+$0x0] =	vst.idx.add.s32.msk vm7, v2;
	v11 =	vshra.s32 v14, $0x14;
	v14 =	vshrl.u32 v14, $0x8;
	v45 =	vor.u32 v26, v27  }
0x7b: {  	v13 =	vshrl.u32 v21, $0x8;
	vm13 =	veq.s32 v11, v7;
	v48 =	vand.u32 $0xFF0, v14  }
0x7c: {  	[tilespmem:v19+s14+$0x0] =	vst.idx.add.s32.msk vm5, v2;
	vm14 =	veq.s32 v11, v8;
	vm11 =	veq.s32 v11, v6;
	v21 =	vshra.s32 v21, $0x14  }
0x7d: {  	v14 =	vand.u32 $0xF80, v14;
	v46 =	vand.u32 $0xFF0, v13;
	[tilespmem:v16+s14+$0x0] =	vst.idx.add.s32.msk vm4, v2;
	vm4 =	veq.s32 v11, v9  }
0x7e: {  	v11 =	vor.u32 v1, v48;
	v49 =	vor.u32 v4, v48;
	vm15 =	veq.s32 v21, v7  }
0x7f: {  	v13 =	vand.u32 $0xF80, v13;
	v50 =	vor.u32 v3, v48;
	vm7 =	veq.s32 v21, v8;
	[tilespmem:v45+s14+$0x0] =	vst.idx.add.s32.msk vm8, v2  }
0x80: {  	v16 =	vor.u32 v5, v48;
	v10 =	vor.u32 v1, v46;
	v11 =	vand.u32 $0x7F, v11;
	[tilespmem:v29+s14+$0x0] =	vst.idx.add.s32.msk vm9, v2  }
0x81: {  	v51 =	vor.u32 v3, v46;
	v53 =	vor.u32 v5, v46;
	v10 =	vand.u32 $0x7F, v10;
	[tilespmem:v28+s14+$0x0] =	vst.idx.add.s32.msk vm10, v2  }
0x82: {  	v11 =	vor.u32 v14, v11;
	v14 =	vand.u32 $0x7FFFFFFF, v47;
	v10 =	vor.u32 v13, v10;
	[tilespmem:v17+s14+$0x0] =	vst.idx.add.s32.msk vm12, v2  }
0x83: {  	v13 =	vand.u32 $0x7FFFFFFF, v41;
	v14 =	vxor.u32 v30, v14;
	vm8 =	veq.s32 v21, v6;
	[tilespmem:v12+s14+$0x0] =	vst.idx.add.s32.msk vm0, v2  }
0x84: {  	v13 =	vxor.u32 v15, v13;
	v15 =	vshra.s32 v31, $0x1F;
	v57 =	vshrl.u32 v14, $0x8;
	[tilespmem:v23+s14+$0x0] =	vst.idx.add.s32.msk vm3, v2  }
0x85: {  	v14 =	vshra.s32 v14, $0x14;
	v52 =	vshrl.u32 v13, $0x8;
	v15 =	vand.u32 $0x7FFFFFFF, v15;
	[tilespmem:v25+s14+$0x0] =	vst.idx.add.s32.msk vm2, v2  }
0x86: {  	v59 =	vand.u32 $0xFF0, v57;
	vm9 =	veq.s32 v14, v7;
	vm10 =	veq.s32 v21, v9;
	[tilespmem:v20+s14+$0x0] =	vst.idx.add.s32.msk vm1, v2  }
0x87: {  	v54 =	vand.u32 $0xFF0, v52;
	v60 =	vor.u32 v1, v59;
	v15 =	vxor.u32 v31, v15;
	[tilespmem:v11+s14+$0x0] =	vst.idx.add.s32.msk vm11, v2  }
0x88: {  	v13 =	vshra.s32 v13, $0x14;
	v55 =	vor.u32 v1, v54;
	v12 =	vor.u32 v4, v46;
	[tilespmem:v50+s14+$0x0] =	vst.idx.add.s32.msk vm13, v2  }
0x89: {  	vm0 =	veq.s32 v13, v6;
	v56 =	vand.u32 $0x7F, v55;
	v11 =	vand.u32 $0xF80, v52;
	[tilespmem:v49+s14+$0x0] =	vst.idx.add.s32.msk vm14, v2  }
0x8a: {  	vm12 =	veq.s32 v13, v7;
	v61 =	vshrl.u32 v15, $0x8;
	v11 =	vor.u32 v11, v56;
	[tilespmem:v16+s14+$0x0] =	vst.idx.add.s32.msk vm4, v2  }
0x8b: {  	v58 =	vor.u32 v3, v54;
	v62 =	vand.u32 $0xFF0, v61;
	vm13 =	veq.s32 v13, v8;
	[tilespmem:v10+s14+$0x0] =	vst.idx.add.s32.msk vm8, v2  }
0x8c: {  	vm14 =	veq.s32 v13, v9;
	v13 =	vor.u32 v4, v54;
	v16 =	vand.u32 $0x7F, v60;
	[tilespmem:v51+s14+$0x0] =	vst.idx.add.s32.msk vm15, v2  }
0x8d: {  	v10 =	vor.u32 v5, v54;
	vm15 =	veq.s32 v14, v6;
	[tilespmem:v12+s14+$0x0] =	vst.idx.add.s32.msk vm7, v2;
	v12 =	vand.u32 $0xF80, v57  }
0x8e: {  	v63 =	vor.u32 v1, v62;
	[tilespmem:v53+s14+$0x0] =	vst.idx.add.s32.msk vm10, v2;
	v12 =	vor.u32 v12, v16  }
0x8f: {  	v15 =	vshra.s32 v15, $0x14;
	vm1 =	veq.s32 v14, v8;
	[tilespmem:v11+s14+$0x0] =	vst.idx.add.s32.msk vm0, v2;
	v11 =	vor.u32 v3, v59  }
0x90: {  	v17 =	vand.u32 $0xF80, v61;
	vm11 =	veq.s32 v14, v9;
	v14 =	vor.u32 v4, v59;
	[tilespmem:v58+s14+$0x0] =	vst.idx.add.s32.msk vm12, v2  }
0x91: {  	v16 =	vand.u32 $0x7F, v63;
	vm12 =	veq.s32 v15, v6;
	[tilespmem:v13+s14+$0x0] =	vst.idx.add.s32.msk vm13, v2;
	v13 =	vor.u32 v5, v59  }
0x92: {  	vm13 =	veq.s32 v15, v7;
	[tilespmem:v10+s14+$0x0] =	vst.idx.add.s32.msk vm14, v2;
	v10 =	vor.u32 v17, v16  }
0x93: {  	vm14 =	veq.s32 v15, v8;
	[tilespmem:v12+s14+$0x0] =	vst.idx.add.s32.msk vm15, v2;
	v12 =	vor.u32 v3, v62  }
0x94: {  	vm15 =	veq.s32 v15, v9;
	[tilespmem:v11+s14+$0x0] =	vst.idx.add.s32.msk vm9, v2;
	v11 =	vor.u32 v4, v62  }
0x95: {  	[tilespmem:v14+s14+$0x0] =	vst.idx.add.s32.msk vm1, v2;
	v14 =	vor.u32 v5, v62  }
0x96: {  	s21 =	sadd.s32 $0x2, s21;
	[tilespmem:v13+s14+$0x0] =	vst.idx.add.s32.msk vm11, v2  }
0x97: {  	s21 =	sand.u32 $0x3E, s21;
	[tilespmem:v10+s14+$0x0] =	vst.idx.add.s32.msk vm12, v2  }
0x98: {  	s21 =	sor.u32 s7, s21;
	[tilespmem:v12+s14+$0x0] =	vst.idx.add.s32.msk vm13, v2  }
0x99: {  	s21 =	sshll.u32 s21, $0xB;
	[tilespmem:v11+s14+$0x0] =	vst.idx.add.s32.msk vm14, v2  }
0x9a: {  	s22 =	simm.s32 $0x0;
	s21 =	sadd.s32 s21, s6;
	[tilespmem:v14+s14+$0x0] =	vst.idx.add.s32.msk vm15, v2  }
0x9b: {  	[tilespmem:s22], [sflag:$0x1] =	stream.linear.gather [hbm4b:s21+s22], $0x4000, $0x38;
	[tilespmem:$0xC080] =	vst v63  }
0x9c: {  	s31 =	sand.u32 $0xF000, s22;
	_ =	swait.ge [sflag:s15], $0x4000  }
0x9d: {  	s23 =	sand.u32 $0x380, s22;
	s21 =	sshrl.u32 s31, $0x2;
	[sflag:s15] =	ssyncset.done $0x0  }
0x9e: {  	s21 =	sor.u32 s23, s21;
	[sflag:s15] =	ssyncadd.s32 $0xFFFFC000  }
0x9f: {  	v10 =	vld [tilespmem:s21+$0x4000];
	_ =	sdelay $0x4  }
0xa0: {  	v11 =	vshra.s32 v10, $0x1F  }
0xa1: {  	v11 =	vand.u32 $0x7FFFFFFF, v11  }
0xa2: {  	v12 =	vld [tilespmem:s21+$0x4020];
	v14 =	vxor.u32 v10, v11  }
0xa3: {  	v13 =	vshrl.u32 v14, $0x8  }
0xa4: {  	s23 =	simm.s32 $0x8;
	v10 =	vld [tilespmem:s21+$0x4010];
	v11 =	vand.u32 $0xFF0, v13;
	v13 =	vand.u32 $0xF80, v13  }
.LBB2_7:
0xa5: {  	p0 =	sne.s32 s23, $0x3F8  }
0xa6: {  	v14 =	vshra.s32 v14, $0x14;
	v15 =	vor.u32 v1, v11;
	v16 =	vor.u32 v5, v11;
	s22 =	sadd.s32 $0x1000, s22;
	s24 =	smov.u32 s23;
	s23 =	sadd.s32 $0x8, s23  }
0xa7: {  	v19 =	vor.u32 v4, v11;
	v17 =	vld [tilespmem:s21+$0x4030];
	v18 =	vshra.s32 v12, $0x1F;
	v15 =	vand.u32 $0x7F, v15  }
0xa8: {  	vm4 =	veq.s32 v14, v9;
	v18 =	vand.u32 $0x7FFFFFFF, v18;
	v13 =	vor.u32 v13, v15  }
0xa9: {  	vm6 =	veq.s32 v14, v6;
	vm5 =	veq.s32 v14, v8;
	v12 =	vxor.u32 v12, v18  }
0xaa: {  	vm7 =	veq.s32 v14, v7;
	v15 =	vld [tilespmem:s21+$0x4050];
	v14 =	vshra.s32 v12, $0x14;
	v12 =	vshrl.u32 v12, $0x8  }
0xab: {  	v20 =	vshra.s32 v10, $0x1F;
	v18 =	vld [tilespmem:s21+$0x4040];
	v21 =	vand.u32 $0xFF0, v12;
	vm0 =	veq.s32 v14, v6  }
0xac: {  	v12 =	vand.u32 $0xF80, v12;
	v22 =	vshra.s32 v17, $0x1F;
	v23 =	vor.u32 v3, v21  }
0xad: {  	v11 =	vor.u32 v3, v11;
	v24 =	vor.u32 v1, v21;
	v25 =	vor.u32 v4, v21  }
0xae: {  	v20 =	vand.u32 $0x7FFFFFFF, v20;
	vm3 =	veq.s32 v14, v7;
	v22 =	vand.u32 $0x7FFFFFFF, v22  }
0xaf: {  	v10 =	vxor.u32 v10, v20;
	vm1 =	veq.s32 v14, v8;
	v20 =	vshra.s32 v15, $0x1F  }
0xb0: {  	s25 =	sand.u32 $0xF000, s22;
	v26 =	vshrl.u32 v10, $0x8;
	vm2 =	veq.s32 v14, v9;
	v14 =	vxor.u32 v17, v22  }
0xb1: {  	s24 =	sand.u32 $0x380, s24;
	s25 =	sshrl.u32 s25, $0x2;
	v10 =	vshra.s32 v10, $0x14;
	v17 =	vand.u32 $0xFF0, v26;
	v22 =	vshra.s32 v18, $0x1F  }
0xb2: {  	s24 =	sor.u32 s24, s25;
	v21 =	vor.u32 v5, v21;
	v28 =	vor.u32 v1, v17;
	v29 =	vor.u32 v4, v17;
	v27 =	vld [tilespmem:s21+$0x4070]  }
0xb3: {  	vm8 =	veq.s32 v10, v6;
	v31 =	vor.u32 v3, v17;
	v28 =	vand.u32 $0x7F, v28;
	v30 =	vld [tilespmem:s21+$0x4060];
	s21 =	smov.u32 s24  }
0xb4: {  	vm9 =	veq.s32 v10, v7;
	v22 =	vand.u32 $0x7FFFFFFF, v22;
	[tilespmem:v13+s14+$0x0] =	vst.idx.add.s32.msk vm6, v2;
	v13 =	vand.u32 $0xF80, v26  }
0xb5: {  	vm10 =	veq.s32 v10, v8;
	v18 =	vxor.u32 v18, v22;
	[tilespmem:v11+s14+$0x0] =	vst.idx.add.s32.msk vm7, v2;
	v11 =	vand.u32 $0x7F, v24  }
0xb6: {  	v22 =	vshrl.u32 v18, $0x8;
	v13 =	vor.u32 v13, v28;
	[tilespmem:v19+s14+$0x0] =	vst.idx.add.s32.msk vm5, v2;
	v11 =	vor.u32 v12, v11  }
0xb7: {  	v12 =	vshra.s32 v14, $0x14;
	v14 =	vshrl.u32 v14, $0x8;
	v19 =	vand.u32 $0xFF0, v22;
	[tilespmem:v16+s14+$0x0] =	vst.idx.add.s32.msk vm4, v2  }
0xb8: {  	vm12 =	veq.s32 v10, v9;
	vm4 =	veq.s32 v12, v7;
	v10 =	vor.u32 v1, v19  }
0xb9: {  	v17 =	vor.u32 v5, v17;
	v16 =	vshra.s32 v30, $0x1F;
	v10 =	vand.u32 $0x7F, v10  }
0xba: {  	v24 =	vand.u32 $0xFF0, v14;
	vm5 =	veq.s32 v12, v8;
	v16 =	vand.u32 $0x7FFFFFFF, v16  }
0xbb: {  	vm11 =	veq.s32 v12, v6;
	vm6 =	veq.s32 v12, v9;
	v12 =	vand.u32 $0xF80, v14;
	[tilespmem:v13+s14+$0x0] =	vst.idx.add.s32.msk vm8, v2  }
0xbc: {  	v14 =	vshra.s32 v18, $0x14;
	v18 =	vor.u32 v4, v24;
	v13 =	vor.u32 v1, v24;
	[tilespmem:v31+s14+$0x0] =	vst.idx.add.s32.msk vm9, v2  }
0xbd: {  	v22 =	vand.u32 $0xF80, v22;
	vm9 =	veq.s32 v14, v6;
	v13 =	vand.u32 $0x7F, v13;
	[tilespmem:v29+s14+$0x0] =	vst.idx.add.s32.msk vm10, v2  }
0xbe: {  	v26 =	vor.u32 v3, v24;
	v10 =	vor.u32 v22, v10;
	vm10 =	veq.s32 v14, v7  }
0xbf: {  	v20 =	vand.u32 $0x7FFFFFFF, v20;
	vm7 =	veq.s32 v14, v8;
	[tilespmem:v17+s14+$0x0] =	vst.idx.add.s32.msk vm12, v2;
	v17 =	vor.u32 v3, v19  }
0xc0: {  	vm8 =	veq.s32 v14, v9;
	v12 =	vor.u32 v12, v13;
	v13 =	vor.u32 v4, v19  }
0xc1: {  	v14 =	vxor.u32 v15, v20;
	v15 =	vshra.s32 v27, $0x1F;
	[tilespmem:v11+s14+$0x0] =	vst.idx.add.s32.msk vm0, v2;
	v11 =	vor.u32 v5, v19  }
0xc2: {  	v20 =	vor.u32 v5, v24;
	v19 =	vshra.s32 v14, $0x14;
	v14 =	vshrl.u32 v14, $0x8;
	[tilespmem:v23+s14+$0x0] =	vst.idx.add.s32.msk vm3, v2  }
0xc3: {  	v16 =	vxor.u32 v30, v16;
	v15 =	vand.u32 $0x7FFFFFFF, v15;
	v22 =	vand.u32 $0xFF0, v14;
	[tilespmem:v25+s14+$0x0] =	vst.idx.add.s32.msk vm1, v2  }
0xc4: {  	v24 =	vshra.s32 v16, $0x14;
	v16 =	vshrl.u32 v16, $0x8;
	v23 =	vor.u32 v1, v22;
	[tilespmem:v21+s14+$0x0] =	vst.idx.add.s32.msk vm2, v2  }
0xc5: {  	vm1 =	veq.s32 v19, v6;
	[tilespmem:v12+s14+$0x0] =	vst.idx.add.s32.msk vm11, v2;
	v12 =	vand.u32 $0xF80, v14;
	v14 =	vand.u32 $0x7F, v23  }
0xc6: {  	vm3 =	veq.s32 v19, v7;
	v21 =	vand.u32 $0xFF0, v16;
	[tilespmem:v26+s14+$0x0] =	vst.idx.add.s32.msk vm4, v2;
	v12 =	vor.u32 v12, v14  }
0xc7: {  	vm4 =	veq.s32 v19, v8;
	v14 =	vor.u32 v3, v22;
	[tilespmem:v18+s14+$0x0] =	vst.idx.add.s32.msk vm5, v2  }
0xc8: {  	vm2 =	veq.s32 v19, v9;
	v18 =	vor.u32 v4, v22;
	[tilespmem:v20+s14+$0x0] =	vst.idx.add.s32.msk vm6, v2  }
0xc9: {  	v19 =	vor.u32 v1, v21;
	[tilespmem:v10+s14+$0x0] =	vst.idx.add.s32.msk vm9, v2;
	v10 =	vor.u32 v5, v22  }
0xca: {  	v15 =	vxor.u32 v27, v15;
	vm0 =	veq.s32 v24, v8;
	[tilespmem:v17+s14+$0x0] =	vst.idx.add.s32.msk vm10, v2;
	v17 =	vand.u32 $0x7F, v19  }
0xcb: {  	vm5 =	veq.s32 v24, v6;
	v19 =	vshrl.u32 v15, $0x8;
	[tilespmem:v13+s14+$0x0] =	vst.idx.add.s32.msk vm7, v2;
	v13 =	vand.u32 $0xF80, v16  }
0xcc: {  	vm6 =	veq.s32 v24, v7;
	v16 =	vand.u32 $0xFF0, v19;
	[tilespmem:v11+s14+$0x0] =	vst.idx.add.s32.msk vm8, v2;
	v11 =	vor.u32 v13, v17  }
0xcd: {  	v13 =	vshra.s32 v15, $0x14;
	v15 =	vor.u32 v1, v16;
	[tilespmem:v12+s14+$0x0] =	vst.idx.add.s32.msk vm1, v2;
	v12 =	vor.u32 v3, v21  }
0xce: {  	vm1 =	veq.s32 v24, v9;
	v15 =	vand.u32 $0x7F, v15;
	[tilespmem:v14+s14+$0x0] =	vst.idx.add.s32.msk vm3, v2;
	v14 =	vor.u32 v4, v21  }
0xcf: {  	v17 =	vor.u32 v5, v21;
	vm3 =	veq.s32 v13, v6;
	[tilespmem:v18+s14+$0x0] =	vst.idx.add.s32.msk vm4, v2;
	v18 =	vand.u32 $0xF80, v19  }
0xd0: {  	vm4 =	veq.s32 v13, v7;
	[tilespmem:v10+s14+$0x0] =	vst.idx.add.s32.msk vm2, v2;
	v10 =	vor.u32 v18, v15  }
0xd1: {  	vm2 =	veq.s32 v13, v8;
	[tilespmem:v11+s14+$0x0] =	vst.idx.add.s32.msk vm5, v2;
	v11 =	vor.u32 v3, v16  }
0xd2: {  	vm5 =	veq.s32 v13, v9;
	[tilespmem:v12+s14+$0x0] =	vst.idx.add.s32.msk vm6, v2;
	v12 =	vor.u32 v4, v16  }
0xd3: {  	v13 =	vor.u32 v5, v16;
	[tilespmem:v14+s14+$0x0] =	vst.idx.add.s32.msk vm0, v2  }
0xd4: {  	[tilespmem:v17+s14+$0x0] =	vst.idx.add.s32.msk vm1, v2  }
0xd5: {  	[tilespmem:v10+s14+$0x0] =	vst.idx.add.s32.msk vm3, v2  }
0xd6: {  	[tilespmem:v11+s14+$0x0] =	vst.idx.add.s32.msk vm4, v2  }
0xd7: {  	[tilespmem:v12+s14+$0x0] =	vst.idx.add.s32.msk vm2, v2  }
0xd8: {  	[tilespmem:v13+s14+$0x0] =	vst.idx.add.s32.msk vm5, v2  }
0xd9: {  	v11 =	vld [tilespmem:s21+$0x4000];
	_ =	sdelay $0x4  }
.Ltmp2:
0xda: {  	v10 =	vshra.s32 v11, $0x1F;
	(pc) =	sbr.rel @p0 .LBB2_7-.Ltmp2, $4  }
0xdb: {  	v12 =	vld [tilespmem:s21+$0x4020];
	v13 =	vand.u32 $0x7FFFFFFF, v10  }
0xdc: {  	v10 =	vld [tilespmem:s21+$0x4010];
	v14 =	vxor.u32 v11, v13  }
0xdd: {  	v13 =	vshrl.u32 v14, $0x8  }
0xde: {  	v11 =	vand.u32 $0xFF0, v13;
	v13 =	vand.u32 $0xF80, v13  }
0xdf: {  	v14 =	vshra.s32 v14, $0x14  }
0xe0: {  	v15 =	vor.u32 v1, v11;
	v16 =	vor.u32 v5, v11;
	v19 =	vor.u32 v4, v11  }
0xe1: {  	v17 =	vld [tilespmem:s21+$0x4030];
	v11 =	vor.u32 v3, v11;
	v18 =	vshra.s32 v12, $0x1F;
	v15 =	vand.u32 $0x7F, v15  }
0xe2: {  	v57 =	vld [tilespmem:s21+$0x4050];
	vm4 =	veq.s32 v14, v9;
	vm6 =	veq.s32 v14, v6;
	vm5 =	veq.s32 v14, v8  }
0xe3: {  	v21 =	vld [tilespmem:s21+$0x4040];
	vm7 =	veq.s32 v14, v7;
	v18 =	vand.u32 $0x7FFFFFFF, v18;
	v59 =	vshra.s32 v10, $0x1F  }
0xe4: {  	v30 =	vld [tilespmem:s21+$0x4060];
	v13 =	vor.u32 v13, v15;
	v56 =	vxor.u32 v12, v18;
	v18 =	vand.u32 $0x7FFFFFFF, v59  }
0xe5: {  	v31 =	vld [tilespmem:s21+$0x4070];
	v58 =	vshra.s32 v56, $0x14;
	v12 =	vshrl.u32 v56, $0x8;
	v10 =	vxor.u32 v10, v18  }
0xe6: {  	v20 =	vand.u32 $0xFF0, v12;
	vm0 =	veq.s32 v58, v6;
	v22 =	vshra.s32 v17, $0x1F  }
0xe7: {  	v12 =	vand.u32 $0xF80, v12;
	vm3 =	veq.s32 v58, v7;
	vm2 =	veq.s32 v58, v8  }
0xe8: {  	v60 =	vshra.s32 v57, $0x1F;
	v26 =	vshrl.u32 v10, $0x8;
	vm1 =	veq.s32 v58, v9  }
0xe9: {  	v10 =	vshra.s32 v10, $0x14;
	v63 =	vshra.s32 v21, $0x1F;
	v37 =	vshra.s32 v30, $0x1F  }
0xea: {  	v45 =	vshra.s32 v31, $0x1F;
	v23 =	vor.u32 v3, v20;
	v24 =	vor.u32 v1, v20  }
0xeb: {  	v25 =	vor.u32 v4, v20;
	v22 =	vand.u32 $0x7FFFFFFF, v22;
	v62 =	vand.u32 $0xFF0, v26  }
0xec: {  	v20 =	vor.u32 v5, v20;
	vm8 =	veq.s32 v10, v6;
	vm9 =	veq.s32 v10, v7  }
0xed: {  	v26 =	vand.u32 $0xF80, v26;
	vm10 =	veq.s32 v10, v8;
	vm12 =	veq.s32 v10, v9  }
0xee: {  	v43 =	vand.u32 $0x7FFFFFFF, v37;
	v15 =	vand.u32 $0x7FFFFFFF, v45;
	v61 =	vxor.u32 v17, v22  }
0xef: {  	v27 =	vor.u32 v1, v62;
	v28 =	vor.u32 v4, v62;
	v29 =	vor.u32 v3, v62  }
0xf0: {  	v22 =	vand.u32 $0x7FFFFFFF, v63;
	v33 =	vand.u32 $0x7F, v24;
	v17 =	vor.u32 v5, v62  }
0xf1: {  	[tilespmem:v13+s14+$0x0] =	vst.idx.add.s32.msk vm6, v2;
	v15 =	vxor.u32 v31, v15;
	v27 =	vand.u32 $0x7F, v27;
	v21 =	vxor.u32 v21, v22  }
0xf2: {  	v12 =	vor.u32 v12, v33;
	[tilespmem:v11+s14+$0x0] =	vst.idx.add.s32.msk vm7, v2;
	v11 =	vshra.s32 v61, $0x14;
	v35 =	vor.u32 v26, v27  }
0xf3: {  	v14 =	vshrl.u32 v61, $0x8;
	v56 =	vshrl.u32 v15, $0x8;
	v34 =	vshrl.u32 v21, $0x8  }
0xf4: {  	vm13 =	veq.s32 v11, v7;
	[tilespmem:v19+s14+$0x0] =	vst.idx.add.s32.msk vm5, v2;
	v38 =	vand.u32 $0xFF0, v14;
	vm14 =	veq.s32 v11, v8  }
0xf5: {  	vm11 =	veq.s32 v11, v6;
	v21 =	vshra.s32 v21, $0x14;
	v14 =	vand.u32 $0xF80, v14;
	[tilespmem:v16+s14+$0x0] =	vst.idx.add.s32.msk vm4, v2  }
0xf6: {  	vm4 =	veq.s32 v11, v9;
	v11 =	vor.u32 v1, v38;
	v39 =	vor.u32 v4, v38  }
0xf7: {  	v58 =	vand.u32 $0xFF0, v56;
	vm15 =	veq.s32 v21, v7;
	v40 =	vor.u32 v3, v38;
	[tilespmem:v35+s14+$0x0] =	vst.idx.add.s32.msk vm8, v2  }
0xf8: {  	v36 =	vand.u32 $0xFF0, v34;
	vm7 =	veq.s32 v21, v8;
	v16 =	vor.u32 v5, v38;
	[tilespmem:v29+s14+$0x0] =	vst.idx.add.s32.msk vm9, v2  }
0xf9: {  	v59 =	vor.u32 v1, v58;
	v10 =	vor.u32 v1, v36;
	v11 =	vand.u32 $0x7F, v11;
	[tilespmem:v28+s14+$0x0] =	vst.idx.add.s32.msk vm10, v2  }
0xfa: {  	v13 =	vand.u32 $0xF80, v34;
	v42 =	vor.u32 v3, v36;
	v11 =	vor.u32 v14, v11;
	[tilespmem:v17+s14+$0x0] =	vst.idx.add.s32.msk vm12, v2  }
0xfb: {  	v44 =	vor.u32 v4, v36;
	v47 =	vor.u32 v5, v36;
	v10 =	vand.u32 $0x7F, v10;
	[tilespmem:v12+s14+$0x0] =	vst.idx.add.s32.msk vm0, v2  }
0xfc: {  	v41 =	vand.u32 $0x7FFFFFFF, v60;
	v14 =	vxor.u32 v30, v43;
	v10 =	vor.u32 v13, v10;
	[tilespmem:v23+s14+$0x0] =	vst.idx.add.s32.msk vm3, v2  }
0xfd: {  	v13 =	vxor.u32 v57, v41;
	v51 =	vshrl.u32 v14, $0x8;
	vm8 =	veq.s32 v21, v6;
	[tilespmem:v25+s14+$0x0] =	vst.idx.add.s32.msk vm2, v2  }
0xfe: {  	v14 =	vshra.s32 v14, $0x14;
	v46 =	vshrl.u32 v13, $0x8;
	v53 =	vand.u32 $0xFF0, v51;
	[tilespmem:v20+s14+$0x0] =	vst.idx.add.s32.msk vm1, v2  }
0xff: {  	v48 =	vand.u32 $0xFF0, v46;
	v55 =	vor.u32 v1, v53;
	vm9 =	veq.s32 v14, v7;
	[tilespmem:v11+s14+$0x0] =	vst.idx.add.s32.msk vm11, v2  }
0x100: {  	v13 =	vshra.s32 v13, $0x14;
	vm10 =	veq.s32 v21, v9;
	v49 =	vor.u32 v1, v48;
	[tilespmem:v40+s14+$0x0] =	vst.idx.add.s32.msk vm13, v2  }
0x101: {  	v50 =	vand.u32 $0x7F, v49;
	vm0 =	veq.s32 v13, v6;
	v11 =	vand.u32 $0xF80, v46;
	[tilespmem:v39+s14+$0x0] =	vst.idx.add.s32.msk vm14, v2  }
0x102: {  	vm12 =	veq.s32 v13, v7;
	v11 =	vor.u32 v11, v50;
	[tilespmem:v16+s14+$0x0] =	vst.idx.add.s32.msk vm4, v2  }
0x103: {  	v52 =	vor.u32 v3, v48;
	vm13 =	veq.s32 v13, v8;
	[tilespmem:v10+s14+$0x0] =	vst.idx.add.s32.msk vm8, v2  }
0x104: {  	v57 =	vand.u32 $0xF80, v51;
	v54 =	vor.u32 v4, v48;
	vm14 =	veq.s32 v13, v9;
	[tilespmem:v42+s14+$0x0] =	vst.idx.add.s32.msk vm15, v2  }
0x105: {  	v16 =	vand.u32 $0x7F, v55;
	v10 =	vor.u32 v5, v48;
	vm15 =	veq.s32 v14, v6;
	[tilespmem:v44+s14+$0x0] =	vst.idx.add.s32.msk vm7, v2  }
0x106: {  	v60 =	vor.u32 v4, v53;
	v12 =	vor.u32 v57, v16;
	[tilespmem:v47+s14+$0x0] =	vst.idx.add.s32.msk vm10, v2  }
0x107: {  	vm1 =	veq.s32 v14, v8;
	[tilespmem:v11+s14+$0x0] =	vst.idx.add.s32.msk vm0, v2;
	v11 =	vor.u32 v3, v53  }
0x108: {  	v15 =	vshra.s32 v15, $0x14;
	v61 =	vor.u32 v5, v53;
	vm11 =	veq.s32 v14, v9;
	[tilespmem:v52+s14+$0x0] =	vst.idx.add.s32.msk vm12, v2  }
0x109: {  	v17 =	vand.u32 $0xF80, v56;
	v16 =	vand.u32 $0x7F, v59;
	vm12 =	veq.s32 v15, v6;
	[tilespmem:v54+s14+$0x0] =	vst.idx.add.s32.msk vm13, v2  }
0x10a: {  	vm13 =	veq.s32 v15, v7;
	[tilespmem:v10+s14+$0x0] =	vst.idx.add.s32.msk vm14, v2;
	v10 =	vor.u32 v17, v16  }
0x10b: {  	v62 =	vor.u32 v3, v58;
	vm14 =	veq.s32 v15, v8;
	[tilespmem:v12+s14+$0x0] =	vst.idx.add.s32.msk vm15, v2  }
0x10c: {  	s20 =	sadd.s32 $0x1, s20;
	vm15 =	veq.s32 v15, v9;
	[tilespmem:v11+s14+$0x0] =	vst.idx.add.s32.msk vm9, v2;
	v11 =	vor.u32 v4, v58  }
0x10d: {  	p0 =	sne.s32 s20, $0x20;
	v63 =	vor.u32 v5, v58;
	[tilespmem:v60+s14+$0x0] =	vst.idx.add.s32.msk vm1, v2  }
.Ltmp3:
0x10e: {  	[tilespmem:v61+s14+$0x0] =	vst.idx.add.s32.msk vm11, v2;
	(pc) =	sbr.rel @p0 .LBB2_4-.Ltmp3, $4  }
0x10f: {  	[tilespmem:v10+s14+$0x0] =	vst.idx.add.s32.msk vm12, v2  }
0x110: {  	[tilespmem:v62+s14+$0x0] =	vst.idx.add.s32.msk vm13, v2  }
0x111: {  	[tilespmem:v11+s14+$0x0] =	vst.idx.add.s32.msk vm14, v2  }
0x112: {  	[tilespmem:v63+s14+$0x0] =	vst.idx.add.s32.msk vm15, v2  }
0x113: {  	_ =	swait.ge [sflag:s13], $0x4000;
	s18 =	sadd.s32 $0x1, s18  }
0x114: {  	[sflag:s13] =	ssyncset.done $0x0;
	p0 =	sne.s32 s18, s9  }
.Ltmp4:
0x115: {  	[sflag:s13] =	ssyncadd.s32 $0xFFFFC000;
	(pc) =	sbr.rel @p0 .LBB2_1-.Ltmp4, $4  }
0x116: {  	[hbm4b:s8+s16] =	stream.strided.scatter [tilespmem:s14], [sflag:$0x3], $0x4000, s17, s16, $0x38;
	[tilespmem:$0xC080] =	vst v63  }
0x117: {  	_ =	swait.ge [sflag:s11], $0x4000  }
0x118: {  	[sflag:s11] =	ssyncset.done $0x0  }
0x119: {  	[sflag:s11] =	ssyncadd.s32 $0xFFFFC000  }
0x11a: {  	_ =	sfence.sel $0x180000  }
0x11b: {  	[bflag:$0x0] =	sbarrier.arrive $0xFFFF  }
0x11c: {  	p0 =	sne.s32 s2, $0x0;
	_ =	strace $0x9000004A  }
0x11d: {  	s0 =	sadd.s32 @!p0 $0x100000, s0;
	[bflag:$0x2] =	sbarrier.arrive $0xFFFF  }
0x11e: {  	[sflag:s0] =	ssyncadd.tile.s32 @!p0 $0x1;
	_ =	shalt  }
.Lfunc_end2:
_tile_overlayer_lowered:
.L_overlay_start_2:
0x11f: {  	(tag) =	ssettag $0x2  }
0x120: {  	s0 =	rddreg [dreg:$0x0];
	s2 =	stileid.u32  }
0x121: {  	s1 =	rddreg [dreg:$0x1];
	p0 =	sne.s32 s2, $0x0  }
0x122: {  	s3 =	rddreg [dreg:$0x2];
	[bflag:$0x3] =	sbarrier.arrive $0xFFFF;
	s2 =	simm.s32 @!p0 $0x1C03  }
0x123: {  	[timem:s3], [sflag:s2] =	dma.local @!p0 [hbm:s0], s1  }
0x124: {  	s0 =	simm.s32 @!p0 $0x3  }
0x125: {  	_ =	swait.ge @!p0 [sflag:s0], s1  }
0x126: {  	s1 =	ssub.s32 @!p0 $0x0, s1;
	[sflag:s0] =	ssyncset.done @!p0 $0x0  }
0x127: {  	[sflag:s0] =	ssyncadd.s32 @!p0 s1  }
0x128: {  	[bflag:$0x3] =	sbarrier.arrive $0xFFFF  }
0x129: {  	_ =	shalt  }

</sc_bundles>
